<compile_context>
chip_gen: v7x
topology: tpu7x:2x2x1
jax: 0.10.2.dev20260603
libtpu: 0.0.44.dev20260713+nightly
codegen_flags: <defaults>
</compile_context>

<pallas_src>
import jax
import jax.numpy as jnp
from jax import lax
from jax.experimental import pallas as pl
from jax.experimental.pallas import tpu as pltpu
from jax.experimental.pallas import tpu_sc as plsc

_B = 16384
_D = 32
_NBP = 1024
_OW = 2 * _D + 1
_NC, _NS, _L = 2, 16, 16
_NW = _NC * _NS
_RPW = _B // _NW
_CH = 128
_NCH = _RPW // _CH
_STEPS = (512, 256, 128, 64, 32, 16, 8, 4, 2, 1)

_V1 = 1000001
_DT_C = 65536
_DT_R = _DT_C // 4
_DT_STEPS = (_V1 + _DT_C - 1) // _DT_C
_PACKED_ROWS = _DT_STEPS * _DT_R
_DT_C_LOG2 = _DT_C.bit_length() - 1
_DT_R_LOG2 = _DT_R.bit_length() - 1


def _detile_body(x_ref, o_ref):
    x = x_ref[...]
    x2 = jnp.concatenate(
        [x[:, a * _DT_R:(a + 1) * _DT_R] for a in range(4)], axis=0)
    eye = (jax.lax.broadcasted_iota(jnp.int32, (4 * _D, 4 * _D), 0) ==
           jax.lax.broadcasted_iota(jnp.int32, (4 * _D, 4 * _D), 1)
           ).astype(jnp.float32)
    o_ref[...] = jax.lax.dot_general(
        x2, eye, (((0,), (0,)), ((), ())),
        preferred_element_type=jnp.float32)


def _detile(utab_t):
    return pl.pallas_call(
        _detile_body,
        grid=(_DT_STEPS,),
        in_specs=[pl.BlockSpec((_D, _DT_C), lambda i: (0, i))],
        out_specs=pl.BlockSpec((_DT_R, 4 * _D), lambda i: (i, 0)),
        out_shape=jax.ShapeDtypeStruct((_PACKED_ROWS, 4 * _D), jnp.float32),
    )(utab_t)


def _body(uid_hbm, ts_hbm, utab_hbm, ttab_hbm, bkt_hbm, consts_hbm,
          out_hbm,
          ridx_v, offs_v, bidx_v, ts_v, bkt_v, consts_v,
          urows_v, trows_v, out_v, sem_u, sem_t, sem_o):
    wid = lax.axis_index("s") * _NC + lax.axis_index("c")
    base = wid * _RPW

    pltpu.sync_copy(bkt_hbm, bkt_v)
    pltpu.sync_copy(consts_hbm, consts_v)
    pltpu.sync_copy(ts_hbm.at[pl.ds(base, _RPW)], ts_v)
    for j in range(_NCH):
        pltpu.sync_copy(uid_hbm.at[pl.ds(base + j * _CH, _CH)],
                        ridx_v.at[j])

    def fix16(i, _):
        j, o = divmod(i * _L, _CH)
        u = ridx_v[j, pl.ds(o, _L)]
        r = (jnp.right_shift(u, _DT_C_LOG2) * _DT_R
             + jnp.bitwise_and(u, _DT_R - 1))
        off = jnp.bitwise_and(jnp.right_shift(u, _DT_R_LOG2), 3) * _D
        ridx_v[j, pl.ds(o, _L)] = r
        offs_v[pl.ds(i * _L, _L)] = off
        return _

    lax.fori_loop(0, _RPW // _L, fix16, 0, unroll=False)

    ucopies = [
        pltpu.async_copy(utab_hbm.at[ridx_v.at[j]],
                         urows_v.at[pl.ds(j * _CH, _CH)], sem_u)
        for j in range(_NCH)
    ]

    def search16(i, _):
        x = ts_v[pl.ds(i * _L, _L)]
        res = jnp.zeros((_L,), jnp.int32)
        for step in _STEPS:
            nxt = res + step
            b = plsc.load_gather(bkt_v, [nxt - 1])
            res = jnp.where(b <= x, nxt, res)
        bidx_v[i // (_CH // _L), pl.ds((i % (_CH // _L)) * _L, _L)] = res
        return _

    tcopies = []
    for j in range(_NCH):
        lax.fori_loop(j * (_CH // _L), (j + 1) * (_CH // _L), search16, 0,
                      unroll=False)
        tcopies.append(
            pltpu.async_copy(ttab_hbm.at[bidx_v.at[j]],
                             trows_v.at[pl.ds(j * _CH, _CH)], sem_t))

    mean = consts_v[pl.ds(0, _L)]
    std = consts_v[pl.ds(_L, _L)]
    lanes = lax.iota(jnp.int32, _L)

    def asm16(i, _):
        r0 = i * _L
        x = ts_v[pl.ds(r0, _L)]
        v = (x - mean) / std
        rows = r0 + lanes
        plsc.store_scatter(out_v, [rows, jnp.full((_L,), _OW - 1, jnp.int32)],
                           v)
        cols = offs_v[pl.ds(r0, _L)]
        for c in range(_D):
            vals = plsc.load_gather(urows_v, [rows, cols + c])
            plsc.store_scatter(out_v, [rows, jnp.full((_L,), c, jnp.int32)],
                               vals)
        for rl in range(_L):
            r = r0 + rl
            out_v[r, pl.ds(2 * _L, _L)] = trows_v[r, pl.ds(0, _L)]
            out_v[r, pl.ds(3 * _L, _L)] = trows_v[r, pl.ds(_L, _L)]
        return _

    ocopies = []
    for j in range(_NCH):
        ucopies[j].wait()
        tcopies[j].wait()
        lax.fori_loop(j * (_CH // _L), (j + 1) * (_CH // _L), asm16, 0,
                      unroll=False)
        ocopies.append(
            pltpu.async_copy(out_v.at[pl.ds(j * _CH, _CH)],
                             out_hbm.at[pl.ds(base + j * _CH, _CH)], sem_o))
    for c in ocopies:
        c.wait()


@jax.jit
def _sc_call(uid, ts, utab, ttab, bkt_pad, consts):
    mesh = plsc.VectorSubcoreMesh(core_axis_name="c", subcore_axis_name="s")
    f = pl.kernel(
        _body,
        out_type=jax.ShapeDtypeStruct((_B, _OW), jnp.float32),
        mesh=mesh,
        compiler_params=pltpu.CompilerParams(needs_layout_passes=False,
                                             use_tc_tiling_on_sc=False),
        scratch_types=[
            pltpu.VMEM((_NCH, _CH), jnp.int32),
            pltpu.VMEM((_RPW,), jnp.int32),
            pltpu.VMEM((_NCH, _CH), jnp.int32),
            pltpu.VMEM((_RPW,), jnp.float32),
            pltpu.VMEM((_NBP,), jnp.float32),
            pltpu.VMEM((2 * _L,), jnp.float32),
            pltpu.VMEM((_RPW, 4 * _D), jnp.float32),
            pltpu.VMEM((_RPW, _D), jnp.float32),
            pltpu.VMEM((_RPW, _OW), jnp.float32),
            pltpu.SemaphoreType.DMA,
            pltpu.SemaphoreType.DMA,
            pltpu.SemaphoreType.DMA,
        ],
    )
    return f(uid, ts, utab, ttab, bkt_pad, consts)


def kernel(user_id, time_stamp, user_table, ts_table, buckets, ts_mean, ts_std):
    uid = user_id.astype(jnp.int32)
    nb = buckets.shape[0]
    bkt_pad = jnp.concatenate(
        [buckets.astype(jnp.float32),
         jnp.full((_NBP - nb,), jnp.inf, jnp.float32)])
    consts = jnp.concatenate(
        [jnp.full((_L,), ts_mean, jnp.float32),
         jnp.full((_L,), ts_std, jnp.float32)])
    return _sc_call(uid, time_stamp.astype(jnp.float32),
                    _detile(user_table.T), ts_table, bkt_pad, consts)

# --- scband reference (transcript-rebuilt; emitter-appended) ---
"""Pipeline reference for scband-user-model-86122684220325 (READ-ONLY COPY).

The authoritative reference and input builder live on the scoring server;
editing this copy changes nothing except your own understanding.
"""

import jax, jax.numpy as jnp
import numpy as np

B = 16384
V = 1000000   # unique user ids; table has V+1 rows (StringLookup OOV row 0)
D = 32        # embedding_dimension
NB = 1000     # number of timestamp bucket boundaries; table has NB+1 rows


def setup_inputs(seed: int = 0) -> dict:
    key = jax.random.key(seed)
    k1, k2, k3, k4, k5 = jax.random.split(key, 5)
    # user_id already passed through StringLookup -> integer ids in [0, V+1)
    user_id = jax.random.randint(k1, (B,), 0, V + 1)
    # raw unix-like timestamps
    time_stamp = jax.random.uniform(k2, (B,), minval=8.0e8, maxval=1.6e9, dtype=jnp.float32)
    user_table = jax.random.normal(k3, (V + 1, D), dtype=jnp.float32) * 0.05
    ts_table = jax.random.normal(k4, (NB + 1, D), dtype=jnp.float32) * 0.05
    # Discretization bucket boundaries (sorted)
    buckets = jnp.linspace(8.0e8, 1.6e9, NB, dtype=jnp.float32)
    # Normalization layer adapted stats
    ts_mean = jnp.array(1.2e9, dtype=jnp.float32)
    ts_std = jnp.array(2.3e8, dtype=jnp.float32)
    return {
        "user_id": user_id,
        "time_stamp": time_stamp,
        "user_table": user_table,
        "ts_table": ts_table,
        "buckets": buckets,
        "ts_mean": ts_mean,
        "ts_std": ts_std,
    }


def reference(user_id, time_stamp, user_table, ts_table, buckets, ts_mean, ts_std):
    # StringLookup + Embedding  ->  gather from user_table
    user_emb = jnp.take(user_table, user_id, axis=0)
    # Discretization (tf Bucketize: count of boundaries <= x) + Embedding
    bucket_idx = jnp.searchsorted(buckets, time_stamp, side="right")
    ts_emb = jnp.take(ts_table, bucket_idx, axis=0)
    # Normalization(axis=None): (x - mean) / std, reshaped to (-1, 1)
    norm_ts = ((time_stamp - ts_mean) / ts_std).reshape(-1, 1)
    return jnp.concatenate([user_emb, ts_emb, norm_ts], axis=1)

if __name__ == "__main__":
    import jax
    _d = setup_inputs()
    print(jax.jit(kernel)(*tuple(_d.values())))

</pallas_src>

<mosaic_0001>
#map = affine_map<(d0, d1) -> (0)>
#map1 = affine_map<(d0, d1) -> (0, 0)>
module attributes {stable_mosaic.version = 14 : i64} {
  func.func @_body(%arg0: i32, %arg1: i32, %arg2: memref<16384xi32, #tpu.memory_space<hbm>>, %arg3: memref<16384xf32, #tpu.memory_space<hbm>>, %arg4: memref<262144x128xf32, #tpu.memory_space<hbm>>, %arg5: memref<1001x32xf32, #tpu.memory_space<hbm>>, %arg6: memref<1024xf32, #tpu.memory_space<hbm>>, %arg7: memref<32xf32, #tpu.memory_space<hbm>>, %arg8: memref<16384x65xf32, #tpu.memory_space<hbm>>, %arg9: memref<4x128xi32, #tpu.memory_space<vmem>>, %arg10: memref<512xi32, #tpu.memory_space<vmem>>, %arg11: memref<4x128xi32, #tpu.memory_space<vmem>>, %arg12: memref<512xf32, #tpu.memory_space<vmem>>, %arg13: memref<1024xf32, #tpu.memory_space<vmem>>, %arg14: memref<32xf32, #tpu.memory_space<vmem>>, %arg15: memref<512x128xf32, #tpu.memory_space<vmem>>, %arg16: memref<512x32xf32, #tpu.memory_space<vmem>>, %arg17: memref<512x65xf32, #tpu.memory_space<vmem>>, %arg18: memref<!tpu.dma_semaphore, #tpu.memory_space<semaphore_mem>>, %arg19: memref<!tpu.dma_semaphore, #tpu.memory_space<semaphore_mem>>, %arg20: memref<!tpu.dma_semaphore, #tpu.memory_space<semaphore_mem>>) attributes {dimension_semantics = [#tpu.dimension_semantics<core_parallel>, #tpu.dimension_semantics<subcore_parallel>], iteration_bounds = array<i64: 2, 16>, scalar_prefetch = 0 : i64, scratch_operands = 12 : i64, tpu.core_type = #tpu.core_type<sc_vector_subcore>, window_params = [{transform_indices = #map}, {transform_indices = #map}, {transform_indices = #map1}, {transform_indices = #map1}, {transform_indices = #map}, {transform_indices = #map}, {transform_indices = #map1}]} {
    %mul3A = arith.constant 2 : i32
    %mul3A_0 = arith.muli %arg1, %mul3A : i32
    %add3A = arith.addi %mul3A_0, %arg0 : i32
    %mul3A_1 = arith.constant 512 : i32
    %mul3A_2 = arith.muli %add3A, %mul3A_1 : i32
    "tpu.region"() ({
      %run_scoped3A_316 = tpu.sem_alloc : memref<!tpu.dma_semaphore, #tpu.memory_space<semaphore_mem>>
      tpu.enqueue_dma source(%arg6 : memref<1024xf32, #tpu.memory_space<hbm>>) target(%arg13 : memref<1024xf32, #tpu.memory_space<vmem>>) target_semaphore(%run_scoped3A_316 : memref<!tpu.dma_semaphore, #tpu.memory_space<semaphore_mem>>)
      tpu.wait_dma2 semaphore(%run_scoped3A_316 : memref<!tpu.dma_semaphore, #tpu.memory_space<semaphore_mem>>) src(%arg6 : memref<1024xf32, #tpu.memory_space<hbm>>) dst(%arg13 : memref<1024xf32, #tpu.memory_space<vmem>>)
      tpu.yield
    }) : () -> ()
    "tpu.region"() ({
      %run_scoped3A_316 = tpu.sem_alloc : memref<!tpu.dma_semaphore, #tpu.memory_space<semaphore_mem>>
      tpu.enqueue_dma source(%arg7 : memref<32xf32, #tpu.memory_space<hbm>>) target(%arg14 : memref<32xf32, #tpu.memory_space<vmem>>) target_semaphore(%run_scoped3A_316 : memref<!tpu.dma_semaphore, #tpu.memory_space<semaphore_mem>>)
      tpu.wait_dma2 semaphore(%run_scoped3A_316 : memref<!tpu.dma_semaphore, #tpu.memory_space<semaphore_mem>>) src(%arg7 : memref<32xf32, #tpu.memory_space<hbm>>) dst(%arg14 : memref<32xf32, #tpu.memory_space<vmem>>)
      tpu.yield
    }) : () -> ()
    "tpu.region"() ({
      %run_scoped3A_316 = tpu.sem_alloc : memref<!tpu.dma_semaphore, #tpu.memory_space<semaphore_mem>>
      %dma_start3A_317 = tpu.memref_slice %arg3[%mul3A_2] : memref<16384xf32, #tpu.memory_space<hbm>> -> memref<512xf32, #tpu.memory_space<hbm>>
      %dma_start3A_318 = tpu.memref_slice %arg3[%mul3A_2] : memref<16384xf32, #tpu.memory_space<hbm>> -> memref<512xf32, #tpu.memory_space<hbm>>
      tpu.enqueue_dma source(%dma_start3A_318 : memref<512xf32, #tpu.memory_space<hbm>>) target(%arg12 : memref<512xf32, #tpu.memory_space<vmem>>) target_semaphore(%run_scoped3A_316 : memref<!tpu.dma_semaphore, #tpu.memory_space<semaphore_mem>>)
      %dma_wait3A_319 = tpu.memref_slice %arg3[%mul3A_2] : memref<16384xf32, #tpu.memory_space<hbm>> -> memref<512xf32, #tpu.memory_space<hbm>>
      %dma_wait3A_320 = tpu.memref_slice %arg3[%mul3A_2] : memref<16384xf32, #tpu.memory_space<hbm>> -> memref<512xf32, #tpu.memory_space<hbm>>
      tpu.wait_dma2 semaphore(%run_scoped3A_316 : memref<!tpu.dma_semaphore, #tpu.memory_space<semaphore_mem>>) src(%dma_wait3A_320 : memref<512xf32, #tpu.memory_space<hbm>>) dst(%arg12 : memref<512xf32, #tpu.memory_space<vmem>>)
      tpu.yield
    }) : () -> ()
    %add3A_3 = arith.constant 0 : i32
    %add3A_4 = arith.addi %mul3A_2, %add3A_3 : i32
    %run_scoped3A = arith.constant 0 : i32
    "tpu.region"() ({
      %run_scoped3A_316 = tpu.sem_alloc : memref<!tpu.dma_semaphore, #tpu.memory_space<semaphore_mem>>
      %dma_start3A_317 = arith.constant 0 : i32
      %dma_start3A_318 = tpu.memref_slice %arg9[%run_scoped3A, %dma_start3A_317] : memref<4x128xi32, #tpu.memory_space<vmem>> -> memref<1x128xi32, #tpu.memory_space<vmem>>
      %dma_start3A_319 = tpu.memref_squeeze %dma_start3A_318 : memref<1x128xi32, #tpu.memory_space<vmem>> -> memref<128xi32, #tpu.memory_space<vmem>>
      %dma_start3A_320 = tpu.memref_slice %arg2[%add3A_4] : memref<16384xi32, #tpu.memory_space<hbm>> -> memref<128xi32, #tpu.memory_space<hbm>>
      %dma_start3A_321 = arith.constant 0 : i32
      %dma_start3A_322 = tpu.memref_slice %arg9[%run_scoped3A, %dma_start3A_321] : memref<4x128xi32, #tpu.memory_space<vmem>> -> memref<1x128xi32, #tpu.memory_space<vmem>>
      %dma_start3A_323 = tpu.memref_squeeze %dma_start3A_322 : memref<1x128xi32, #tpu.memory_space<vmem>> -> memref<128xi32, #tpu.memory_space<vmem>>
      %dma_start3A_324 = tpu.memref_slice %arg2[%add3A_4] : memref<16384xi32, #tpu.memory_space<hbm>> -> memref<128xi32, #tpu.memory_space<hbm>>
      tpu.enqueue_dma source(%dma_start3A_324 : memref<128xi32, #tpu.memory_space<hbm>>) target(%dma_start3A_323 : memref<128xi32, #tpu.memory_space<vmem>>) target_semaphore(%run_scoped3A_316 : memref<!tpu.dma_semaphore, #tpu.memory_space<semaphore_mem>>)
      %dma_wait3A_325 = arith.constant 0 : i32
      %dma_wait3A_326 = tpu.memref_slice %arg9[%run_scoped3A, %dma_wait3A_325] : memref<4x128xi32, #tpu.memory_space<vmem>> -> memref<1x128xi32, #tpu.memory_space<vmem>>
      %dma_wait3A_327 = tpu.memref_squeeze %dma_wait3A_326 : memref<1x128xi32, #tpu.memory_space<vmem>> -> memref<128xi32, #tpu.memory_space<vmem>>
      %dma_wait3A_328 = tpu.memref_slice %arg2[%add3A_4] : memref<16384xi32, #tpu.memory_space<hbm>> -> memref<128xi32, #tpu.memory_space<hbm>>
      %dma_wait3A_329 = arith.constant 0 : i32
      %dma_wait3A_330 = tpu.memref_slice %arg9[%run_scoped3A, %dma_wait3A_329] : memref<4x128xi32, #tpu.memory_space<vmem>> -> memref<1x128xi32, #tpu.memory_space<vmem>>
      %dma_wait3A_331 = tpu.memref_squeeze %dma_wait3A_330 : memref<1x128xi32, #tpu.memory_space<vmem>> -> memref<128xi32, #tpu.memory_space<vmem>>
      %dma_wait3A_332 = tpu.memref_slice %arg2[%add3A_4] : memref<16384xi32, #tpu.memory_space<hbm>> -> memref<128xi32, #tpu.memory_space<hbm>>
      tpu.wait_dma2 semaphore(%run_scoped3A_316 : memref<!tpu.dma_semaphore, #tpu.memory_space<semaphore_mem>>) src(%dma_wait3A_332 : memref<128xi32, #tpu.memory_space<hbm>>) dst(%dma_wait3A_331 : memref<128xi32, #tpu.memory_space<vmem>>)
      tpu.yield
    }) : () -> ()
    %add3A_5 = arith.constant 128 : i32
    %add3A_6 = arith.addi %mul3A_2, %add3A_5 : i32
    %run_scoped3A_7 = arith.constant 1 : i32
    "tpu.region"() ({
      %run_scoped3A_316 = tpu.sem_alloc : memref<!tpu.dma_semaphore, #tpu.memory_space<semaphore_mem>>
      %dma_start3A_317 = arith.constant 0 : i32
      %dma_start3A_318 = tpu.memref_slice %arg9[%run_scoped3A_7, %dma_start3A_317] : memref<4x128xi32, #tpu.memory_space<vmem>> -> memref<1x128xi32, #tpu.memory_space<vmem>>
      %dma_start3A_319 = tpu.memref_squeeze %dma_start3A_318 : memref<1x128xi32, #tpu.memory_space<vmem>> -> memref<128xi32, #tpu.memory_space<vmem>>
      %dma_start3A_320 = tpu.memref_slice %arg2[%add3A_6] : memref<16384xi32, #tpu.memory_space<hbm>> -> memref<128xi32, #tpu.memory_space<hbm>>
      %dma_start3A_321 = arith.constant 0 : i32
      %dma_start3A_322 = tpu.memref_slice %arg9[%run_scoped3A_7, %dma_start3A_321] : memref<4x128xi32, #tpu.memory_space<vmem>> -> memref<1x128xi32, #tpu.memory_space<vmem>>
      %dma_start3A_323 = tpu.memref_squeeze %dma_start3A_322 : memref<1x128xi32, #tpu.memory_space<vmem>> -> memref<128xi32, #tpu.memory_space<vmem>>
      %dma_start3A_324 = tpu.memref_slice %arg2[%add3A_6] : memref<16384xi32, #tpu.memory_space<hbm>> -> memref<128xi32, #tpu.memory_space<hbm>>
      tpu.enqueue_dma source(%dma_start3A_324 : memref<128xi32, #tpu.memory_space<hbm>>) target(%dma_start3A_323 : memref<128xi32, #tpu.memory_space<vmem>>) target_semaphore(%run_scoped3A_316 : memref<!tpu.dma_semaphore, #tpu.memory_space<semaphore_mem>>)
      %dma_wait3A_325 = arith.constant 0 : i32
      %dma_wait3A_326 = tpu.memref_slice %arg9[%run_scoped3A_7, %dma_wait3A_325] : memref<4x128xi32, #tpu.memory_space<vmem>> -> memref<1x128xi32, #tpu.memory_space<vmem>>
      %dma_wait3A_327 = tpu.memref_squeeze %dma_wait3A_326 : memref<1x128xi32, #tpu.memory_space<vmem>> -> memref<128xi32, #tpu.memory_space<vmem>>
      %dma_wait3A_328 = tpu.memref_slice %arg2[%add3A_6] : memref<16384xi32, #tpu.memory_space<hbm>> -> memref<128xi32, #tpu.memory_space<hbm>>
      %dma_wait3A_329 = arith.constant 0 : i32
      %dma_wait3A_330 = tpu.memref_slice %arg9[%run_scoped3A_7, %dma_wait3A_329] : memref<4x128xi32, #tpu.memory_space<vmem>> -> memref<1x128xi32, #tpu.memory_space<vmem>>
      %dma_wait3A_331 = tpu.memref_squeeze %dma_wait3A_330 : memref<1x128xi32, #tpu.memory_space<vmem>> -> memref<128xi32, #tpu.memory_space<vmem>>
      %dma_wait3A_332 = tpu.memref_slice %arg2[%add3A_6] : memref<16384xi32, #tpu.memory_space<hbm>> -> memref<128xi32, #tpu.memory_space<hbm>>
      tpu.wait_dma2 semaphore(%run_scoped3A_316 : memref<!tpu.dma_semaphore, #tpu.memory_space<semaphore_mem>>) src(%dma_wait3A_332 : memref<128xi32, #tpu.memory_space<hbm>>) dst(%dma_wait3A_331 : memref<128xi32, #tpu.memory_space<vmem>>)
      tpu.yield
    }) : () -> ()
    %add3A_8 = arith.constant 256 : i32
    %add3A_9 = arith.addi %mul3A_2, %add3A_8 : i32
    %run_scoped3A_10 = arith.constant 2 : i32
    "tpu.region"() ({
      %run_scoped3A_316 = tpu.sem_alloc : memref<!tpu.dma_semaphore, #tpu.memory_space<semaphore_mem>>
      %dma_start3A_317 = arith.constant 0 : i32
      %dma_start3A_318 = tpu.memref_slice %arg9[%run_scoped3A_10, %dma_start3A_317] : memref<4x128xi32, #tpu.memory_space<vmem>> -> memref<1x128xi32, #tpu.memory_space<vmem>>
      %dma_start3A_319 = tpu.memref_squeeze %dma_start3A_318 : memref<1x128xi32, #tpu.memory_space<vmem>> -> memref<128xi32, #tpu.memory_space<vmem>>
      %dma_start3A_320 = tpu.memref_slice %arg2[%add3A_9] : memref<16384xi32, #tpu.memory_space<hbm>> -> memref<128xi32, #tpu.memory_space<hbm>>
      %dma_start3A_321 = arith.constant 0 : i32
      %dma_start3A_322 = tpu.memref_slice %arg9[%run_scoped3A_10, %dma_start3A_321] : memref<4x128xi32, #tpu.memory_space<vmem>> -> memref<1x128xi32, #tpu.memory_space<vmem>>
      %dma_start3A_323 = tpu.memref_squeeze %dma_start3A_322 : memref<1x128xi32, #tpu.memory_space<vmem>> -> memref<128xi32, #tpu.memory_space<vmem>>
      %dma_start3A_324 = tpu.memref_slice %arg2[%add3A_9] : memref<16384xi32, #tpu.memory_space<hbm>> -> memref<128xi32, #tpu.memory_space<hbm>>
      tpu.enqueue_dma source(%dma_start3A_324 : memref<128xi32, #tpu.memory_space<hbm>>) target(%dma_start3A_323 : memref<128xi32, #tpu.memory_space<vmem>>) target_semaphore(%run_scoped3A_316 : memref<!tpu.dma_semaphore, #tpu.memory_space<semaphore_mem>>)
      %dma_wait3A_325 = arith.constant 0 : i32
      %dma_wait3A_326 = tpu.memref_slice %arg9[%run_scoped3A_10, %dma_wait3A_325] : memref<4x128xi32, #tpu.memory_space<vmem>> -> memref<1x128xi32, #tpu.memory_space<vmem>>
      %dma_wait3A_327 = tpu.memref_squeeze %dma_wait3A_326 : memref<1x128xi32, #tpu.memory_space<vmem>> -> memref<128xi32, #tpu.memory_space<vmem>>
      %dma_wait3A_328 = tpu.memref_slice %arg2[%add3A_9] : memref<16384xi32, #tpu.memory_space<hbm>> -> memref<128xi32, #tpu.memory_space<hbm>>
      %dma_wait3A_329 = arith.constant 0 : i32
      %dma_wait3A_330 = tpu.memref_slice %arg9[%run_scoped3A_10, %dma_wait3A_329] : memref<4x128xi32, #tpu.memory_space<vmem>> -> memref<1x128xi32, #tpu.memory_space<vmem>>
      %dma_wait3A_331 = tpu.memref_squeeze %dma_wait3A_330 : memref<1x128xi32, #tpu.memory_space<vmem>> -> memref<128xi32, #tpu.memory_space<vmem>>
      %dma_wait3A_332 = tpu.memref_slice %arg2[%add3A_9] : memref<16384xi32, #tpu.memory_space<hbm>> -> memref<128xi32, #tpu.memory_space<hbm>>
      tpu.wait_dma2 semaphore(%run_scoped3A_316 : memref<!tpu.dma_semaphore, #tpu.memory_space<semaphore_mem>>) src(%dma_wait3A_332 : memref<128xi32, #tpu.memory_space<hbm>>) dst(%dma_wait3A_331 : memref<128xi32, #tpu.memory_space<vmem>>)
      tpu.yield
    }) : () -> ()
    %add3A_11 = arith.constant 384 : i32
    %add3A_12 = arith.addi %mul3A_2, %add3A_11 : i32
    %run_scoped3A_13 = arith.constant 3 : i32
    "tpu.region"() ({
      %run_scoped3A_316 = tpu.sem_alloc : memref<!tpu.dma_semaphore, #tpu.memory_space<semaphore_mem>>
      %dma_start3A_317 = arith.constant 0 : i32
      %dma_start3A_318 = tpu.memref_slice %arg9[%run_scoped3A_13, %dma_start3A_317] : memref<4x128xi32, #tpu.memory_space<vmem>> -> memref<1x128xi32, #tpu.memory_space<vmem>>
      %dma_start3A_319 = tpu.memref_squeeze %dma_start3A_318 : memref<1x128xi32, #tpu.memory_space<vmem>> -> memref<128xi32, #tpu.memory_space<vmem>>
      %dma_start3A_320 = tpu.memref_slice %arg2[%add3A_12] : memref<16384xi32, #tpu.memory_space<hbm>> -> memref<128xi32, #tpu.memory_space<hbm>>
      %dma_start3A_321 = arith.constant 0 : i32
      %dma_start3A_322 = tpu.memref_slice %arg9[%run_scoped3A_13, %dma_start3A_321] : memref<4x128xi32, #tpu.memory_space<vmem>> -> memref<1x128xi32, #tpu.memory_space<vmem>>
      %dma_start3A_323 = tpu.memref_squeeze %dma_start3A_322 : memref<1x128xi32, #tpu.memory_space<vmem>> -> memref<128xi32, #tpu.memory_space<vmem>>
      %dma_start3A_324 = tpu.memref_slice %arg2[%add3A_12] : memref<16384xi32, #tpu.memory_space<hbm>> -> memref<128xi32, #tpu.memory_space<hbm>>
      tpu.enqueue_dma source(%dma_start3A_324 : memref<128xi32, #tpu.memory_space<hbm>>) target(%dma_start3A_323 : memref<128xi32, #tpu.memory_space<vmem>>) target_semaphore(%run_scoped3A_316 : memref<!tpu.dma_semaphore, #tpu.memory_space<semaphore_mem>>)
      %dma_wait3A_325 = arith.constant 0 : i32
      %dma_wait3A_326 = tpu.memref_slice %arg9[%run_scoped3A_13, %dma_wait3A_325] : memref<4x128xi32, #tpu.memory_space<vmem>> -> memref<1x128xi32, #tpu.memory_space<vmem>>
      %dma_wait3A_327 = tpu.memref_squeeze %dma_wait3A_326 : memref<1x128xi32, #tpu.memory_space<vmem>> -> memref<128xi32, #tpu.memory_space<vmem>>
      %dma_wait3A_328 = tpu.memref_slice %arg2[%add3A_12] : memref<16384xi32, #tpu.memory_space<hbm>> -> memref<128xi32, #tpu.memory_space<hbm>>
      %dma_wait3A_329 = arith.constant 0 : i32
      %dma_wait3A_330 = tpu.memref_slice %arg9[%run_scoped3A_13, %dma_wait3A_329] : memref<4x128xi32, #tpu.memory_space<vmem>> -> memref<1x128xi32, #tpu.memory_space<vmem>>
      %dma_wait3A_331 = tpu.memref_squeeze %dma_wait3A_330 : memref<1x128xi32, #tpu.memory_space<vmem>> -> memref<128xi32, #tpu.memory_space<vmem>>
      %dma_wait3A_332 = tpu.memref_slice %arg2[%add3A_12] : memref<16384xi32, #tpu.memory_space<hbm>> -> memref<128xi32, #tpu.memory_space<hbm>>
      tpu.wait_dma2 semaphore(%run_scoped3A_316 : memref<!tpu.dma_semaphore, #tpu.memory_space<semaphore_mem>>) src(%dma_wait3A_332 : memref<128xi32, #tpu.memory_space<hbm>>) dst(%dma_wait3A_331 : memref<128xi32, #tpu.memory_space<vmem>>)
      tpu.yield
    }) : () -> ()
    %scan3A = arith.constant 0 : i32
    %scan3A_14 = arith.constant 0 : i32
    %scan3A_15 = arith.constant 32 : i32
    %scan3A_16 = arith.addi %scan3A_14, %scan3A_15 : i32
    %scan3A_17 = arith.constant 1 : i32
    scf.for %scan3A_316 = %scan3A_14 to %scan3A_16 step %scan3A_17  : i32 {
      %mul3A_317 = arith.constant 16 : i32
      %mul3A_318 = arith.muli %scan3A_316, %mul3A_317 : i32
      %jit3A = arith.constant 128 : i32
      %div3A = arith.divsi %mul3A_318, %jit3A : i32
      %sign3A = arith.constant 0 : i32
      %sign3A_319 = arith.cmpi sgt, %mul3A_318, %sign3A : i32
      %sign3A_320 = arith.extui %sign3A_319 : i1 to i32
      %sign3A_321 = arith.constant 0 : i32
      %sign3A_322 = arith.cmpi slt, %mul3A_318, %sign3A_321 : i32
      %sign3A_323 = arith.extui %sign3A_322 : i1 to i32
      %sign3A_324 = arith.subi %sign3A_320, %sign3A_323 : i32
      %sign3A_325 = arith.constant 0 : i32
      %sign3A_326 = arith.cmpi sgt, %jit3A, %sign3A_325 : i32
      %sign3A_327 = arith.extui %sign3A_326 : i1 to i32
      %sign3A_328 = arith.constant 0 : i32
      %sign3A_329 = arith.cmpi slt, %jit3A, %sign3A_328 : i32
      %sign3A_330 = arith.extui %sign3A_329 : i1 to i32
      %sign3A_331 = arith.subi %sign3A_327, %sign3A_330 : i32
      %ne3A = arith.cmpi ne, %sign3A_324, %sign3A_331 : i32
      %rem3A = arith.remsi %mul3A_318, %jit3A : i32
      %ne3A_332 = arith.constant 0 : i32
      %ne3A_333 = arith.cmpi ne, %rem3A, %ne3A_332 : i32
      %and3A = arith.andi %ne3A, %ne3A_333 : i1
      %sub3A = arith.constant 1 : i32
      %sub3A_334 = arith.subi %div3A, %sub3A : i32
      %select_n3A = arith.select %and3A, %sub3A_334, %div3A : i32
      %eq3A = arith.constant 0 : i32
      %eq3A_335 = arith.cmpi eq, %jit3A, %eq3A : i32
      %jit3A_336 = arith.constant 1 : i32
      %select_n3A_337 = arith.select %eq3A_335, %jit3A_336, %jit3A : i32
      %rem3A_338 = arith.remsi %mul3A_318, %select_n3A_337 : i32
      %ne3A_339 = arith.constant 0 : i32
      %ne3A_340 = arith.cmpi ne, %rem3A_338, %ne3A_339 : i32
      %lt3A = arith.constant 0 : i32
      %lt3A_341 = arith.cmpi slt, %rem3A_338, %lt3A : i32
      %lt3A_342 = arith.constant 0 : i32
      %lt3A_343 = arith.cmpi slt, %select_n3A_337, %lt3A_342 : i32
      %ne3A_344 = arith.xori %lt3A_341, %lt3A_343 : i1
      %and3A_345 = arith.andi %ne3A_344, %ne3A_340 : i1
      %add3A_346 = arith.addi %rem3A_338, %select_n3A_337 : i32
      %select_n3A_347 = arith.select %and3A_345, %add3A_346, %rem3A_338 : i32
      %get3A_348 = arith.index_cast %select_n3A : i32 to index
      %get3A_349 = arith.index_cast %select_n3A_347 : i32 to index
      %get3A_350 = tpu.vector_load %arg9[%get3A_348, %get3A_349] {strides = array<i32>} : memref<4x128xi32, #tpu.memory_space<vmem>>, vector<16xi32>,
      %shift_right_arithmetic3A = arith.constant 16 : i32
      %shift_right_arithmetic3A_351 = vector.broadcast %shift_right_arithmetic3A : i32 to vector<16xi32>
      %shift_right_arithmetic3A_352 = arith.shrsi %get3A_350, %shift_right_arithmetic3A_351 : vector<16xi32>
      %mul3A_353 = arith.constant 16384 : i32
      %mul3A_354 = vector.broadcast %mul3A_353 : i32 to vector<16xi32>
      %mul3A_355 = arith.muli %shift_right_arithmetic3A_352, %mul3A_354 : vector<16xi32>
      %and3A_356 = arith.constant 16383 : i32
      %and3A_357 = vector.broadcast %and3A_356 : i32 to vector<16xi32>
      %and3A_358 = arith.andi %get3A_350, %and3A_357 : vector<16xi32>
      %add3A_359 = arith.addi %mul3A_355, %and3A_358 : vector<16xi32>
      %shift_right_arithmetic3A_360 = arith.constant 14 : i32
      %shift_right_arithmetic3A_361 = vector.broadcast %shift_right_arithmetic3A_360 : i32 to vector<16xi32>
      %shift_right_arithmetic3A_362 = arith.shrsi %get3A_350, %shift_right_arithmetic3A_361 : vector<16xi32>
      %and3A_363 = arith.constant 3 : i32
      %and3A_364 = vector.broadcast %and3A_363 : i32 to vector<16xi32>
      %and3A_365 = arith.andi %shift_right_arithmetic3A_362, %and3A_364 : vector<16xi32>
      %mul3A_366 = arith.constant 32 : i32
      %mul3A_367 = vector.broadcast %mul3A_366 : i32 to vector<16xi32>
      %mul3A_368 = arith.muli %and3A_365, %mul3A_367 : vector<16xi32>
      %swap3A = arith.index_cast %select_n3A : i32 to index
      %swap3A_369 = arith.index_cast %select_n3A_347 : i32 to index
      %swap3A_370 = tpu.vector_load %arg9[%swap3A, %swap3A_369] {strides = array<i32>} : memref<4x128xi32, #tpu.memory_space<vmem>>, vector<16xi32>,
      tpu.vector_store %arg9[%swap3A, %swap3A_369], %add3A_359 {strides = array<i32>} : memref<4x128xi32, #tpu.memory_space<vmem>>, vector<16xi32>,
      %mul3A_371 = arith.constant 16 : i32
      %mul3A_372 = arith.muli %scan3A_316, %mul3A_371 : i32
      %swap3A_373 = arith.index_cast %mul3A_372 : i32 to index
      %swap3A_374 = tpu.vector_load %arg10[%swap3A_373] {strides = array<i32>} : memref<512xi32, #tpu.memory_space<vmem>>, vector<16xi32>,
      tpu.vector_store %arg10[%swap3A_373], %mul3A_368 {strides = array<i32>} : memref<512xi32, #tpu.memory_space<vmem>>, vector<16xi32>,
    }
    %scan3A_18 = arith.constant 32 : i32
    %dma_start3A = arith.constant 0 : i32
    %dma_start3A_19 = arith.constant 0 : i32
    %dma_start3A_20 = arith.constant 0 : i32
    %dma_start3A_21 = tpu.memref_slice %arg15[%dma_start3A_19, %dma_start3A_20] : memref<512x128xf32, #tpu.memory_space<vmem>> -> memref<128x128xf32, #tpu.memory_space<vmem>>
    %dma_start3A_22 = arith.constant 0 : i32
    %dma_start3A_23 = tpu.memref_slice %arg9[%dma_start3A, %dma_start3A_22] : memref<4x128xi32, #tpu.memory_space<vmem>> -> memref<1x128xi32, #tpu.memory_space<vmem>>
    %dma_start3A_24 = tpu.memref_squeeze %dma_start3A_23 : memref<1x128xi32, #tpu.memory_space<vmem>> -> memref<128xi32, #tpu.memory_space<vmem>>
    %dma_start3A_25 = arith.constant 0 : i32
    %dma_start3A_26 = arith.constant 0 : i32
    %dma_start3A_27 = tpu.memref_slice %arg4[%dma_start3A_25, %dma_start3A_26] : memref<262144x128xf32, #tpu.memory_space<hbm>> -> memref<262144x128xf32, #tpu.memory_space<hbm>>
    tpu.enqueue_indirect_dma source(%dma_start3A_27 : memref<262144x128xf32, #tpu.memory_space<hbm>>) target(%dma_start3A_21 : memref<128x128xf32, #tpu.memory_space<vmem>>) offsets(%dma_start3A_24 : memref<128xi32, #tpu.memory_space<vmem>>) semaphore(%arg18 : memref<!tpu.dma_semaphore, #tpu.memory_space<semaphore_mem>>)
    %dma_start3A_28 = arith.constant 1 : i32
    %dma_start3A_29 = arith.constant 128 : i32
    %dma_start3A_30 = arith.constant 0 : i32
    %dma_start3A_31 = tpu.memref_slice %arg15[%dma_start3A_29, %dma_start3A_30] : memref<512x128xf32, #tpu.memory_space<vmem>> -> memref<128x128xf32, #tpu.memory_space<vmem>>
    %dma_start3A_32 = arith.constant 0 : i32
    %dma_start3A_33 = tpu.memref_slice %arg9[%dma_start3A_28, %dma_start3A_32] : memref<4x128xi32, #tpu.memory_space<vmem>> -> memref<1x128xi32, #tpu.memory_space<vmem>>
    %dma_start3A_34 = tpu.memref_squeeze %dma_start3A_33 : memref<1x128xi32, #tpu.memory_space<vmem>> -> memref<128xi32, #tpu.memory_space<vmem>>
    %dma_start3A_35 = arith.constant 0 : i32
    %dma_start3A_36 = arith.constant 0 : i32
    %dma_start3A_37 = tpu.memref_slice %arg4[%dma_start3A_35, %dma_start3A_36] : memref<262144x128xf32, #tpu.memory_space<hbm>> -> memref<262144x128xf32, #tpu.memory_space<hbm>>
    tpu.enqueue_indirect_dma source(%dma_start3A_37 : memref<262144x128xf32, #tpu.memory_space<hbm>>) target(%dma_start3A_31 : memref<128x128xf32, #tpu.memory_space<vmem>>) offsets(%dma_start3A_34 : memref<128xi32, #tpu.memory_space<vmem>>) semaphore(%arg18 : memref<!tpu.dma_semaphore, #tpu.memory_space<semaphore_mem>>)
    %dma_start3A_38 = arith.constant 2 : i32
    %dma_start3A_39 = arith.constant 256 : i32
    %dma_start3A_40 = arith.constant 0 : i32
    %dma_start3A_41 = tpu.memref_slice %arg15[%dma_start3A_39, %dma_start3A_40] : memref<512x128xf32, #tpu.memory_space<vmem>> -> memref<128x128xf32, #tpu.memory_space<vmem>>
    %dma_start3A_42 = arith.constant 0 : i32
    %dma_start3A_43 = tpu.memref_slice %arg9[%dma_start3A_38, %dma_start3A_42] : memref<4x128xi32, #tpu.memory_space<vmem>> -> memref<1x128xi32, #tpu.memory_space<vmem>>
    %dma_start3A_44 = tpu.memref_squeeze %dma_start3A_43 : memref<1x128xi32, #tpu.memory_space<vmem>> -> memref<128xi32, #tpu.memory_space<vmem>>
    %dma_start3A_45 = arith.constant 0 : i32
    %dma_start3A_46 = arith.constant 0 : i32
    %dma_start3A_47 = tpu.memref_slice %arg4[%dma_start3A_45, %dma_start3A_46] : memref<262144x128xf32, #tpu.memory_space<hbm>> -> memref<262144x128xf32, #tpu.memory_space<hbm>>
    tpu.enqueue_indirect_dma source(%dma_start3A_47 : memref<262144x128xf32, #tpu.memory_space<hbm>>) target(%dma_start3A_41 : memref<128x128xf32, #tpu.memory_space<vmem>>) offsets(%dma_start3A_44 : memref<128xi32, #tpu.memory_space<vmem>>) semaphore(%arg18 : memref<!tpu.dma_semaphore, #tpu.memory_space<semaphore_mem>>)
    %dma_start3A_48 = arith.constant 3 : i32
    %dma_start3A_49 = arith.constant 384 : i32
    %dma_start3A_50 = arith.constant 0 : i32
    %dma_start3A_51 = tpu.memref_slice %arg15[%dma_start3A_49, %dma_start3A_50] : memref<512x128xf32, #tpu.memory_space<vmem>> -> memref<128x128xf32, #tpu.memory_space<vmem>>
    %dma_start3A_52 = arith.constant 0 : i32
    %dma_start3A_53 = tpu.memref_slice %arg9[%dma_start3A_48, %dma_start3A_52] : memref<4x128xi32, #tpu.memory_space<vmem>> -> memref<1x128xi32, #tpu.memory_space<vmem>>
    %dma_start3A_54 = tpu.memref_squeeze %dma_start3A_53 : memref<1x128xi32, #tpu.memory_space<vmem>> -> memref<128xi32, #tpu.memory_space<vmem>>
    %dma_start3A_55 = arith.constant 0 : i32
    %dma_start3A_56 = arith.constant 0 : i32
    %dma_start3A_57 = tpu.memref_slice %arg4[%dma_start3A_55, %dma_start3A_56] : memref<262144x128xf32, #tpu.memory_space<hbm>> -> memref<262144x128xf32, #tpu.memory_space<hbm>>
    tpu.enqueue_indirect_dma source(%dma_start3A_57 : memref<262144x128xf32, #tpu.memory_space<hbm>>) target(%dma_start3A_51 : memref<128x128xf32, #tpu.memory_space<vmem>>) offsets(%dma_start3A_54 : memref<128xi32, #tpu.memory_space<vmem>>) semaphore(%arg18 : memref<!tpu.dma_semaphore, #tpu.memory_space<semaphore_mem>>)
    %scan3A_58 = arith.constant 0 : i32
    %scan3A_59 = arith.constant 0 : i32
    %scan3A_60 = arith.constant 8 : i32
    %scan3A_61 = arith.addi %scan3A_59, %scan3A_60 : i32
    %scan3A_62 = arith.constant 1 : i32
    scf.for %scan3A_316 = %scan3A_59 to %scan3A_61 step %scan3A_62  : i32 {
      %mul3A_317 = arith.constant 16 : i32
      %mul3A_318 = arith.muli %scan3A_316, %mul3A_317 : i32
      %get3A_319 = arith.index_cast %mul3A_318 : i32 to index
      %get3A_320 = tpu.vector_load %arg12[%get3A_319] {strides = array<i32>} : memref<512xf32, #tpu.memory_space<vmem>>, vector<16xf32>,
      %broadcast_in_dim3A = arith.constant 0 : i32
      %broadcast_in_dim3A_321 = vector.broadcast %broadcast_in_dim3A : i32 to vector<16xi32>
      %add3A_322 = arith.constant 512 : i32
      %add3A_323 = vector.broadcast %add3A_322 : i32 to vector<16xi32>
      %add3A_324 = arith.addi %broadcast_in_dim3A_321, %add3A_323 : vector<16xi32>
      %sub3A = arith.constant 1 : i32
      %sub3A_325 = vector.broadcast %sub3A : i32 to vector<16xi32>
      %sub3A_326 = arith.subi %add3A_324, %sub3A_325 : vector<16xi32>
      %gather3A = tpu.vector_load_idx %arg13[%sub3A_326] : memref<1024xf32, #tpu.memory_space<vmem>>[vector<16xi32>], vector<16xf32>,
      %le3A = arith.cmpf ole, %gather3A, %get3A_320 : vector<16xf32>
      %select_n3A = arith.select %le3A, %add3A_324, %broadcast_in_dim3A_321 : vector<16xi1>, vector<16xi32>
      %add3A_327 = arith.constant 256 : i32
      %add3A_328 = vector.broadcast %add3A_327 : i32 to vector<16xi32>
      %add3A_329 = arith.addi %select_n3A, %add3A_328 : vector<16xi32>
      %sub3A_330 = arith.constant 1 : i32
      %sub3A_331 = vector.broadcast %sub3A_330 : i32 to vector<16xi32>
      %sub3A_332 = arith.subi %add3A_329, %sub3A_331 : vector<16xi32>
      %gather3A_333 = tpu.vector_load_idx %arg13[%sub3A_332] : memref<1024xf32, #tpu.memory_space<vmem>>[vector<16xi32>], vector<16xf32>,
      %le3A_334 = arith.cmpf ole, %gather3A_333, %get3A_320 : vector<16xf32>
      %select_n3A_335 = arith.select %le3A_334, %add3A_329, %select_n3A : vector<16xi1>, vector<16xi32>
      %add3A_336 = arith.constant 128 : i32
      %add3A_337 = vector.broadcast %add3A_336 : i32 to vector<16xi32>
      %add3A_338 = arith.addi %select_n3A_335, %add3A_337 : vector<16xi32>
      %sub3A_339 = arith.constant 1 : i32
      %sub3A_340 = vector.broadcast %sub3A_339 : i32 to vector<16xi32>
      %sub3A_341 = arith.subi %add3A_338, %sub3A_340 : vector<16xi32>
      %gather3A_342 = tpu.vector_load_idx %arg13[%sub3A_341] : memref<1024xf32, #tpu.memory_space<vmem>>[vector<16xi32>], vector<16xf32>,
      %le3A_343 = arith.cmpf ole, %gather3A_342, %get3A_320 : vector<16xf32>
      %select_n3A_344 = arith.select %le3A_343, %add3A_338, %select_n3A_335 : vector<16xi1>, vector<16xi32>
      %add3A_345 = arith.constant 64 : i32
      %add3A_346 = vector.broadcast %add3A_345 : i32 to vector<16xi32>
      %add3A_347 = arith.addi %select_n3A_344, %add3A_346 : vector<16xi32>
      %sub3A_348 = arith.constant 1 : i32
      %sub3A_349 = vector.broadcast %sub3A_348 : i32 to vector<16xi32>
      %sub3A_350 = arith.subi %add3A_347, %sub3A_349 : vector<16xi32>
      %gather3A_351 = tpu.vector_load_idx %arg13[%sub3A_350] : memref<1024xf32, #tpu.memory_space<vmem>>[vector<16xi32>], vector<16xf32>,
      %le3A_352 = arith.cmpf ole, %gather3A_351, %get3A_320 : vector<16xf32>
      %select_n3A_353 = arith.select %le3A_352, %add3A_347, %select_n3A_344 : vector<16xi1>, vector<16xi32>
      %add3A_354 = arith.constant 32 : i32
      %add3A_355 = vector.broadcast %add3A_354 : i32 to vector<16xi32>
      %add3A_356 = arith.addi %select_n3A_353, %add3A_355 : vector<16xi32>
      %sub3A_357 = arith.constant 1 : i32
      %sub3A_358 = vector.broadcast %sub3A_357 : i32 to vector<16xi32>
      %sub3A_359 = arith.subi %add3A_356, %sub3A_358 : vector<16xi32>
      %gather3A_360 = tpu.vector_load_idx %arg13[%sub3A_359] : memref<1024xf32, #tpu.memory_space<vmem>>[vector<16xi32>], vector<16xf32>,
      %le3A_361 = arith.cmpf ole, %gather3A_360, %get3A_320 : vector<16xf32>
      %select_n3A_362 = arith.select %le3A_361, %add3A_356, %select_n3A_353 : vector<16xi1>, vector<16xi32>
      %add3A_363 = arith.constant 16 : i32
      %add3A_364 = vector.broadcast %add3A_363 : i32 to vector<16xi32>
      %add3A_365 = arith.addi %select_n3A_362, %add3A_364 : vector<16xi32>
      %sub3A_366 = arith.constant 1 : i32
      %sub3A_367 = vector.broadcast %sub3A_366 : i32 to vector<16xi32>
      %sub3A_368 = arith.subi %add3A_365, %sub3A_367 : vector<16xi32>
      %gather3A_369 = tpu.vector_load_idx %arg13[%sub3A_368] : memref<1024xf32, #tpu.memory_space<vmem>>[vector<16xi32>], vector<16xf32>,
      %le3A_370 = arith.cmpf ole, %gather3A_369, %get3A_320 : vector<16xf32>
      %select_n3A_371 = arith.select %le3A_370, %add3A_365, %select_n3A_362 : vector<16xi1>, vector<16xi32>
      %add3A_372 = arith.constant 8 : i32
      %add3A_373 = vector.broadcast %add3A_372 : i32 to vector<16xi32>
      %add3A_374 = arith.addi %select_n3A_371, %add3A_373 : vector<16xi32>
      %sub3A_375 = arith.constant 1 : i32
      %sub3A_376 = vector.broadcast %sub3A_375 : i32 to vector<16xi32>
      %sub3A_377 = arith.subi %add3A_374, %sub3A_376 : vector<16xi32>
      %gather3A_378 = tpu.vector_load_idx %arg13[%sub3A_377] : memref<1024xf32, #tpu.memory_space<vmem>>[vector<16xi32>], vector<16xf32>,
      %le3A_379 = arith.cmpf ole, %gather3A_378, %get3A_320 : vector<16xf32>
      %select_n3A_380 = arith.select %le3A_379, %add3A_374, %select_n3A_371 : vector<16xi1>, vector<16xi32>
      %add3A_381 = arith.constant 4 : i32
      %add3A_382 = vector.broadcast %add3A_381 : i32 to vector<16xi32>
      %add3A_383 = arith.addi %select_n3A_380, %add3A_382 : vector<16xi32>
      %sub3A_384 = arith.constant 1 : i32
      %sub3A_385 = vector.broadcast %sub3A_384 : i32 to vector<16xi32>
      %sub3A_386 = arith.subi %add3A_383, %sub3A_385 : vector<16xi32>
      %gather3A_387 = tpu.vector_load_idx %arg13[%sub3A_386] : memref<1024xf32, #tpu.memory_space<vmem>>[vector<16xi32>], vector<16xf32>,
      %le3A_388 = arith.cmpf ole, %gather3A_387, %get3A_320 : vector<16xf32>
      %select_n3A_389 = arith.select %le3A_388, %add3A_383, %select_n3A_380 : vector<16xi1>, vector<16xi32>
      %add3A_390 = arith.constant 2 : i32
      %add3A_391 = vector.broadcast %add3A_390 : i32 to vector<16xi32>
      %add3A_392 = arith.addi %select_n3A_389, %add3A_391 : vector<16xi32>
      %sub3A_393 = arith.constant 1 : i32
      %sub3A_394 = vector.broadcast %sub3A_393 : i32 to vector<16xi32>
      %sub3A_395 = arith.subi %add3A_392, %sub3A_394 : vector<16xi32>
      %gather3A_396 = tpu.vector_load_idx %arg13[%sub3A_395] : memref<1024xf32, #tpu.memory_space<vmem>>[vector<16xi32>], vector<16xf32>,
      %le3A_397 = arith.cmpf ole, %gather3A_396, %get3A_320 : vector<16xf32>
      %select_n3A_398 = arith.select %le3A_397, %add3A_392, %select_n3A_389 : vector<16xi1>, vector<16xi32>
      %add3A_399 = arith.constant 1 : i32
      %add3A_400 = vector.broadcast %add3A_399 : i32 to vector<16xi32>
      %add3A_401 = arith.addi %select_n3A_398, %add3A_400 : vector<16xi32>
      %sub3A_402 = arith.constant 1 : i32
      %sub3A_403 = vector.broadcast %sub3A_402 : i32 to vector<16xi32>
      %sub3A_404 = arith.subi %add3A_401, %sub3A_403 : vector<16xi32>
      %gather3A_405 = tpu.vector_load_idx %arg13[%sub3A_404] : memref<1024xf32, #tpu.memory_space<vmem>>[vector<16xi32>], vector<16xf32>,
      %le3A_406 = arith.cmpf ole, %gather3A_405, %get3A_320 : vector<16xf32>
      %select_n3A_407 = arith.select %le3A_406, %add3A_401, %select_n3A_398 : vector<16xi1>, vector<16xi32>
      %jit3A = arith.constant 8 : i32
      %div3A = arith.divsi %scan3A_316, %jit3A : i32
      %sign3A = arith.constant 0 : i32
      %sign3A_408 = arith.cmpi sgt, %scan3A_316, %sign3A : i32
      %sign3A_409 = arith.extui %sign3A_408 : i1 to i32
      %sign3A_410 = arith.constant 0 : i32
      %sign3A_411 = arith.cmpi slt, %scan3A_316, %sign3A_410 : i32
      %sign3A_412 = arith.extui %sign3A_411 : i1 to i32
      %sign3A_413 = arith.subi %sign3A_409, %sign3A_412 : i32
      %sign3A_414 = arith.constant 0 : i32
      %sign3A_415 = arith.cmpi sgt, %jit3A, %sign3A_414 : i32
      %sign3A_416 = arith.extui %sign3A_415 : i1 to i32
      %sign3A_417 = arith.constant 0 : i32
      %sign3A_418 = arith.cmpi slt, %jit3A, %sign3A_417 : i32
      %sign3A_419 = arith.extui %sign3A_418 : i1 to i32
      %sign3A_420 = arith.subi %sign3A_416, %sign3A_419 : i32
      %ne3A = arith.cmpi ne, %sign3A_413, %sign3A_420 : i32
      %rem3A = arith.remsi %scan3A_316, %jit3A : i32
      %ne3A_421 = arith.constant 0 : i32
      %ne3A_422 = arith.cmpi ne, %rem3A, %ne3A_421 : i32
      %and3A = arith.andi %ne3A, %ne3A_422 : i1
      %sub3A_423 = arith.constant 1 : i32
      %sub3A_424 = arith.subi %div3A, %sub3A_423 : i32
      %select_n3A_425 = arith.select %and3A, %sub3A_424, %div3A : i32
      %jit3A_426 = arith.constant 8 : i32
      %eq3A = arith.constant 0 : i32
      %eq3A_427 = arith.cmpi eq, %jit3A_426, %eq3A : i32
      %jit3A_428 = arith.constant 1 : i32
      %select_n3A_429 = arith.select %eq3A_427, %jit3A_428, %jit3A_426 : i32
      %rem3A_430 = arith.remsi %scan3A_316, %select_n3A_429 : i32
      %ne3A_431 = arith.constant 0 : i32
      %ne3A_432 = arith.cmpi ne, %rem3A_430, %ne3A_431 : i32
      %lt3A = arith.constant 0 : i32
      %lt3A_433 = arith.cmpi slt, %rem3A_430, %lt3A : i32
      %lt3A_434 = arith.constant 0 : i32
      %lt3A_435 = arith.cmpi slt, %select_n3A_429, %lt3A_434 : i32
      %ne3A_436 = arith.xori %lt3A_433, %lt3A_435 : i1
      %and3A_437 = arith.andi %ne3A_436, %ne3A_432 : i1
      %add3A_438 = arith.addi %rem3A_430, %select_n3A_429 : i32
      %select_n3A_439 = arith.select %and3A_437, %add3A_438, %rem3A_430 : i32
      %mul3A_440 = arith.constant 16 : i32
      %mul3A_441 = arith.muli %select_n3A_439, %mul3A_440 : i32
      %swap3A = arith.index_cast %select_n3A_425 : i32 to index
      %swap3A_442 = arith.index_cast %mul3A_441 : i32 to index
      %swap3A_443 = tpu.vector_load %arg11[%swap3A, %swap3A_442] {strides = array<i32>} : memref<4x128xi32, #tpu.memory_space<vmem>>, vector<16xi32>,
      tpu.vector_store %arg11[%swap3A, %swap3A_442], %select_n3A_407 {strides = array<i32>} : memref<4x128xi32, #tpu.memory_space<vmem>>, vector<16xi32>,
    }
    %scan3A_63 = arith.constant 8 : i32
    %dma_start3A_64 = arith.constant 0 : i32
    %dma_start3A_65 = arith.constant 0 : i32
    %dma_start3A_66 = arith.constant 0 : i32
    %dma_start3A_67 = tpu.memref_slice %arg16[%dma_start3A_65, %dma_start3A_66] : memref<512x32xf32, #tpu.memory_space<vmem>> -> memref<128x32xf32, #tpu.memory_space<vmem>>
    %dma_start3A_68 = arith.constant 0 : i32
    %dma_start3A_69 = tpu.memref_slice %arg11[%dma_start3A_64, %dma_start3A_68] : memref<4x128xi32, #tpu.memory_space<vmem>> -> memref<1x128xi32, #tpu.memory_space<vmem>>
    %dma_start3A_70 = tpu.memref_squeeze %dma_start3A_69 : memref<1x128xi32, #tpu.memory_space<vmem>> -> memref<128xi32, #tpu.memory_space<vmem>>
    %dma_start3A_71 = arith.constant 0 : i32
    %dma_start3A_72 = arith.constant 0 : i32
    %dma_start3A_73 = tpu.memref_slice %arg5[%dma_start3A_71, %dma_start3A_72] : memref<1001x32xf32, #tpu.memory_space<hbm>> -> memref<1001x32xf32, #tpu.memory_space<hbm>>
    tpu.enqueue_indirect_dma source(%dma_start3A_73 : memref<1001x32xf32, #tpu.memory_space<hbm>>) target(%dma_start3A_67 : memref<128x32xf32, #tpu.memory_space<vmem>>) offsets(%dma_start3A_70 : memref<128xi32, #tpu.memory_space<vmem>>) semaphore(%arg19 : memref<!tpu.dma_semaphore, #tpu.memory_space<semaphore_mem>>)
    %scan3A_74 = arith.constant 0 : i32
    %scan3A_75 = arith.constant 8 : i32
    %scan3A_76 = arith.constant 8 : i32
    %scan3A_77 = arith.addi %scan3A_75, %scan3A_76 : i32
    %scan3A_78 = arith.constant 1 : i32
    scf.for %scan3A_316 = %scan3A_75 to %scan3A_77 step %scan3A_78  : i32 {
      %mul3A_317 = arith.constant 16 : i32
      %mul3A_318 = arith.muli %scan3A_316, %mul3A_317 : i32
      %get3A_319 = arith.index_cast %mul3A_318 : i32 to index
      %get3A_320 = tpu.vector_load %arg12[%get3A_319] {strides = array<i32>} : memref<512xf32, #tpu.memory_space<vmem>>, vector<16xf32>,
      %broadcast_in_dim3A = arith.constant 0 : i32
      %broadcast_in_dim3A_321 = vector.broadcast %broadcast_in_dim3A : i32 to vector<16xi32>
      %add3A_322 = arith.constant 512 : i32
      %add3A_323 = vector.broadcast %add3A_322 : i32 to vector<16xi32>
      %add3A_324 = arith.addi %broadcast_in_dim3A_321, %add3A_323 : vector<16xi32>
      %sub3A = arith.constant 1 : i32
      %sub3A_325 = vector.broadcast %sub3A : i32 to vector<16xi32>
      %sub3A_326 = arith.subi %add3A_324, %sub3A_325 : vector<16xi32>
      %gather3A = tpu.vector_load_idx %arg13[%sub3A_326] : memref<1024xf32, #tpu.memory_space<vmem>>[vector<16xi32>], vector<16xf32>,
      %le3A = arith.cmpf ole, %gather3A, %get3A_320 : vector<16xf32>
      %select_n3A = arith.select %le3A, %add3A_324, %broadcast_in_dim3A_321 : vector<16xi1>, vector<16xi32>
      %add3A_327 = arith.constant 256 : i32
      %add3A_328 = vector.broadcast %add3A_327 : i32 to vector<16xi32>
      %add3A_329 = arith.addi %select_n3A, %add3A_328 : vector<16xi32>
      %sub3A_330 = arith.constant 1 : i32
      %sub3A_331 = vector.broadcast %sub3A_330 : i32 to vector<16xi32>
      %sub3A_332 = arith.subi %add3A_329, %sub3A_331 : vector<16xi32>
      %gather3A_333 = tpu.vector_load_idx %arg13[%sub3A_332] : memref<1024xf32, #tpu.memory_space<vmem>>[vector<16xi32>], vector<16xf32>,
      %le3A_334 = arith.cmpf ole, %gather3A_333, %get3A_320 : vector<16xf32>
      %select_n3A_335 = arith.select %le3A_334, %add3A_329, %select_n3A : vector<16xi1>, vector<16xi32>
      %add3A_336 = arith.constant 128 : i32
      %add3A_337 = vector.broadcast %add3A_336 : i32 to vector<16xi32>
      %add3A_338 = arith.addi %select_n3A_335, %add3A_337 : vector<16xi32>
      %sub3A_339 = arith.constant 1 : i32
      %sub3A_340 = vector.broadcast %sub3A_339 : i32 to vector<16xi32>
      %sub3A_341 = arith.subi %add3A_338, %sub3A_340 : vector<16xi32>
      %gather3A_342 = tpu.vector_load_idx %arg13[%sub3A_341] : memref<1024xf32, #tpu.memory_space<vmem>>[vector<16xi32>], vector<16xf32>,
      %le3A_343 = arith.cmpf ole, %gather3A_342, %get3A_320 : vector<16xf32>
      %select_n3A_344 = arith.select %le3A_343, %add3A_338, %select_n3A_335 : vector<16xi1>, vector<16xi32>
      %add3A_345 = arith.constant 64 : i32
      %add3A_346 = vector.broadcast %add3A_345 : i32 to vector<16xi32>
      %add3A_347 = arith.addi %select_n3A_344, %add3A_346 : vector<16xi32>
      %sub3A_348 = arith.constant 1 : i32
      %sub3A_349 = vector.broadcast %sub3A_348 : i32 to vector<16xi32>
      %sub3A_350 = arith.subi %add3A_347, %sub3A_349 : vector<16xi32>
      %gather3A_351 = tpu.vector_load_idx %arg13[%sub3A_350] : memref<1024xf32, #tpu.memory_space<vmem>>[vector<16xi32>], vector<16xf32>,
      %le3A_352 = arith.cmpf ole, %gather3A_351, %get3A_320 : vector<16xf32>
      %select_n3A_353 = arith.select %le3A_352, %add3A_347, %select_n3A_344 : vector<16xi1>, vector<16xi32>
      %add3A_354 = arith.constant 32 : i32
      %add3A_355 = vector.broadcast %add3A_354 : i32 to vector<16xi32>
      %add3A_356 = arith.addi %select_n3A_353, %add3A_355 : vector<16xi32>
      %sub3A_357 = arith.constant 1 : i32
      %sub3A_358 = vector.broadcast %sub3A_357 : i32 to vector<16xi32>
      %sub3A_359 = arith.subi %add3A_356, %sub3A_358 : vector<16xi32>
      %gather3A_360 = tpu.vector_load_idx %arg13[%sub3A_359] : memref<1024xf32, #tpu.memory_space<vmem>>[vector<16xi32>], vector<16xf32>,
      %le3A_361 = arith.cmpf ole, %gather3A_360, %get3A_320 : vector<16xf32>
      %select_n3A_362 = arith.select %le3A_361, %add3A_356, %select_n3A_353 : vector<16xi1>, vector<16xi32>
      %add3A_363 = arith.constant 16 : i32
      %add3A_364 = vector.broadcast %add3A_363 : i32 to vector<16xi32>
      %add3A_365 = arith.addi %select_n3A_362, %add3A_364 : vector<16xi32>
      %sub3A_366 = arith.constant 1 : i32
      %sub3A_367 = vector.broadcast %sub3A_366 : i32 to vector<16xi32>
      %sub3A_368 = arith.subi %add3A_365, %sub3A_367 : vector<16xi32>
      %gather3A_369 = tpu.vector_load_idx %arg13[%sub3A_368] : memref<1024xf32, #tpu.memory_space<vmem>>[vector<16xi32>], vector<16xf32>,
      %le3A_370 = arith.cmpf ole, %gather3A_369, %get3A_320 : vector<16xf32>
      %select_n3A_371 = arith.select %le3A_370, %add3A_365, %select_n3A_362 : vector<16xi1>, vector<16xi32>
      %add3A_372 = arith.constant 8 : i32
      %add3A_373 = vector.broadcast %add3A_372 : i32 to vector<16xi32>
      %add3A_374 = arith.addi %select_n3A_371, %add3A_373 : vector<16xi32>
      %sub3A_375 = arith.constant 1 : i32
      %sub3A_376 = vector.broadcast %sub3A_375 : i32 to vector<16xi32>
      %sub3A_377 = arith.subi %add3A_374, %sub3A_376 : vector<16xi32>
      %gather3A_378 = tpu.vector_load_idx %arg13[%sub3A_377] : memref<1024xf32, #tpu.memory_space<vmem>>[vector<16xi32>], vector<16xf32>,
      %le3A_379 = arith.cmpf ole, %gather3A_378, %get3A_320 : vector<16xf32>
      %select_n3A_380 = arith.select %le3A_379, %add3A_374, %select_n3A_371 : vector<16xi1>, vector<16xi32>
      %add3A_381 = arith.constant 4 : i32
      %add3A_382 = vector.broadcast %add3A_381 : i32 to vector<16xi32>
      %add3A_383 = arith.addi %select_n3A_380, %add3A_382 : vector<16xi32>
      %sub3A_384 = arith.constant 1 : i32
      %sub3A_385 = vector.broadcast %sub3A_384 : i32 to vector<16xi32>
      %sub3A_386 = arith.subi %add3A_383, %sub3A_385 : vector<16xi32>
      %gather3A_387 = tpu.vector_load_idx %arg13[%sub3A_386] : memref<1024xf32, #tpu.memory_space<vmem>>[vector<16xi32>], vector<16xf32>,
      %le3A_388 = arith.cmpf ole, %gather3A_387, %get3A_320 : vector<16xf32>
      %select_n3A_389 = arith.select %le3A_388, %add3A_383, %select_n3A_380 : vector<16xi1>, vector<16xi32>
      %add3A_390 = arith.constant 2 : i32
      %add3A_391 = vector.broadcast %add3A_390 : i32 to vector<16xi32>
      %add3A_392 = arith.addi %select_n3A_389, %add3A_391 : vector<16xi32>
      %sub3A_393 = arith.constant 1 : i32
      %sub3A_394 = vector.broadcast %sub3A_393 : i32 to vector<16xi32>
      %sub3A_395 = arith.subi %add3A_392, %sub3A_394 : vector<16xi32>
      %gather3A_396 = tpu.vector_load_idx %arg13[%sub3A_395] : memref<1024xf32, #tpu.memory_space<vmem>>[vector<16xi32>], vector<16xf32>,
      %le3A_397 = arith.cmpf ole, %gather3A_396, %get3A_320 : vector<16xf32>
      %select_n3A_398 = arith.select %le3A_397, %add3A_392, %select_n3A_389 : vector<16xi1>, vector<16xi32>
      %add3A_399 = arith.constant 1 : i32
      %add3A_400 = vector.broadcast %add3A_399 : i32 to vector<16xi32>
      %add3A_401 = arith.addi %select_n3A_398, %add3A_400 : vector<16xi32>
      %sub3A_402 = arith.constant 1 : i32
      %sub3A_403 = vector.broadcast %sub3A_402 : i32 to vector<16xi32>
      %sub3A_404 = arith.subi %add3A_401, %sub3A_403 : vector<16xi32>
      %gather3A_405 = tpu.vector_load_idx %arg13[%sub3A_404] : memref<1024xf32, #tpu.memory_space<vmem>>[vector<16xi32>], vector<16xf32>,
      %le3A_406 = arith.cmpf ole, %gather3A_405, %get3A_320 : vector<16xf32>
      %select_n3A_407 = arith.select %le3A_406, %add3A_401, %select_n3A_398 : vector<16xi1>, vector<16xi32>
      %jit3A = arith.constant 8 : i32
      %div3A = arith.divsi %scan3A_316, %jit3A : i32
      %sign3A = arith.constant 0 : i32
      %sign3A_408 = arith.cmpi sgt, %scan3A_316, %sign3A : i32
      %sign3A_409 = arith.extui %sign3A_408 : i1 to i32
      %sign3A_410 = arith.constant 0 : i32
      %sign3A_411 = arith.cmpi slt, %scan3A_316, %sign3A_410 : i32
      %sign3A_412 = arith.extui %sign3A_411 : i1 to i32
      %sign3A_413 = arith.subi %sign3A_409, %sign3A_412 : i32
      %sign3A_414 = arith.constant 0 : i32
      %sign3A_415 = arith.cmpi sgt, %jit3A, %sign3A_414 : i32
      %sign3A_416 = arith.extui %sign3A_415 : i1 to i32
      %sign3A_417 = arith.constant 0 : i32
      %sign3A_418 = arith.cmpi slt, %jit3A, %sign3A_417 : i32
      %sign3A_419 = arith.extui %sign3A_418 : i1 to i32
      %sign3A_420 = arith.subi %sign3A_416, %sign3A_419 : i32
      %ne3A = arith.cmpi ne, %sign3A_413, %sign3A_420 : i32
      %rem3A = arith.remsi %scan3A_316, %jit3A : i32
      %ne3A_421 = arith.constant 0 : i32
      %ne3A_422 = arith.cmpi ne, %rem3A, %ne3A_421 : i32
      %and3A = arith.andi %ne3A, %ne3A_422 : i1
      %sub3A_423 = arith.constant 1 : i32
      %sub3A_424 = arith.subi %div3A, %sub3A_423 : i32
      %select_n3A_425 = arith.select %and3A, %sub3A_424, %div3A : i32
      %jit3A_426 = arith.constant 8 : i32
      %eq3A = arith.constant 0 : i32
      %eq3A_427 = arith.cmpi eq, %jit3A_426, %eq3A : i32
      %jit3A_428 = arith.constant 1 : i32
      %select_n3A_429 = arith.select %eq3A_427, %jit3A_428, %jit3A_426 : i32
      %rem3A_430 = arith.remsi %scan3A_316, %select_n3A_429 : i32
      %ne3A_431 = arith.constant 0 : i32
      %ne3A_432 = arith.cmpi ne, %rem3A_430, %ne3A_431 : i32
      %lt3A = arith.constant 0 : i32
      %lt3A_433 = arith.cmpi slt, %rem3A_430, %lt3A : i32
      %lt3A_434 = arith.constant 0 : i32
      %lt3A_435 = arith.cmpi slt, %select_n3A_429, %lt3A_434 : i32
      %ne3A_436 = arith.xori %lt3A_433, %lt3A_435 : i1
      %and3A_437 = arith.andi %ne3A_436, %ne3A_432 : i1
      %add3A_438 = arith.addi %rem3A_430, %select_n3A_429 : i32
      %select_n3A_439 = arith.select %and3A_437, %add3A_438, %rem3A_430 : i32
      %mul3A_440 = arith.constant 16 : i32
      %mul3A_441 = arith.muli %select_n3A_439, %mul3A_440 : i32
      %swap3A = arith.index_cast %select_n3A_425 : i32 to index
      %swap3A_442 = arith.index_cast %mul3A_441 : i32 to index
      %swap3A_443 = tpu.vector_load %arg11[%swap3A, %swap3A_442] {strides = array<i32>} : memref<4x128xi32, #tpu.memory_space<vmem>>, vector<16xi32>,
      tpu.vector_store %arg11[%swap3A, %swap3A_442], %select_n3A_407 {strides = array<i32>} : memref<4x128xi32, #tpu.memory_space<vmem>>, vector<16xi32>,
    }
    %scan3A_79 = arith.constant 8 : i32
    %dma_start3A_80 = arith.constant 1 : i32
    %dma_start3A_81 = arith.constant 128 : i32
    %dma_start3A_82 = arith.constant 0 : i32
    %dma_start3A_83 = tpu.memref_slice %arg16[%dma_start3A_81, %dma_start3A_82] : memref<512x32xf32, #tpu.memory_space<vmem>> -> memref<128x32xf32, #tpu.memory_space<vmem>>
    %dma_start3A_84 = arith.constant 0 : i32
    %dma_start3A_85 = tpu.memref_slice %arg11[%dma_start3A_80, %dma_start3A_84] : memref<4x128xi32, #tpu.memory_space<vmem>> -> memref<1x128xi32, #tpu.memory_space<vmem>>
    %dma_start3A_86 = tpu.memref_squeeze %dma_start3A_85 : memref<1x128xi32, #tpu.memory_space<vmem>> -> memref<128xi32, #tpu.memory_space<vmem>>
    %dma_start3A_87 = arith.constant 0 : i32
    %dma_start3A_88 = arith.constant 0 : i32
    %dma_start3A_89 = tpu.memref_slice %arg5[%dma_start3A_87, %dma_start3A_88] : memref<1001x32xf32, #tpu.memory_space<hbm>> -> memref<1001x32xf32, #tpu.memory_space<hbm>>
    tpu.enqueue_indirect_dma source(%dma_start3A_89 : memref<1001x32xf32, #tpu.memory_space<hbm>>) target(%dma_start3A_83 : memref<128x32xf32, #tpu.memory_space<vmem>>) offsets(%dma_start3A_86 : memref<128xi32, #tpu.memory_space<vmem>>) semaphore(%arg19 : memref<!tpu.dma_semaphore, #tpu.memory_space<semaphore_mem>>)
    %scan3A_90 = arith.constant 0 : i32
    %scan3A_91 = arith.constant 16 : i32
    %scan3A_92 = arith.constant 8 : i32
    %scan3A_93 = arith.addi %scan3A_91, %scan3A_92 : i32
    %scan3A_94 = arith.constant 1 : i32
    scf.for %scan3A_316 = %scan3A_91 to %scan3A_93 step %scan3A_94  : i32 {
      %mul3A_317 = arith.constant 16 : i32
      %mul3A_318 = arith.muli %scan3A_316, %mul3A_317 : i32
      %get3A_319 = arith.index_cast %mul3A_318 : i32 to index
      %get3A_320 = tpu.vector_load %arg12[%get3A_319] {strides = array<i32>} : memref<512xf32, #tpu.memory_space<vmem>>, vector<16xf32>,
      %broadcast_in_dim3A = arith.constant 0 : i32
      %broadcast_in_dim3A_321 = vector.broadcast %broadcast_in_dim3A : i32 to vector<16xi32>
      %add3A_322 = arith.constant 512 : i32
      %add3A_323 = vector.broadcast %add3A_322 : i32 to vector<16xi32>
      %add3A_324 = arith.addi %broadcast_in_dim3A_321, %add3A_323 : vector<16xi32>
      %sub3A = arith.constant 1 : i32
      %sub3A_325 = vector.broadcast %sub3A : i32 to vector<16xi32>
      %sub3A_326 = arith.subi %add3A_324, %sub3A_325 : vector<16xi32>
      %gather3A = tpu.vector_load_idx %arg13[%sub3A_326] : memref<1024xf32, #tpu.memory_space<vmem>>[vector<16xi32>], vector<16xf32>,
      %le3A = arith.cmpf ole, %gather3A, %get3A_320 : vector<16xf32>
      %select_n3A = arith.select %le3A, %add3A_324, %broadcast_in_dim3A_321 : vector<16xi1>, vector<16xi32>
      %add3A_327 = arith.constant 256 : i32
      %add3A_328 = vector.broadcast %add3A_327 : i32 to vector<16xi32>
      %add3A_329 = arith.addi %select_n3A, %add3A_328 : vector<16xi32>
      %sub3A_330 = arith.constant 1 : i32
      %sub3A_331 = vector.broadcast %sub3A_330 : i32 to vector<16xi32>
      %sub3A_332 = arith.subi %add3A_329, %sub3A_331 : vector<16xi32>
      %gather3A_333 = tpu.vector_load_idx %arg13[%sub3A_332] : memref<1024xf32, #tpu.memory_space<vmem>>[vector<16xi32>], vector<16xf32>,
      %le3A_334 = arith.cmpf ole, %gather3A_333, %get3A_320 : vector<16xf32>
      %select_n3A_335 = arith.select %le3A_334, %add3A_329, %select_n3A : vector<16xi1>, vector<16xi32>
      %add3A_336 = arith.constant 128 : i32
      %add3A_337 = vector.broadcast %add3A_336 : i32 to vector<16xi32>
      %add3A_338 = arith.addi %select_n3A_335, %add3A_337 : vector<16xi32>
      %sub3A_339 = arith.constant 1 : i32
      %sub3A_340 = vector.broadcast %sub3A_339 : i32 to vector<16xi32>
      %sub3A_341 = arith.subi %add3A_338, %sub3A_340 : vector<16xi32>
      %gather3A_342 = tpu.vector_load_idx %arg13[%sub3A_341] : memref<1024xf32, #tpu.memory_space<vmem>>[vector<16xi32>], vector<16xf32>,
      %le3A_343 = arith.cmpf ole, %gather3A_342, %get3A_320 : vector<16xf32>
      %select_n3A_344 = arith.select %le3A_343, %add3A_338, %select_n3A_335 : vector<16xi1>, vector<16xi32>
      %add3A_345 = arith.constant 64 : i32
      %add3A_346 = vector.broadcast %add3A_345 : i32 to vector<16xi32>
      %add3A_347 = arith.addi %select_n3A_344, %add3A_346 : vector<16xi32>
      %sub3A_348 = arith.constant 1 : i32
      %sub3A_349 = vector.broadcast %sub3A_348 : i32 to vector<16xi32>
      %sub3A_350 = arith.subi %add3A_347, %sub3A_349 : vector<16xi32>
      %gather3A_351 = tpu.vector_load_idx %arg13[%sub3A_350] : memref<1024xf32, #tpu.memory_space<vmem>>[vector<16xi32>], vector<16xf32>,
      %le3A_352 = arith.cmpf ole, %gather3A_351, %get3A_320 : vector<16xf32>
      %select_n3A_353 = arith.select %le3A_352, %add3A_347, %select_n3A_344 : vector<16xi1>, vector<16xi32>
      %add3A_354 = arith.constant 32 : i32
      %add3A_355 = vector.broadcast %add3A_354 : i32 to vector<16xi32>
      %add3A_356 = arith.addi %select_n3A_353, %add3A_355 : vector<16xi32>
      %sub3A_357 = arith.constant 1 : i32
      %sub3A_358 = vector.broadcast %sub3A_357 : i32 to vector<16xi32>
      %sub3A_359 = arith.subi %add3A_356, %sub3A_358 : vector<16xi32>
      %gather3A_360 = tpu.vector_load_idx %arg13[%sub3A_359] : memref<1024xf32, #tpu.memory_space<vmem>>[vector<16xi32>], vector<16xf32>,
      %le3A_361 = arith.cmpf ole, %gather3A_360, %get3A_320 : vector<16xf32>
      %select_n3A_362 = arith.select %le3A_361, %add3A_356, %select_n3A_353 : vector<16xi1>, vector<16xi32>
      %add3A_363 = arith.constant 16 : i32
      %add3A_364 = vector.broadcast %add3A_363 : i32 to vector<16xi32>
      %add3A_365 = arith.addi %select_n3A_362, %add3A_364 : vector<16xi32>
      %sub3A_366 = arith.constant 1 : i32
      %sub3A_367 = vector.broadcast %sub3A_366 : i32 to vector<16xi32>
      %sub3A_368 = arith.subi %add3A_365, %sub3A_367 : vector<16xi32>
      %gather3A_369 = tpu.vector_load_idx %arg13[%sub3A_368] : memref<1024xf32, #tpu.memory_space<vmem>>[vector<16xi32>], vector<16xf32>,
      %le3A_370 = arith.cmpf ole, %gather3A_369, %get3A_320 : vector<16xf32>
      %select_n3A_371 = arith.select %le3A_370, %add3A_365, %select_n3A_362 : vector<16xi1>, vector<16xi32>
      %add3A_372 = arith.constant 8 : i32
      %add3A_373 = vector.broadcast %add3A_372 : i32 to vector<16xi32>
      %add3A_374 = arith.addi %select_n3A_371, %add3A_373 : vector<16xi32>
      %sub3A_375 = arith.constant 1 : i32
      %sub3A_376 = vector.broadcast %sub3A_375 : i32 to vector<16xi32>
      %sub3A_377 = arith.subi %add3A_374, %sub3A_376 : vector<16xi32>
      %gather3A_378 = tpu.vector_load_idx %arg13[%sub3A_377] : memref<1024xf32, #tpu.memory_space<vmem>>[vector<16xi32>], vector<16xf32>,
      %le3A_379 = arith.cmpf ole, %gather3A_378, %get3A_320 : vector<16xf32>
      %select_n3A_380 = arith.select %le3A_379, %add3A_374, %select_n3A_371 : vector<16xi1>, vector<16xi32>
      %add3A_381 = arith.constant 4 : i32
      %add3A_382 = vector.broadcast %add3A_381 : i32 to vector<16xi32>
      %add3A_383 = arith.addi %select_n3A_380, %add3A_382 : vector<16xi32>
      %sub3A_384 = arith.constant 1 : i32
      %sub3A_385 = vector.broadcast %sub3A_384 : i32 to vector<16xi32>
      %sub3A_386 = arith.subi %add3A_383, %sub3A_385 : vector<16xi32>
      %gather3A_387 = tpu.vector_load_idx %arg13[%sub3A_386] : memref<1024xf32, #tpu.memory_space<vmem>>[vector<16xi32>], vector<16xf32>,
      %le3A_388 = arith.cmpf ole, %gather3A_387, %get3A_320 : vector<16xf32>
      %select_n3A_389 = arith.select %le3A_388, %add3A_383, %select_n3A_380 : vector<16xi1>, vector<16xi32>
      %add3A_390 = arith.constant 2 : i32
      %add3A_391 = vector.broadcast %add3A_390 : i32 to vector<16xi32>
      %add3A_392 = arith.addi %select_n3A_389, %add3A_391 : vector<16xi32>
      %sub3A_393 = arith.constant 1 : i32
      %sub3A_394 = vector.broadcast %sub3A_393 : i32 to vector<16xi32>
      %sub3A_395 = arith.subi %add3A_392, %sub3A_394 : vector<16xi32>
      %gather3A_396 = tpu.vector_load_idx %arg13[%sub3A_395] : memref<1024xf32, #tpu.memory_space<vmem>>[vector<16xi32>], vector<16xf32>,
      %le3A_397 = arith.cmpf ole, %gather3A_396, %get3A_320 : vector<16xf32>
      %select_n3A_398 = arith.select %le3A_397, %add3A_392, %select_n3A_389 : vector<16xi1>, vector<16xi32>
      %add3A_399 = arith.constant 1 : i32
      %add3A_400 = vector.broadcast %add3A_399 : i32 to vector<16xi32>
      %add3A_401 = arith.addi %select_n3A_398, %add3A_400 : vector<16xi32>
      %sub3A_402 = arith.constant 1 : i32
      %sub3A_403 = vector.broadcast %sub3A_402 : i32 to vector<16xi32>
      %sub3A_404 = arith.subi %add3A_401, %sub3A_403 : vector<16xi32>
      %gather3A_405 = tpu.vector_load_idx %arg13[%sub3A_404] : memref<1024xf32, #tpu.memory_space<vmem>>[vector<16xi32>], vector<16xf32>,
      %le3A_406 = arith.cmpf ole, %gather3A_405, %get3A_320 : vector<16xf32>
      %select_n3A_407 = arith.select %le3A_406, %add3A_401, %select_n3A_398 : vector<16xi1>, vector<16xi32>
      %jit3A = arith.constant 8 : i32
      %div3A = arith.divsi %scan3A_316, %jit3A : i32
      %sign3A = arith.constant 0 : i32
      %sign3A_408 = arith.cmpi sgt, %scan3A_316, %sign3A : i32
      %sign3A_409 = arith.extui %sign3A_408 : i1 to i32
      %sign3A_410 = arith.constant 0 : i32
      %sign3A_411 = arith.cmpi slt, %scan3A_316, %sign3A_410 : i32
      %sign3A_412 = arith.extui %sign3A_411 : i1 to i32
      %sign3A_413 = arith.subi %sign3A_409, %sign3A_412 : i32
      %sign3A_414 = arith.constant 0 : i32
      %sign3A_415 = arith.cmpi sgt, %jit3A, %sign3A_414 : i32
      %sign3A_416 = arith.extui %sign3A_415 : i1 to i32
      %sign3A_417 = arith.constant 0 : i32
      %sign3A_418 = arith.cmpi slt, %jit3A, %sign3A_417 : i32
      %sign3A_419 = arith.extui %sign3A_418 : i1 to i32
      %sign3A_420 = arith.subi %sign3A_416, %sign3A_419 : i32
      %ne3A = arith.cmpi ne, %sign3A_413, %sign3A_420 : i32
      %rem3A = arith.remsi %scan3A_316, %jit3A : i32
      %ne3A_421 = arith.constant 0 : i32
      %ne3A_422 = arith.cmpi ne, %rem3A, %ne3A_421 : i32
      %and3A = arith.andi %ne3A, %ne3A_422 : i1
      %sub3A_423 = arith.constant 1 : i32
      %sub3A_424 = arith.subi %div3A, %sub3A_423 : i32
      %select_n3A_425 = arith.select %and3A, %sub3A_424, %div3A : i32
      %jit3A_426 = arith.constant 8 : i32
      %eq3A = arith.constant 0 : i32
      %eq3A_427 = arith.cmpi eq, %jit3A_426, %eq3A : i32
      %jit3A_428 = arith.constant 1 : i32
      %select_n3A_429 = arith.select %eq3A_427, %jit3A_428, %jit3A_426 : i32
      %rem3A_430 = arith.remsi %scan3A_316, %select_n3A_429 : i32
      %ne3A_431 = arith.constant 0 : i32
      %ne3A_432 = arith.cmpi ne, %rem3A_430, %ne3A_431 : i32
      %lt3A = arith.constant 0 : i32
      %lt3A_433 = arith.cmpi slt, %rem3A_430, %lt3A : i32
      %lt3A_434 = arith.constant 0 : i32
      %lt3A_435 = arith.cmpi slt, %select_n3A_429, %lt3A_434 : i32
      %ne3A_436 = arith.xori %lt3A_433, %lt3A_435 : i1
      %and3A_437 = arith.andi %ne3A_436, %ne3A_432 : i1
      %add3A_438 = arith.addi %rem3A_430, %select_n3A_429 : i32
      %select_n3A_439 = arith.select %and3A_437, %add3A_438, %rem3A_430 : i32
      %mul3A_440 = arith.constant 16 : i32
      %mul3A_441 = arith.muli %select_n3A_439, %mul3A_440 : i32
      %swap3A = arith.index_cast %select_n3A_425 : i32 to index
      %swap3A_442 = arith.index_cast %mul3A_441 : i32 to index
      %swap3A_443 = tpu.vector_load %arg11[%swap3A, %swap3A_442] {strides = array<i32>} : memref<4x128xi32, #tpu.memory_space<vmem>>, vector<16xi32>,
      tpu.vector_store %arg11[%swap3A, %swap3A_442], %select_n3A_407 {strides = array<i32>} : memref<4x128xi32, #tpu.memory_space<vmem>>, vector<16xi32>,
    }
    %scan3A_95 = arith.constant 8 : i32
    %dma_start3A_96 = arith.constant 2 : i32
    %dma_start3A_97 = arith.constant 256 : i32
    %dma_start3A_98 = arith.constant 0 : i32
    %dma_start3A_99 = tpu.memref_slice %arg16[%dma_start3A_97, %dma_start3A_98] : memref<512x32xf32, #tpu.memory_space<vmem>> -> memref<128x32xf32, #tpu.memory_space<vmem>>
    %dma_start3A_100 = arith.constant 0 : i32
    %dma_start3A_101 = tpu.memref_slice %arg11[%dma_start3A_96, %dma_start3A_100] : memref<4x128xi32, #tpu.memory_space<vmem>> -> memref<1x128xi32, #tpu.memory_space<vmem>>
    %dma_start3A_102 = tpu.memref_squeeze %dma_start3A_101 : memref<1x128xi32, #tpu.memory_space<vmem>> -> memref<128xi32, #tpu.memory_space<vmem>>
    %dma_start3A_103 = arith.constant 0 : i32
    %dma_start3A_104 = arith.constant 0 : i32
    %dma_start3A_105 = tpu.memref_slice %arg5[%dma_start3A_103, %dma_start3A_104] : memref<1001x32xf32, #tpu.memory_space<hbm>> -> memref<1001x32xf32, #tpu.memory_space<hbm>>
    tpu.enqueue_indirect_dma source(%dma_start3A_105 : memref<1001x32xf32, #tpu.memory_space<hbm>>) target(%dma_start3A_99 : memref<128x32xf32, #tpu.memory_space<vmem>>) offsets(%dma_start3A_102 : memref<128xi32, #tpu.memory_space<vmem>>) semaphore(%arg19 : memref<!tpu.dma_semaphore, #tpu.memory_space<semaphore_mem>>)
    %scan3A_106 = arith.constant 0 : i32
    %scan3A_107 = arith.constant 24 : i32
    %scan3A_108 = arith.constant 8 : i32
    %scan3A_109 = arith.addi %scan3A_107, %scan3A_108 : i32
    %scan3A_110 = arith.constant 1 : i32
    scf.for %scan3A_316 = %scan3A_107 to %scan3A_109 step %scan3A_110  : i32 {
      %mul3A_317 = arith.constant 16 : i32
      %mul3A_318 = arith.muli %scan3A_316, %mul3A_317 : i32
      %get3A_319 = arith.index_cast %mul3A_318 : i32 to index
      %get3A_320 = tpu.vector_load %arg12[%get3A_319] {strides = array<i32>} : memref<512xf32, #tpu.memory_space<vmem>>, vector<16xf32>,
      %broadcast_in_dim3A = arith.constant 0 : i32
      %broadcast_in_dim3A_321 = vector.broadcast %broadcast_in_dim3A : i32 to vector<16xi32>
      %add3A_322 = arith.constant 512 : i32
      %add3A_323 = vector.broadcast %add3A_322 : i32 to vector<16xi32>
      %add3A_324 = arith.addi %broadcast_in_dim3A_321, %add3A_323 : vector<16xi32>
      %sub3A = arith.constant 1 : i32
      %sub3A_325 = vector.broadcast %sub3A : i32 to vector<16xi32>
      %sub3A_326 = arith.subi %add3A_324, %sub3A_325 : vector<16xi32>
      %gather3A = tpu.vector_load_idx %arg13[%sub3A_326] : memref<1024xf32, #tpu.memory_space<vmem>>[vector<16xi32>], vector<16xf32>,
      %le3A = arith.cmpf ole, %gather3A, %get3A_320 : vector<16xf32>
      %select_n3A = arith.select %le3A, %add3A_324, %broadcast_in_dim3A_321 : vector<16xi1>, vector<16xi32>
      %add3A_327 = arith.constant 256 : i32
      %add3A_328 = vector.broadcast %add3A_327 : i32 to vector<16xi32>
      %add3A_329 = arith.addi %select_n3A, %add3A_328 : vector<16xi32>
      %sub3A_330 = arith.constant 1 : i32
      %sub3A_331 = vector.broadcast %sub3A_330 : i32 to vector<16xi32>
      %sub3A_332 = arith.subi %add3A_329, %sub3A_331 : vector<16xi32>
      %gather3A_333 = tpu.vector_load_idx %arg13[%sub3A_332] : memref<1024xf32, #tpu.memory_space<vmem>>[vector<16xi32>], vector<16xf32>,
      %le3A_334 = arith.cmpf ole, %gather3A_333, %get3A_320 : vector<16xf32>
      %select_n3A_335 = arith.select %le3A_334, %add3A_329, %select_n3A : vector<16xi1>, vector<16xi32>
      %add3A_336 = arith.constant 128 : i32
      %add3A_337 = vector.broadcast %add3A_336 : i32 to vector<16xi32>
      %add3A_338 = arith.addi %select_n3A_335, %add3A_337 : vector<16xi32>
      %sub3A_339 = arith.constant 1 : i32
      %sub3A_340 = vector.broadcast %sub3A_339 : i32 to vector<16xi32>
      %sub3A_341 = arith.subi %add3A_338, %sub3A_340 : vector<16xi32>
      %gather3A_342 = tpu.vector_load_idx %arg13[%sub3A_341] : memref<1024xf32, #tpu.memory_space<vmem>>[vector<16xi32>], vector<16xf32>,
      %le3A_343 = arith.cmpf ole, %gather3A_342, %get3A_320 : vector<16xf32>
      %select_n3A_344 = arith.select %le3A_343, %add3A_338, %select_n3A_335 : vector<16xi1>, vector<16xi32>
      %add3A_345 = arith.constant 64 : i32
      %add3A_346 = vector.broadcast %add3A_345 : i32 to vector<16xi32>
      %add3A_347 = arith.addi %select_n3A_344, %add3A_346 : vector<16xi32>
      %sub3A_348 = arith.constant 1 : i32
      %sub3A_349 = vector.broadcast %sub3A_348 : i32 to vector<16xi32>
      %sub3A_350 = arith.subi %add3A_347, %sub3A_349 : vector<16xi32>
      %gather3A_351 = tpu.vector_load_idx %arg13[%sub3A_350] : memref<1024xf32, #tpu.memory_space<vmem>>[vector<16xi32>], vector<16xf32>,
      %le3A_352 = arith.cmpf ole, %gather3A_351, %get3A_320 : vector<16xf32>
      %select_n3A_353 = arith.select %le3A_352, %add3A_347, %select_n3A_344 : vector<16xi1>, vector<16xi32>
      %add3A_354 = arith.constant 32 : i32
      %add3A_355 = vector.broadcast %add3A_354 : i32 to vector<16xi32>
      %add3A_356 = arith.addi %select_n3A_353, %add3A_355 : vector<16xi32>
      %sub3A_357 = arith.constant 1 : i32
      %sub3A_358 = vector.broadcast %sub3A_357 : i32 to vector<16xi32>
      %sub3A_359 = arith.subi %add3A_356, %sub3A_358 : vector<16xi32>
      %gather3A_360 = tpu.vector_load_idx %arg13[%sub3A_359] : memref<1024xf32, #tpu.memory_space<vmem>>[vector<16xi32>], vector<16xf32>,
      %le3A_361 = arith.cmpf ole, %gather3A_360, %get3A_320 : vector<16xf32>
      %select_n3A_362 = arith.select %le3A_361, %add3A_356, %select_n3A_353 : vector<16xi1>, vector<16xi32>
      %add3A_363 = arith.constant 16 : i32
      %add3A_364 = vector.broadcast %add3A_363 : i32 to vector<16xi32>
      %add3A_365 = arith.addi %select_n3A_362, %add3A_364 : vector<16xi32>
      %sub3A_366 = arith.constant 1 : i32
      %sub3A_367 = vector.broadcast %sub3A_366 : i32 to vector<16xi32>
      %sub3A_368 = arith.subi %add3A_365, %sub3A_367 : vector<16xi32>
      %gather3A_369 = tpu.vector_load_idx %arg13[%sub3A_368] : memref<1024xf32, #tpu.memory_space<vmem>>[vector<16xi32>], vector<16xf32>,
      %le3A_370 = arith.cmpf ole, %gather3A_369, %get3A_320 : vector<16xf32>
      %select_n3A_371 = arith.select %le3A_370, %add3A_365, %select_n3A_362 : vector<16xi1>, vector<16xi32>
      %add3A_372 = arith.constant 8 : i32
      %add3A_373 = vector.broadcast %add3A_372 : i32 to vector<16xi32>
      %add3A_374 = arith.addi %select_n3A_371, %add3A_373 : vector<16xi32>
      %sub3A_375 = arith.constant 1 : i32
      %sub3A_376 = vector.broadcast %sub3A_375 : i32 to vector<16xi32>
      %sub3A_377 = arith.subi %add3A_374, %sub3A_376 : vector<16xi32>
      %gather3A_378 = tpu.vector_load_idx %arg13[%sub3A_377] : memref<1024xf32, #tpu.memory_space<vmem>>[vector<16xi32>], vector<16xf32>,
      %le3A_379 = arith.cmpf ole, %gather3A_378, %get3A_320 : vector<16xf32>
      %select_n3A_380 = arith.select %le3A_379, %add3A_374, %select_n3A_371 : vector<16xi1>, vector<16xi32>
      %add3A_381 = arith.constant 4 : i32
      %add3A_382 = vector.broadcast %add3A_381 : i32 to vector<16xi32>
      %add3A_383 = arith.addi %select_n3A_380, %add3A_382 : vector<16xi32>
      %sub3A_384 = arith.constant 1 : i32
      %sub3A_385 = vector.broadcast %sub3A_384 : i32 to vector<16xi32>
      %sub3A_386 = arith.subi %add3A_383, %sub3A_385 : vector<16xi32>
      %gather3A_387 = tpu.vector_load_idx %arg13[%sub3A_386] : memref<1024xf32, #tpu.memory_space<vmem>>[vector<16xi32>], vector<16xf32>,
      %le3A_388 = arith.cmpf ole, %gather3A_387, %get3A_320 : vector<16xf32>
      %select_n3A_389 = arith.select %le3A_388, %add3A_383, %select_n3A_380 : vector<16xi1>, vector<16xi32>
      %add3A_390 = arith.constant 2 : i32
      %add3A_391 = vector.broadcast %add3A_390 : i32 to vector<16xi32>
      %add3A_392 = arith.addi %select_n3A_389, %add3A_391 : vector<16xi32>
      %sub3A_393 = arith.constant 1 : i32
      %sub3A_394 = vector.broadcast %sub3A_393 : i32 to vector<16xi32>
      %sub3A_395 = arith.subi %add3A_392, %sub3A_394 : vector<16xi32>
      %gather3A_396 = tpu.vector_load_idx %arg13[%sub3A_395] : memref<1024xf32, #tpu.memory_space<vmem>>[vector<16xi32>], vector<16xf32>,
      %le3A_397 = arith.cmpf ole, %gather3A_396, %get3A_320 : vector<16xf32>
      %select_n3A_398 = arith.select %le3A_397, %add3A_392, %select_n3A_389 : vector<16xi1>, vector<16xi32>
      %add3A_399 = arith.constant 1 : i32
      %add3A_400 = vector.broadcast %add3A_399 : i32 to vector<16xi32>
      %add3A_401 = arith.addi %select_n3A_398, %add3A_400 : vector<16xi32>
      %sub3A_402 = arith.constant 1 : i32
      %sub3A_403 = vector.broadcast %sub3A_402 : i32 to vector<16xi32>
      %sub3A_404 = arith.subi %add3A_401, %sub3A_403 : vector<16xi32>
      %gather3A_405 = tpu.vector_load_idx %arg13[%sub3A_404] : memref<1024xf32, #tpu.memory_space<vmem>>[vector<16xi32>], vector<16xf32>,
      %le3A_406 = arith.cmpf ole, %gather3A_405, %get3A_320 : vector<16xf32>
      %select_n3A_407 = arith.select %le3A_406, %add3A_401, %select_n3A_398 : vector<16xi1>, vector<16xi32>
      %jit3A = arith.constant 8 : i32
      %div3A = arith.divsi %scan3A_316, %jit3A : i32
      %sign3A = arith.constant 0 : i32
      %sign3A_408 = arith.cmpi sgt, %scan3A_316, %sign3A : i32
      %sign3A_409 = arith.extui %sign3A_408 : i1 to i32
      %sign3A_410 = arith.constant 0 : i32
      %sign3A_411 = arith.cmpi slt, %scan3A_316, %sign3A_410 : i32
      %sign3A_412 = arith.extui %sign3A_411 : i1 to i32
      %sign3A_413 = arith.subi %sign3A_409, %sign3A_412 : i32
      %sign3A_414 = arith.constant 0 : i32
      %sign3A_415 = arith.cmpi sgt, %jit3A, %sign3A_414 : i32
      %sign3A_416 = arith.extui %sign3A_415 : i1 to i32
      %sign3A_417 = arith.constant 0 : i32
      %sign3A_418 = arith.cmpi slt, %jit3A, %sign3A_417 : i32
      %sign3A_419 = arith.extui %sign3A_418 : i1 to i32
      %sign3A_420 = arith.subi %sign3A_416, %sign3A_419 : i32
      %ne3A = arith.cmpi ne, %sign3A_413, %sign3A_420 : i32
      %rem3A = arith.remsi %scan3A_316, %jit3A : i32
      %ne3A_421 = arith.constant 0 : i32
      %ne3A_422 = arith.cmpi ne, %rem3A, %ne3A_421 : i32
      %and3A = arith.andi %ne3A, %ne3A_422 : i1
      %sub3A_423 = arith.constant 1 : i32
      %sub3A_424 = arith.subi %div3A, %sub3A_423 : i32
      %select_n3A_425 = arith.select %and3A, %sub3A_424, %div3A : i32
      %jit3A_426 = arith.constant 8 : i32
      %eq3A = arith.constant 0 : i32
      %eq3A_427 = arith.cmpi eq, %jit3A_426, %eq3A : i32
      %jit3A_428 = arith.constant 1 : i32
      %select_n3A_429 = arith.select %eq3A_427, %jit3A_428, %jit3A_426 : i32
      %rem3A_430 = arith.remsi %scan3A_316, %select_n3A_429 : i32
      %ne3A_431 = arith.constant 0 : i32
      %ne3A_432 = arith.cmpi ne, %rem3A_430, %ne3A_431 : i32
      %lt3A = arith.constant 0 : i32
      %lt3A_433 = arith.cmpi slt, %rem3A_430, %lt3A : i32
      %lt3A_434 = arith.constant 0 : i32
      %lt3A_435 = arith.cmpi slt, %select_n3A_429, %lt3A_434 : i32
      %ne3A_436 = arith.xori %lt3A_433, %lt3A_435 : i1
      %and3A_437 = arith.andi %ne3A_436, %ne3A_432 : i1
      %add3A_438 = arith.addi %rem3A_430, %select_n3A_429 : i32
      %select_n3A_439 = arith.select %and3A_437, %add3A_438, %rem3A_430 : i32
      %mul3A_440 = arith.constant 16 : i32
      %mul3A_441 = arith.muli %select_n3A_439, %mul3A_440 : i32
      %swap3A = arith.index_cast %select_n3A_425 : i32 to index
      %swap3A_442 = arith.index_cast %mul3A_441 : i32 to index
      %swap3A_443 = tpu.vector_load %arg11[%swap3A, %swap3A_442] {strides = array<i32>} : memref<4x128xi32, #tpu.memory_space<vmem>>, vector<16xi32>,
      tpu.vector_store %arg11[%swap3A, %swap3A_442], %select_n3A_407 {strides = array<i32>} : memref<4x128xi32, #tpu.memory_space<vmem>>, vector<16xi32>,
    }
    %scan3A_111 = arith.constant 8 : i32
    %dma_start3A_112 = arith.constant 3 : i32
    %dma_start3A_113 = arith.constant 384 : i32
    %dma_start3A_114 = arith.constant 0 : i32
    %dma_start3A_115 = tpu.memref_slice %arg16[%dma_start3A_113, %dma_start3A_114] : memref<512x32xf32, #tpu.memory_space<vmem>> -> memref<128x32xf32, #tpu.memory_space<vmem>>
    %dma_start3A_116 = arith.constant 0 : i32
    %dma_start3A_117 = tpu.memref_slice %arg11[%dma_start3A_112, %dma_start3A_116] : memref<4x128xi32, #tpu.memory_space<vmem>> -> memref<1x128xi32, #tpu.memory_space<vmem>>
    %dma_start3A_118 = tpu.memref_squeeze %dma_start3A_117 : memref<1x128xi32, #tpu.memory_space<vmem>> -> memref<128xi32, #tpu.memory_space<vmem>>
    %dma_start3A_119 = arith.constant 0 : i32
    %dma_start3A_120 = arith.constant 0 : i32
    %dma_start3A_121 = tpu.memref_slice %arg5[%dma_start3A_119, %dma_start3A_120] : memref<1001x32xf32, #tpu.memory_space<hbm>> -> memref<1001x32xf32, #tpu.memory_space<hbm>>
    tpu.enqueue_indirect_dma source(%dma_start3A_121 : memref<1001x32xf32, #tpu.memory_space<hbm>>) target(%dma_start3A_115 : memref<128x32xf32, #tpu.memory_space<vmem>>) offsets(%dma_start3A_118 : memref<128xi32, #tpu.memory_space<vmem>>) semaphore(%arg19 : memref<!tpu.dma_semaphore, #tpu.memory_space<semaphore_mem>>)
    %get3A = arith.constant 0 : index
    %get3A_122 = tpu.vector_load %arg14[%get3A] {strides = array<i32>} : memref<32xf32, #tpu.memory_space<vmem>>, vector<16xf32>,
    %get3A_123 = arith.constant 16 : index
    %get3A_124 = tpu.vector_load %arg14[%get3A_123] {strides = array<i32>} : memref<32xf32, #tpu.memory_space<vmem>>, vector<16xf32>,
    %iota3A = tpu.iota {dimensions = array<i32: 0>} : vector<16xi32>
    %dma_wait3A = arith.constant 0 : i32
    %dma_wait3A_125 = arith.constant 0 : i32
    %dma_wait3A_126 = arith.constant 0 : i32
    %dma_wait3A_127 = tpu.memref_slice %arg15[%dma_wait3A_125, %dma_wait3A_126] : memref<512x128xf32, #tpu.memory_space<vmem>> -> memref<128x128xf32, #tpu.memory_space<vmem>>
    %dma_wait3A_128 = arith.constant 0 : i32
    %dma_wait3A_129 = tpu.memref_slice %arg9[%dma_wait3A, %dma_wait3A_128] : memref<4x128xi32, #tpu.memory_space<vmem>> -> memref<1x128xi32, #tpu.memory_space<vmem>>
    %dma_wait3A_130 = tpu.memref_squeeze %dma_wait3A_129 : memref<1x128xi32, #tpu.memory_space<vmem>> -> memref<128xi32, #tpu.memory_space<vmem>>
    %dma_wait3A_131 = arith.constant 0 : i32
    %dma_wait3A_132 = arith.constant 0 : i32
    %dma_wait3A_133 = tpu.memref_slice %arg4[%dma_wait3A_131, %dma_wait3A_132] : memref<262144x128xf32, #tpu.memory_space<hbm>> -> memref<262144x128xf32, #tpu.memory_space<hbm>>
    tpu.wait_indirect_dma semaphore(%arg18 : memref<!tpu.dma_semaphore, #tpu.memory_space<semaphore_mem>>) src(%dma_wait3A_133 : memref<262144x128xf32, #tpu.memory_space<hbm>>) dst(%dma_wait3A_127 : memref<128x128xf32, #tpu.memory_space<vmem>>)
    %dma_wait3A_134 = arith.constant 0 : i32
    %dma_wait3A_135 = arith.constant 0 : i32
    %dma_wait3A_136 = arith.constant 0 : i32
    %dma_wait3A_137 = tpu.memref_slice %arg16[%dma_wait3A_135, %dma_wait3A_136] : memref<512x32xf32, #tpu.memory_space<vmem>> -> memref<128x32xf32, #tpu.memory_space<vmem>>
    %dma_wait3A_138 = arith.constant 0 : i32
    %dma_wait3A_139 = tpu.memref_slice %arg11[%dma_wait3A_134, %dma_wait3A_138] : memref<4x128xi32, #tpu.memory_space<vmem>> -> memref<1x128xi32, #tpu.memory_space<vmem>>
    %dma_wait3A_140 = tpu.memref_squeeze %dma_wait3A_139 : memref<1x128xi32, #tpu.memory_space<vmem>> -> memref<128xi32, #tpu.memory_space<vmem>>
    %dma_wait3A_141 = arith.constant 0 : i32
    %dma_wait3A_142 = arith.constant 0 : i32
    %dma_wait3A_143 = tpu.memref_slice %arg5[%dma_wait3A_141, %dma_wait3A_142] : memref<1001x32xf32, #tpu.memory_space<hbm>> -> memref<1001x32xf32, #tpu.memory_space<hbm>>
    tpu.wait_indirect_dma semaphore(%arg19 : memref<!tpu.dma_semaphore, #tpu.memory_space<semaphore_mem>>) src(%dma_wait3A_143 : memref<1001x32xf32, #tpu.memory_space<hbm>>) dst(%dma_wait3A_137 : memref<128x32xf32, #tpu.memory_space<vmem>>)
    %scan3A_144 = arith.constant 0 : i32
    %scan3A_145 = arith.constant 0 : i32
    %scan3A_146 = arith.constant 8 : i32
    %scan3A_147 = arith.addi %scan3A_145, %scan3A_146 : i32
    %scan3A_148 = arith.constant 1 : i32
    scf.for %scan3A_316 = %scan3A_145 to %scan3A_147 step %scan3A_148  : i32 {
      %mul3A_317 = arith.constant 16 : i32
      %mul3A_318 = arith.muli %scan3A_316, %mul3A_317 : i32
      %get3A_319 = arith.index_cast %mul3A_318 : i32 to index
      %get3A_320 = tpu.vector_load %arg12[%get3A_319] {strides = array<i32>} : memref<512xf32, #tpu.memory_space<vmem>>, vector<16xf32>,
      %sub3A = arith.subf %get3A_320, %get3A_122 : vector<16xf32>
      %div3A = arith.divf %sub3A, %get3A_124 : vector<16xf32>
      %add3A_321 = vector.broadcast %mul3A_318 : i32 to vector<16xi32>
      %add3A_322 = arith.addi %add3A_321, %iota3A : vector<16xi32>
      %broadcast_in_dim3A = arith.constant 64 : i32
      %broadcast_in_dim3A_323 = vector.broadcast %broadcast_in_dim3A : i32 to vector<16xi32>
      tpu.vector_store_idx %arg17[%add3A_322, %broadcast_in_dim3A_323], %div3A : memref<512x65xf32, #tpu.memory_space<vmem>>[vector<16xi32>, vector<16xi32>], vector<16xf32>,
      %get3A_324 = arith.index_cast %mul3A_318 : i32 to index
      %get3A_325 = tpu.vector_load %arg10[%get3A_324] {strides = array<i32>} : memref<512xi32, #tpu.memory_space<vmem>>, vector<16xi32>,
      %add3A_326 = arith.constant 0 : i32
      %add3A_327 = vector.broadcast %add3A_326 : i32 to vector<16xi32>
      %add3A_328 = arith.addi %get3A_325, %add3A_327 : vector<16xi32>
      %gather3A = tpu.vector_load_idx %arg15[%add3A_322, %add3A_328] : memref<512x128xf32, #tpu.memory_space<vmem>>[vector<16xi32>, vector<16xi32>], vector<16xf32>,
      %broadcast_in_dim3A_329 = arith.constant 0 : i32
      %broadcast_in_dim3A_330 = vector.broadcast %broadcast_in_dim3A_329 : i32 to vector<16xi32>
      tpu.vector_store_idx %arg17[%add3A_322, %broadcast_in_dim3A_330], %gather3A : memref<512x65xf32, #tpu.memory_space<vmem>>[vector<16xi32>, vector<16xi32>], vector<16xf32>,
      %add3A_331 = arith.constant 1 : i32
      %add3A_332 = vector.broadcast %add3A_331 : i32 to vector<16xi32>
      %add3A_333 = arith.addi %get3A_325, %add3A_332 : vector<16xi32>
      %gather3A_334 = tpu.vector_load_idx %arg15[%add3A_322, %add3A_333] : memref<512x128xf32, #tpu.memory_space<vmem>>[vector<16xi32>, vector<16xi32>], vector<16xf32>,
      %broadcast_in_dim3A_335 = arith.constant 1 : i32
      %broadcast_in_dim3A_336 = vector.broadcast %broadcast_in_dim3A_335 : i32 to vector<16xi32>
      tpu.vector_store_idx %arg17[%add3A_322, %broadcast_in_dim3A_336], %gather3A_334 : memref<512x65xf32, #tpu.memory_space<vmem>>[vector<16xi32>, vector<16xi32>], vector<16xf32>,
      %add3A_337 = arith.constant 2 : i32
      %add3A_338 = vector.broadcast %add3A_337 : i32 to vector<16xi32>
      %add3A_339 = arith.addi %get3A_325, %add3A_338 : vector<16xi32>
      %gather3A_340 = tpu.vector_load_idx %arg15[%add3A_322, %add3A_339] : memref<512x128xf32, #tpu.memory_space<vmem>>[vector<16xi32>, vector<16xi32>], vector<16xf32>,
      %broadcast_in_dim3A_341 = arith.constant 2 : i32
      %broadcast_in_dim3A_342 = vector.broadcast %broadcast_in_dim3A_341 : i32 to vector<16xi32>
      tpu.vector_store_idx %arg17[%add3A_322, %broadcast_in_dim3A_342], %gather3A_340 : memref<512x65xf32, #tpu.memory_space<vmem>>[vector<16xi32>, vector<16xi32>], vector<16xf32>,
      %add3A_343 = arith.constant 3 : i32
      %add3A_344 = vector.broadcast %add3A_343 : i32 to vector<16xi32>
      %add3A_345 = arith.addi %get3A_325, %add3A_344 : vector<16xi32>
      %gather3A_346 = tpu.vector_load_idx %arg15[%add3A_322, %add3A_345] : memref<512x128xf32, #tpu.memory_space<vmem>>[vector<16xi32>, vector<16xi32>], vector<16xf32>,
      %broadcast_in_dim3A_347 = arith.constant 3 : i32
      %broadcast_in_dim3A_348 = vector.broadcast %broadcast_in_dim3A_347 : i32 to vector<16xi32>
      tpu.vector_store_idx %arg17[%add3A_322, %broadcast_in_dim3A_348], %gather3A_346 : memref<512x65xf32, #tpu.memory_space<vmem>>[vector<16xi32>, vector<16xi32>], vector<16xf32>,
      %add3A_349 = arith.constant 4 : i32
      %add3A_350 = vector.broadcast %add3A_349 : i32 to vector<16xi32>
      %add3A_351 = arith.addi %get3A_325, %add3A_350 : vector<16xi32>
      %gather3A_352 = tpu.vector_load_idx %arg15[%add3A_322, %add3A_351] : memref<512x128xf32, #tpu.memory_space<vmem>>[vector<16xi32>, vector<16xi32>], vector<16xf32>,
      %broadcast_in_dim3A_353 = arith.constant 4 : i32
      %broadcast_in_dim3A_354 = vector.broadcast %broadcast_in_dim3A_353 : i32 to vector<16xi32>
      tpu.vector_store_idx %arg17[%add3A_322, %broadcast_in_dim3A_354], %gather3A_352 : memref<512x65xf32, #tpu.memory_space<vmem>>[vector<16xi32>, vector<16xi32>], vector<16xf32>,
      %add3A_355 = arith.constant 5 : i32
      %add3A_356 = vector.broadcast %add3A_355 : i32 to vector<16xi32>
      %add3A_357 = arith.addi %get3A_325, %add3A_356 : vector<16xi32>
      %gather3A_358 = tpu.vector_load_idx %arg15[%add3A_322, %add3A_357] : memref<512x128xf32, #tpu.memory_space<vmem>>[vector<16xi32>, vector<16xi32>], vector<16xf32>,
      %broadcast_in_dim3A_359 = arith.constant 5 : i32
      %broadcast_in_dim3A_360 = vector.broadcast %broadcast_in_dim3A_359 : i32 to vector<16xi32>
      tpu.vector_store_idx %arg17[%add3A_322, %broadcast_in_dim3A_360], %gather3A_358 : memref<512x65xf32, #tpu.memory_space<vmem>>[vector<16xi32>, vector<16xi32>], vector<16xf32>,
      %add3A_361 = arith.constant 6 : i32
      %add3A_362 = vector.broadcast %add3A_361 : i32 to vector<16xi32>
      %add3A_363 = arith.addi %get3A_325, %add3A_362 : vector<16xi32>
      %gather3A_364 = tpu.vector_load_idx %arg15[%add3A_322, %add3A_363] : memref<512x128xf32, #tpu.memory_space<vmem>>[vector<16xi32>, vector<16xi32>], vector<16xf32>,
      %broadcast_in_dim3A_365 = arith.constant 6 : i32
      %broadcast_in_dim3A_366 = vector.broadcast %broadcast_in_dim3A_365 : i32 to vector<16xi32>
      tpu.vector_store_idx %arg17[%add3A_322, %broadcast_in_dim3A_366], %gather3A_364 : memref<512x65xf32, #tpu.memory_space<vmem>>[vector<16xi32>, vector<16xi32>], vector<16xf32>,
      %add3A_367 = arith.constant 7 : i32
      %add3A_368 = vector.broadcast %add3A_367 : i32 to vector<16xi32>
      %add3A_369 = arith.addi %get3A_325, %add3A_368 : vector<16xi32>
      %gather3A_370 = tpu.vector_load_idx %arg15[%add3A_322, %add3A_369] : memref<512x128xf32, #tpu.memory_space<vmem>>[vector<16xi32>, vector<16xi32>], vector<16xf32>,
      %broadcast_in_dim3A_371 = arith.constant 7 : i32
      %broadcast_in_dim3A_372 = vector.broadcast %broadcast_in_dim3A_371 : i32 to vector<16xi32>
      tpu.vector_store_idx %arg17[%add3A_322, %broadcast_in_dim3A_372], %gather3A_370 : memref<512x65xf32, #tpu.memory_space<vmem>>[vector<16xi32>, vector<16xi32>], vector<16xf32>,
      %add3A_373 = arith.constant 8 : i32
      %add3A_374 = vector.broadcast %add3A_373 : i32 to vector<16xi32>
      %add3A_375 = arith.addi %get3A_325, %add3A_374 : vector<16xi32>
      %gather3A_376 = tpu.vector_load_idx %arg15[%add3A_322, %add3A_375] : memref<512x128xf32, #tpu.memory_space<vmem>>[vector<16xi32>, vector<16xi32>], vector<16xf32>,
      %broadcast_in_dim3A_377 = arith.constant 8 : i32
      %broadcast_in_dim3A_378 = vector.broadcast %broadcast_in_dim3A_377 : i32 to vector<16xi32>
      tpu.vector_store_idx %arg17[%add3A_322, %broadcast_in_dim3A_378], %gather3A_376 : memref<512x65xf32, #tpu.memory_space<vmem>>[vector<16xi32>, vector<16xi32>], vector<16xf32>,
      %add3A_379 = arith.constant 9 : i32
      %add3A_380 = vector.broadcast %add3A_379 : i32 to vector<16xi32>
      %add3A_381 = arith.addi %get3A_325, %add3A_380 : vector<16xi32>
      %gather3A_382 = tpu.vector_load_idx %arg15[%add3A_322, %add3A_381] : memref<512x128xf32, #tpu.memory_space<vmem>>[vector<16xi32>, vector<16xi32>], vector<16xf32>,
      %broadcast_in_dim3A_383 = arith.constant 9 : i32
      %broadcast_in_dim3A_384 = vector.broadcast %broadcast_in_dim3A_383 : i32 to vector<16xi32>
      tpu.vector_store_idx %arg17[%add3A_322, %broadcast_in_dim3A_384], %gather3A_382 : memref<512x65xf32, #tpu.memory_space<vmem>>[vector<16xi32>, vector<16xi32>], vector<16xf32>,
      %add3A_385 = arith.constant 10 : i32
      %add3A_386 = vector.broadcast %add3A_385 : i32 to vector<16xi32>
      %add3A_387 = arith.addi %get3A_325, %add3A_386 : vector<16xi32>
      %gather3A_388 = tpu.vector_load_idx %arg15[%add3A_322, %add3A_387] : memref<512x128xf32, #tpu.memory_space<vmem>>[vector<16xi32>, vector<16xi32>], vector<16xf32>,
      %broadcast_in_dim3A_389 = arith.constant 10 : i32
      %broadcast_in_dim3A_390 = vector.broadcast %broadcast_in_dim3A_389 : i32 to vector<16xi32>
      tpu.vector_store_idx %arg17[%add3A_322, %broadcast_in_dim3A_390], %gather3A_388 : memref<512x65xf32, #tpu.memory_space<vmem>>[vector<16xi32>, vector<16xi32>], vector<16xf32>,
      %add3A_391 = arith.constant 11 : i32
      %add3A_392 = vector.broadcast %add3A_391 : i32 to vector<16xi32>
      %add3A_393 = arith.addi %get3A_325, %add3A_392 : vector<16xi32>
      %gather3A_394 = tpu.vector_load_idx %arg15[%add3A_322, %add3A_393] : memref<512x128xf32, #tpu.memory_space<vmem>>[vector<16xi32>, vector<16xi32>], vector<16xf32>,
      %broadcast_in_dim3A_395 = arith.constant 11 : i32
      %broadcast_in_dim3A_396 = vector.broadcast %broadcast_in_dim3A_395 : i32 to vector<16xi32>
      tpu.vector_store_idx %arg17[%add3A_322, %broadcast_in_dim3A_396], %gather3A_394 : memref<512x65xf32, #tpu.memory_space<vmem>>[vector<16xi32>, vector<16xi32>], vector<16xf32>,
      %add3A_397 = arith.constant 12 : i32
      %add3A_398 = vector.broadcast %add3A_397 : i32 to vector<16xi32>
      %add3A_399 = arith.addi %get3A_325, %add3A_398 : vector<16xi32>
      %gather3A_400 = tpu.vector_load_idx %arg15[%add3A_322, %add3A_399] : memref<512x128xf32, #tpu.memory_space<vmem>>[vector<16xi32>, vector<16xi32>], vector<16xf32>,
      %broadcast_in_dim3A_401 = arith.constant 12 : i32
      %broadcast_in_dim3A_402 = vector.broadcast %broadcast_in_dim3A_401 : i32 to vector<16xi32>
      tpu.vector_store_idx %arg17[%add3A_322, %broadcast_in_dim3A_402], %gather3A_400 : memref<512x65xf32, #tpu.memory_space<vmem>>[vector<16xi32>, vector<16xi32>], vector<16xf32>,
      %add3A_403 = arith.constant 13 : i32
      %add3A_404 = vector.broadcast %add3A_403 : i32 to vector<16xi32>
      %add3A_405 = arith.addi %get3A_325, %add3A_404 : vector<16xi32>
      %gather3A_406 = tpu.vector_load_idx %arg15[%add3A_322, %add3A_405] : memref<512x128xf32, #tpu.memory_space<vmem>>[vector<16xi32>, vector<16xi32>], vector<16xf32>,
      %broadcast_in_dim3A_407 = arith.constant 13 : i32
      %broadcast_in_dim3A_408 = vector.broadcast %broadcast_in_dim3A_407 : i32 to vector<16xi32>
      tpu.vector_store_idx %arg17[%add3A_322, %broadcast_in_dim3A_408], %gather3A_406 : memref<512x65xf32, #tpu.memory_space<vmem>>[vector<16xi32>, vector<16xi32>], vector<16xf32>,
      %add3A_409 = arith.constant 14 : i32
      %add3A_410 = vector.broadcast %add3A_409 : i32 to vector<16xi32>
      %add3A_411 = arith.addi %get3A_325, %add3A_410 : vector<16xi32>
      %gather3A_412 = tpu.vector_load_idx %arg15[%add3A_322, %add3A_411] : memref<512x128xf32, #tpu.memory_space<vmem>>[vector<16xi32>, vector<16xi32>], vector<16xf32>,
      %broadcast_in_dim3A_413 = arith.constant 14 : i32
      %broadcast_in_dim3A_414 = vector.broadcast %broadcast_in_dim3A_413 : i32 to vector<16xi32>
      tpu.vector_store_idx %arg17[%add3A_322, %broadcast_in_dim3A_414], %gather3A_412 : memref<512x65xf32, #tpu.memory_space<vmem>>[vector<16xi32>, vector<16xi32>], vector<16xf32>,
      %add3A_415 = arith.constant 15 : i32
      %add3A_416 = vector.broadcast %add3A_415 : i32 to vector<16xi32>
      %add3A_417 = arith.addi %get3A_325, %add3A_416 : vector<16xi32>
      %gather3A_418 = tpu.vector_load_idx %arg15[%add3A_322, %add3A_417] : memref<512x128xf32, #tpu.memory_space<vmem>>[vector<16xi32>, vector<16xi32>], vector<16xf32>,
      %broadcast_in_dim3A_419 = arith.constant 15 : i32
      %broadcast_in_dim3A_420 = vector.broadcast %broadcast_in_dim3A_419 : i32 to vector<16xi32>
      tpu.vector_store_idx %arg17[%add3A_322, %broadcast_in_dim3A_420], %gather3A_418 : memref<512x65xf32, #tpu.memory_space<vmem>>[vector<16xi32>, vector<16xi32>], vector<16xf32>,
      %add3A_421 = arith.constant 16 : i32
      %add3A_422 = vector.broadcast %add3A_421 : i32 to vector<16xi32>
      %add3A_423 = arith.addi %get3A_325, %add3A_422 : vector<16xi32>
      %gather3A_424 = tpu.vector_load_idx %arg15[%add3A_322, %add3A_423] : memref<512x128xf32, #tpu.memory_space<vmem>>[vector<16xi32>, vector<16xi32>], vector<16xf32>,
      %broadcast_in_dim3A_425 = arith.constant 16 : i32
      %broadcast_in_dim3A_426 = vector.broadcast %broadcast_in_dim3A_425 : i32 to vector<16xi32>
      tpu.vector_store_idx %arg17[%add3A_322, %broadcast_in_dim3A_426], %gather3A_424 : memref<512x65xf32, #tpu.memory_space<vmem>>[vector<16xi32>, vector<16xi32>], vector<16xf32>,
      %add3A_427 = arith.constant 17 : i32
      %add3A_428 = vector.broadcast %add3A_427 : i32 to vector<16xi32>
      %add3A_429 = arith.addi %get3A_325, %add3A_428 : vector<16xi32>
      %gather3A_430 = tpu.vector_load_idx %arg15[%add3A_322, %add3A_429] : memref<512x128xf32, #tpu.memory_space<vmem>>[vector<16xi32>, vector<16xi32>], vector<16xf32>,
      %broadcast_in_dim3A_431 = arith.constant 17 : i32
      %broadcast_in_dim3A_432 = vector.broadcast %broadcast_in_dim3A_431 : i32 to vector<16xi32>
      tpu.vector_store_idx %arg17[%add3A_322, %broadcast_in_dim3A_432], %gather3A_430 : memref<512x65xf32, #tpu.memory_space<vmem>>[vector<16xi32>, vector<16xi32>], vector<16xf32>,
      %add3A_433 = arith.constant 18 : i32
      %add3A_434 = vector.broadcast %add3A_433 : i32 to vector<16xi32>
      %add3A_435 = arith.addi %get3A_325, %add3A_434 : vector<16xi32>
      %gather3A_436 = tpu.vector_load_idx %arg15[%add3A_322, %add3A_435] : memref<512x128xf32, #tpu.memory_space<vmem>>[vector<16xi32>, vector<16xi32>], vector<16xf32>,
      %broadcast_in_dim3A_437 = arith.constant 18 : i32
      %broadcast_in_dim3A_438 = vector.broadcast %broadcast_in_dim3A_437 : i32 to vector<16xi32>
      tpu.vector_store_idx %arg17[%add3A_322, %broadcast_in_dim3A_438], %gather3A_436 : memref<512x65xf32, #tpu.memory_space<vmem>>[vector<16xi32>, vector<16xi32>], vector<16xf32>,
      %add3A_439 = arith.constant 19 : i32
      %add3A_440 = vector.broadcast %add3A_439 : i32 to vector<16xi32>
      %add3A_441 = arith.addi %get3A_325, %add3A_440 : vector<16xi32>
      %gather3A_442 = tpu.vector_load_idx %arg15[%add3A_322, %add3A_441] : memref<512x128xf32, #tpu.memory_space<vmem>>[vector<16xi32>, vector<16xi32>], vector<16xf32>,
      %broadcast_in_dim3A_443 = arith.constant 19 : i32
      %broadcast_in_dim3A_444 = vector.broadcast %broadcast_in_dim3A_443 : i32 to vector<16xi32>
      tpu.vector_store_idx %arg17[%add3A_322, %broadcast_in_dim3A_444], %gather3A_442 : memref<512x65xf32, #tpu.memory_space<vmem>>[vector<16xi32>, vector<16xi32>], vector<16xf32>,
      %add3A_445 = arith.constant 20 : i32
      %add3A_446 = vector.broadcast %add3A_445 : i32 to vector<16xi32>
      %add3A_447 = arith.addi %get3A_325, %add3A_446 : vector<16xi32>
      %gather3A_448 = tpu.vector_load_idx %arg15[%add3A_322, %add3A_447] : memref<512x128xf32, #tpu.memory_space<vmem>>[vector<16xi32>, vector<16xi32>], vector<16xf32>,
      %broadcast_in_dim3A_449 = arith.constant 20 : i32
      %broadcast_in_dim3A_450 = vector.broadcast %broadcast_in_dim3A_449 : i32 to vector<16xi32>
      tpu.vector_store_idx %arg17[%add3A_322, %broadcast_in_dim3A_450], %gather3A_448 : memref<512x65xf32, #tpu.memory_space<vmem>>[vector<16xi32>, vector<16xi32>], vector<16xf32>,
      %add3A_451 = arith.constant 21 : i32
      %add3A_452 = vector.broadcast %add3A_451 : i32 to vector<16xi32>
      %add3A_453 = arith.addi %get3A_325, %add3A_452 : vector<16xi32>
      %gather3A_454 = tpu.vector_load_idx %arg15[%add3A_322, %add3A_453] : memref<512x128xf32, #tpu.memory_space<vmem>>[vector<16xi32>, vector<16xi32>], vector<16xf32>,
      %broadcast_in_dim3A_455 = arith.constant 21 : i32
      %broadcast_in_dim3A_456 = vector.broadcast %broadcast_in_dim3A_455 : i32 to vector<16xi32>
      tpu.vector_store_idx %arg17[%add3A_322, %broadcast_in_dim3A_456], %gather3A_454 : memref<512x65xf32, #tpu.memory_space<vmem>>[vector<16xi32>, vector<16xi32>], vector<16xf32>,
      %add3A_457 = arith.constant 22 : i32
      %add3A_458 = vector.broadcast %add3A_457 : i32 to vector<16xi32>
      %add3A_459 = arith.addi %get3A_325, %add3A_458 : vector<16xi32>
      %gather3A_460 = tpu.vector_load_idx %arg15[%add3A_322, %add3A_459] : memref<512x128xf32, #tpu.memory_space<vmem>>[vector<16xi32>, vector<16xi32>], vector<16xf32>,
      %broadcast_in_dim3A_461 = arith.constant 22 : i32
      %broadcast_in_dim3A_462 = vector.broadcast %broadcast_in_dim3A_461 : i32 to vector<16xi32>
      tpu.vector_store_idx %arg17[%add3A_322, %broadcast_in_dim3A_462], %gather3A_460 : memref<512x65xf32, #tpu.memory_space<vmem>>[vector<16xi32>, vector<16xi32>], vector<16xf32>,
      %add3A_463 = arith.constant 23 : i32
      %add3A_464 = vector.broadcast %add3A_463 : i32 to vector<16xi32>
      %add3A_465 = arith.addi %get3A_325, %add3A_464 : vector<16xi32>
      %gather3A_466 = tpu.vector_load_idx %arg15[%add3A_322, %add3A_465] : memref<512x128xf32, #tpu.memory_space<vmem>>[vector<16xi32>, vector<16xi32>], vector<16xf32>,
      %broadcast_in_dim3A_467 = arith.constant 23 : i32
      %broadcast_in_dim3A_468 = vector.broadcast %broadcast_in_dim3A_467 : i32 to vector<16xi32>
      tpu.vector_store_idx %arg17[%add3A_322, %broadcast_in_dim3A_468], %gather3A_466 : memref<512x65xf32, #tpu.memory_space<vmem>>[vector<16xi32>, vector<16xi32>], vector<16xf32>,
      %add3A_469 = arith.constant 24 : i32
      %add3A_470 = vector.broadcast %add3A_469 : i32 to vector<16xi32>
      %add3A_471 = arith.addi %get3A_325, %add3A_470 : vector<16xi32>
      %gather3A_472 = tpu.vector_load_idx %arg15[%add3A_322, %add3A_471] : memref<512x128xf32, #tpu.memory_space<vmem>>[vector<16xi32>, vector<16xi32>], vector<16xf32>,
      %broadcast_in_dim3A_473 = arith.constant 24 : i32
      %broadcast_in_dim3A_474 = vector.broadcast %broadcast_in_dim3A_473 : i32 to vector<16xi32>
      tpu.vector_store_idx %arg17[%add3A_322, %broadcast_in_dim3A_474], %gather3A_472 : memref<512x65xf32, #tpu.memory_space<vmem>>[vector<16xi32>, vector<16xi32>], vector<16xf32>,
      %add3A_475 = arith.constant 25 : i32
      %add3A_476 = vector.broadcast %add3A_475 : i32 to vector<16xi32>
      %add3A_477 = arith.addi %get3A_325, %add3A_476 : vector<16xi32>
      %gather3A_478 = tpu.vector_load_idx %arg15[%add3A_322, %add3A_477] : memref<512x128xf32, #tpu.memory_space<vmem>>[vector<16xi32>, vector<16xi32>], vector<16xf32>,
      %broadcast_in_dim3A_479 = arith.constant 25 : i32
      %broadcast_in_dim3A_480 = vector.broadcast %broadcast_in_dim3A_479 : i32 to vector<16xi32>
      tpu.vector_store_idx %arg17[%add3A_322, %broadcast_in_dim3A_480], %gather3A_478 : memref<512x65xf32, #tpu.memory_space<vmem>>[vector<16xi32>, vector<16xi32>], vector<16xf32>,
      %add3A_481 = arith.constant 26 : i32
      %add3A_482 = vector.broadcast %add3A_481 : i32 to vector<16xi32>
      %add3A_483 = arith.addi %get3A_325, %add3A_482 : vector<16xi32>
      %gather3A_484 = tpu.vector_load_idx %arg15[%add3A_322, %add3A_483] : memref<512x128xf32, #tpu.memory_space<vmem>>[vector<16xi32>, vector<16xi32>], vector<16xf32>,
      %broadcast_in_dim3A_485 = arith.constant 26 : i32
      %broadcast_in_dim3A_486 = vector.broadcast %broadcast_in_dim3A_485 : i32 to vector<16xi32>
      tpu.vector_store_idx %arg17[%add3A_322, %broadcast_in_dim3A_486], %gather3A_484 : memref<512x65xf32, #tpu.memory_space<vmem>>[vector<16xi32>, vector<16xi32>], vector<16xf32>,
      %add3A_487 = arith.constant 27 : i32
      %add3A_488 = vector.broadcast %add3A_487 : i32 to vector<16xi32>
      %add3A_489 = arith.addi %get3A_325, %add3A_488 : vector<16xi32>
      %gather3A_490 = tpu.vector_load_idx %arg15[%add3A_322, %add3A_489] : memref<512x128xf32, #tpu.memory_space<vmem>>[vector<16xi32>, vector<16xi32>], vector<16xf32>,
      %broadcast_in_dim3A_491 = arith.constant 27 : i32
      %broadcast_in_dim3A_492 = vector.broadcast %broadcast_in_dim3A_491 : i32 to vector<16xi32>
      tpu.vector_store_idx %arg17[%add3A_322, %broadcast_in_dim3A_492], %gather3A_490 : memref<512x65xf32, #tpu.memory_space<vmem>>[vector<16xi32>, vector<16xi32>], vector<16xf32>,
      %add3A_493 = arith.constant 28 : i32
      %add3A_494 = vector.broadcast %add3A_493 : i32 to vector<16xi32>
      %add3A_495 = arith.addi %get3A_325, %add3A_494 : vector<16xi32>
      %gather3A_496 = tpu.vector_load_idx %arg15[%add3A_322, %add3A_495] : memref<512x128xf32, #tpu.memory_space<vmem>>[vector<16xi32>, vector<16xi32>], vector<16xf32>,
      %broadcast_in_dim3A_497 = arith.constant 28 : i32
      %broadcast_in_dim3A_498 = vector.broadcast %broadcast_in_dim3A_497 : i32 to vector<16xi32>
      tpu.vector_store_idx %arg17[%add3A_322, %broadcast_in_dim3A_498], %gather3A_496 : memref<512x65xf32, #tpu.memory_space<vmem>>[vector<16xi32>, vector<16xi32>], vector<16xf32>,
      %add3A_499 = arith.constant 29 : i32
      %add3A_500 = vector.broadcast %add3A_499 : i32 to vector<16xi32>
      %add3A_501 = arith.addi %get3A_325, %add3A_500 : vector<16xi32>
      %gather3A_502 = tpu.vector_load_idx %arg15[%add3A_322, %add3A_501] : memref<512x128xf32, #tpu.memory_space<vmem>>[vector<16xi32>, vector<16xi32>], vector<16xf32>,
      %broadcast_in_dim3A_503 = arith.constant 29 : i32
      %broadcast_in_dim3A_504 = vector.broadcast %broadcast_in_dim3A_503 : i32 to vector<16xi32>
      tpu.vector_store_idx %arg17[%add3A_322, %broadcast_in_dim3A_504], %gather3A_502 : memref<512x65xf32, #tpu.memory_space<vmem>>[vector<16xi32>, vector<16xi32>], vector<16xf32>,
      %add3A_505 = arith.constant 30 : i32
      %add3A_506 = vector.broadcast %add3A_505 : i32 to vector<16xi32>
      %add3A_507 = arith.addi %get3A_325, %add3A_506 : vector<16xi32>
      %gather3A_508 = tpu.vector_load_idx %arg15[%add3A_322, %add3A_507] : memref<512x128xf32, #tpu.memory_space<vmem>>[vector<16xi32>, vector<16xi32>], vector<16xf32>,
      %broadcast_in_dim3A_509 = arith.constant 30 : i32
      %broadcast_in_dim3A_510 = vector.broadcast %broadcast_in_dim3A_509 : i32 to vector<16xi32>
      tpu.vector_store_idx %arg17[%add3A_322, %broadcast_in_dim3A_510], %gather3A_508 : memref<512x65xf32, #tpu.memory_space<vmem>>[vector<16xi32>, vector<16xi32>], vector<16xf32>,
      %add3A_511 = arith.constant 31 : i32
      %add3A_512 = vector.broadcast %add3A_511 : i32 to vector<16xi32>
      %add3A_513 = arith.addi %get3A_325, %add3A_512 : vector<16xi32>
      %gather3A_514 = tpu.vector_load_idx %arg15[%add3A_322, %add3A_513] : memref<512x128xf32, #tpu.memory_space<vmem>>[vector<16xi32>, vector<16xi32>], vector<16xf32>,
      %broadcast_in_dim3A_515 = arith.constant 31 : i32
      %broadcast_in_dim3A_516 = vector.broadcast %broadcast_in_dim3A_515 : i32 to vector<16xi32>
      tpu.vector_store_idx %arg17[%add3A_322, %broadcast_in_dim3A_516], %gather3A_514 : memref<512x65xf32, #tpu.memory_space<vmem>>[vector<16xi32>, vector<16xi32>], vector<16xf32>,
      %add3A_517 = arith.constant 0 : i32
      %add3A_518 = arith.addi %mul3A_318, %add3A_517 : i32
      %get3A_519 = arith.index_cast %add3A_518 : i32 to index
      %get3A_520 = arith.constant 0 : index
      %get3A_521 = tpu.vector_load %arg16[%get3A_519, %get3A_520] {strides = array<i32>} : memref<512x32xf32, #tpu.memory_space<vmem>>, vector<16xf32>,
      %swap3A = arith.index_cast %add3A_518 : i32 to index
      %swap3A_522 = arith.constant 32 : index
      %swap3A_523 = tpu.vector_load %arg17[%swap3A, %swap3A_522] {strides = array<i32>} : memref<512x65xf32, #tpu.memory_space<vmem>>, vector<16xf32>,
      tpu.vector_store %arg17[%swap3A, %swap3A_522], %get3A_521 {strides = array<i32>} : memref<512x65xf32, #tpu.memory_space<vmem>>, vector<16xf32>,
      %get3A_524 = arith.index_cast %add3A_518 : i32 to index
      %get3A_525 = arith.constant 16 : index
      %get3A_526 = tpu.vector_load %arg16[%get3A_524, %get3A_525] {strides = array<i32>} : memref<512x32xf32, #tpu.memory_space<vmem>>, vector<16xf32>,
      %swap3A_527 = arith.index_cast %add3A_518 : i32 to index
      %swap3A_528 = arith.constant 48 : index
      %swap3A_529 = tpu.vector_load %arg17[%swap3A_527, %swap3A_528] {strides = array<i32>} : memref<512x65xf32, #tpu.memory_space<vmem>>, vector<16xf32>,
      tpu.vector_store %arg17[%swap3A_527, %swap3A_528], %get3A_526 {strides = array<i32>} : memref<512x65xf32, #tpu.memory_space<vmem>>, vector<16xf32>,
      %add3A_530 = arith.constant 1 : i32
      %add3A_531 = arith.addi %mul3A_318, %add3A_530 : i32
      %get3A_532 = arith.index_cast %add3A_531 : i32 to index
      %get3A_533 = arith.constant 0 : index
      %get3A_534 = tpu.vector_load %arg16[%get3A_532, %get3A_533] {strides = array<i32>} : memref<512x32xf32, #tpu.memory_space<vmem>>, vector<16xf32>,
      %swap3A_535 = arith.index_cast %add3A_531 : i32 to index
      %swap3A_536 = arith.constant 32 : index
      %swap3A_537 = tpu.vector_load %arg17[%swap3A_535, %swap3A_536] {strides = array<i32>} : memref<512x65xf32, #tpu.memory_space<vmem>>, vector<16xf32>,
      tpu.vector_store %arg17[%swap3A_535, %swap3A_536], %get3A_534 {strides = array<i32>} : memref<512x65xf32, #tpu.memory_space<vmem>>, vector<16xf32>,
      %get3A_538 = arith.index_cast %add3A_531 : i32 to index
      %get3A_539 = arith.constant 16 : index
      %get3A_540 = tpu.vector_load %arg16[%get3A_538, %get3A_539] {strides = array<i32>} : memref<512x32xf32, #tpu.memory_space<vmem>>, vector<16xf32>,
      %swap3A_541 = arith.index_cast %add3A_531 : i32 to index
      %swap3A_542 = arith.constant 48 : index
      %swap3A_543 = tpu.vector_load %arg17[%swap3A_541, %swap3A_542] {strides = array<i32>} : memref<512x65xf32, #tpu.memory_space<vmem>>, vector<16xf32>,
      tpu.vector_store %arg17[%swap3A_541, %swap3A_542], %get3A_540 {strides = array<i32>} : memref<512x65xf32, #tpu.memory_space<vmem>>, vector<16xf32>,
      %add3A_544 = arith.constant 2 : i32
      %add3A_545 = arith.addi %mul3A_318, %add3A_544 : i32
      %get3A_546 = arith.index_cast %add3A_545 : i32 to index
      %get3A_547 = arith.constant 0 : index
      %get3A_548 = tpu.vector_load %arg16[%get3A_546, %get3A_547] {strides = array<i32>} : memref<512x32xf32, #tpu.memory_space<vmem>>, vector<16xf32>,
      %swap3A_549 = arith.index_cast %add3A_545 : i32 to index
      %swap3A_550 = arith.constant 32 : index
      %swap3A_551 = tpu.vector_load %arg17[%swap3A_549, %swap3A_550] {strides = array<i32>} : memref<512x65xf32, #tpu.memory_space<vmem>>, vector<16xf32>,
      tpu.vector_store %arg17[%swap3A_549, %swap3A_550], %get3A_548 {strides = array<i32>} : memref<512x65xf32, #tpu.memory_space<vmem>>, vector<16xf32>,
      %get3A_552 = arith.index_cast %add3A_545 : i32 to index
      %get3A_553 = arith.constant 16 : index
      %get3A_554 = tpu.vector_load %arg16[%get3A_552, %get3A_553] {strides = array<i32>} : memref<512x32xf32, #tpu.memory_space<vmem>>, vector<16xf32>,
      %swap3A_555 = arith.index_cast %add3A_545 : i32 to index
      %swap3A_556 = arith.constant 48 : index
      %swap3A_557 = tpu.vector_load %arg17[%swap3A_555, %swap3A_556] {strides = array<i32>} : memref<512x65xf32, #tpu.memory_space<vmem>>, vector<16xf32>,
      tpu.vector_store %arg17[%swap3A_555, %swap3A_556], %get3A_554 {strides = array<i32>} : memref<512x65xf32, #tpu.memory_space<vmem>>, vector<16xf32>,
      %add3A_558 = arith.constant 3 : i32
      %add3A_559 = arith.addi %mul3A_318, %add3A_558 : i32
      %get3A_560 = arith.index_cast %add3A_559 : i32 to index
      %get3A_561 = arith.constant 0 : index
      %get3A_562 = tpu.vector_load %arg16[%get3A_560, %get3A_561] {strides = array<i32>} : memref<512x32xf32, #tpu.memory_space<vmem>>, vector<16xf32>,
      %swap3A_563 = arith.index_cast %add3A_559 : i32 to index
      %swap3A_564 = arith.constant 32 : index
      %swap3A_565 = tpu.vector_load %arg17[%swap3A_563, %swap3A_564] {strides = array<i32>} : memref<512x65xf32, #tpu.memory_space<vmem>>, vector<16xf32>,
      tpu.vector_store %arg17[%swap3A_563, %swap3A_564], %get3A_562 {strides = array<i32>} : memref<512x65xf32, #tpu.memory_space<vmem>>, vector<16xf32>,
      %get3A_566 = arith.index_cast %add3A_559 : i32 to index
      %get3A_567 = arith.constant 16 : index
      %get3A_568 = tpu.vector_load %arg16[%get3A_566, %get3A_567] {strides = array<i32>} : memref<512x32xf32, #tpu.memory_space<vmem>>, vector<16xf32>,
      %swap3A_569 = arith.index_cast %add3A_559 : i32 to index
      %swap3A_570 = arith.constant 48 : index
      %swap3A_571 = tpu.vector_load %arg17[%swap3A_569, %swap3A_570] {strides = array<i32>} : memref<512x65xf32, #tpu.memory_space<vmem>>, vector<16xf32>,
      tpu.vector_store %arg17[%swap3A_569, %swap3A_570], %get3A_568 {strides = array<i32>} : memref<512x65xf32, #tpu.memory_space<vmem>>, vector<16xf32>,
      %add3A_572 = arith.constant 4 : i32
      %add3A_573 = arith.addi %mul3A_318, %add3A_572 : i32
      %get3A_574 = arith.index_cast %add3A_573 : i32 to index
      %get3A_575 = arith.constant 0 : index
      %get3A_576 = tpu.vector_load %arg16[%get3A_574, %get3A_575] {strides = array<i32>} : memref<512x32xf32, #tpu.memory_space<vmem>>, vector<16xf32>,
      %swap3A_577 = arith.index_cast %add3A_573 : i32 to index
      %swap3A_578 = arith.constant 32 : index
      %swap3A_579 = tpu.vector_load %arg17[%swap3A_577, %swap3A_578] {strides = array<i32>} : memref<512x65xf32, #tpu.memory_space<vmem>>, vector<16xf32>,
      tpu.vector_store %arg17[%swap3A_577, %swap3A_578], %get3A_576 {strides = array<i32>} : memref<512x65xf32, #tpu.memory_space<vmem>>, vector<16xf32>,
      %get3A_580 = arith.index_cast %add3A_573 : i32 to index
      %get3A_581 = arith.constant 16 : index
      %get3A_582 = tpu.vector_load %arg16[%get3A_580, %get3A_581] {strides = array<i32>} : memref<512x32xf32, #tpu.memory_space<vmem>>, vector<16xf32>,
      %swap3A_583 = arith.index_cast %add3A_573 : i32 to index
      %swap3A_584 = arith.constant 48 : index
      %swap3A_585 = tpu.vector_load %arg17[%swap3A_583, %swap3A_584] {strides = array<i32>} : memref<512x65xf32, #tpu.memory_space<vmem>>, vector<16xf32>,
      tpu.vector_store %arg17[%swap3A_583, %swap3A_584], %get3A_582 {strides = array<i32>} : memref<512x65xf32, #tpu.memory_space<vmem>>, vector<16xf32>,
      %add3A_586 = arith.constant 5 : i32
      %add3A_587 = arith.addi %mul3A_318, %add3A_586 : i32
      %get3A_588 = arith.index_cast %add3A_587 : i32 to index
      %get3A_589 = arith.constant 0 : index
      %get3A_590 = tpu.vector_load %arg16[%get3A_588, %get3A_589] {strides = array<i32>} : memref<512x32xf32, #tpu.memory_space<vmem>>, vector<16xf32>,
      %swap3A_591 = arith.index_cast %add3A_587 : i32 to index
      %swap3A_592 = arith.constant 32 : index
      %swap3A_593 = tpu.vector_load %arg17[%swap3A_591, %swap3A_592] {strides = array<i32>} : memref<512x65xf32, #tpu.memory_space<vmem>>, vector<16xf32>,
      tpu.vector_store %arg17[%swap3A_591, %swap3A_592], %get3A_590 {strides = array<i32>} : memref<512x65xf32, #tpu.memory_space<vmem>>, vector<16xf32>,
      %get3A_594 = arith.index_cast %add3A_587 : i32 to index
      %get3A_595 = arith.constant 16 : index
      %get3A_596 = tpu.vector_load %arg16[%get3A_594, %get3A_595] {strides = array<i32>} : memref<512x32xf32, #tpu.memory_space<vmem>>, vector<16xf32>,
      %swap3A_597 = arith.index_cast %add3A_587 : i32 to index
      %swap3A_598 = arith.constant 48 : index
      %swap3A_599 = tpu.vector_load %arg17[%swap3A_597, %swap3A_598] {strides = array<i32>} : memref<512x65xf32, #tpu.memory_space<vmem>>, vector<16xf32>,
      tpu.vector_store %arg17[%swap3A_597, %swap3A_598], %get3A_596 {strides = array<i32>} : memref<512x65xf32, #tpu.memory_space<vmem>>, vector<16xf32>,
      %add3A_600 = arith.constant 6 : i32
      %add3A_601 = arith.addi %mul3A_318, %add3A_600 : i32
      %get3A_602 = arith.index_cast %add3A_601 : i32 to index
      %get3A_603 = arith.constant 0 : index
      %get3A_604 = tpu.vector_load %arg16[%get3A_602, %get3A_603] {strides = array<i32>} : memref<512x32xf32, #tpu.memory_space<vmem>>, vector<16xf32>,
      %swap3A_605 = arith.index_cast %add3A_601 : i32 to index
      %swap3A_606 = arith.constant 32 : index
      %swap3A_607 = tpu.vector_load %arg17[%swap3A_605, %swap3A_606] {strides = array<i32>} : memref<512x65xf32, #tpu.memory_space<vmem>>, vector<16xf32>,
      tpu.vector_store %arg17[%swap3A_605, %swap3A_606], %get3A_604 {strides = array<i32>} : memref<512x65xf32, #tpu.memory_space<vmem>>, vector<16xf32>,
      %get3A_608 = arith.index_cast %add3A_601 : i32 to index
      %get3A_609 = arith.constant 16 : index
      %get3A_610 = tpu.vector_load %arg16[%get3A_608, %get3A_609] {strides = array<i32>} : memref<512x32xf32, #tpu.memory_space<vmem>>, vector<16xf32>,
      %swap3A_611 = arith.index_cast %add3A_601 : i32 to index
      %swap3A_612 = arith.constant 48 : index
      %swap3A_613 = tpu.vector_load %arg17[%swap3A_611, %swap3A_612] {strides = array<i32>} : memref<512x65xf32, #tpu.memory_space<vmem>>, vector<16xf32>,
      tpu.vector_store %arg17[%swap3A_611, %swap3A_612], %get3A_610 {strides = array<i32>} : memref<512x65xf32, #tpu.memory_space<vmem>>, vector<16xf32>,
      %add3A_614 = arith.constant 7 : i32
      %add3A_615 = arith.addi %mul3A_318, %add3A_614 : i32
      %get3A_616 = arith.index_cast %add3A_615 : i32 to index
      %get3A_617 = arith.constant 0 : index
      %get3A_618 = tpu.vector_load %arg16[%get3A_616, %get3A_617] {strides = array<i32>} : memref<512x32xf32, #tpu.memory_space<vmem>>, vector<16xf32>,
      %swap3A_619 = arith.index_cast %add3A_615 : i32 to index
      %swap3A_620 = arith.constant 32 : index
      %swap3A_621 = tpu.vector_load %arg17[%swap3A_619, %swap3A_620] {strides = array<i32>} : memref<512x65xf32, #tpu.memory_space<vmem>>, vector<16xf32>,
      tpu.vector_store %arg17[%swap3A_619, %swap3A_620], %get3A_618 {strides = array<i32>} : memref<512x65xf32, #tpu.memory_space<vmem>>, vector<16xf32>,
      %get3A_622 = arith.index_cast %add3A_615 : i32 to index
      %get3A_623 = arith.constant 16 : index
      %get3A_624 = tpu.vector_load %arg16[%get3A_622, %get3A_623] {strides = array<i32>} : memref<512x32xf32, #tpu.memory_space<vmem>>, vector<16xf32>,
      %swap3A_625 = arith.index_cast %add3A_615 : i32 to index
      %swap3A_626 = arith.constant 48 : index
      %swap3A_627 = tpu.vector_load %arg17[%swap3A_625, %swap3A_626] {strides = array<i32>} : memref<512x65xf32, #tpu.memory_space<vmem>>, vector<16xf32>,
      tpu.vector_store %arg17[%swap3A_625, %swap3A_626], %get3A_624 {strides = array<i32>} : memref<512x65xf32, #tpu.memory_space<vmem>>, vector<16xf32>,
      %add3A_628 = arith.constant 8 : i32
      %add3A_629 = arith.addi %mul3A_318, %add3A_628 : i32
      %get3A_630 = arith.index_cast %add3A_629 : i32 to index
      %get3A_631 = arith.constant 0 : index
      %get3A_632 = tpu.vector_load %arg16[%get3A_630, %get3A_631] {strides = array<i32>} : memref<512x32xf32, #tpu.memory_space<vmem>>, vector<16xf32>,
      %swap3A_633 = arith.index_cast %add3A_629 : i32 to index
      %swap3A_634 = arith.constant 32 : index
      %swap3A_635 = tpu.vector_load %arg17[%swap3A_633, %swap3A_634] {strides = array<i32>} : memref<512x65xf32, #tpu.memory_space<vmem>>, vector<16xf32>,
      tpu.vector_store %arg17[%swap3A_633, %swap3A_634], %get3A_632 {strides = array<i32>} : memref<512x65xf32, #tpu.memory_space<vmem>>, vector<16xf32>,
      %get3A_636 = arith.index_cast %add3A_629 : i32 to index
      %get3A_637 = arith.constant 16 : index
      %get3A_638 = tpu.vector_load %arg16[%get3A_636, %get3A_637] {strides = array<i32>} : memref<512x32xf32, #tpu.memory_space<vmem>>, vector<16xf32>,
      %swap3A_639 = arith.index_cast %add3A_629 : i32 to index
      %swap3A_640 = arith.constant 48 : index
      %swap3A_641 = tpu.vector_load %arg17[%swap3A_639, %swap3A_640] {strides = array<i32>} : memref<512x65xf32, #tpu.memory_space<vmem>>, vector<16xf32>,
      tpu.vector_store %arg17[%swap3A_639, %swap3A_640], %get3A_638 {strides = array<i32>} : memref<512x65xf32, #tpu.memory_space<vmem>>, vector<16xf32>,
      %add3A_642 = arith.constant 9 : i32
      %add3A_643 = arith.addi %mul3A_318, %add3A_642 : i32
      %get3A_644 = arith.index_cast %add3A_643 : i32 to index
      %get3A_645 = arith.constant 0 : index
      %get3A_646 = tpu.vector_load %arg16[%get3A_644, %get3A_645] {strides = array<i32>} : memref<512x32xf32, #tpu.memory_space<vmem>>, vector<16xf32>,
      %swap3A_647 = arith.index_cast %add3A_643 : i32 to index
      %swap3A_648 = arith.constant 32 : index
      %swap3A_649 = tpu.vector_load %arg17[%swap3A_647, %swap3A_648] {strides = array<i32>} : memref<512x65xf32, #tpu.memory_space<vmem>>, vector<16xf32>,
      tpu.vector_store %arg17[%swap3A_647, %swap3A_648], %get3A_646 {strides = array<i32>} : memref<512x65xf32, #tpu.memory_space<vmem>>, vector<16xf32>,
      %get3A_650 = arith.index_cast %add3A_643 : i32 to index
      %get3A_651 = arith.constant 16 : index
      %get3A_652 = tpu.vector_load %arg16[%get3A_650, %get3A_651] {strides = array<i32>} : memref<512x32xf32, #tpu.memory_space<vmem>>, vector<16xf32>,
      %swap3A_653 = arith.index_cast %add3A_643 : i32 to index
      %swap3A_654 = arith.constant 48 : index
      %swap3A_655 = tpu.vector_load %arg17[%swap3A_653, %swap3A_654] {strides = array<i32>} : memref<512x65xf32, #tpu.memory_space<vmem>>, vector<16xf32>,
      tpu.vector_store %arg17[%swap3A_653, %swap3A_654], %get3A_652 {strides = array<i32>} : memref<512x65xf32, #tpu.memory_space<vmem>>, vector<16xf32>,
      %add3A_656 = arith.constant 10 : i32
      %add3A_657 = arith.addi %mul3A_318, %add3A_656 : i32
      %get3A_658 = arith.index_cast %add3A_657 : i32 to index
      %get3A_659 = arith.constant 0 : index
      %get3A_660 = tpu.vector_load %arg16[%get3A_658, %get3A_659] {strides = array<i32>} : memref<512x32xf32, #tpu.memory_space<vmem>>, vector<16xf32>,
      %swap3A_661 = arith.index_cast %add3A_657 : i32 to index
      %swap3A_662 = arith.constant 32 : index
      %swap3A_663 = tpu.vector_load %arg17[%swap3A_661, %swap3A_662] {strides = array<i32>} : memref<512x65xf32, #tpu.memory_space<vmem>>, vector<16xf32>,
      tpu.vector_store %arg17[%swap3A_661, %swap3A_662], %get3A_660 {strides = array<i32>} : memref<512x65xf32, #tpu.memory_space<vmem>>, vector<16xf32>,
      %get3A_664 = arith.index_cast %add3A_657 : i32 to index
      %get3A_665 = arith.constant 16 : index
      %get3A_666 = tpu.vector_load %arg16[%get3A_664, %get3A_665] {strides = array<i32>} : memref<512x32xf32, #tpu.memory_space<vmem>>, vector<16xf32>,
      %swap3A_667 = arith.index_cast %add3A_657 : i32 to index
      %swap3A_668 = arith.constant 48 : index
      %swap3A_669 = tpu.vector_load %arg17[%swap3A_667, %swap3A_668] {strides = array<i32>} : memref<512x65xf32, #tpu.memory_space<vmem>>, vector<16xf32>,
      tpu.vector_store %arg17[%swap3A_667, %swap3A_668], %get3A_666 {strides = array<i32>} : memref<512x65xf32, #tpu.memory_space<vmem>>, vector<16xf32>,
      %add3A_670 = arith.constant 11 : i32
      %add3A_671 = arith.addi %mul3A_318, %add3A_670 : i32
      %get3A_672 = arith.index_cast %add3A_671 : i32 to index
      %get3A_673 = arith.constant 0 : index
      %get3A_674 = tpu.vector_load %arg16[%get3A_672, %get3A_673] {strides = array<i32>} : memref<512x32xf32, #tpu.memory_space<vmem>>, vector<16xf32>,
      %swap3A_675 = arith.index_cast %add3A_671 : i32 to index
      %swap3A_676 = arith.constant 32 : index
      %swap3A_677 = tpu.vector_load %arg17[%swap3A_675, %swap3A_676] {strides = array<i32>} : memref<512x65xf32, #tpu.memory_space<vmem>>, vector<16xf32>,
      tpu.vector_store %arg17[%swap3A_675, %swap3A_676], %get3A_674 {strides = array<i32>} : memref<512x65xf32, #tpu.memory_space<vmem>>, vector<16xf32>,
      %get3A_678 = arith.index_cast %add3A_671 : i32 to index
      %get3A_679 = arith.constant 16 : index
      %get3A_680 = tpu.vector_load %arg16[%get3A_678, %get3A_679] {strides = array<i32>} : memref<512x32xf32, #tpu.memory_space<vmem>>, vector<16xf32>,
      %swap3A_681 = arith.index_cast %add3A_671 : i32 to index
      %swap3A_682 = arith.constant 48 : index
      %swap3A_683 = tpu.vector_load %arg17[%swap3A_681, %swap3A_682] {strides = array<i32>} : memref<512x65xf32, #tpu.memory_space<vmem>>, vector<16xf32>,
      tpu.vector_store %arg17[%swap3A_681, %swap3A_682], %get3A_680 {strides = array<i32>} : memref<512x65xf32, #tpu.memory_space<vmem>>, vector<16xf32>,
      %add3A_684 = arith.constant 12 : i32
      %add3A_685 = arith.addi %mul3A_318, %add3A_684 : i32
      %get3A_686 = arith.index_cast %add3A_685 : i32 to index
      %get3A_687 = arith.constant 0 : index
      %get3A_688 = tpu.vector_load %arg16[%get3A_686, %get3A_687] {strides = array<i32>} : memref<512x32xf32, #tpu.memory_space<vmem>>, vector<16xf32>,
      %swap3A_689 = arith.index_cast %add3A_685 : i32 to index
      %swap3A_690 = arith.constant 32 : index
      %swap3A_691 = tpu.vector_load %arg17[%swap3A_689, %swap3A_690] {strides = array<i32>} : memref<512x65xf32, #tpu.memory_space<vmem>>, vector<16xf32>,
      tpu.vector_store %arg17[%swap3A_689, %swap3A_690], %get3A_688 {strides = array<i32>} : memref<512x65xf32, #tpu.memory_space<vmem>>, vector<16xf32>,
      %get3A_692 = arith.index_cast %add3A_685 : i32 to index
      %get3A_693 = arith.constant 16 : index
      %get3A_694 = tpu.vector_load %arg16[%get3A_692, %get3A_693] {strides = array<i32>} : memref<512x32xf32, #tpu.memory_space<vmem>>, vector<16xf32>,
      %swap3A_695 = arith.index_cast %add3A_685 : i32 to index
      %swap3A_696 = arith.constant 48 : index
      %swap3A_697 = tpu.vector_load %arg17[%swap3A_695, %swap3A_696] {strides = array<i32>} : memref<512x65xf32, #tpu.memory_space<vmem>>, vector<16xf32>,
      tpu.vector_store %arg17[%swap3A_695, %swap3A_696], %get3A_694 {strides = array<i32>} : memref<512x65xf32, #tpu.memory_space<vmem>>, vector<16xf32>,
      %add3A_698 = arith.constant 13 : i32
      %add3A_699 = arith.addi %mul3A_318, %add3A_698 : i32
      %get3A_700 = arith.index_cast %add3A_699 : i32 to index
      %get3A_701 = arith.constant 0 : index
      %get3A_702 = tpu.vector_load %arg16[%get3A_700, %get3A_701] {strides = array<i32>} : memref<512x32xf32, #tpu.memory_space<vmem>>, vector<16xf32>,
      %swap3A_703 = arith.index_cast %add3A_699 : i32 to index
      %swap3A_704 = arith.constant 32 : index
      %swap3A_705 = tpu.vector_load %arg17[%swap3A_703, %swap3A_704] {strides = array<i32>} : memref<512x65xf32, #tpu.memory_space<vmem>>, vector<16xf32>,
      tpu.vector_store %arg17[%swap3A_703, %swap3A_704], %get3A_702 {strides = array<i32>} : memref<512x65xf32, #tpu.memory_space<vmem>>, vector<16xf32>,
      %get3A_706 = arith.index_cast %add3A_699 : i32 to index
      %get3A_707 = arith.constant 16 : index
      %get3A_708 = tpu.vector_load %arg16[%get3A_706, %get3A_707] {strides = array<i32>} : memref<512x32xf32, #tpu.memory_space<vmem>>, vector<16xf32>,
      %swap3A_709 = arith.index_cast %add3A_699 : i32 to index
      %swap3A_710 = arith.constant 48 : index
      %swap3A_711 = tpu.vector_load %arg17[%swap3A_709, %swap3A_710] {strides = array<i32>} : memref<512x65xf32, #tpu.memory_space<vmem>>, vector<16xf32>,
      tpu.vector_store %arg17[%swap3A_709, %swap3A_710], %get3A_708 {strides = array<i32>} : memref<512x65xf32, #tpu.memory_space<vmem>>, vector<16xf32>,
      %add3A_712 = arith.constant 14 : i32
      %add3A_713 = arith.addi %mul3A_318, %add3A_712 : i32
      %get3A_714 = arith.index_cast %add3A_713 : i32 to index
      %get3A_715 = arith.constant 0 : index
      %get3A_716 = tpu.vector_load %arg16[%get3A_714, %get3A_715] {strides = array<i32>} : memref<512x32xf32, #tpu.memory_space<vmem>>, vector<16xf32>,
      %swap3A_717 = arith.index_cast %add3A_713 : i32 to index
      %swap3A_718 = arith.constant 32 : index
      %swap3A_719 = tpu.vector_load %arg17[%swap3A_717, %swap3A_718] {strides = array<i32>} : memref<512x65xf32, #tpu.memory_space<vmem>>, vector<16xf32>,
      tpu.vector_store %arg17[%swap3A_717, %swap3A_718], %get3A_716 {strides = array<i32>} : memref<512x65xf32, #tpu.memory_space<vmem>>, vector<16xf32>,
      %get3A_720 = arith.index_cast %add3A_713 : i32 to index
      %get3A_721 = arith.constant 16 : index
      %get3A_722 = tpu.vector_load %arg16[%get3A_720, %get3A_721] {strides = array<i32>} : memref<512x32xf32, #tpu.memory_space<vmem>>, vector<16xf32>,
      %swap3A_723 = arith.index_cast %add3A_713 : i32 to index
      %swap3A_724 = arith.constant 48 : index
      %swap3A_725 = tpu.vector_load %arg17[%swap3A_723, %swap3A_724] {strides = array<i32>} : memref<512x65xf32, #tpu.memory_space<vmem>>, vector<16xf32>,
      tpu.vector_store %arg17[%swap3A_723, %swap3A_724], %get3A_722 {strides = array<i32>} : memref<512x65xf32, #tpu.memory_space<vmem>>, vector<16xf32>,
      %add3A_726 = arith.constant 15 : i32
      %add3A_727 = arith.addi %mul3A_318, %add3A_726 : i32
      %get3A_728 = arith.index_cast %add3A_727 : i32 to index
      %get3A_729 = arith.constant 0 : index
      %get3A_730 = tpu.vector_load %arg16[%get3A_728, %get3A_729] {strides = array<i32>} : memref<512x32xf32, #tpu.memory_space<vmem>>, vector<16xf32>,
      %swap3A_731 = arith.index_cast %add3A_727 : i32 to index
      %swap3A_732 = arith.constant 32 : index
      %swap3A_733 = tpu.vector_load %arg17[%swap3A_731, %swap3A_732] {strides = array<i32>} : memref<512x65xf32, #tpu.memory_space<vmem>>, vector<16xf32>,
      tpu.vector_store %arg17[%swap3A_731, %swap3A_732], %get3A_730 {strides = array<i32>} : memref<512x65xf32, #tpu.memory_space<vmem>>, vector<16xf32>,
      %get3A_734 = arith.index_cast %add3A_727 : i32 to index
      %get3A_735 = arith.constant 16 : index
      %get3A_736 = tpu.vector_load %arg16[%get3A_734, %get3A_735] {strides = array<i32>} : memref<512x32xf32, #tpu.memory_space<vmem>>, vector<16xf32>,
      %swap3A_737 = arith.index_cast %add3A_727 : i32 to index
      %swap3A_738 = arith.constant 48 : index
      %swap3A_739 = tpu.vector_load %arg17[%swap3A_737, %swap3A_738] {strides = array<i32>} : memref<512x65xf32, #tpu.memory_space<vmem>>, vector<16xf32>,
      tpu.vector_store %arg17[%swap3A_737, %swap3A_738], %get3A_736 {strides = array<i32>} : memref<512x65xf32, #tpu.memory_space<vmem>>, vector<16xf32>,
    }
    %scan3A_149 = arith.constant 8 : i32
    %add3A_150 = arith.constant 0 : i32
    %add3A_151 = arith.addi %mul3A_2, %add3A_150 : i32
    %dma_start3A_152 = arith.constant 0 : i32
    %dma_start3A_153 = arith.constant 0 : i32
    %dma_start3A_154 = tpu.memref_slice %arg17[%dma_start3A_152, %dma_start3A_153] : memref<512x65xf32, #tpu.memory_space<vmem>> -> memref<128x65xf32, #tpu.memory_space<vmem>>
    %dma_start3A_155 = arith.constant 0 : i32
    %dma_start3A_156 = tpu.memref_slice %arg8[%add3A_151, %dma_start3A_155] : memref<16384x65xf32, #tpu.memory_space<hbm>> -> memref<128x65xf32, #tpu.memory_space<hbm>>
    %dma_start3A_157 = arith.constant 0 : i32
    %dma_start3A_158 = tpu.memref_slice %arg8[%add3A_151, %dma_start3A_157] : memref<16384x65xf32, #tpu.memory_space<hbm>> -> memref<128x65xf32, #tpu.memory_space<hbm>>
    %dma_start3A_159 = arith.constant 0 : i32
    %dma_start3A_160 = arith.constant 0 : i32
    %dma_start3A_161 = tpu.memref_slice %arg17[%dma_start3A_159, %dma_start3A_160] : memref<512x65xf32, #tpu.memory_space<vmem>> -> memref<128x65xf32, #tpu.memory_space<vmem>>
    tpu.enqueue_dma source(%dma_start3A_161 : memref<128x65xf32, #tpu.memory_space<vmem>>) target(%dma_start3A_158 : memref<128x65xf32, #tpu.memory_space<hbm>>) target_semaphore(%arg20 : memref<!tpu.dma_semaphore, #tpu.memory_space<semaphore_mem>>)
    %dma_wait3A_162 = arith.constant 1 : i32
    %dma_wait3A_163 = arith.constant 128 : i32
    %dma_wait3A_164 = arith.constant 0 : i32
    %dma_wait3A_165 = tpu.memref_slice %arg15[%dma_wait3A_163, %dma_wait3A_164] : memref<512x128xf32, #tpu.memory_space<vmem>> -> memref<128x128xf32, #tpu.memory_space<vmem>>
    %dma_wait3A_166 = arith.constant 0 : i32
    %dma_wait3A_167 = tpu.memref_slice %arg9[%dma_wait3A_162, %dma_wait3A_166] : memref<4x128xi32, #tpu.memory_space<vmem>> -> memref<1x128xi32, #tpu.memory_space<vmem>>
    %dma_wait3A_168 = tpu.memref_squeeze %dma_wait3A_167 : memref<1x128xi32, #tpu.memory_space<vmem>> -> memref<128xi32, #tpu.memory_space<vmem>>
    %dma_wait3A_169 = arith.constant 0 : i32
    %dma_wait3A_170 = arith.constant 0 : i32
    %dma_wait3A_171 = tpu.memref_slice %arg4[%dma_wait3A_169, %dma_wait3A_170] : memref<262144x128xf32, #tpu.memory_space<hbm>> -> memref<262144x128xf32, #tpu.memory_space<hbm>>
    tpu.wait_indirect_dma semaphore(%arg18 : memref<!tpu.dma_semaphore, #tpu.memory_space<semaphore_mem>>) src(%dma_wait3A_171 : memref<262144x128xf32, #tpu.memory_space<hbm>>) dst(%dma_wait3A_165 : memref<128x128xf32, #tpu.memory_space<vmem>>)
    %dma_wait3A_172 = arith.constant 1 : i32
    %dma_wait3A_173 = arith.constant 128 : i32
    %dma_wait3A_174 = arith.constant 0 : i32
    %dma_wait3A_175 = tpu.memref_slice %arg16[%dma_wait3A_173, %dma_wait3A_174] : memref<512x32xf32, #tpu.memory_space<vmem>> -> memref<128x32xf32, #tpu.memory_space<vmem>>
    %dma_wait3A_176 = arith.constant 0 : i32
    %dma_wait3A_177 = tpu.memref_slice %arg11[%dma_wait3A_172, %dma_wait3A_176] : memref<4x128xi32, #tpu.memory_space<vmem>> -> memref<1x128xi32, #tpu.memory_space<vmem>>
    %dma_wait3A_178 = tpu.memref_squeeze %dma_wait3A_177 : memref<1x128xi32, #tpu.memory_space<vmem>> -> memref<128xi32, #tpu.memory_space<vmem>>
    %dma_wait3A_179 = arith.constant 0 : i32
    %dma_wait3A_180 = arith.constant 0 : i32
    %dma_wait3A_181 = tpu.memref_slice %arg5[%dma_wait3A_179, %dma_wait3A_180] : memref<1001x32xf32, #tpu.memory_space<hbm>> -> memref<1001x32xf32, #tpu.memory_space<hbm>>
    tpu.wait_indirect_dma semaphore(%arg19 : memref<!tpu.dma_semaphore, #tpu.memory_space<semaphore_mem>>) src(%dma_wait3A_181 : memref<1001x32xf32, #tpu.memory_space<hbm>>) dst(%dma_wait3A_175 : memref<128x32xf32, #tpu.memory_space<vmem>>)
    %scan3A_182 = arith.constant 0 : i32
    %scan3A_183 = arith.constant 8 : i32
    %scan3A_184 = arith.constant 8 : i32
    %scan3A_185 = arith.addi %scan3A_183, %scan3A_184 : i32
    %scan3A_186 = arith.constant 1 : i32
    scf.for %scan3A_316 = %scan3A_183 to %scan3A_185 step %scan3A_186  : i32 {
      %mul3A_317 = arith.constant 16 : i32
      %mul3A_318 = arith.muli %scan3A_316, %mul3A_317 : i32
      %get3A_319 = arith.index_cast %mul3A_318 : i32 to index
      %get3A_320 = tpu.vector_load %arg12[%get3A_319] {strides = array<i32>} : memref<512xf32, #tpu.memory_space<vmem>>, vector<16xf32>,
      %sub3A = arith.subf %get3A_320, %get3A_122 : vector<16xf32>
      %div3A = arith.divf %sub3A, %get3A_124 : vector<16xf32>
      %add3A_321 = vector.broadcast %mul3A_318 : i32 to vector<16xi32>
      %add3A_322 = arith.addi %add3A_321, %iota3A : vector<16xi32>
      %broadcast_in_dim3A = arith.constant 64 : i32
      %broadcast_in_dim3A_323 = vector.broadcast %broadcast_in_dim3A : i32 to vector<16xi32>
      tpu.vector_store_idx %arg17[%add3A_322, %broadcast_in_dim3A_323], %div3A : memref<512x65xf32, #tpu.memory_space<vmem>>[vector<16xi32>, vector<16xi32>], vector<16xf32>,
      %get3A_324 = arith.index_cast %mul3A_318 : i32 to index
      %get3A_325 = tpu.vector_load %arg10[%get3A_324] {strides = array<i32>} : memref<512xi32, #tpu.memory_space<vmem>>, vector<16xi32>,
      %add3A_326 = arith.constant 0 : i32
      %add3A_327 = vector.broadcast %add3A_326 : i32 to vector<16xi32>
      %add3A_328 = arith.addi %get3A_325, %add3A_327 : vector<16xi32>
      %gather3A = tpu.vector_load_idx %arg15[%add3A_322, %add3A_328] : memref<512x128xf32, #tpu.memory_space<vmem>>[vector<16xi32>, vector<16xi32>], vector<16xf32>,
      %broadcast_in_dim3A_329 = arith.constant 0 : i32
      %broadcast_in_dim3A_330 = vector.broadcast %broadcast_in_dim3A_329 : i32 to vector<16xi32>
      tpu.vector_store_idx %arg17[%add3A_322, %broadcast_in_dim3A_330], %gather3A : memref<512x65xf32, #tpu.memory_space<vmem>>[vector<16xi32>, vector<16xi32>], vector<16xf32>,
      %add3A_331 = arith.constant 1 : i32
      %add3A_332 = vector.broadcast %add3A_331 : i32 to vector<16xi32>
      %add3A_333 = arith.addi %get3A_325, %add3A_332 : vector<16xi32>
      %gather3A_334 = tpu.vector_load_idx %arg15[%add3A_322, %add3A_333] : memref<512x128xf32, #tpu.memory_space<vmem>>[vector<16xi32>, vector<16xi32>], vector<16xf32>,
      %broadcast_in_dim3A_335 = arith.constant 1 : i32
      %broadcast_in_dim3A_336 = vector.broadcast %broadcast_in_dim3A_335 : i32 to vector<16xi32>
      tpu.vector_store_idx %arg17[%add3A_322, %broadcast_in_dim3A_336], %gather3A_334 : memref<512x65xf32, #tpu.memory_space<vmem>>[vector<16xi32>, vector<16xi32>], vector<16xf32>,
      %add3A_337 = arith.constant 2 : i32
      %add3A_338 = vector.broadcast %add3A_337 : i32 to vector<16xi32>
      %add3A_339 = arith.addi %get3A_325, %add3A_338 : vector<16xi32>
      %gather3A_340 = tpu.vector_load_idx %arg15[%add3A_322, %add3A_339] : memref<512x128xf32, #tpu.memory_space<vmem>>[vector<16xi32>, vector<16xi32>], vector<16xf32>,
      %broadcast_in_dim3A_341 = arith.constant 2 : i32
      %broadcast_in_dim3A_342 = vector.broadcast %broadcast_in_dim3A_341 : i32 to vector<16xi32>
      tpu.vector_store_idx %arg17[%add3A_322, %broadcast_in_dim3A_342], %gather3A_340 : memref<512x65xf32, #tpu.memory_space<vmem>>[vector<16xi32>, vector<16xi32>], vector<16xf32>,
      %add3A_343 = arith.constant 3 : i32
      %add3A_344 = vector.broadcast %add3A_343 : i32 to vector<16xi32>
      %add3A_345 = arith.addi %get3A_325, %add3A_344 : vector<16xi32>
      %gather3A_346 = tpu.vector_load_idx %arg15[%add3A_322, %add3A_345] : memref<512x128xf32, #tpu.memory_space<vmem>>[vector<16xi32>, vector<16xi32>], vector<16xf32>,
      %broadcast_in_dim3A_347 = arith.constant 3 : i32
      %broadcast_in_dim3A_348 = vector.broadcast %broadcast_in_dim3A_347 : i32 to vector<16xi32>
      tpu.vector_store_idx %arg17[%add3A_322, %broadcast_in_dim3A_348], %gather3A_346 : memref<512x65xf32, #tpu.memory_space<vmem>>[vector<16xi32>, vector<16xi32>], vector<16xf32>,
      %add3A_349 = arith.constant 4 : i32
      %add3A_350 = vector.broadcast %add3A_349 : i32 to vector<16xi32>
      %add3A_351 = arith.addi %get3A_325, %add3A_350 : vector<16xi32>
      %gather3A_352 = tpu.vector_load_idx %arg15[%add3A_322, %add3A_351] : memref<512x128xf32, #tpu.memory_space<vmem>>[vector<16xi32>, vector<16xi32>], vector<16xf32>,
      %broadcast_in_dim3A_353 = arith.constant 4 : i32
      %broadcast_in_dim3A_354 = vector.broadcast %broadcast_in_dim3A_353 : i32 to vector<16xi32>
      tpu.vector_store_idx %arg17[%add3A_322, %broadcast_in_dim3A_354], %gather3A_352 : memref<512x65xf32, #tpu.memory_space<vmem>>[vector<16xi32>, vector<16xi32>], vector<16xf32>,
      %add3A_355 = arith.constant 5 : i32
      %add3A_356 = vector.broadcast %add3A_355 : i32 to vector<16xi32>
      %add3A_357 = arith.addi %get3A_325, %add3A_356 : vector<16xi32>
      %gather3A_358 = tpu.vector_load_idx %arg15[%add3A_322, %add3A_357] : memref<512x128xf32, #tpu.memory_space<vmem>>[vector<16xi32>, vector<16xi32>], vector<16xf32>,
      %broadcast_in_dim3A_359 = arith.constant 5 : i32
      %broadcast_in_dim3A_360 = vector.broadcast %broadcast_in_dim3A_359 : i32 to vector<16xi32>
      tpu.vector_store_idx %arg17[%add3A_322, %broadcast_in_dim3A_360], %gather3A_358 : memref<512x65xf32, #tpu.memory_space<vmem>>[vector<16xi32>, vector<16xi32>], vector<16xf32>,
      %add3A_361 = arith.constant 6 : i32
      %add3A_362 = vector.broadcast %add3A_361 : i32 to vector<16xi32>
      %add3A_363 = arith.addi %get3A_325, %add3A_362 : vector<16xi32>
      %gather3A_364 = tpu.vector_load_idx %arg15[%add3A_322, %add3A_363] : memref<512x128xf32, #tpu.memory_space<vmem>>[vector<16xi32>, vector<16xi32>], vector<16xf32>,
      %broadcast_in_dim3A_365 = arith.constant 6 : i32
      %broadcast_in_dim3A_366 = vector.broadcast %broadcast_in_dim3A_365 : i32 to vector<16xi32>
      tpu.vector_store_idx %arg17[%add3A_322, %broadcast_in_dim3A_366], %gather3A_364 : memref<512x65xf32, #tpu.memory_space<vmem>>[vector<16xi32>, vector<16xi32>], vector<16xf32>,
      %add3A_367 = arith.constant 7 : i32
      %add3A_368 = vector.broadcast %add3A_367 : i32 to vector<16xi32>
      %add3A_369 = arith.addi %get3A_325, %add3A_368 : vector<16xi32>
      %gather3A_370 = tpu.vector_load_idx %arg15[%add3A_322, %add3A_369] : memref<512x128xf32, #tpu.memory_space<vmem>>[vector<16xi32>, vector<16xi32>], vector<16xf32>,
      %broadcast_in_dim3A_371 = arith.constant 7 : i32
      %broadcast_in_dim3A_372 = vector.broadcast %broadcast_in_dim3A_371 : i32 to vector<16xi32>
      tpu.vector_store_idx %arg17[%add3A_322, %broadcast_in_dim3A_372], %gather3A_370 : memref<512x65xf32, #tpu.memory_space<vmem>>[vector<16xi32>, vector<16xi32>], vector<16xf32>,
      %add3A_373 = arith.constant 8 : i32
      %add3A_374 = vector.broadcast %add3A_373 : i32 to vector<16xi32>
      %add3A_375 = arith.addi %get3A_325, %add3A_374 : vector<16xi32>
      %gather3A_376 = tpu.vector_load_idx %arg15[%add3A_322, %add3A_375] : memref<512x128xf32, #tpu.memory_space<vmem>>[vector<16xi32>, vector<16xi32>], vector<16xf32>,
      %broadcast_in_dim3A_377 = arith.constant 8 : i32
      %broadcast_in_dim3A_378 = vector.broadcast %broadcast_in_dim3A_377 : i32 to vector<16xi32>
      tpu.vector_store_idx %arg17[%add3A_322, %broadcast_in_dim3A_378], %gather3A_376 : memref<512x65xf32, #tpu.memory_space<vmem>>[vector<16xi32>, vector<16xi32>], vector<16xf32>,
      %add3A_379 = arith.constant 9 : i32
      %add3A_380 = vector.broadcast %add3A_379 : i32 to vector<16xi32>
      %add3A_381 = arith.addi %get3A_325, %add3A_380 : vector<16xi32>
      %gather3A_382 = tpu.vector_load_idx %arg15[%add3A_322, %add3A_381] : memref<512x128xf32, #tpu.memory_space<vmem>>[vector<16xi32>, vector<16xi32>], vector<16xf32>,
      %broadcast_in_dim3A_383 = arith.constant 9 : i32
      %broadcast_in_dim3A_384 = vector.broadcast %broadcast_in_dim3A_383 : i32 to vector<16xi32>
      tpu.vector_store_idx %arg17[%add3A_322, %broadcast_in_dim3A_384], %gather3A_382 : memref<512x65xf32, #tpu.memory_space<vmem>>[vector<16xi32>, vector<16xi32>], vector<16xf32>,
      %add3A_385 = arith.constant 10 : i32
      %add3A_386 = vector.broadcast %add3A_385 : i32 to vector<16xi32>
      %add3A_387 = arith.addi %get3A_325, %add3A_386 : vector<16xi32>
      %gather3A_388 = tpu.vector_load_idx %arg15[%add3A_322, %add3A_387] : memref<512x128xf32, #tpu.memory_space<vmem>>[vector<16xi32>, vector<16xi32>], vector<16xf32>,
      %broadcast_in_dim3A_389 = arith.constant 10 : i32
      %broadcast_in_dim3A_390 = vector.broadcast %broadcast_in_dim3A_389 : i32 to vector<16xi32>
      tpu.vector_store_idx %arg17[%add3A_322, %broadcast_in_dim3A_390], %gather3A_388 : memref<512x65xf32, #tpu.memory_space<vmem>>[vector<16xi32>, vector<16xi32>], vector<16xf32>,
      %add3A_391 = arith.constant 11 : i32
      %add3A_392 = vector.broadcast %add3A_391 : i32 to vector<16xi32>
      %add3A_393 = arith.addi %get3A_325, %add3A_392 : vector<16xi32>
      %gather3A_394 = tpu.vector_load_idx %arg15[%add3A_322, %add3A_393] : memref<512x128xf32, #tpu.memory_space<vmem>>[vector<16xi32>, vector<16xi32>], vector<16xf32>,
      %broadcast_in_dim3A_395 = arith.constant 11 : i32
      %broadcast_in_dim3A_396 = vector.broadcast %broadcast_in_dim3A_395 : i32 to vector<16xi32>
      tpu.vector_store_idx %arg17[%add3A_322, %broadcast_in_dim3A_396], %gather3A_394 : memref<512x65xf32, #tpu.memory_space<vmem>>[vector<16xi32>, vector<16xi32>], vector<16xf32>,
      %add3A_397 = arith.constant 12 : i32
      %add3A_398 = vector.broadcast %add3A_397 : i32 to vector<16xi32>
      %add3A_399 = arith.addi %get3A_325, %add3A_398 : vector<16xi32>
      %gather3A_400 = tpu.vector_load_idx %arg15[%add3A_322, %add3A_399] : memref<512x128xf32, #tpu.memory_space<vmem>>[vector<16xi32>, vector<16xi32>], vector<16xf32>,
      %broadcast_in_dim3A_401 = arith.constant 12 : i32
      %broadcast_in_dim3A_402 = vector.broadcast %broadcast_in_dim3A_401 : i32 to vector<16xi32>
      tpu.vector_store_idx %arg17[%add3A_322, %broadcast_in_dim3A_402], %gather3A_400 : memref<512x65xf32, #tpu.memory_space<vmem>>[vector<16xi32>, vector<16xi32>], vector<16xf32>,
      %add3A_403 = arith.constant 13 : i32
      %add3A_404 = vector.broadcast %add3A_403 : i32 to vector<16xi32>
      %add3A_405 = arith.addi %get3A_325, %add3A_404 : vector<16xi32>
      %gather3A_406 = tpu.vector_load_idx %arg15[%add3A_322, %add3A_405] : memref<512x128xf32, #tpu.memory_space<vmem>>[vector<16xi32>, vector<16xi32>], vector<16xf32>,
      %broadcast_in_dim3A_407 = arith.constant 13 : i32
      %broadcast_in_dim3A_408 = vector.broadcast %broadcast_in_dim3A_407 : i32 to vector<16xi32>
      tpu.vector_store_idx %arg17[%add3A_322, %broadcast_in_dim3A_408], %gather3A_406 : memref<512x65xf32, #tpu.memory_space<vmem>>[vector<16xi32>, vector<16xi32>], vector<16xf32>,
      %add3A_409 = arith.constant 14 : i32
      %add3A_410 = vector.broadcast %add3A_409 : i32 to vector<16xi32>
      %add3A_411 = arith.addi %get3A_325, %add3A_410 : vector<16xi32>
      %gather3A_412 = tpu.vector_load_idx %arg15[%add3A_322, %add3A_411] : memref<512x128xf32, #tpu.memory_space<vmem>>[vector<16xi32>, vector<16xi32>], vector<16xf32>,
      %broadcast_in_dim3A_413 = arith.constant 14 : i32
      %broadcast_in_dim3A_414 = vector.broadcast %broadcast_in_dim3A_413 : i32 to vector<16xi32>
      tpu.vector_store_idx %arg17[%add3A_322, %broadcast_in_dim3A_414], %gather3A_412 : memref<512x65xf32, #tpu.memory_space<vmem>>[vector<16xi32>, vector<16xi32>], vector<16xf32>,
      %add3A_415 = arith.constant 15 : i32
      %add3A_416 = vector.broadcast %add3A_415 : i32 to vector<16xi32>
      %add3A_417 = arith.addi %get3A_325, %add3A_416 : vector<16xi32>
      %gather3A_418 = tpu.vector_load_idx %arg15[%add3A_322, %add3A_417] : memref<512x128xf32, #tpu.memory_space<vmem>>[vector<16xi32>, vector<16xi32>], vector<16xf32>,
      %broadcast_in_dim3A_419 = arith.constant 15 : i32
      %broadcast_in_dim3A_420 = vector.broadcast %broadcast_in_dim3A_419 : i32 to vector<16xi32>
      tpu.vector_store_idx %arg17[%add3A_322, %broadcast_in_dim3A_420], %gather3A_418 : memref<512x65xf32, #tpu.memory_space<vmem>>[vector<16xi32>, vector<16xi32>], vector<16xf32>,
      %add3A_421 = arith.constant 16 : i32
      %add3A_422 = vector.broadcast %add3A_421 : i32 to vector<16xi32>
      %add3A_423 = arith.addi %get3A_325, %add3A_422 : vector<16xi32>
      %gather3A_424 = tpu.vector_load_idx %arg15[%add3A_322, %add3A_423] : memref<512x128xf32, #tpu.memory_space<vmem>>[vector<16xi32>, vector<16xi32>], vector<16xf32>,
      %broadcast_in_dim3A_425 = arith.constant 16 : i32
      %broadcast_in_dim3A_426 = vector.broadcast %broadcast_in_dim3A_425 : i32 to vector<16xi32>
      tpu.vector_store_idx %arg17[%add3A_322, %broadcast_in_dim3A_426], %gather3A_424 : memref<512x65xf32, #tpu.memory_space<vmem>>[vector<16xi32>, vector<16xi32>], vector<16xf32>,
      %add3A_427 = arith.constant 17 : i32
      %add3A_428 = vector.broadcast %add3A_427 : i32 to vector<16xi32>
      %add3A_429 = arith.addi %get3A_325, %add3A_428 : vector<16xi32>
      %gather3A_430 = tpu.vector_load_idx %arg15[%add3A_322, %add3A_429] : memref<512x128xf32, #tpu.memory_space<vmem>>[vector<16xi32>, vector<16xi32>], vector<16xf32>,
      %broadcast_in_dim3A_431 = arith.constant 17 : i32
      %broadcast_in_dim3A_432 = vector.broadcast %broadcast_in_dim3A_431 : i32 to vector<16xi32>
      tpu.vector_store_idx %arg17[%add3A_322, %broadcast_in_dim3A_432], %gather3A_430 : memref<512x65xf32, #tpu.memory_space<vmem>>[vector<16xi32>, vector<16xi32>], vector<16xf32>,
      %add3A_433 = arith.constant 18 : i32
      %add3A_434 = vector.broadcast %add3A_433 : i32 to vector<16xi32>
      %add3A_435 = arith.addi %get3A_325, %add3A_434 : vector<16xi32>
      %gather3A_436 = tpu.vector_load_idx %arg15[%add3A_322, %add3A_435] : memref<512x128xf32, #tpu.memory_space<vmem>>[vector<16xi32>, vector<16xi32>], vector<16xf32>,
      %broadcast_in_dim3A_437 = arith.constant 18 : i32
      %broadcast_in_dim3A_438 = vector.broadcast %broadcast_in_dim3A_437 : i32 to vector<16xi32>
      tpu.vector_store_idx %arg17[%add3A_322, %broadcast_in_dim3A_438], %gather3A_436 : memref<512x65xf32, #tpu.memory_space<vmem>>[vector<16xi32>, vector<16xi32>], vector<16xf32>,
      %add3A_439 = arith.constant 19 : i32
      %add3A_440 = vector.broadcast %add3A_439 : i32 to vector<16xi32>
      %add3A_441 = arith.addi %get3A_325, %add3A_440 : vector<16xi32>
      %gather3A_442 = tpu.vector_load_idx %arg15[%add3A_322, %add3A_441] : memref<512x128xf32, #tpu.memory_space<vmem>>[vector<16xi32>, vector<16xi32>], vector<16xf32>,
      %broadcast_in_dim3A_443 = arith.constant 19 : i32
      %broadcast_in_dim3A_444 = vector.broadcast %broadcast_in_dim3A_443 : i32 to vector<16xi32>
      tpu.vector_store_idx %arg17[%add3A_322, %broadcast_in_dim3A_444], %gather3A_442 : memref<512x65xf32, #tpu.memory_space<vmem>>[vector<16xi32>, vector<16xi32>], vector<16xf32>,
      %add3A_445 = arith.constant 20 : i32
      %add3A_446 = vector.broadcast %add3A_445 : i32 to vector<16xi32>
      %add3A_447 = arith.addi %get3A_325, %add3A_446 : vector<16xi32>
      %gather3A_448 = tpu.vector_load_idx %arg15[%add3A_322, %add3A_447] : memref<512x128xf32, #tpu.memory_space<vmem>>[vector<16xi32>, vector<16xi32>], vector<16xf32>,
      %broadcast_in_dim3A_449 = arith.constant 20 : i32
      %broadcast_in_dim3A_450 = vector.broadcast %broadcast_in_dim3A_449 : i32 to vector<16xi32>
      tpu.vector_store_idx %arg17[%add3A_322, %broadcast_in_dim3A_450], %gather3A_448 : memref<512x65xf32, #tpu.memory_space<vmem>>[vector<16xi32>, vector<16xi32>], vector<16xf32>,
      %add3A_451 = arith.constant 21 : i32
      %add3A_452 = vector.broadcast %add3A_451 : i32 to vector<16xi32>
      %add3A_453 = arith.addi %get3A_325, %add3A_452 : vector<16xi32>
      %gather3A_454 = tpu.vector_load_idx %arg15[%add3A_322, %add3A_453] : memref<512x128xf32, #tpu.memory_space<vmem>>[vector<16xi32>, vector<16xi32>], vector<16xf32>,
      %broadcast_in_dim3A_455 = arith.constant 21 : i32
      %broadcast_in_dim3A_456 = vector.broadcast %broadcast_in_dim3A_455 : i32 to vector<16xi32>
      tpu.vector_store_idx %arg17[%add3A_322, %broadcast_in_dim3A_456], %gather3A_454 : memref<512x65xf32, #tpu.memory_space<vmem>>[vector<16xi32>, vector<16xi32>], vector<16xf32>,
      %add3A_457 = arith.constant 22 : i32
      %add3A_458 = vector.broadcast %add3A_457 : i32 to vector<16xi32>
      %add3A_459 = arith.addi %get3A_325, %add3A_458 : vector<16xi32>
      %gather3A_460 = tpu.vector_load_idx %arg15[%add3A_322, %add3A_459] : memref<512x128xf32, #tpu.memory_space<vmem>>[vector<16xi32>, vector<16xi32>], vector<16xf32>,
      %broadcast_in_dim3A_461 = arith.constant 22 : i32
      %broadcast_in_dim3A_462 = vector.broadcast %broadcast_in_dim3A_461 : i32 to vector<16xi32>
      tpu.vector_store_idx %arg17[%add3A_322, %broadcast_in_dim3A_462], %gather3A_460 : memref<512x65xf32, #tpu.memory_space<vmem>>[vector<16xi32>, vector<16xi32>], vector<16xf32>,
      %add3A_463 = arith.constant 23 : i32
      %add3A_464 = vector.broadcast %add3A_463 : i32 to vector<16xi32>
      %add3A_465 = arith.addi %get3A_325, %add3A_464 : vector<16xi32>
      %gather3A_466 = tpu.vector_load_idx %arg15[%add3A_322, %add3A_465] : memref<512x128xf32, #tpu.memory_space<vmem>>[vector<16xi32>, vector<16xi32>], vector<16xf32>,
      %broadcast_in_dim3A_467 = arith.constant 23 : i32
      %broadcast_in_dim3A_468 = vector.broadcast %broadcast_in_dim3A_467 : i32 to vector<16xi32>
      tpu.vector_store_idx %arg17[%add3A_322, %broadcast_in_dim3A_468], %gather3A_466 : memref<512x65xf32, #tpu.memory_space<vmem>>[vector<16xi32>, vector<16xi32>], vector<16xf32>,
      %add3A_469 = arith.constant 24 : i32
      %add3A_470 = vector.broadcast %add3A_469 : i32 to vector<16xi32>
      %add3A_471 = arith.addi %get3A_325, %add3A_470 : vector<16xi32>
      %gather3A_472 = tpu.vector_load_idx %arg15[%add3A_322, %add3A_471] : memref<512x128xf32, #tpu.memory_space<vmem>>[vector<16xi32>, vector<16xi32>], vector<16xf32>,
      %broadcast_in_dim3A_473 = arith.constant 24 : i32
      %broadcast_in_dim3A_474 = vector.broadcast %broadcast_in_dim3A_473 : i32 to vector<16xi32>
      tpu.vector_store_idx %arg17[%add3A_322, %broadcast_in_dim3A_474], %gather3A_472 : memref<512x65xf32, #tpu.memory_space<vmem>>[vector<16xi32>, vector<16xi32>], vector<16xf32>,
      %add3A_475 = arith.constant 25 : i32
      %add3A_476 = vector.broadcast %add3A_475 : i32 to vector<16xi32>
      %add3A_477 = arith.addi %get3A_325, %add3A_476 : vector<16xi32>
      %gather3A_478 = tpu.vector_load_idx %arg15[%add3A_322, %add3A_477] : memref<512x128xf32, #tpu.memory_space<vmem>>[vector<16xi32>, vector<16xi32>], vector<16xf32>,
      %broadcast_in_dim3A_479 = arith.constant 25 : i32
      %broadcast_in_dim3A_480 = vector.broadcast %broadcast_in_dim3A_479 : i32 to vector<16xi32>
      tpu.vector_store_idx %arg17[%add3A_322, %broadcast_in_dim3A_480], %gather3A_478 : memref<512x65xf32, #tpu.memory_space<vmem>>[vector<16xi32>, vector<16xi32>], vector<16xf32>,
      %add3A_481 = arith.constant 26 : i32
      %add3A_482 = vector.broadcast %add3A_481 : i32 to vector<16xi32>
      %add3A_483 = arith.addi %get3A_325, %add3A_482 : vector<16xi32>
      %gather3A_484 = tpu.vector_load_idx %arg15[%add3A_322, %add3A_483] : memref<512x128xf32, #tpu.memory_space<vmem>>[vector<16xi32>, vector<16xi32>], vector<16xf32>,
      %broadcast_in_dim3A_485 = arith.constant 26 : i32
      %broadcast_in_dim3A_486 = vector.broadcast %broadcast_in_dim3A_485 : i32 to vector<16xi32>
      tpu.vector_store_idx %arg17[%add3A_322, %broadcast_in_dim3A_486], %gather3A_484 : memref<512x65xf32, #tpu.memory_space<vmem>>[vector<16xi32>, vector<16xi32>], vector<16xf32>,
      %add3A_487 = arith.constant 27 : i32
      %add3A_488 = vector.broadcast %add3A_487 : i32 to vector<16xi32>
      %add3A_489 = arith.addi %get3A_325, %add3A_488 : vector<16xi32>
      %gather3A_490 = tpu.vector_load_idx %arg15[%add3A_322, %add3A_489] : memref<512x128xf32, #tpu.memory_space<vmem>>[vector<16xi32>, vector<16xi32>], vector<16xf32>,
      %broadcast_in_dim3A_491 = arith.constant 27 : i32
      %broadcast_in_dim3A_492 = vector.broadcast %broadcast_in_dim3A_491 : i32 to vector<16xi32>
      tpu.vector_store_idx %arg17[%add3A_322, %broadcast_in_dim3A_492], %gather3A_490 : memref<512x65xf32, #tpu.memory_space<vmem>>[vector<16xi32>, vector<16xi32>], vector<16xf32>,
      %add3A_493 = arith.constant 28 : i32
      %add3A_494 = vector.broadcast %add3A_493 : i32 to vector<16xi32>
      %add3A_495 = arith.addi %get3A_325, %add3A_494 : vector<16xi32>
      %gather3A_496 = tpu.vector_load_idx %arg15[%add3A_322, %add3A_495] : memref<512x128xf32, #tpu.memory_space<vmem>>[vector<16xi32>, vector<16xi32>], vector<16xf32>,
      %broadcast_in_dim3A_497 = arith.constant 28 : i32
      %broadcast_in_dim3A_498 = vector.broadcast %broadcast_in_dim3A_497 : i32 to vector<16xi32>
      tpu.vector_store_idx %arg17[%add3A_322, %broadcast_in_dim3A_498], %gather3A_496 : memref<512x65xf32, #tpu.memory_space<vmem>>[vector<16xi32>, vector<16xi32>], vector<16xf32>,
      %add3A_499 = arith.constant 29 : i32
      %add3A_500 = vector.broadcast %add3A_499 : i32 to vector<16xi32>
      %add3A_501 = arith.addi %get3A_325, %add3A_500 : vector<16xi32>
      %gather3A_502 = tpu.vector_load_idx %arg15[%add3A_322, %add3A_501] : memref<512x128xf32, #tpu.memory_space<vmem>>[vector<16xi32>, vector<16xi32>], vector<16xf32>,
      %broadcast_in_dim3A_503 = arith.constant 29 : i32
      %broadcast_in_dim3A_504 = vector.broadcast %broadcast_in_dim3A_503 : i32 to vector<16xi32>
      tpu.vector_store_idx %arg17[%add3A_322, %broadcast_in_dim3A_504], %gather3A_502 : memref<512x65xf32, #tpu.memory_space<vmem>>[vector<16xi32>, vector<16xi32>], vector<16xf32>,
      %add3A_505 = arith.constant 30 : i32
      %add3A_506 = vector.broadcast %add3A_505 : i32 to vector<16xi32>
      %add3A_507 = arith.addi %get3A_325, %add3A_506 : vector<16xi32>
      %gather3A_508 = tpu.vector_load_idx %arg15[%add3A_322, %add3A_507] : memref<512x128xf32, #tpu.memory_space<vmem>>[vector<16xi32>, vector<16xi32>], vector<16xf32>,
      %broadcast_in_dim3A_509 = arith.constant 30 : i32
      %broadcast_in_dim3A_510 = vector.broadcast %broadcast_in_dim3A_509 : i32 to vector<16xi32>
      tpu.vector_store_idx %arg17[%add3A_322, %broadcast_in_dim3A_510], %gather3A_508 : memref<512x65xf32, #tpu.memory_space<vmem>>[vector<16xi32>, vector<16xi32>], vector<16xf32>,
      %add3A_511 = arith.constant 31 : i32
      %add3A_512 = vector.broadcast %add3A_511 : i32 to vector<16xi32>
      %add3A_513 = arith.addi %get3A_325, %add3A_512 : vector<16xi32>
      %gather3A_514 = tpu.vector_load_idx %arg15[%add3A_322, %add3A_513] : memref<512x128xf32, #tpu.memory_space<vmem>>[vector<16xi32>, vector<16xi32>], vector<16xf32>,
      %broadcast_in_dim3A_515 = arith.constant 31 : i32
      %broadcast_in_dim3A_516 = vector.broadcast %broadcast_in_dim3A_515 : i32 to vector<16xi32>
      tpu.vector_store_idx %arg17[%add3A_322, %broadcast_in_dim3A_516], %gather3A_514 : memref<512x65xf32, #tpu.memory_space<vmem>>[vector<16xi32>, vector<16xi32>], vector<16xf32>,
      %add3A_517 = arith.constant 0 : i32
      %add3A_518 = arith.addi %mul3A_318, %add3A_517 : i32
      %get3A_519 = arith.index_cast %add3A_518 : i32 to index
      %get3A_520 = arith.constant 0 : index
      %get3A_521 = tpu.vector_load %arg16[%get3A_519, %get3A_520] {strides = array<i32>} : memref<512x32xf32, #tpu.memory_space<vmem>>, vector<16xf32>,
      %swap3A = arith.index_cast %add3A_518 : i32 to index
      %swap3A_522 = arith.constant 32 : index
      %swap3A_523 = tpu.vector_load %arg17[%swap3A, %swap3A_522] {strides = array<i32>} : memref<512x65xf32, #tpu.memory_space<vmem>>, vector<16xf32>,
      tpu.vector_store %arg17[%swap3A, %swap3A_522], %get3A_521 {strides = array<i32>} : memref<512x65xf32, #tpu.memory_space<vmem>>, vector<16xf32>,
      %get3A_524 = arith.index_cast %add3A_518 : i32 to index
      %get3A_525 = arith.constant 16 : index
      %get3A_526 = tpu.vector_load %arg16[%get3A_524, %get3A_525] {strides = array<i32>} : memref<512x32xf32, #tpu.memory_space<vmem>>, vector<16xf32>,
      %swap3A_527 = arith.index_cast %add3A_518 : i32 to index
      %swap3A_528 = arith.constant 48 : index
      %swap3A_529 = tpu.vector_load %arg17[%swap3A_527, %swap3A_528] {strides = array<i32>} : memref<512x65xf32, #tpu.memory_space<vmem>>, vector<16xf32>,
      tpu.vector_store %arg17[%swap3A_527, %swap3A_528], %get3A_526 {strides = array<i32>} : memref<512x65xf32, #tpu.memory_space<vmem>>, vector<16xf32>,
      %add3A_530 = arith.constant 1 : i32
      %add3A_531 = arith.addi %mul3A_318, %add3A_530 : i32
      %get3A_532 = arith.index_cast %add3A_531 : i32 to index
      %get3A_533 = arith.constant 0 : index
      %get3A_534 = tpu.vector_load %arg16[%get3A_532, %get3A_533] {strides = array<i32>} : memref<512x32xf32, #tpu.memory_space<vmem>>, vector<16xf32>,
      %swap3A_535 = arith.index_cast %add3A_531 : i32 to index
      %swap3A_536 = arith.constant 32 : index
      %swap3A_537 = tpu.vector_load %arg17[%swap3A_535, %swap3A_536] {strides = array<i32>} : memref<512x65xf32, #tpu.memory_space<vmem>>, vector<16xf32>,
      tpu.vector_store %arg17[%swap3A_535, %swap3A_536], %get3A_534 {strides = array<i32>} : memref<512x65xf32, #tpu.memory_space<vmem>>, vector<16xf32>,
      %get3A_538 = arith.index_cast %add3A_531 : i32 to index
      %get3A_539 = arith.constant 16 : index
      %get3A_540 = tpu.vector_load %arg16[%get3A_538, %get3A_539] {strides = array<i32>} : memref<512x32xf32, #tpu.memory_space<vmem>>, vector<16xf32>,
      %swap3A_541 = arith.index_cast %add3A_531 : i32 to index
      %swap3A_542 = arith.constant 48 : index
      %swap3A_543 = tpu.vector_load %arg17[%swap3A_541, %swap3A_542] {strides = array<i32>} : memref<512x65xf32, #tpu.memory_space<vmem>>, vector<16xf32>,
      tpu.vector_store %arg17[%swap3A_541, %swap3A_542], %get3A_540 {strides = array<i32>} : memref<512x65xf32, #tpu.memory_space<vmem>>, vector<16xf32>,
      %add3A_544 = arith.constant 2 : i32
      %add3A_545 = arith.addi %mul3A_318, %add3A_544 : i32
      %get3A_546 = arith.index_cast %add3A_545 : i32 to index
      %get3A_547 = arith.constant 0 : index
      %get3A_548 = tpu.vector_load %arg16[%get3A_546, %get3A_547] {strides = array<i32>} : memref<512x32xf32, #tpu.memory_space<vmem>>, vector<16xf32>,
      %swap3A_549 = arith.index_cast %add3A_545 : i32 to index
      %swap3A_550 = arith.constant 32 : index
      %swap3A_551 = tpu.vector_load %arg17[%swap3A_549, %swap3A_550] {strides = array<i32>} : memref<512x65xf32, #tpu.memory_space<vmem>>, vector<16xf32>,
      tpu.vector_store %arg17[%swap3A_549, %swap3A_550], %get3A_548 {strides = array<i32>} : memref<512x65xf32, #tpu.memory_space<vmem>>, vector<16xf32>,
      %get3A_552 = arith.index_cast %add3A_545 : i32 to index
      %get3A_553 = arith.constant 16 : index
      %get3A_554 = tpu.vector_load %arg16[%get3A_552, %get3A_553] {strides = array<i32>} : memref<512x32xf32, #tpu.memory_space<vmem>>, vector<16xf32>,
      %swap3A_555 = arith.index_cast %add3A_545 : i32 to index
      %swap3A_556 = arith.constant 48 : index
      %swap3A_557 = tpu.vector_load %arg17[%swap3A_555, %swap3A_556] {strides = array<i32>} : memref<512x65xf32, #tpu.memory_space<vmem>>, vector<16xf32>,
      tpu.vector_store %arg17[%swap3A_555, %swap3A_556], %get3A_554 {strides = array<i32>} : memref<512x65xf32, #tpu.memory_space<vmem>>, vector<16xf32>,
      %add3A_558 = arith.constant 3 : i32
      %add3A_559 = arith.addi %mul3A_318, %add3A_558 : i32
      %get3A_560 = arith.index_cast %add3A_559 : i32 to index
      %get3A_561 = arith.constant 0 : index
      %get3A_562 = tpu.vector_load %arg16[%get3A_560, %get3A_561] {strides = array<i32>} : memref<512x32xf32, #tpu.memory_space<vmem>>, vector<16xf32>,
      %swap3A_563 = arith.index_cast %add3A_559 : i32 to index
      %swap3A_564 = arith.constant 32 : index
      %swap3A_565 = tpu.vector_load %arg17[%swap3A_563, %swap3A_564] {strides = array<i32>} : memref<512x65xf32, #tpu.memory_space<vmem>>, vector<16xf32>,
      tpu.vector_store %arg17[%swap3A_563, %swap3A_564], %get3A_562 {strides = array<i32>} : memref<512x65xf32, #tpu.memory_space<vmem>>, vector<16xf32>,
      %get3A_566 = arith.index_cast %add3A_559 : i32 to index
      %get3A_567 = arith.constant 16 : index
      %get3A_568 = tpu.vector_load %arg16[%get3A_566, %get3A_567] {strides = array<i32>} : memref<512x32xf32, #tpu.memory_space<vmem>>, vector<16xf32>,
      %swap3A_569 = arith.index_cast %add3A_559 : i32 to index
      %swap3A_570 = arith.constant 48 : index
      %swap3A_571 = tpu.vector_load %arg17[%swap3A_569, %swap3A_570] {strides = array<i32>} : memref<512x65xf32, #tpu.memory_space<vmem>>, vector<16xf32>,
      tpu.vector_store %arg17[%swap3A_569, %swap3A_570], %get3A_568 {strides = array<i32>} : memref<512x65xf32, #tpu.memory_space<vmem>>, vector<16xf32>,
      %add3A_572 = arith.constant 4 : i32
      %add3A_573 = arith.addi %mul3A_318, %add3A_572 : i32
      %get3A_574 = arith.index_cast %add3A_573 : i32 to index
      %get3A_575 = arith.constant 0 : index
      %get3A_576 = tpu.vector_load %arg16[%get3A_574, %get3A_575] {strides = array<i32>} : memref<512x32xf32, #tpu.memory_space<vmem>>, vector<16xf32>,
      %swap3A_577 = arith.index_cast %add3A_573 : i32 to index
      %swap3A_578 = arith.constant 32 : index
      %swap3A_579 = tpu.vector_load %arg17[%swap3A_577, %swap3A_578] {strides = array<i32>} : memref<512x65xf32, #tpu.memory_space<vmem>>, vector<16xf32>,
      tpu.vector_store %arg17[%swap3A_577, %swap3A_578], %get3A_576 {strides = array<i32>} : memref<512x65xf32, #tpu.memory_space<vmem>>, vector<16xf32>,
      %get3A_580 = arith.index_cast %add3A_573 : i32 to index
      %get3A_581 = arith.constant 16 : index
      %get3A_582 = tpu.vector_load %arg16[%get3A_580, %get3A_581] {strides = array<i32>} : memref<512x32xf32, #tpu.memory_space<vmem>>, vector<16xf32>,
      %swap3A_583 = arith.index_cast %add3A_573 : i32 to index
      %swap3A_584 = arith.constant 48 : index
      %swap3A_585 = tpu.vector_load %arg17[%swap3A_583, %swap3A_584] {strides = array<i32>} : memref<512x65xf32, #tpu.memory_space<vmem>>, vector<16xf32>,
      tpu.vector_store %arg17[%swap3A_583, %swap3A_584], %get3A_582 {strides = array<i32>} : memref<512x65xf32, #tpu.memory_space<vmem>>, vector<16xf32>,
      %add3A_586 = arith.constant 5 : i32
      %add3A_587 = arith.addi %mul3A_318, %add3A_586 : i32
      %get3A_588 = arith.index_cast %add3A_587 : i32 to index
      %get3A_589 = arith.constant 0 : index
      %get3A_590 = tpu.vector_load %arg16[%get3A_588, %get3A_589] {strides = array<i32>} : memref<512x32xf32, #tpu.memory_space<vmem>>, vector<16xf32>,
      %swap3A_591 = arith.index_cast %add3A_587 : i32 to index
      %swap3A_592 = arith.constant 32 : index
      %swap3A_593 = tpu.vector_load %arg17[%swap3A_591, %swap3A_592] {strides = array<i32>} : memref<512x65xf32, #tpu.memory_space<vmem>>, vector<16xf32>,
      tpu.vector_store %arg17[%swap3A_591, %swap3A_592], %get3A_590 {strides = array<i32>} : memref<512x65xf32, #tpu.memory_space<vmem>>, vector<16xf32>,
      %get3A_594 = arith.index_cast %add3A_587 : i32 to index
      %get3A_595 = arith.constant 16 : index
      %get3A_596 = tpu.vector_load %arg16[%get3A_594, %get3A_595] {strides = array<i32>} : memref<512x32xf32, #tpu.memory_space<vmem>>, vector<16xf32>,
      %swap3A_597 = arith.index_cast %add3A_587 : i32 to index
      %swap3A_598 = arith.constant 48 : index
      %swap3A_599 = tpu.vector_load %arg17[%swap3A_597, %swap3A_598] {strides = array<i32>} : memref<512x65xf32, #tpu.memory_space<vmem>>, vector<16xf32>,
      tpu.vector_store %arg17[%swap3A_597, %swap3A_598], %get3A_596 {strides = array<i32>} : memref<512x65xf32, #tpu.memory_space<vmem>>, vector<16xf32>,
      %add3A_600 = arith.constant 6 : i32
      %add3A_601 = arith.addi %mul3A_318, %add3A_600 : i32
      %get3A_602 = arith.index_cast %add3A_601 : i32 to index
      %get3A_603 = arith.constant 0 : index
      %get3A_604 = tpu.vector_load %arg16[%get3A_602, %get3A_603] {strides = array<i32>} : memref<512x32xf32, #tpu.memory_space<vmem>>, vector<16xf32>,
      %swap3A_605 = arith.index_cast %add3A_601 : i32 to index
      %swap3A_606 = arith.constant 32 : index
      %swap3A_607 = tpu.vector_load %arg17[%swap3A_605, %swap3A_606] {strides = array<i32>} : memref<512x65xf32, #tpu.memory_space<vmem>>, vector<16xf32>,
      tpu.vector_store %arg17[%swap3A_605, %swap3A_606], %get3A_604 {strides = array<i32>} : memref<512x65xf32, #tpu.memory_space<vmem>>, vector<16xf32>,
      %get3A_608 = arith.index_cast %add3A_601 : i32 to index
      %get3A_609 = arith.constant 16 : index
      %get3A_610 = tpu.vector_load %arg16[%get3A_608, %get3A_609] {strides = array<i32>} : memref<512x32xf32, #tpu.memory_space<vmem>>, vector<16xf32>,
      %swap3A_611 = arith.index_cast %add3A_601 : i32 to index
      %swap3A_612 = arith.constant 48 : index
      %swap3A_613 = tpu.vector_load %arg17[%swap3A_611, %swap3A_612] {strides = array<i32>} : memref<512x65xf32, #tpu.memory_space<vmem>>, vector<16xf32>,
      tpu.vector_store %arg17[%swap3A_611, %swap3A_612], %get3A_610 {strides = array<i32>} : memref<512x65xf32, #tpu.memory_space<vmem>>, vector<16xf32>,
      %add3A_614 = arith.constant 7 : i32
      %add3A_615 = arith.addi %mul3A_318, %add3A_614 : i32
      %get3A_616 = arith.index_cast %add3A_615 : i32 to index
      %get3A_617 = arith.constant 0 : index
      %get3A_618 = tpu.vector_load %arg16[%get3A_616, %get3A_617] {strides = array<i32>} : memref<512x32xf32, #tpu.memory_space<vmem>>, vector<16xf32>,
      %swap3A_619 = arith.index_cast %add3A_615 : i32 to index
      %swap3A_620 = arith.constant 32 : index
      %swap3A_621 = tpu.vector_load %arg17[%swap3A_619, %swap3A_620] {strides = array<i32>} : memref<512x65xf32, #tpu.memory_space<vmem>>, vector<16xf32>,
      tpu.vector_store %arg17[%swap3A_619, %swap3A_620], %get3A_618 {strides = array<i32>} : memref<512x65xf32, #tpu.memory_space<vmem>>, vector<16xf32>,
      %get3A_622 = arith.index_cast %add3A_615 : i32 to index
      %get3A_623 = arith.constant 16 : index
      %get3A_624 = tpu.vector_load %arg16[%get3A_622, %get3A_623] {strides = array<i32>} : memref<512x32xf32, #tpu.memory_space<vmem>>, vector<16xf32>,
      %swap3A_625 = arith.index_cast %add3A_615 : i32 to index
      %swap3A_626 = arith.constant 48 : index
      %swap3A_627 = tpu.vector_load %arg17[%swap3A_625, %swap3A_626] {strides = array<i32>} : memref<512x65xf32, #tpu.memory_space<vmem>>, vector<16xf32>,
      tpu.vector_store %arg17[%swap3A_625, %swap3A_626], %get3A_624 {strides = array<i32>} : memref<512x65xf32, #tpu.memory_space<vmem>>, vector<16xf32>,
      %add3A_628 = arith.constant 8 : i32
      %add3A_629 = arith.addi %mul3A_318, %add3A_628 : i32
      %get3A_630 = arith.index_cast %add3A_629 : i32 to index
      %get3A_631 = arith.constant 0 : index
      %get3A_632 = tpu.vector_load %arg16[%get3A_630, %get3A_631] {strides = array<i32>} : memref<512x32xf32, #tpu.memory_space<vmem>>, vector<16xf32>,
      %swap3A_633 = arith.index_cast %add3A_629 : i32 to index
      %swap3A_634 = arith.constant 32 : index
      %swap3A_635 = tpu.vector_load %arg17[%swap3A_633, %swap3A_634] {strides = array<i32>} : memref<512x65xf32, #tpu.memory_space<vmem>>, vector<16xf32>,
      tpu.vector_store %arg17[%swap3A_633, %swap3A_634], %get3A_632 {strides = array<i32>} : memref<512x65xf32, #tpu.memory_space<vmem>>, vector<16xf32>,
      %get3A_636 = arith.index_cast %add3A_629 : i32 to index
      %get3A_637 = arith.constant 16 : index
      %get3A_638 = tpu.vector_load %arg16[%get3A_636, %get3A_637] {strides = array<i32>} : memref<512x32xf32, #tpu.memory_space<vmem>>, vector<16xf32>,
      %swap3A_639 = arith.index_cast %add3A_629 : i32 to index
      %swap3A_640 = arith.constant 48 : index
      %swap3A_641 = tpu.vector_load %arg17[%swap3A_639, %swap3A_640] {strides = array<i32>} : memref<512x65xf32, #tpu.memory_space<vmem>>, vector<16xf32>,
      tpu.vector_store %arg17[%swap3A_639, %swap3A_640], %get3A_638 {strides = array<i32>} : memref<512x65xf32, #tpu.memory_space<vmem>>, vector<16xf32>,
      %add3A_642 = arith.constant 9 : i32
      %add3A_643 = arith.addi %mul3A_318, %add3A_642 : i32
      %get3A_644 = arith.index_cast %add3A_643 : i32 to index
      %get3A_645 = arith.constant 0 : index
      %get3A_646 = tpu.vector_load %arg16[%get3A_644, %get3A_645] {strides = array<i32>} : memref<512x32xf32, #tpu.memory_space<vmem>>, vector<16xf32>,
      %swap3A_647 = arith.index_cast %add3A_643 : i32 to index
      %swap3A_648 = arith.constant 32 : index
      %swap3A_649 = tpu.vector_load %arg17[%swap3A_647, %swap3A_648] {strides = array<i32>} : memref<512x65xf32, #tpu.memory_space<vmem>>, vector<16xf32>,
      tpu.vector_store %arg17[%swap3A_647, %swap3A_648], %get3A_646 {strides = array<i32>} : memref<512x65xf32, #tpu.memory_space<vmem>>, vector<16xf32>,
      %get3A_650 = arith.index_cast %add3A_643 : i32 to index
      %get3A_651 = arith.constant 16 : index
      %get3A_652 = tpu.vector_load %arg16[%get3A_650, %get3A_651] {strides = array<i32>} : memref<512x32xf32, #tpu.memory_space<vmem>>, vector<16xf32>,
      %swap3A_653 = arith.index_cast %add3A_643 : i32 to index
      %swap3A_654 = arith.constant 48 : index
      %swap3A_655 = tpu.vector_load %arg17[%swap3A_653, %swap3A_654] {strides = array<i32>} : memref<512x65xf32, #tpu.memory_space<vmem>>, vector<16xf32>,
      tpu.vector_store %arg17[%swap3A_653, %swap3A_654], %get3A_652 {strides = array<i32>} : memref<512x65xf32, #tpu.memory_space<vmem>>, vector<16xf32>,
      %add3A_656 = arith.constant 10 : i32
      %add3A_657 = arith.addi %mul3A_318, %add3A_656 : i32
      %get3A_658 = arith.index_cast %add3A_657 : i32 to index
      %get3A_659 = arith.constant 0 : index
      %get3A_660 = tpu.vector_load %arg16[%get3A_658, %get3A_659] {strides = array<i32>} : memref<512x32xf32, #tpu.memory_space<vmem>>, vector<16xf32>,
      %swap3A_661 = arith.index_cast %add3A_657 : i32 to index
      %swap3A_662 = arith.constant 32 : index
      %swap3A_663 = tpu.vector_load %arg17[%swap3A_661, %swap3A_662] {strides = array<i32>} : memref<512x65xf32, #tpu.memory_space<vmem>>, vector<16xf32>,
      tpu.vector_store %arg17[%swap3A_661, %swap3A_662], %get3A_660 {strides = array<i32>} : memref<512x65xf32, #tpu.memory_space<vmem>>, vector<16xf32>,
      %get3A_664 = arith.index_cast %add3A_657 : i32 to index
      %get3A_665 = arith.constant 16 : index
      %get3A_666 = tpu.vector_load %arg16[%get3A_664, %get3A_665] {strides = array<i32>} : memref<512x32xf32, #tpu.memory_space<vmem>>, vector<16xf32>,
      %swap3A_667 = arith.index_cast %add3A_657 : i32 to index
      %swap3A_668 = arith.constant 48 : index
      %swap3A_669 = tpu.vector_load %arg17[%swap3A_667, %swap3A_668] {strides = array<i32>} : memref<512x65xf32, #tpu.memory_space<vmem>>, vector<16xf32>,
      tpu.vector_store %arg17[%swap3A_667, %swap3A_668], %get3A_666 {strides = array<i32>} : memref<512x65xf32, #tpu.memory_space<vmem>>, vector<16xf32>,
      %add3A_670 = arith.constant 11 : i32
      %add3A_671 = arith.addi %mul3A_318, %add3A_670 : i32
      %get3A_672 = arith.index_cast %add3A_671 : i32 to index
      %get3A_673 = arith.constant 0 : index
      %get3A_674 = tpu.vector_load %arg16[%get3A_672, %get3A_673] {strides = array<i32>} : memref<512x32xf32, #tpu.memory_space<vmem>>, vector<16xf32>,
      %swap3A_675 = arith.index_cast %add3A_671 : i32 to index
      %swap3A_676 = arith.constant 32 : index
      %swap3A_677 = tpu.vector_load %arg17[%swap3A_675, %swap3A_676] {strides = array<i32>} : memref<512x65xf32, #tpu.memory_space<vmem>>, vector<16xf32>,
      tpu.vector_store %arg17[%swap3A_675, %swap3A_676], %get3A_674 {strides = array<i32>} : memref<512x65xf32, #tpu.memory_space<vmem>>, vector<16xf32>,
      %get3A_678 = arith.index_cast %add3A_671 : i32 to index
      %get3A_679 = arith.constant 16 : index
      %get3A_680 = tpu.vector_load %arg16[%get3A_678, %get3A_679] {strides = array<i32>} : memref<512x32xf32, #tpu.memory_space<vmem>>, vector<16xf32>,
      %swap3A_681 = arith.index_cast %add3A_671 : i32 to index
      %swap3A_682 = arith.constant 48 : index
      %swap3A_683 = tpu.vector_load %arg17[%swap3A_681, %swap3A_682] {strides = array<i32>} : memref<512x65xf32, #tpu.memory_space<vmem>>, vector<16xf32>,
      tpu.vector_store %arg17[%swap3A_681, %swap3A_682], %get3A_680 {strides = array<i32>} : memref<512x65xf32, #tpu.memory_space<vmem>>, vector<16xf32>,
      %add3A_684 = arith.constant 12 : i32
      %add3A_685 = arith.addi %mul3A_318, %add3A_684 : i32
      %get3A_686 = arith.index_cast %add3A_685 : i32 to index
      %get3A_687 = arith.constant 0 : index
      %get3A_688 = tpu.vector_load %arg16[%get3A_686, %get3A_687] {strides = array<i32>} : memref<512x32xf32, #tpu.memory_space<vmem>>, vector<16xf32>,
      %swap3A_689 = arith.index_cast %add3A_685 : i32 to index
      %swap3A_690 = arith.constant 32 : index
      %swap3A_691 = tpu.vector_load %arg17[%swap3A_689, %swap3A_690] {strides = array<i32>} : memref<512x65xf32, #tpu.memory_space<vmem>>, vector<16xf32>,
      tpu.vector_store %arg17[%swap3A_689, %swap3A_690], %get3A_688 {strides = array<i32>} : memref<512x65xf32, #tpu.memory_space<vmem>>, vector<16xf32>,
      %get3A_692 = arith.index_cast %add3A_685 : i32 to index
      %get3A_693 = arith.constant 16 : index
      %get3A_694 = tpu.vector_load %arg16[%get3A_692, %get3A_693] {strides = array<i32>} : memref<512x32xf32, #tpu.memory_space<vmem>>, vector<16xf32>,
      %swap3A_695 = arith.index_cast %add3A_685 : i32 to index
      %swap3A_696 = arith.constant 48 : index
      %swap3A_697 = tpu.vector_load %arg17[%swap3A_695, %swap3A_696] {strides = array<i32>} : memref<512x65xf32, #tpu.memory_space<vmem>>, vector<16xf32>,
      tpu.vector_store %arg17[%swap3A_695, %swap3A_696], %get3A_694 {strides = array<i32>} : memref<512x65xf32, #tpu.memory_space<vmem>>, vector<16xf32>,
      %add3A_698 = arith.constant 13 : i32
      %add3A_699 = arith.addi %mul3A_318, %add3A_698 : i32
      %get3A_700 = arith.index_cast %add3A_699 : i32 to index
      %get3A_701 = arith.constant 0 : index
      %get3A_702 = tpu.vector_load %arg16[%get3A_700, %get3A_701] {strides = array<i32>} : memref<512x32xf32, #tpu.memory_space<vmem>>, vector<16xf32>,
      %swap3A_703 = arith.index_cast %add3A_699 : i32 to index
      %swap3A_704 = arith.constant 32 : index
      %swap3A_705 = tpu.vector_load %arg17[%swap3A_703, %swap3A_704] {strides = array<i32>} : memref<512x65xf32, #tpu.memory_space<vmem>>, vector<16xf32>,
      tpu.vector_store %arg17[%swap3A_703, %swap3A_704], %get3A_702 {strides = array<i32>} : memref<512x65xf32, #tpu.memory_space<vmem>>, vector<16xf32>,
      %get3A_706 = arith.index_cast %add3A_699 : i32 to index
      %get3A_707 = arith.constant 16 : index
      %get3A_708 = tpu.vector_load %arg16[%get3A_706, %get3A_707] {strides = array<i32>} : memref<512x32xf32, #tpu.memory_space<vmem>>, vector<16xf32>,
      %swap3A_709 = arith.index_cast %add3A_699 : i32 to index
      %swap3A_710 = arith.constant 48 : index
      %swap3A_711 = tpu.vector_load %arg17[%swap3A_709, %swap3A_710] {strides = array<i32>} : memref<512x65xf32, #tpu.memory_space<vmem>>, vector<16xf32>,
      tpu.vector_store %arg17[%swap3A_709, %swap3A_710], %get3A_708 {strides = array<i32>} : memref<512x65xf32, #tpu.memory_space<vmem>>, vector<16xf32>,
      %add3A_712 = arith.constant 14 : i32
      %add3A_713 = arith.addi %mul3A_318, %add3A_712 : i32
      %get3A_714 = arith.index_cast %add3A_713 : i32 to index
      %get3A_715 = arith.constant 0 : index
      %get3A_716 = tpu.vector_load %arg16[%get3A_714, %get3A_715] {strides = array<i32>} : memref<512x32xf32, #tpu.memory_space<vmem>>, vector<16xf32>,
      %swap3A_717 = arith.index_cast %add3A_713 : i32 to index
      %swap3A_718 = arith.constant 32 : index
      %swap3A_719 = tpu.vector_load %arg17[%swap3A_717, %swap3A_718] {strides = array<i32>} : memref<512x65xf32, #tpu.memory_space<vmem>>, vector<16xf32>,
      tpu.vector_store %arg17[%swap3A_717, %swap3A_718], %get3A_716 {strides = array<i32>} : memref<512x65xf32, #tpu.memory_space<vmem>>, vector<16xf32>,
      %get3A_720 = arith.index_cast %add3A_713 : i32 to index
      %get3A_721 = arith.constant 16 : index
      %get3A_722 = tpu.vector_load %arg16[%get3A_720, %get3A_721] {strides = array<i32>} : memref<512x32xf32, #tpu.memory_space<vmem>>, vector<16xf32>,
      %swap3A_723 = arith.index_cast %add3A_713 : i32 to index
      %swap3A_724 = arith.constant 48 : index
      %swap3A_725 = tpu.vector_load %arg17[%swap3A_723, %swap3A_724] {strides = array<i32>} : memref<512x65xf32, #tpu.memory_space<vmem>>, vector<16xf32>,
      tpu.vector_store %arg17[%swap3A_723, %swap3A_724], %get3A_722 {strides = array<i32>} : memref<512x65xf32, #tpu.memory_space<vmem>>, vector<16xf32>,
      %add3A_726 = arith.constant 15 : i32
      %add3A_727 = arith.addi %mul3A_318, %add3A_726 : i32
      %get3A_728 = arith.index_cast %add3A_727 : i32 to index
      %get3A_729 = arith.constant 0 : index
      %get3A_730 = tpu.vector_load %arg16[%get3A_728, %get3A_729] {strides = array<i32>} : memref<512x32xf32, #tpu.memory_space<vmem>>, vector<16xf32>,
      %swap3A_731 = arith.index_cast %add3A_727 : i32 to index
      %swap3A_732 = arith.constant 32 : index
      %swap3A_733 = tpu.vector_load %arg17[%swap3A_731, %swap3A_732] {strides = array<i32>} : memref<512x65xf32, #tpu.memory_space<vmem>>, vector<16xf32>,
      tpu.vector_store %arg17[%swap3A_731, %swap3A_732], %get3A_730 {strides = array<i32>} : memref<512x65xf32, #tpu.memory_space<vmem>>, vector<16xf32>,
      %get3A_734 = arith.index_cast %add3A_727 : i32 to index
      %get3A_735 = arith.constant 16 : index
      %get3A_736 = tpu.vector_load %arg16[%get3A_734, %get3A_735] {strides = array<i32>} : memref<512x32xf32, #tpu.memory_space<vmem>>, vector<16xf32>,
      %swap3A_737 = arith.index_cast %add3A_727 : i32 to index
      %swap3A_738 = arith.constant 48 : index
      %swap3A_739 = tpu.vector_load %arg17[%swap3A_737, %swap3A_738] {strides = array<i32>} : memref<512x65xf32, #tpu.memory_space<vmem>>, vector<16xf32>,
      tpu.vector_store %arg17[%swap3A_737, %swap3A_738], %get3A_736 {strides = array<i32>} : memref<512x65xf32, #tpu.memory_space<vmem>>, vector<16xf32>,
    }
    %scan3A_187 = arith.constant 8 : i32
    %add3A_188 = arith.constant 128 : i32
    %add3A_189 = arith.addi %mul3A_2, %add3A_188 : i32
    %dma_start3A_190 = arith.constant 128 : i32
    %dma_start3A_191 = arith.constant 0 : i32
    %dma_start3A_192 = tpu.memref_slice %arg17[%dma_start3A_190, %dma_start3A_191] : memref<512x65xf32, #tpu.memory_space<vmem>> -> memref<128x65xf32, #tpu.memory_space<vmem>>
    %dma_start3A_193 = arith.constant 0 : i32
    %dma_start3A_194 = tpu.memref_slice %arg8[%add3A_189, %dma_start3A_193] : memref<16384x65xf32, #tpu.memory_space<hbm>> -> memref<128x65xf32, #tpu.memory_space<hbm>>
    %dma_start3A_195 = arith.constant 0 : i32
    %dma_start3A_196 = tpu.memref_slice %arg8[%add3A_189, %dma_start3A_195] : memref<16384x65xf32, #tpu.memory_space<hbm>> -> memref<128x65xf32, #tpu.memory_space<hbm>>
    %dma_start3A_197 = arith.constant 128 : i32
    %dma_start3A_198 = arith.constant 0 : i32
    %dma_start3A_199 = tpu.memref_slice %arg17[%dma_start3A_197, %dma_start3A_198] : memref<512x65xf32, #tpu.memory_space<vmem>> -> memref<128x65xf32, #tpu.memory_space<vmem>>
    tpu.enqueue_dma source(%dma_start3A_199 : memref<128x65xf32, #tpu.memory_space<vmem>>) target(%dma_start3A_196 : memref<128x65xf32, #tpu.memory_space<hbm>>) target_semaphore(%arg20 : memref<!tpu.dma_semaphore, #tpu.memory_space<semaphore_mem>>)
    %dma_wait3A_200 = arith.constant 2 : i32
    %dma_wait3A_201 = arith.constant 256 : i32
    %dma_wait3A_202 = arith.constant 0 : i32
    %dma_wait3A_203 = tpu.memref_slice %arg15[%dma_wait3A_201, %dma_wait3A_202] : memref<512x128xf32, #tpu.memory_space<vmem>> -> memref<128x128xf32, #tpu.memory_space<vmem>>
    %dma_wait3A_204 = arith.constant 0 : i32
    %dma_wait3A_205 = tpu.memref_slice %arg9[%dma_wait3A_200, %dma_wait3A_204] : memref<4x128xi32, #tpu.memory_space<vmem>> -> memref<1x128xi32, #tpu.memory_space<vmem>>
    %dma_wait3A_206 = tpu.memref_squeeze %dma_wait3A_205 : memref<1x128xi32, #tpu.memory_space<vmem>> -> memref<128xi32, #tpu.memory_space<vmem>>
    %dma_wait3A_207 = arith.constant 0 : i32
    %dma_wait3A_208 = arith.constant 0 : i32
    %dma_wait3A_209 = tpu.memref_slice %arg4[%dma_wait3A_207, %dma_wait3A_208] : memref<262144x128xf32, #tpu.memory_space<hbm>> -> memref<262144x128xf32, #tpu.memory_space<hbm>>
    tpu.wait_indirect_dma semaphore(%arg18 : memref<!tpu.dma_semaphore, #tpu.memory_space<semaphore_mem>>) src(%dma_wait3A_209 : memref<262144x128xf32, #tpu.memory_space<hbm>>) dst(%dma_wait3A_203 : memref<128x128xf32, #tpu.memory_space<vmem>>)
    %dma_wait3A_210 = arith.constant 2 : i32
    %dma_wait3A_211 = arith.constant 256 : i32
    %dma_wait3A_212 = arith.constant 0 : i32
    %dma_wait3A_213 = tpu.memref_slice %arg16[%dma_wait3A_211, %dma_wait3A_212] : memref<512x32xf32, #tpu.memory_space<vmem>> -> memref<128x32xf32, #tpu.memory_space<vmem>>
    %dma_wait3A_214 = arith.constant 0 : i32
    %dma_wait3A_215 = tpu.memref_slice %arg11[%dma_wait3A_210, %dma_wait3A_214] : memref<4x128xi32, #tpu.memory_space<vmem>> -> memref<1x128xi32, #tpu.memory_space<vmem>>
    %dma_wait3A_216 = tpu.memref_squeeze %dma_wait3A_215 : memref<1x128xi32, #tpu.memory_space<vmem>> -> memref<128xi32, #tpu.memory_space<vmem>>
    %dma_wait3A_217 = arith.constant 0 : i32
    %dma_wait3A_218 = arith.constant 0 : i32
    %dma_wait3A_219 = tpu.memref_slice %arg5[%dma_wait3A_217, %dma_wait3A_218] : memref<1001x32xf32, #tpu.memory_space<hbm>> -> memref<1001x32xf32, #tpu.memory_space<hbm>>
    tpu.wait_indirect_dma semaphore(%arg19 : memref<!tpu.dma_semaphore, #tpu.memory_space<semaphore_mem>>) src(%dma_wait3A_219 : memref<1001x32xf32, #tpu.memory_space<hbm>>) dst(%dma_wait3A_213 : memref<128x32xf32, #tpu.memory_space<vmem>>)
    %scan3A_220 = arith.constant 0 : i32
    %scan3A_221 = arith.constant 16 : i32
    %scan3A_222 = arith.constant 8 : i32
    %scan3A_223 = arith.addi %scan3A_221, %scan3A_222 : i32
    %scan3A_224 = arith.constant 1 : i32
    scf.for %scan3A_316 = %scan3A_221 to %scan3A_223 step %scan3A_224  : i32 {
      %mul3A_317 = arith.constant 16 : i32
      %mul3A_318 = arith.muli %scan3A_316, %mul3A_317 : i32
      %get3A_319 = arith.index_cast %mul3A_318 : i32 to index
      %get3A_320 = tpu.vector_load %arg12[%get3A_319] {strides = array<i32>} : memref<512xf32, #tpu.memory_space<vmem>>, vector<16xf32>,
      %sub3A = arith.subf %get3A_320, %get3A_122 : vector<16xf32>
      %div3A = arith.divf %sub3A, %get3A_124 : vector<16xf32>
      %add3A_321 = vector.broadcast %mul3A_318 : i32 to vector<16xi32>
      %add3A_322 = arith.addi %add3A_321, %iota3A : vector<16xi32>
      %broadcast_in_dim3A = arith.constant 64 : i32
      %broadcast_in_dim3A_323 = vector.broadcast %broadcast_in_dim3A : i32 to vector<16xi32>
      tpu.vector_store_idx %arg17[%add3A_322, %broadcast_in_dim3A_323], %div3A : memref<512x65xf32, #tpu.memory_space<vmem>>[vector<16xi32>, vector<16xi32>], vector<16xf32>,
      %get3A_324 = arith.index_cast %mul3A_318 : i32 to index
      %get3A_325 = tpu.vector_load %arg10[%get3A_324] {strides = array<i32>} : memref<512xi32, #tpu.memory_space<vmem>>, vector<16xi32>,
      %add3A_326 = arith.constant 0 : i32
      %add3A_327 = vector.broadcast %add3A_326 : i32 to vector<16xi32>
      %add3A_328 = arith.addi %get3A_325, %add3A_327 : vector<16xi32>
      %gather3A = tpu.vector_load_idx %arg15[%add3A_322, %add3A_328] : memref<512x128xf32, #tpu.memory_space<vmem>>[vector<16xi32>, vector<16xi32>], vector<16xf32>,
      %broadcast_in_dim3A_329 = arith.constant 0 : i32
      %broadcast_in_dim3A_330 = vector.broadcast %broadcast_in_dim3A_329 : i32 to vector<16xi32>
      tpu.vector_store_idx %arg17[%add3A_322, %broadcast_in_dim3A_330], %gather3A : memref<512x65xf32, #tpu.memory_space<vmem>>[vector<16xi32>, vector<16xi32>], vector<16xf32>,
      %add3A_331 = arith.constant 1 : i32
      %add3A_332 = vector.broadcast %add3A_331 : i32 to vector<16xi32>
      %add3A_333 = arith.addi %get3A_325, %add3A_332 : vector<16xi32>
      %gather3A_334 = tpu.vector_load_idx %arg15[%add3A_322, %add3A_333] : memref<512x128xf32, #tpu.memory_space<vmem>>[vector<16xi32>, vector<16xi32>], vector<16xf32>,
      %broadcast_in_dim3A_335 = arith.constant 1 : i32
      %broadcast_in_dim3A_336 = vector.broadcast %broadcast_in_dim3A_335 : i32 to vector<16xi32>
      tpu.vector_store_idx %arg17[%add3A_322, %broadcast_in_dim3A_336], %gather3A_334 : memref<512x65xf32, #tpu.memory_space<vmem>>[vector<16xi32>, vector<16xi32>], vector<16xf32>,
      %add3A_337 = arith.constant 2 : i32
      %add3A_338 = vector.broadcast %add3A_337 : i32 to vector<16xi32>
      %add3A_339 = arith.addi %get3A_325, %add3A_338 : vector<16xi32>
      %gather3A_340 = tpu.vector_load_idx %arg15[%add3A_322, %add3A_339] : memref<512x128xf32, #tpu.memory_space<vmem>>[vector<16xi32>, vector<16xi32>], vector<16xf32>,
      %broadcast_in_dim3A_341 = arith.constant 2 : i32
      %broadcast_in_dim3A_342 = vector.broadcast %broadcast_in_dim3A_341 : i32 to vector<16xi32>
      tpu.vector_store_idx %arg17[%add3A_322, %broadcast_in_dim3A_342], %gather3A_340 : memref<512x65xf32, #tpu.memory_space<vmem>>[vector<16xi32>, vector<16xi32>], vector<16xf32>,
      %add3A_343 = arith.constant 3 : i32
      %add3A_344 = vector.broadcast %add3A_343 : i32 to vector<16xi32>
      %add3A_345 = arith.addi %get3A_325, %add3A_344 : vector<16xi32>
      %gather3A_346 = tpu.vector_load_idx %arg15[%add3A_322, %add3A_345] : memref<512x128xf32, #tpu.memory_space<vmem>>[vector<16xi32>, vector<16xi32>], vector<16xf32>,
      %broadcast_in_dim3A_347 = arith.constant 3 : i32
      %broadcast_in_dim3A_348 = vector.broadcast %broadcast_in_dim3A_347 : i32 to vector<16xi32>
      tpu.vector_store_idx %arg17[%add3A_322, %broadcast_in_dim3A_348], %gather3A_346 : memref<512x65xf32, #tpu.memory_space<vmem>>[vector<16xi32>, vector<16xi32>], vector<16xf32>,
      %add3A_349 = arith.constant 4 : i32
      %add3A_350 = vector.broadcast %add3A_349 : i32 to vector<16xi32>
      %add3A_351 = arith.addi %get3A_325, %add3A_350 : vector<16xi32>
      %gather3A_352 = tpu.vector_load_idx %arg15[%add3A_322, %add3A_351] : memref<512x128xf32, #tpu.memory_space<vmem>>[vector<16xi32>, vector<16xi32>], vector<16xf32>,
      %broadcast_in_dim3A_353 = arith.constant 4 : i32
      %broadcast_in_dim3A_354 = vector.broadcast %broadcast_in_dim3A_353 : i32 to vector<16xi32>
      tpu.vector_store_idx %arg17[%add3A_322, %broadcast_in_dim3A_354], %gather3A_352 : memref<512x65xf32, #tpu.memory_space<vmem>>[vector<16xi32>, vector<16xi32>], vector<16xf32>,
      %add3A_355 = arith.constant 5 : i32
      %add3A_356 = vector.broadcast %add3A_355 : i32 to vector<16xi32>
      %add3A_357 = arith.addi %get3A_325, %add3A_356 : vector<16xi32>
      %gather3A_358 = tpu.vector_load_idx %arg15[%add3A_322, %add3A_357] : memref<512x128xf32, #tpu.memory_space<vmem>>[vector<16xi32>, vector<16xi32>], vector<16xf32>,
      %broadcast_in_dim3A_359 = arith.constant 5 : i32
      %broadcast_in_dim3A_360 = vector.broadcast %broadcast_in_dim3A_359 : i32 to vector<16xi32>
      tpu.vector_store_idx %arg17[%add3A_322, %broadcast_in_dim3A_360], %gather3A_358 : memref<512x65xf32, #tpu.memory_space<vmem>>[vector<16xi32>, vector<16xi32>], vector<16xf32>,
      %add3A_361 = arith.constant 6 : i32
      %add3A_362 = vector.broadcast %add3A_361 : i32 to vector<16xi32>
      %add3A_363 = arith.addi %get3A_325, %add3A_362 : vector<16xi32>
      %gather3A_364 = tpu.vector_load_idx %arg15[%add3A_322, %add3A_363] : memref<512x128xf32, #tpu.memory_space<vmem>>[vector<16xi32>, vector<16xi32>], vector<16xf32>,
      %broadcast_in_dim3A_365 = arith.constant 6 : i32
      %broadcast_in_dim3A_366 = vector.broadcast %broadcast_in_dim3A_365 : i32 to vector<16xi32>
      tpu.vector_store_idx %arg17[%add3A_322, %broadcast_in_dim3A_366], %gather3A_364 : memref<512x65xf32, #tpu.memory_space<vmem>>[vector<16xi32>, vector<16xi32>], vector<16xf32>,
      %add3A_367 = arith.constant 7 : i32
      %add3A_368 = vector.broadcast %add3A_367 : i32 to vector<16xi32>
      %add3A_369 = arith.addi %get3A_325, %add3A_368 : vector<16xi32>
      %gather3A_370 = tpu.vector_load_idx %arg15[%add3A_322, %add3A_369] : memref<512x128xf32, #tpu.memory_space<vmem>>[vector<16xi32>, vector<16xi32>], vector<16xf32>,
      %broadcast_in_dim3A_371 = arith.constant 7 : i32
      %broadcast_in_dim3A_372 = vector.broadcast %broadcast_in_dim3A_371 : i32 to vector<16xi32>
      tpu.vector_store_idx %arg17[%add3A_322, %broadcast_in_dim3A_372], %gather3A_370 : memref<512x65xf32, #tpu.memory_space<vmem>>[vector<16xi32>, vector<16xi32>], vector<16xf32>,
      %add3A_373 = arith.constant 8 : i32
      %add3A_374 = vector.broadcast %add3A_373 : i32 to vector<16xi32>
      %add3A_375 = arith.addi %get3A_325, %add3A_374 : vector<16xi32>
      %gather3A_376 = tpu.vector_load_idx %arg15[%add3A_322, %add3A_375] : memref<512x128xf32, #tpu.memory_space<vmem>>[vector<16xi32>, vector<16xi32>], vector<16xf32>,
      %broadcast_in_dim3A_377 = arith.constant 8 : i32
      %broadcast_in_dim3A_378 = vector.broadcast %broadcast_in_dim3A_377 : i32 to vector<16xi32>
      tpu.vector_store_idx %arg17[%add3A_322, %broadcast_in_dim3A_378], %gather3A_376 : memref<512x65xf32, #tpu.memory_space<vmem>>[vector<16xi32>, vector<16xi32>], vector<16xf32>,
      %add3A_379 = arith.constant 9 : i32
      %add3A_380 = vector.broadcast %add3A_379 : i32 to vector<16xi32>
      %add3A_381 = arith.addi %get3A_325, %add3A_380 : vector<16xi32>
      %gather3A_382 = tpu.vector_load_idx %arg15[%add3A_322, %add3A_381] : memref<512x128xf32, #tpu.memory_space<vmem>>[vector<16xi32>, vector<16xi32>], vector<16xf32>,
      %broadcast_in_dim3A_383 = arith.constant 9 : i32
      %broadcast_in_dim3A_384 = vector.broadcast %broadcast_in_dim3A_383 : i32 to vector<16xi32>
      tpu.vector_store_idx %arg17[%add3A_322, %broadcast_in_dim3A_384], %gather3A_382 : memref<512x65xf32, #tpu.memory_space<vmem>>[vector<16xi32>, vector<16xi32>], vector<16xf32>,
      %add3A_385 = arith.constant 10 : i32
      %add3A_386 = vector.broadcast %add3A_385 : i32 to vector<16xi32>
      %add3A_387 = arith.addi %get3A_325, %add3A_386 : vector<16xi32>
      %gather3A_388 = tpu.vector_load_idx %arg15[%add3A_322, %add3A_387] : memref<512x128xf32, #tpu.memory_space<vmem>>[vector<16xi32>, vector<16xi32>], vector<16xf32>,
      %broadcast_in_dim3A_389 = arith.constant 10 : i32
      %broadcast_in_dim3A_390 = vector.broadcast %broadcast_in_dim3A_389 : i32 to vector<16xi32>
      tpu.vector_store_idx %arg17[%add3A_322, %broadcast_in_dim3A_390], %gather3A_388 : memref<512x65xf32, #tpu.memory_space<vmem>>[vector<16xi32>, vector<16xi32>], vector<16xf32>,
      %add3A_391 = arith.constant 11 : i32
      %add3A_392 = vector.broadcast %add3A_391 : i32 to vector<16xi32>
      %add3A_393 = arith.addi %get3A_325, %add3A_392 : vector<16xi32>
      %gather3A_394 = tpu.vector_load_idx %arg15[%add3A_322, %add3A_393] : memref<512x128xf32, #tpu.memory_space<vmem>>[vector<16xi32>, vector<16xi32>], vector<16xf32>,
      %broadcast_in_dim3A_395 = arith.constant 11 : i32
      %broadcast_in_dim3A_396 = vector.broadcast %broadcast_in_dim3A_395 : i32 to vector<16xi32>
      tpu.vector_store_idx %arg17[%add3A_322, %broadcast_in_dim3A_396], %gather3A_394 : memref<512x65xf32, #tpu.memory_space<vmem>>[vector<16xi32>, vector<16xi32>], vector<16xf32>,
      %add3A_397 = arith.constant 12 : i32
      %add3A_398 = vector.broadcast %add3A_397 : i32 to vector<16xi32>
      %add3A_399 = arith.addi %get3A_325, %add3A_398 : vector<16xi32>
      %gather3A_400 = tpu.vector_load_idx %arg15[%add3A_322, %add3A_399] : memref<512x128xf32, #tpu.memory_space<vmem>>[vector<16xi32>, vector<16xi32>], vector<16xf32>,
      %broadcast_in_dim3A_401 = arith.constant 12 : i32
      %broadcast_in_dim3A_402 = vector.broadcast %broadcast_in_dim3A_401 : i32 to vector<16xi32>
      tpu.vector_store_idx %arg17[%add3A_322, %broadcast_in_dim3A_402], %gather3A_400 : memref<512x65xf32, #tpu.memory_space<vmem>>[vector<16xi32>, vector<16xi32>], vector<16xf32>,
      %add3A_403 = arith.constant 13 : i32
      %add3A_404 = vector.broadcast %add3A_403 : i32 to vector<16xi32>
      %add3A_405 = arith.addi %get3A_325, %add3A_404 : vector<16xi32>
      %gather3A_406 = tpu.vector_load_idx %arg15[%add3A_322, %add3A_405] : memref<512x128xf32, #tpu.memory_space<vmem>>[vector<16xi32>, vector<16xi32>], vector<16xf32>,
      %broadcast_in_dim3A_407 = arith.constant 13 : i32
      %broadcast_in_dim3A_408 = vector.broadcast %broadcast_in_dim3A_407 : i32 to vector<16xi32>
      tpu.vector_store_idx %arg17[%add3A_322, %broadcast_in_dim3A_408], %gather3A_406 : memref<512x65xf32, #tpu.memory_space<vmem>>[vector<16xi32>, vector<16xi32>], vector<16xf32>,
      %add3A_409 = arith.constant 14 : i32
      %add3A_410 = vector.broadcast %add3A_409 : i32 to vector<16xi32>
      %add3A_411 = arith.addi %get3A_325, %add3A_410 : vector<16xi32>
      %gather3A_412 = tpu.vector_load_idx %arg15[%add3A_322, %add3A_411] : memref<512x128xf32, #tpu.memory_space<vmem>>[vector<16xi32>, vector<16xi32>], vector<16xf32>,
      %broadcast_in_dim3A_413 = arith.constant 14 : i32
      %broadcast_in_dim3A_414 = vector.broadcast %broadcast_in_dim3A_413 : i32 to vector<16xi32>
      tpu.vector_store_idx %arg17[%add3A_322, %broadcast_in_dim3A_414], %gather3A_412 : memref<512x65xf32, #tpu.memory_space<vmem>>[vector<16xi32>, vector<16xi32>], vector<16xf32>,
      %add3A_415 = arith.constant 15 : i32
      %add3A_416 = vector.broadcast %add3A_415 : i32 to vector<16xi32>
      %add3A_417 = arith.addi %get3A_325, %add3A_416 : vector<16xi32>
      %gather3A_418 = tpu.vector_load_idx %arg15[%add3A_322, %add3A_417] : memref<512x128xf32, #tpu.memory_space<vmem>>[vector<16xi32>, vector<16xi32>], vector<16xf32>,
      %broadcast_in_dim3A_419 = arith.constant 15 : i32
      %broadcast_in_dim3A_420 = vector.broadcast %broadcast_in_dim3A_419 : i32 to vector<16xi32>
      tpu.vector_store_idx %arg17[%add3A_322, %broadcast_in_dim3A_420], %gather3A_418 : memref<512x65xf32, #tpu.memory_space<vmem>>[vector<16xi32>, vector<16xi32>], vector<16xf32>,
      %add3A_421 = arith.constant 16 : i32
      %add3A_422 = vector.broadcast %add3A_421 : i32 to vector<16xi32>
      %add3A_423 = arith.addi %get3A_325, %add3A_422 : vector<16xi32>
      %gather3A_424 = tpu.vector_load_idx %arg15[%add3A_322, %add3A_423] : memref<512x128xf32, #tpu.memory_space<vmem>>[vector<16xi32>, vector<16xi32>], vector<16xf32>,
      %broadcast_in_dim3A_425 = arith.constant 16 : i32
      %broadcast_in_dim3A_426 = vector.broadcast %broadcast_in_dim3A_425 : i32 to vector<16xi32>
      tpu.vector_store_idx %arg17[%add3A_322, %broadcast_in_dim3A_426], %gather3A_424 : memref<512x65xf32, #tpu.memory_space<vmem>>[vector<16xi32>, vector<16xi32>], vector<16xf32>,
      %add3A_427 = arith.constant 17 : i32
      %add3A_428 = vector.broadcast %add3A_427 : i32 to vector<16xi32>
      %add3A_429 = arith.addi %get3A_325, %add3A_428 : vector<16xi32>
      %gather3A_430 = tpu.vector_load_idx %arg15[%add3A_322, %add3A_429] : memref<512x128xf32, #tpu.memory_space<vmem>>[vector<16xi32>, vector<16xi32>], vector<16xf32>,
      %broadcast_in_dim3A_431 = arith.constant 17 : i32
      %broadcast_in_dim3A_432 = vector.broadcast %broadcast_in_dim3A_431 : i32 to vector<16xi32>
      tpu.vector_store_idx %arg17[%add3A_322, %broadcast_in_dim3A_432], %gather3A_430 : memref<512x65xf32, #tpu.memory_space<vmem>>[vector<16xi32>, vector<16xi32>], vector<16xf32>,
      %add3A_433 = arith.constant 18 : i32
      %add3A_434 = vector.broadcast %add3A_433 : i32 to vector<16xi32>
      %add3A_435 = arith.addi %get3A_325, %add3A_434 : vector<16xi32>
      %gather3A_436 = tpu.vector_load_idx %arg15[%add3A_322, %add3A_435] : memref<512x128xf32, #tpu.memory_space<vmem>>[vector<16xi32>, vector<16xi32>], vector<16xf32>,
      %broadcast_in_dim3A_437 = arith.constant 18 : i32
      %broadcast_in_dim3A_438 = vector.broadcast %broadcast_in_dim3A_437 : i32 to vector<16xi32>
      tpu.vector_store_idx %arg17[%add3A_322, %broadcast_in_dim3A_438], %gather3A_436 : memref<512x65xf32, #tpu.memory_space<vmem>>[vector<16xi32>, vector<16xi32>], vector<16xf32>,
      %add3A_439 = arith.constant 19 : i32
      %add3A_440 = vector.broadcast %add3A_439 : i32 to vector<16xi32>
      %add3A_441 = arith.addi %get3A_325, %add3A_440 : vector<16xi32>
      %gather3A_442 = tpu.vector_load_idx %arg15[%add3A_322, %add3A_441] : memref<512x128xf32, #tpu.memory_space<vmem>>[vector<16xi32>, vector<16xi32>], vector<16xf32>,
      %broadcast_in_dim3A_443 = arith.constant 19 : i32
      %broadcast_in_dim3A_444 = vector.broadcast %broadcast_in_dim3A_443 : i32 to vector<16xi32>
      tpu.vector_store_idx %arg17[%add3A_322, %broadcast_in_dim3A_444], %gather3A_442 : memref<512x65xf32, #tpu.memory_space<vmem>>[vector<16xi32>, vector<16xi32>], vector<16xf32>,
      %add3A_445 = arith.constant 20 : i32
      %add3A_446 = vector.broadcast %add3A_445 : i32 to vector<16xi32>
      %add3A_447 = arith.addi %get3A_325, %add3A_446 : vector<16xi32>
      %gather3A_448 = tpu.vector_load_idx %arg15[%add3A_322, %add3A_447] : memref<512x128xf32, #tpu.memory_space<vmem>>[vector<16xi32>, vector<16xi32>], vector<16xf32>,
      %broadcast_in_dim3A_449 = arith.constant 20 : i32
      %broadcast_in_dim3A_450 = vector.broadcast %broadcast_in_dim3A_449 : i32 to vector<16xi32>
      tpu.vector_store_idx %arg17[%add3A_322, %broadcast_in_dim3A_450], %gather3A_448 : memref<512x65xf32, #tpu.memory_space<vmem>>[vector<16xi32>, vector<16xi32>], vector<16xf32>,
      %add3A_451 = arith.constant 21 : i32
      %add3A_452 = vector.broadcast %add3A_451 : i32 to vector<16xi32>
      %add3A_453 = arith.addi %get3A_325, %add3A_452 : vector<16xi32>
      %gather3A_454 = tpu.vector_load_idx %arg15[%add3A_322, %add3A_453] : memref<512x128xf32, #tpu.memory_space<vmem>>[vector<16xi32>, vector<16xi32>], vector<16xf32>,
      %broadcast_in_dim3A_455 = arith.constant 21 : i32
      %broadcast_in_dim3A_456 = vector.broadcast %broadcast_in_dim3A_455 : i32 to vector<16xi32>
      tpu.vector_store_idx %arg17[%add3A_322, %broadcast_in_dim3A_456], %gather3A_454 : memref<512x65xf32, #tpu.memory_space<vmem>>[vector<16xi32>, vector<16xi32>], vector<16xf32>,
      %add3A_457 = arith.constant 22 : i32
      %add3A_458 = vector.broadcast %add3A_457 : i32 to vector<16xi32>
      %add3A_459 = arith.addi %get3A_325, %add3A_458 : vector<16xi32>
      %gather3A_460 = tpu.vector_load_idx %arg15[%add3A_322, %add3A_459] : memref<512x128xf32, #tpu.memory_space<vmem>>[vector<16xi32>, vector<16xi32>], vector<16xf32>,
      %broadcast_in_dim3A_461 = arith.constant 22 : i32
      %broadcast_in_dim3A_462 = vector.broadcast %broadcast_in_dim3A_461 : i32 to vector<16xi32>
      tpu.vector_store_idx %arg17[%add3A_322, %broadcast_in_dim3A_462], %gather3A_460 : memref<512x65xf32, #tpu.memory_space<vmem>>[vector<16xi32>, vector<16xi32>], vector<16xf32>,
      %add3A_463 = arith.constant 23 : i32
      %add3A_464 = vector.broadcast %add3A_463 : i32 to vector<16xi32>
      %add3A_465 = arith.addi %get3A_325, %add3A_464 : vector<16xi32>
      %gather3A_466 = tpu.vector_load_idx %arg15[%add3A_322, %add3A_465] : memref<512x128xf32, #tpu.memory_space<vmem>>[vector<16xi32>, vector<16xi32>], vector<16xf32>,
      %broadcast_in_dim3A_467 = arith.constant 23 : i32
      %broadcast_in_dim3A_468 = vector.broadcast %broadcast_in_dim3A_467 : i32 to vector<16xi32>
      tpu.vector_store_idx %arg17[%add3A_322, %broadcast_in_dim3A_468], %gather3A_466 : memref<512x65xf32, #tpu.memory_space<vmem>>[vector<16xi32>, vector<16xi32>], vector<16xf32>,
      %add3A_469 = arith.constant 24 : i32
      %add3A_470 = vector.broadcast %add3A_469 : i32 to vector<16xi32>
      %add3A_471 = arith.addi %get3A_325, %add3A_470 : vector<16xi32>
      %gather3A_472 = tpu.vector_load_idx %arg15[%add3A_322, %add3A_471] : memref<512x128xf32, #tpu.memory_space<vmem>>[vector<16xi32>, vector<16xi32>], vector<16xf32>,
      %broadcast_in_dim3A_473 = arith.constant 24 : i32
      %broadcast_in_dim3A_474 = vector.broadcast %broadcast_in_dim3A_473 : i32 to vector<16xi32>
      tpu.vector_store_idx %arg17[%add3A_322, %broadcast_in_dim3A_474], %gather3A_472 : memref<512x65xf32, #tpu.memory_space<vmem>>[vector<16xi32>, vector<16xi32>], vector<16xf32>,
      %add3A_475 = arith.constant 25 : i32
      %add3A_476 = vector.broadcast %add3A_475 : i32 to vector<16xi32>
      %add3A_477 = arith.addi %get3A_325, %add3A_476 : vector<16xi32>
      %gather3A_478 = tpu.vector_load_idx %arg15[%add3A_322, %add3A_477] : memref<512x128xf32, #tpu.memory_space<vmem>>[vector<16xi32>, vector<16xi32>], vector<16xf32>,
      %broadcast_in_dim3A_479 = arith.constant 25 : i32
      %broadcast_in_dim3A_480 = vector.broadcast %broadcast_in_dim3A_479 : i32 to vector<16xi32>
      tpu.vector_store_idx %arg17[%add3A_322, %broadcast_in_dim3A_480], %gather3A_478 : memref<512x65xf32, #tpu.memory_space<vmem>>[vector<16xi32>, vector<16xi32>], vector<16xf32>,
      %add3A_481 = arith.constant 26 : i32
      %add3A_482 = vector.broadcast %add3A_481 : i32 to vector<16xi32>
      %add3A_483 = arith.addi %get3A_325, %add3A_482 : vector<16xi32>
      %gather3A_484 = tpu.vector_load_idx %arg15[%add3A_322, %add3A_483] : memref<512x128xf32, #tpu.memory_space<vmem>>[vector<16xi32>, vector<16xi32>], vector<16xf32>,
      %broadcast_in_dim3A_485 = arith.constant 26 : i32
      %broadcast_in_dim3A_486 = vector.broadcast %broadcast_in_dim3A_485 : i32 to vector<16xi32>
      tpu.vector_store_idx %arg17[%add3A_322, %broadcast_in_dim3A_486], %gather3A_484 : memref<512x65xf32, #tpu.memory_space<vmem>>[vector<16xi32>, vector<16xi32>], vector<16xf32>,
      %add3A_487 = arith.constant 27 : i32
      %add3A_488 = vector.broadcast %add3A_487 : i32 to vector<16xi32>
      %add3A_489 = arith.addi %get3A_325, %add3A_488 : vector<16xi32>
      %gather3A_490 = tpu.vector_load_idx %arg15[%add3A_322, %add3A_489] : memref<512x128xf32, #tpu.memory_space<vmem>>[vector<16xi32>, vector<16xi32>], vector<16xf32>,
      %broadcast_in_dim3A_491 = arith.constant 27 : i32
      %broadcast_in_dim3A_492 = vector.broadcast %broadcast_in_dim3A_491 : i32 to vector<16xi32>
      tpu.vector_store_idx %arg17[%add3A_322, %broadcast_in_dim3A_492], %gather3A_490 : memref<512x65xf32, #tpu.memory_space<vmem>>[vector<16xi32>, vector<16xi32>], vector<16xf32>,
      %add3A_493 = arith.constant 28 : i32
      %add3A_494 = vector.broadcast %add3A_493 : i32 to vector<16xi32>
      %add3A_495 = arith.addi %get3A_325, %add3A_494 : vector<16xi32>
      %gather3A_496 = tpu.vector_load_idx %arg15[%add3A_322, %add3A_495] : memref<512x128xf32, #tpu.memory_space<vmem>>[vector<16xi32>, vector<16xi32>], vector<16xf32>,
      %broadcast_in_dim3A_497 = arith.constant 28 : i32
      %broadcast_in_dim3A_498 = vector.broadcast %broadcast_in_dim3A_497 : i32 to vector<16xi32>
      tpu.vector_store_idx %arg17[%add3A_322, %broadcast_in_dim3A_498], %gather3A_496 : memref<512x65xf32, #tpu.memory_space<vmem>>[vector<16xi32>, vector<16xi32>], vector<16xf32>,
      %add3A_499 = arith.constant 29 : i32
      %add3A_500 = vector.broadcast %add3A_499 : i32 to vector<16xi32>
      %add3A_501 = arith.addi %get3A_325, %add3A_500 : vector<16xi32>
      %gather3A_502 = tpu.vector_load_idx %arg15[%add3A_322, %add3A_501] : memref<512x128xf32, #tpu.memory_space<vmem>>[vector<16xi32>, vector<16xi32>], vector<16xf32>,
      %broadcast_in_dim3A_503 = arith.constant 29 : i32
      %broadcast_in_dim3A_504 = vector.broadcast %broadcast_in_dim3A_503 : i32 to vector<16xi32>
      tpu.vector_store_idx %arg17[%add3A_322, %broadcast_in_dim3A_504], %gather3A_502 : memref<512x65xf32, #tpu.memory_space<vmem>>[vector<16xi32>, vector<16xi32>], vector<16xf32>,
      %add3A_505 = arith.constant 30 : i32
      %add3A_506 = vector.broadcast %add3A_505 : i32 to vector<16xi32>
      %add3A_507 = arith.addi %get3A_325, %add3A_506 : vector<16xi32>
      %gather3A_508 = tpu.vector_load_idx %arg15[%add3A_322, %add3A_507] : memref<512x128xf32, #tpu.memory_space<vmem>>[vector<16xi32>, vector<16xi32>], vector<16xf32>,
      %broadcast_in_dim3A_509 = arith.constant 30 : i32
      %broadcast_in_dim3A_510 = vector.broadcast %broadcast_in_dim3A_509 : i32 to vector<16xi32>
      tpu.vector_store_idx %arg17[%add3A_322, %broadcast_in_dim3A_510], %gather3A_508 : memref<512x65xf32, #tpu.memory_space<vmem>>[vector<16xi32>, vector<16xi32>], vector<16xf32>,
      %add3A_511 = arith.constant 31 : i32
      %add3A_512 = vector.broadcast %add3A_511 : i32 to vector<16xi32>
      %add3A_513 = arith.addi %get3A_325, %add3A_512 : vector<16xi32>
      %gather3A_514 = tpu.vector_load_idx %arg15[%add3A_322, %add3A_513] : memref<512x128xf32, #tpu.memory_space<vmem>>[vector<16xi32>, vector<16xi32>], vector<16xf32>,
      %broadcast_in_dim3A_515 = arith.constant 31 : i32
      %broadcast_in_dim3A_516 = vector.broadcast %broadcast_in_dim3A_515 : i32 to vector<16xi32>
      tpu.vector_store_idx %arg17[%add3A_322, %broadcast_in_dim3A_516], %gather3A_514 : memref<512x65xf32, #tpu.memory_space<vmem>>[vector<16xi32>, vector<16xi32>], vector<16xf32>,
      %add3A_517 = arith.constant 0 : i32
      %add3A_518 = arith.addi %mul3A_318, %add3A_517 : i32
      %get3A_519 = arith.index_cast %add3A_518 : i32 to index
      %get3A_520 = arith.constant 0 : index
      %get3A_521 = tpu.vector_load %arg16[%get3A_519, %get3A_520] {strides = array<i32>} : memref<512x32xf32, #tpu.memory_space<vmem>>, vector<16xf32>,
      %swap3A = arith.index_cast %add3A_518 : i32 to index
      %swap3A_522 = arith.constant 32 : index
      %swap3A_523 = tpu.vector_load %arg17[%swap3A, %swap3A_522] {strides = array<i32>} : memref<512x65xf32, #tpu.memory_space<vmem>>, vector<16xf32>,
      tpu.vector_store %arg17[%swap3A, %swap3A_522], %get3A_521 {strides = array<i32>} : memref<512x65xf32, #tpu.memory_space<vmem>>, vector<16xf32>,
      %get3A_524 = arith.index_cast %add3A_518 : i32 to index
      %get3A_525 = arith.constant 16 : index
      %get3A_526 = tpu.vector_load %arg16[%get3A_524, %get3A_525] {strides = array<i32>} : memref<512x32xf32, #tpu.memory_space<vmem>>, vector<16xf32>,
      %swap3A_527 = arith.index_cast %add3A_518 : i32 to index
      %swap3A_528 = arith.constant 48 : index
      %swap3A_529 = tpu.vector_load %arg17[%swap3A_527, %swap3A_528] {strides = array<i32>} : memref<512x65xf32, #tpu.memory_space<vmem>>, vector<16xf32>,
      tpu.vector_store %arg17[%swap3A_527, %swap3A_528], %get3A_526 {strides = array<i32>} : memref<512x65xf32, #tpu.memory_space<vmem>>, vector<16xf32>,
      %add3A_530 = arith.constant 1 : i32
      %add3A_531 = arith.addi %mul3A_318, %add3A_530 : i32
      %get3A_532 = arith.index_cast %add3A_531 : i32 to index
      %get3A_533 = arith.constant 0 : index
      %get3A_534 = tpu.vector_load %arg16[%get3A_532, %get3A_533] {strides = array<i32>} : memref<512x32xf32, #tpu.memory_space<vmem>>, vector<16xf32>,
      %swap3A_535 = arith.index_cast %add3A_531 : i32 to index
      %swap3A_536 = arith.constant 32 : index
      %swap3A_537 = tpu.vector_load %arg17[%swap3A_535, %swap3A_536] {strides = array<i32>} : memref<512x65xf32, #tpu.memory_space<vmem>>, vector<16xf32>,
      tpu.vector_store %arg17[%swap3A_535, %swap3A_536], %get3A_534 {strides = array<i32>} : memref<512x65xf32, #tpu.memory_space<vmem>>, vector<16xf32>,
      %get3A_538 = arith.index_cast %add3A_531 : i32 to index
      %get3A_539 = arith.constant 16 : index
      %get3A_540 = tpu.vector_load %arg16[%get3A_538, %get3A_539] {strides = array<i32>} : memref<512x32xf32, #tpu.memory_space<vmem>>, vector<16xf32>,
      %swap3A_541 = arith.index_cast %add3A_531 : i32 to index
      %swap3A_542 = arith.constant 48 : index
      %swap3A_543 = tpu.vector_load %arg17[%swap3A_541, %swap3A_542] {strides = array<i32>} : memref<512x65xf32, #tpu.memory_space<vmem>>, vector<16xf32>,
      tpu.vector_store %arg17[%swap3A_541, %swap3A_542], %get3A_540 {strides = array<i32>} : memref<512x65xf32, #tpu.memory_space<vmem>>, vector<16xf32>,
      %add3A_544 = arith.constant 2 : i32
      %add3A_545 = arith.addi %mul3A_318, %add3A_544 : i32
      %get3A_546 = arith.index_cast %add3A_545 : i32 to index
      %get3A_547 = arith.constant 0 : index
      %get3A_548 = tpu.vector_load %arg16[%get3A_546, %get3A_547] {strides = array<i32>} : memref<512x32xf32, #tpu.memory_space<vmem>>, vector<16xf32>,
      %swap3A_549 = arith.index_cast %add3A_545 : i32 to index
      %swap3A_550 = arith.constant 32 : index
      %swap3A_551 = tpu.vector_load %arg17[%swap3A_549, %swap3A_550] {strides = array<i32>} : memref<512x65xf32, #tpu.memory_space<vmem>>, vector<16xf32>,
      tpu.vector_store %arg17[%swap3A_549, %swap3A_550], %get3A_548 {strides = array<i32>} : memref<512x65xf32, #tpu.memory_space<vmem>>, vector<16xf32>,
      %get3A_552 = arith.index_cast %add3A_545 : i32 to index
      %get3A_553 = arith.constant 16 : index
      %get3A_554 = tpu.vector_load %arg16[%get3A_552, %get3A_553] {strides = array<i32>} : memref<512x32xf32, #tpu.memory_space<vmem>>, vector<16xf32>,
      %swap3A_555 = arith.index_cast %add3A_545 : i32 to index
      %swap3A_556 = arith.constant 48 : index
      %swap3A_557 = tpu.vector_load %arg17[%swap3A_555, %swap3A_556] {strides = array<i32>} : memref<512x65xf32, #tpu.memory_space<vmem>>, vector<16xf32>,
      tpu.vector_store %arg17[%swap3A_555, %swap3A_556], %get3A_554 {strides = array<i32>} : memref<512x65xf32, #tpu.memory_space<vmem>>, vector<16xf32>,
      %add3A_558 = arith.constant 3 : i32
      %add3A_559 = arith.addi %mul3A_318, %add3A_558 : i32
      %get3A_560 = arith.index_cast %add3A_559 : i32 to index
      %get3A_561 = arith.constant 0 : index
      %get3A_562 = tpu.vector_load %arg16[%get3A_560, %get3A_561] {strides = array<i32>} : memref<512x32xf32, #tpu.memory_space<vmem>>, vector<16xf32>,
      %swap3A_563 = arith.index_cast %add3A_559 : i32 to index
      %swap3A_564 = arith.constant 32 : index
      %swap3A_565 = tpu.vector_load %arg17[%swap3A_563, %swap3A_564] {strides = array<i32>} : memref<512x65xf32, #tpu.memory_space<vmem>>, vector<16xf32>,
      tpu.vector_store %arg17[%swap3A_563, %swap3A_564], %get3A_562 {strides = array<i32>} : memref<512x65xf32, #tpu.memory_space<vmem>>, vector<16xf32>,
      %get3A_566 = arith.index_cast %add3A_559 : i32 to index
      %get3A_567 = arith.constant 16 : index
      %get3A_568 = tpu.vector_load %arg16[%get3A_566, %get3A_567] {strides = array<i32>} : memref<512x32xf32, #tpu.memory_space<vmem>>, vector<16xf32>,
      %swap3A_569 = arith.index_cast %add3A_559 : i32 to index
      %swap3A_570 = arith.constant 48 : index
      %swap3A_571 = tpu.vector_load %arg17[%swap3A_569, %swap3A_570] {strides = array<i32>} : memref<512x65xf32, #tpu.memory_space<vmem>>, vector<16xf32>,
      tpu.vector_store %arg17[%swap3A_569, %swap3A_570], %get3A_568 {strides = array<i32>} : memref<512x65xf32, #tpu.memory_space<vmem>>, vector<16xf32>,
      %add3A_572 = arith.constant 4 : i32
      %add3A_573 = arith.addi %mul3A_318, %add3A_572 : i32
      %get3A_574 = arith.index_cast %add3A_573 : i32 to index
      %get3A_575 = arith.constant 0 : index
      %get3A_576 = tpu.vector_load %arg16[%get3A_574, %get3A_575] {strides = array<i32>} : memref<512x32xf32, #tpu.memory_space<vmem>>, vector<16xf32>,
      %swap3A_577 = arith.index_cast %add3A_573 : i32 to index
      %swap3A_578 = arith.constant 32 : index
      %swap3A_579 = tpu.vector_load %arg17[%swap3A_577, %swap3A_578] {strides = array<i32>} : memref<512x65xf32, #tpu.memory_space<vmem>>, vector<16xf32>,
      tpu.vector_store %arg17[%swap3A_577, %swap3A_578], %get3A_576 {strides = array<i32>} : memref<512x65xf32, #tpu.memory_space<vmem>>, vector<16xf32>,
      %get3A_580 = arith.index_cast %add3A_573 : i32 to index
      %get3A_581 = arith.constant 16 : index
      %get3A_582 = tpu.vector_load %arg16[%get3A_580, %get3A_581] {strides = array<i32>} : memref<512x32xf32, #tpu.memory_space<vmem>>, vector<16xf32>,
      %swap3A_583 = arith.index_cast %add3A_573 : i32 to index
      %swap3A_584 = arith.constant 48 : index
      %swap3A_585 = tpu.vector_load %arg17[%swap3A_583, %swap3A_584] {strides = array<i32>} : memref<512x65xf32, #tpu.memory_space<vmem>>, vector<16xf32>,
      tpu.vector_store %arg17[%swap3A_583, %swap3A_584], %get3A_582 {strides = array<i32>} : memref<512x65xf32, #tpu.memory_space<vmem>>, vector<16xf32>,
      %add3A_586 = arith.constant 5 : i32
      %add3A_587 = arith.addi %mul3A_318, %add3A_586 : i32
      %get3A_588 = arith.index_cast %add3A_587 : i32 to index
      %get3A_589 = arith.constant 0 : index
      %get3A_590 = tpu.vector_load %arg16[%get3A_588, %get3A_589] {strides = array<i32>} : memref<512x32xf32, #tpu.memory_space<vmem>>, vector<16xf32>,
      %swap3A_591 = arith.index_cast %add3A_587 : i32 to index
      %swap3A_592 = arith.constant 32 : index
      %swap3A_593 = tpu.vector_load %arg17[%swap3A_591, %swap3A_592] {strides = array<i32>} : memref<512x65xf32, #tpu.memory_space<vmem>>, vector<16xf32>,
      tpu.vector_store %arg17[%swap3A_591, %swap3A_592], %get3A_590 {strides = array<i32>} : memref<512x65xf32, #tpu.memory_space<vmem>>, vector<16xf32>,
      %get3A_594 = arith.index_cast %add3A_587 : i32 to index
      %get3A_595 = arith.constant 16 : index
      %get3A_596 = tpu.vector_load %arg16[%get3A_594, %get3A_595] {strides = array<i32>} : memref<512x32xf32, #tpu.memory_space<vmem>>, vector<16xf32>,
      %swap3A_597 = arith.index_cast %add3A_587 : i32 to index
      %swap3A_598 = arith.constant 48 : index
      %swap3A_599 = tpu.vector_load %arg17[%swap3A_597, %swap3A_598] {strides = array<i32>} : memref<512x65xf32, #tpu.memory_space<vmem>>, vector<16xf32>,
      tpu.vector_store %arg17[%swap3A_597, %swap3A_598], %get3A_596 {strides = array<i32>} : memref<512x65xf32, #tpu.memory_space<vmem>>, vector<16xf32>,
      %add3A_600 = arith.constant 6 : i32
      %add3A_601 = arith.addi %mul3A_318, %add3A_600 : i32
      %get3A_602 = arith.index_cast %add3A_601 : i32 to index
      %get3A_603 = arith.constant 0 : index
      %get3A_604 = tpu.vector_load %arg16[%get3A_602, %get3A_603] {strides = array<i32>} : memref<512x32xf32, #tpu.memory_space<vmem>>, vector<16xf32>,
      %swap3A_605 = arith.index_cast %add3A_601 : i32 to index
      %swap3A_606 = arith.constant 32 : index
      %swap3A_607 = tpu.vector_load %arg17[%swap3A_605, %swap3A_606] {strides = array<i32>} : memref<512x65xf32, #tpu.memory_space<vmem>>, vector<16xf32>,
      tpu.vector_store %arg17[%swap3A_605, %swap3A_606], %get3A_604 {strides = array<i32>} : memref<512x65xf32, #tpu.memory_space<vmem>>, vector<16xf32>,
      %get3A_608 = arith.index_cast %add3A_601 : i32 to index
      %get3A_609 = arith.constant 16 : index
      %get3A_610 = tpu.vector_load %arg16[%get3A_608, %get3A_609] {strides = array<i32>} : memref<512x32xf32, #tpu.memory_space<vmem>>, vector<16xf32>,
      %swap3A_611 = arith.index_cast %add3A_601 : i32 to index
      %swap3A_612 = arith.constant 48 : index
      %swap3A_613 = tpu.vector_load %arg17[%swap3A_611, %swap3A_612] {strides = array<i32>} : memref<512x65xf32, #tpu.memory_space<vmem>>, vector<16xf32>,
      tpu.vector_store %arg17[%swap3A_611, %swap3A_612], %get3A_610 {strides = array<i32>} : memref<512x65xf32, #tpu.memory_space<vmem>>, vector<16xf32>,
      %add3A_614 = arith.constant 7 : i32
      %add3A_615 = arith.addi %mul3A_318, %add3A_614 : i32
      %get3A_616 = arith.index_cast %add3A_615 : i32 to index
      %get3A_617 = arith.constant 0 : index
      %get3A_618 = tpu.vector_load %arg16[%get3A_616, %get3A_617] {strides = array<i32>} : memref<512x32xf32, #tpu.memory_space<vmem>>, vector<16xf32>,
      %swap3A_619 = arith.index_cast %add3A_615 : i32 to index
      %swap3A_620 = arith.constant 32 : index
      %swap3A_621 = tpu.vector_load %arg17[%swap3A_619, %swap3A_620] {strides = array<i32>} : memref<512x65xf32, #tpu.memory_space<vmem>>, vector<16xf32>,
      tpu.vector_store %arg17[%swap3A_619, %swap3A_620], %get3A_618 {strides = array<i32>} : memref<512x65xf32, #tpu.memory_space<vmem>>, vector<16xf32>,
      %get3A_622 = arith.index_cast %add3A_615 : i32 to index
      %get3A_623 = arith.constant 16 : index
      %get3A_624 = tpu.vector_load %arg16[%get3A_622, %get3A_623] {strides = array<i32>} : memref<512x32xf32, #tpu.memory_space<vmem>>, vector<16xf32>,
      %swap3A_625 = arith.index_cast %add3A_615 : i32 to index
      %swap3A_626 = arith.constant 48 : index
      %swap3A_627 = tpu.vector_load %arg17[%swap3A_625, %swap3A_626] {strides = array<i32>} : memref<512x65xf32, #tpu.memory_space<vmem>>, vector<16xf32>,
      tpu.vector_store %arg17[%swap3A_625, %swap3A_626], %get3A_624 {strides = array<i32>} : memref<512x65xf32, #tpu.memory_space<vmem>>, vector<16xf32>,
      %add3A_628 = arith.constant 8 : i32
      %add3A_629 = arith.addi %mul3A_318, %add3A_628 : i32
      %get3A_630 = arith.index_cast %add3A_629 : i32 to index
      %get3A_631 = arith.constant 0 : index
      %get3A_632 = tpu.vector_load %arg16[%get3A_630, %get3A_631] {strides = array<i32>} : memref<512x32xf32, #tpu.memory_space<vmem>>, vector<16xf32>,
      %swap3A_633 = arith.index_cast %add3A_629 : i32 to index
      %swap3A_634 = arith.constant 32 : index
      %swap3A_635 = tpu.vector_load %arg17[%swap3A_633, %swap3A_634] {strides = array<i32>} : memref<512x65xf32, #tpu.memory_space<vmem>>, vector<16xf32>,
      tpu.vector_store %arg17[%swap3A_633, %swap3A_634], %get3A_632 {strides = array<i32>} : memref<512x65xf32, #tpu.memory_space<vmem>>, vector<16xf32>,
      %get3A_636 = arith.index_cast %add3A_629 : i32 to index
      %get3A_637 = arith.constant 16 : index
      %get3A_638 = tpu.vector_load %arg16[%get3A_636, %get3A_637] {strides = array<i32>} : memref<512x32xf32, #tpu.memory_space<vmem>>, vector<16xf32>,
      %swap3A_639 = arith.index_cast %add3A_629 : i32 to index
      %swap3A_640 = arith.constant 48 : index
      %swap3A_641 = tpu.vector_load %arg17[%swap3A_639, %swap3A_640] {strides = array<i32>} : memref<512x65xf32, #tpu.memory_space<vmem>>, vector<16xf32>,
      tpu.vector_store %arg17[%swap3A_639, %swap3A_640], %get3A_638 {strides = array<i32>} : memref<512x65xf32, #tpu.memory_space<vmem>>, vector<16xf32>,
      %add3A_642 = arith.constant 9 : i32
      %add3A_643 = arith.addi %mul3A_318, %add3A_642 : i32
      %get3A_644 = arith.index_cast %add3A_643 : i32 to index
      %get3A_645 = arith.constant 0 : index
      %get3A_646 = tpu.vector_load %arg16[%get3A_644, %get3A_645] {strides = array<i32>} : memref<512x32xf32, #tpu.memory_space<vmem>>, vector<16xf32>,
      %swap3A_647 = arith.index_cast %add3A_643 : i32 to index
      %swap3A_648 = arith.constant 32 : index
      %swap3A_649 = tpu.vector_load %arg17[%swap3A_647, %swap3A_648] {strides = array<i32>} : memref<512x65xf32, #tpu.memory_space<vmem>>, vector<16xf32>,
      tpu.vector_store %arg17[%swap3A_647, %swap3A_648], %get3A_646 {strides = array<i32>} : memref<512x65xf32, #tpu.memory_space<vmem>>, vector<16xf32>,
      %get3A_650 = arith.index_cast %add3A_643 : i32 to index
      %get3A_651 = arith.constant 16 : index
      %get3A_652 = tpu.vector_load %arg16[%get3A_650, %get3A_651] {strides = array<i32>} : memref<512x32xf32, #tpu.memory_space<vmem>>, vector<16xf32>,
      %swap3A_653 = arith.index_cast %add3A_643 : i32 to index
      %swap3A_654 = arith.constant 48 : index
      %swap3A_655 = tpu.vector_load %arg17[%swap3A_653, %swap3A_654] {strides = array<i32>} : memref<512x65xf32, #tpu.memory_space<vmem>>, vector<16xf32>,
      tpu.vector_store %arg17[%swap3A_653, %swap3A_654], %get3A_652 {strides = array<i32>} : memref<512x65xf32, #tpu.memory_space<vmem>>, vector<16xf32>,
      %add3A_656 = arith.constant 10 : i32
      %add3A_657 = arith.addi %mul3A_318, %add3A_656 : i32
      %get3A_658 = arith.index_cast %add3A_657 : i32 to index
      %get3A_659 = arith.constant 0 : index
      %get3A_660 = tpu.vector_load %arg16[%get3A_658, %get3A_659] {strides = array<i32>} : memref<512x32xf32, #tpu.memory_space<vmem>>, vector<16xf32>,
      %swap3A_661 = arith.index_cast %add3A_657 : i32 to index
      %swap3A_662 = arith.constant 32 : index
      %swap3A_663 = tpu.vector_load %arg17[%swap3A_661, %swap3A_662] {strides = array<i32>} : memref<512x65xf32, #tpu.memory_space<vmem>>, vector<16xf32>,
      tpu.vector_store %arg17[%swap3A_661, %swap3A_662], %get3A_660 {strides = array<i32>} : memref<512x65xf32, #tpu.memory_space<vmem>>, vector<16xf32>,
      %get3A_664 = arith.index_cast %add3A_657 : i32 to index
      %get3A_665 = arith.constant 16 : index
      %get3A_666 = tpu.vector_load %arg16[%get3A_664, %get3A_665] {strides = array<i32>} : memref<512x32xf32, #tpu.memory_space<vmem>>, vector<16xf32>,
      %swap3A_667 = arith.index_cast %add3A_657 : i32 to index
      %swap3A_668 = arith.constant 48 : index
      %swap3A_669 = tpu.vector_load %arg17[%swap3A_667, %swap3A_668] {strides = array<i32>} : memref<512x65xf32, #tpu.memory_space<vmem>>, vector<16xf32>,
      tpu.vector_store %arg17[%swap3A_667, %swap3A_668], %get3A_666 {strides = array<i32>} : memref<512x65xf32, #tpu.memory_space<vmem>>, vector<16xf32>,
      %add3A_670 = arith.constant 11 : i32
      %add3A_671 = arith.addi %mul3A_318, %add3A_670 : i32
      %get3A_672 = arith.index_cast %add3A_671 : i32 to index
      %get3A_673 = arith.constant 0 : index
      %get3A_674 = tpu.vector_load %arg16[%get3A_672, %get3A_673] {strides = array<i32>} : memref<512x32xf32, #tpu.memory_space<vmem>>, vector<16xf32>,
      %swap3A_675 = arith.index_cast %add3A_671 : i32 to index
      %swap3A_676 = arith.constant 32 : index
      %swap3A_677 = tpu.vector_load %arg17[%swap3A_675, %swap3A_676] {strides = array<i32>} : memref<512x65xf32, #tpu.memory_space<vmem>>, vector<16xf32>,
      tpu.vector_store %arg17[%swap3A_675, %swap3A_676], %get3A_674 {strides = array<i32>} : memref<512x65xf32, #tpu.memory_space<vmem>>, vector<16xf32>,
      %get3A_678 = arith.index_cast %add3A_671 : i32 to index
      %get3A_679 = arith.constant 16 : index
      %get3A_680 = tpu.vector_load %arg16[%get3A_678, %get3A_679] {strides = array<i32>} : memref<512x32xf32, #tpu.memory_space<vmem>>, vector<16xf32>,
      %swap3A_681 = arith.index_cast %add3A_671 : i32 to index
      %swap3A_682 = arith.constant 48 : index
      %swap3A_683 = tpu.vector_load %arg17[%swap3A_681, %swap3A_682] {strides = array<i32>} : memref<512x65xf32, #tpu.memory_space<vmem>>, vector<16xf32>,
      tpu.vector_store %arg17[%swap3A_681, %swap3A_682], %get3A_680 {strides = array<i32>} : memref<512x65xf32, #tpu.memory_space<vmem>>, vector<16xf32>,
      %add3A_684 = arith.constant 12 : i32
      %add3A_685 = arith.addi %mul3A_318, %add3A_684 : i32
      %get3A_686 = arith.index_cast %add3A_685 : i32 to index
      %get3A_687 = arith.constant 0 : index
      %get3A_688 = tpu.vector_load %arg16[%get3A_686, %get3A_687] {strides = array<i32>} : memref<512x32xf32, #tpu.memory_space<vmem>>, vector<16xf32>,
      %swap3A_689 = arith.index_cast %add3A_685 : i32 to index
      %swap3A_690 = arith.constant 32 : index
      %swap3A_691 = tpu.vector_load %arg17[%swap3A_689, %swap3A_690] {strides = array<i32>} : memref<512x65xf32, #tpu.memory_space<vmem>>, vector<16xf32>,
      tpu.vector_store %arg17[%swap3A_689, %swap3A_690], %get3A_688 {strides = array<i32>} : memref<512x65xf32, #tpu.memory_space<vmem>>, vector<16xf32>,
      %get3A_692 = arith.index_cast %add3A_685 : i32 to index
      %get3A_693 = arith.constant 16 : index
      %get3A_694 = tpu.vector_load %arg16[%get3A_692, %get3A_693] {strides = array<i32>} : memref<512x32xf32, #tpu.memory_space<vmem>>, vector<16xf32>,
      %swap3A_695 = arith.index_cast %add3A_685 : i32 to index
      %swap3A_696 = arith.constant 48 : index
      %swap3A_697 = tpu.vector_load %arg17[%swap3A_695, %swap3A_696] {strides = array<i32>} : memref<512x65xf32, #tpu.memory_space<vmem>>, vector<16xf32>,
      tpu.vector_store %arg17[%swap3A_695, %swap3A_696], %get3A_694 {strides = array<i32>} : memref<512x65xf32, #tpu.memory_space<vmem>>, vector<16xf32>,
      %add3A_698 = arith.constant 13 : i32
      %add3A_699 = arith.addi %mul3A_318, %add3A_698 : i32
      %get3A_700 = arith.index_cast %add3A_699 : i32 to index
      %get3A_701 = arith.constant 0 : index
      %get3A_702 = tpu.vector_load %arg16[%get3A_700, %get3A_701] {strides = array<i32>} : memref<512x32xf32, #tpu.memory_space<vmem>>, vector<16xf32>,
      %swap3A_703 = arith.index_cast %add3A_699 : i32 to index
      %swap3A_704 = arith.constant 32 : index
      %swap3A_705 = tpu.vector_load %arg17[%swap3A_703, %swap3A_704] {strides = array<i32>} : memref<512x65xf32, #tpu.memory_space<vmem>>, vector<16xf32>,
      tpu.vector_store %arg17[%swap3A_703, %swap3A_704], %get3A_702 {strides = array<i32>} : memref<512x65xf32, #tpu.memory_space<vmem>>, vector<16xf32>,
      %get3A_706 = arith.index_cast %add3A_699 : i32 to index
      %get3A_707 = arith.constant 16 : index
      %get3A_708 = tpu.vector_load %arg16[%get3A_706, %get3A_707] {strides = array<i32>} : memref<512x32xf32, #tpu.memory_space<vmem>>, vector<16xf32>,
      %swap3A_709 = arith.index_cast %add3A_699 : i32 to index
      %swap3A_710 = arith.constant 48 : index
      %swap3A_711 = tpu.vector_load %arg17[%swap3A_709, %swap3A_710] {strides = array<i32>} : memref<512x65xf32, #tpu.memory_space<vmem>>, vector<16xf32>,
      tpu.vector_store %arg17[%swap3A_709, %swap3A_710], %get3A_708 {strides = array<i32>} : memref<512x65xf32, #tpu.memory_space<vmem>>, vector<16xf32>,
      %add3A_712 = arith.constant 14 : i32
      %add3A_713 = arith.addi %mul3A_318, %add3A_712 : i32
      %get3A_714 = arith.index_cast %add3A_713 : i32 to index
      %get3A_715 = arith.constant 0 : index
      %get3A_716 = tpu.vector_load %arg16[%get3A_714, %get3A_715] {strides = array<i32>} : memref<512x32xf32, #tpu.memory_space<vmem>>, vector<16xf32>,
      %swap3A_717 = arith.index_cast %add3A_713 : i32 to index
      %swap3A_718 = arith.constant 32 : index
      %swap3A_719 = tpu.vector_load %arg17[%swap3A_717, %swap3A_718] {strides = array<i32>} : memref<512x65xf32, #tpu.memory_space<vmem>>, vector<16xf32>,
      tpu.vector_store %arg17[%swap3A_717, %swap3A_718], %get3A_716 {strides = array<i32>} : memref<512x65xf32, #tpu.memory_space<vmem>>, vector<16xf32>,
      %get3A_720 = arith.index_cast %add3A_713 : i32 to index
      %get3A_721 = arith.constant 16 : index
      %get3A_722 = tpu.vector_load %arg16[%get3A_720, %get3A_721] {strides = array<i32>} : memref<512x32xf32, #tpu.memory_space<vmem>>, vector<16xf32>,
      %swap3A_723 = arith.index_cast %add3A_713 : i32 to index
      %swap3A_724 = arith.constant 48 : index
      %swap3A_725 = tpu.vector_load %arg17[%swap3A_723, %swap3A_724] {strides = array<i32>} : memref<512x65xf32, #tpu.memory_space<vmem>>, vector<16xf32>,
      tpu.vector_store %arg17[%swap3A_723, %swap3A_724], %get3A_722 {strides = array<i32>} : memref<512x65xf32, #tpu.memory_space<vmem>>, vector<16xf32>,
      %add3A_726 = arith.constant 15 : i32
      %add3A_727 = arith.addi %mul3A_318, %add3A_726 : i32
      %get3A_728 = arith.index_cast %add3A_727 : i32 to index
      %get3A_729 = arith.constant 0 : index
      %get3A_730 = tpu.vector_load %arg16[%get3A_728, %get3A_729] {strides = array<i32>} : memref<512x32xf32, #tpu.memory_space<vmem>>, vector<16xf32>,
      %swap3A_731 = arith.index_cast %add3A_727 : i32 to index
      %swap3A_732 = arith.constant 32 : index
      %swap3A_733 = tpu.vector_load %arg17[%swap3A_731, %swap3A_732] {strides = array<i32>} : memref<512x65xf32, #tpu.memory_space<vmem>>, vector<16xf32>,
      tpu.vector_store %arg17[%swap3A_731, %swap3A_732], %get3A_730 {strides = array<i32>} : memref<512x65xf32, #tpu.memory_space<vmem>>, vector<16xf32>,
      %get3A_734 = arith.index_cast %add3A_727 : i32 to index
      %get3A_735 = arith.constant 16 : index
      %get3A_736 = tpu.vector_load %arg16[%get3A_734, %get3A_735] {strides = array<i32>} : memref<512x32xf32, #tpu.memory_space<vmem>>, vector<16xf32>,
      %swap3A_737 = arith.index_cast %add3A_727 : i32 to index
      %swap3A_738 = arith.constant 48 : index
      %swap3A_739 = tpu.vector_load %arg17[%swap3A_737, %swap3A_738] {strides = array<i32>} : memref<512x65xf32, #tpu.memory_space<vmem>>, vector<16xf32>,
      tpu.vector_store %arg17[%swap3A_737, %swap3A_738], %get3A_736 {strides = array<i32>} : memref<512x65xf32, #tpu.memory_space<vmem>>, vector<16xf32>,
    }
    %scan3A_225 = arith.constant 8 : i32
    %add3A_226 = arith.constant 256 : i32
    %add3A_227 = arith.addi %mul3A_2, %add3A_226 : i32
    %dma_start3A_228 = arith.constant 256 : i32
    %dma_start3A_229 = arith.constant 0 : i32
    %dma_start3A_230 = tpu.memref_slice %arg17[%dma_start3A_228, %dma_start3A_229] : memref<512x65xf32, #tpu.memory_space<vmem>> -> memref<128x65xf32, #tpu.memory_space<vmem>>
    %dma_start3A_231 = arith.constant 0 : i32
    %dma_start3A_232 = tpu.memref_slice %arg8[%add3A_227, %dma_start3A_231] : memref<16384x65xf32, #tpu.memory_space<hbm>> -> memref<128x65xf32, #tpu.memory_space<hbm>>
    %dma_start3A_233 = arith.constant 0 : i32
    %dma_start3A_234 = tpu.memref_slice %arg8[%add3A_227, %dma_start3A_233] : memref<16384x65xf32, #tpu.memory_space<hbm>> -> memref<128x65xf32, #tpu.memory_space<hbm>>
    %dma_start3A_235 = arith.constant 256 : i32
    %dma_start3A_236 = arith.constant 0 : i32
    %dma_start3A_237 = tpu.memref_slice %arg17[%dma_start3A_235, %dma_start3A_236] : memref<512x65xf32, #tpu.memory_space<vmem>> -> memref<128x65xf32, #tpu.memory_space<vmem>>
    tpu.enqueue_dma source(%dma_start3A_237 : memref<128x65xf32, #tpu.memory_space<vmem>>) target(%dma_start3A_234 : memref<128x65xf32, #tpu.memory_space<hbm>>) target_semaphore(%arg20 : memref<!tpu.dma_semaphore, #tpu.memory_space<semaphore_mem>>)
    %dma_wait3A_238 = arith.constant 3 : i32
    %dma_wait3A_239 = arith.constant 384 : i32
    %dma_wait3A_240 = arith.constant 0 : i32
    %dma_wait3A_241 = tpu.memref_slice %arg15[%dma_wait3A_239, %dma_wait3A_240] : memref<512x128xf32, #tpu.memory_space<vmem>> -> memref<128x128xf32, #tpu.memory_space<vmem>>
    %dma_wait3A_242 = arith.constant 0 : i32
    %dma_wait3A_243 = tpu.memref_slice %arg9[%dma_wait3A_238, %dma_wait3A_242] : memref<4x128xi32, #tpu.memory_space<vmem>> -> memref<1x128xi32, #tpu.memory_space<vmem>>
    %dma_wait3A_244 = tpu.memref_squeeze %dma_wait3A_243 : memref<1x128xi32, #tpu.memory_space<vmem>> -> memref<128xi32, #tpu.memory_space<vmem>>
    %dma_wait3A_245 = arith.constant 0 : i32
    %dma_wait3A_246 = arith.constant 0 : i32
    %dma_wait3A_247 = tpu.memref_slice %arg4[%dma_wait3A_245, %dma_wait3A_246] : memref<262144x128xf32, #tpu.memory_space<hbm>> -> memref<262144x128xf32, #tpu.memory_space<hbm>>
    tpu.wait_indirect_dma semaphore(%arg18 : memref<!tpu.dma_semaphore, #tpu.memory_space<semaphore_mem>>) src(%dma_wait3A_247 : memref<262144x128xf32, #tpu.memory_space<hbm>>) dst(%dma_wait3A_241 : memref<128x128xf32, #tpu.memory_space<vmem>>)
    %dma_wait3A_248 = arith.constant 3 : i32
    %dma_wait3A_249 = arith.constant 384 : i32
    %dma_wait3A_250 = arith.constant 0 : i32
    %dma_wait3A_251 = tpu.memref_slice %arg16[%dma_wait3A_249, %dma_wait3A_250] : memref<512x32xf32, #tpu.memory_space<vmem>> -> memref<128x32xf32, #tpu.memory_space<vmem>>
    %dma_wait3A_252 = arith.constant 0 : i32
    %dma_wait3A_253 = tpu.memref_slice %arg11[%dma_wait3A_248, %dma_wait3A_252] : memref<4x128xi32, #tpu.memory_space<vmem>> -> memref<1x128xi32, #tpu.memory_space<vmem>>
    %dma_wait3A_254 = tpu.memref_squeeze %dma_wait3A_253 : memref<1x128xi32, #tpu.memory_space<vmem>> -> memref<128xi32, #tpu.memory_space<vmem>>
    %dma_wait3A_255 = arith.constant 0 : i32
    %dma_wait3A_256 = arith.constant 0 : i32
    %dma_wait3A_257 = tpu.memref_slice %arg5[%dma_wait3A_255, %dma_wait3A_256] : memref<1001x32xf32, #tpu.memory_space<hbm>> -> memref<1001x32xf32, #tpu.memory_space<hbm>>
    tpu.wait_indirect_dma semaphore(%arg19 : memref<!tpu.dma_semaphore, #tpu.memory_space<semaphore_mem>>) src(%dma_wait3A_257 : memref<1001x32xf32, #tpu.memory_space<hbm>>) dst(%dma_wait3A_251 : memref<128x32xf32, #tpu.memory_space<vmem>>)
    %scan3A_258 = arith.constant 0 : i32
    %scan3A_259 = arith.constant 24 : i32
    %scan3A_260 = arith.constant 8 : i32
    %scan3A_261 = arith.addi %scan3A_259, %scan3A_260 : i32
    %scan3A_262 = arith.constant 1 : i32
    scf.for %scan3A_316 = %scan3A_259 to %scan3A_261 step %scan3A_262  : i32 {
      %mul3A_317 = arith.constant 16 : i32
      %mul3A_318 = arith.muli %scan3A_316, %mul3A_317 : i32
      %get3A_319 = arith.index_cast %mul3A_318 : i32 to index
      %get3A_320 = tpu.vector_load %arg12[%get3A_319] {strides = array<i32>} : memref<512xf32, #tpu.memory_space<vmem>>, vector<16xf32>,
      %sub3A = arith.subf %get3A_320, %get3A_122 : vector<16xf32>
      %div3A = arith.divf %sub3A, %get3A_124 : vector<16xf32>
      %add3A_321 = vector.broadcast %mul3A_318 : i32 to vector<16xi32>
      %add3A_322 = arith.addi %add3A_321, %iota3A : vector<16xi32>
      %broadcast_in_dim3A = arith.constant 64 : i32
      %broadcast_in_dim3A_323 = vector.broadcast %broadcast_in_dim3A : i32 to vector<16xi32>
      tpu.vector_store_idx %arg17[%add3A_322, %broadcast_in_dim3A_323], %div3A : memref<512x65xf32, #tpu.memory_space<vmem>>[vector<16xi32>, vector<16xi32>], vector<16xf32>,
      %get3A_324 = arith.index_cast %mul3A_318 : i32 to index
      %get3A_325 = tpu.vector_load %arg10[%get3A_324] {strides = array<i32>} : memref<512xi32, #tpu.memory_space<vmem>>, vector<16xi32>,
      %add3A_326 = arith.constant 0 : i32
      %add3A_327 = vector.broadcast %add3A_326 : i32 to vector<16xi32>
      %add3A_328 = arith.addi %get3A_325, %add3A_327 : vector<16xi32>
      %gather3A = tpu.vector_load_idx %arg15[%add3A_322, %add3A_328] : memref<512x128xf32, #tpu.memory_space<vmem>>[vector<16xi32>, vector<16xi32>], vector<16xf32>,
      %broadcast_in_dim3A_329 = arith.constant 0 : i32
      %broadcast_in_dim3A_330 = vector.broadcast %broadcast_in_dim3A_329 : i32 to vector<16xi32>
      tpu.vector_store_idx %arg17[%add3A_322, %broadcast_in_dim3A_330], %gather3A : memref<512x65xf32, #tpu.memory_space<vmem>>[vector<16xi32>, vector<16xi32>], vector<16xf32>,
      %add3A_331 = arith.constant 1 : i32
      %add3A_332 = vector.broadcast %add3A_331 : i32 to vector<16xi32>
      %add3A_333 = arith.addi %get3A_325, %add3A_332 : vector<16xi32>
      %gather3A_334 = tpu.vector_load_idx %arg15[%add3A_322, %add3A_333] : memref<512x128xf32, #tpu.memory_space<vmem>>[vector<16xi32>, vector<16xi32>], vector<16xf32>,
      %broadcast_in_dim3A_335 = arith.constant 1 : i32
      %broadcast_in_dim3A_336 = vector.broadcast %broadcast_in_dim3A_335 : i32 to vector<16xi32>
      tpu.vector_store_idx %arg17[%add3A_322, %broadcast_in_dim3A_336], %gather3A_334 : memref<512x65xf32, #tpu.memory_space<vmem>>[vector<16xi32>, vector<16xi32>], vector<16xf32>,
      %add3A_337 = arith.constant 2 : i32
      %add3A_338 = vector.broadcast %add3A_337 : i32 to vector<16xi32>
      %add3A_339 = arith.addi %get3A_325, %add3A_338 : vector<16xi32>
      %gather3A_340 = tpu.vector_load_idx %arg15[%add3A_322, %add3A_339] : memref<512x128xf32, #tpu.memory_space<vmem>>[vector<16xi32>, vector<16xi32>], vector<16xf32>,
      %broadcast_in_dim3A_341 = arith.constant 2 : i32
      %broadcast_in_dim3A_342 = vector.broadcast %broadcast_in_dim3A_341 : i32 to vector<16xi32>
      tpu.vector_store_idx %arg17[%add3A_322, %broadcast_in_dim3A_342], %gather3A_340 : memref<512x65xf32, #tpu.memory_space<vmem>>[vector<16xi32>, vector<16xi32>], vector<16xf32>,
      %add3A_343 = arith.constant 3 : i32
      %add3A_344 = vector.broadcast %add3A_343 : i32 to vector<16xi32>
      %add3A_345 = arith.addi %get3A_325, %add3A_344 : vector<16xi32>
      %gather3A_346 = tpu.vector_load_idx %arg15[%add3A_322, %add3A_345] : memref<512x128xf32, #tpu.memory_space<vmem>>[vector<16xi32>, vector<16xi32>], vector<16xf32>,
      %broadcast_in_dim3A_347 = arith.constant 3 : i32
      %broadcast_in_dim3A_348 = vector.broadcast %broadcast_in_dim3A_347 : i32 to vector<16xi32>
      tpu.vector_store_idx %arg17[%add3A_322, %broadcast_in_dim3A_348], %gather3A_346 : memref<512x65xf32, #tpu.memory_space<vmem>>[vector<16xi32>, vector<16xi32>], vector<16xf32>,
      %add3A_349 = arith.constant 4 : i32
      %add3A_350 = vector.broadcast %add3A_349 : i32 to vector<16xi32>
      %add3A_351 = arith.addi %get3A_325, %add3A_350 : vector<16xi32>
      %gather3A_352 = tpu.vector_load_idx %arg15[%add3A_322, %add3A_351] : memref<512x128xf32, #tpu.memory_space<vmem>>[vector<16xi32>, vector<16xi32>], vector<16xf32>,
      %broadcast_in_dim3A_353 = arith.constant 4 : i32
      %broadcast_in_dim3A_354 = vector.broadcast %broadcast_in_dim3A_353 : i32 to vector<16xi32>
      tpu.vector_store_idx %arg17[%add3A_322, %broadcast_in_dim3A_354], %gather3A_352 : memref<512x65xf32, #tpu.memory_space<vmem>>[vector<16xi32>, vector<16xi32>], vector<16xf32>,
      %add3A_355 = arith.constant 5 : i32
      %add3A_356 = vector.broadcast %add3A_355 : i32 to vector<16xi32>
      %add3A_357 = arith.addi %get3A_325, %add3A_356 : vector<16xi32>
      %gather3A_358 = tpu.vector_load_idx %arg15[%add3A_322, %add3A_357] : memref<512x128xf32, #tpu.memory_space<vmem>>[vector<16xi32>, vector<16xi32>], vector<16xf32>,
      %broadcast_in_dim3A_359 = arith.constant 5 : i32
      %broadcast_in_dim3A_360 = vector.broadcast %broadcast_in_dim3A_359 : i32 to vector<16xi32>
      tpu.vector_store_idx %arg17[%add3A_322, %broadcast_in_dim3A_360], %gather3A_358 : memref<512x65xf32, #tpu.memory_space<vmem>>[vector<16xi32>, vector<16xi32>], vector<16xf32>,
      %add3A_361 = arith.constant 6 : i32
      %add3A_362 = vector.broadcast %add3A_361 : i32 to vector<16xi32>
      %add3A_363 = arith.addi %get3A_325, %add3A_362 : vector<16xi32>
      %gather3A_364 = tpu.vector_load_idx %arg15[%add3A_322, %add3A_363] : memref<512x128xf32, #tpu.memory_space<vmem>>[vector<16xi32>, vector<16xi32>], vector<16xf32>,
      %broadcast_in_dim3A_365 = arith.constant 6 : i32
      %broadcast_in_dim3A_366 = vector.broadcast %broadcast_in_dim3A_365 : i32 to vector<16xi32>
      tpu.vector_store_idx %arg17[%add3A_322, %broadcast_in_dim3A_366], %gather3A_364 : memref<512x65xf32, #tpu.memory_space<vmem>>[vector<16xi32>, vector<16xi32>], vector<16xf32>,
      %add3A_367 = arith.constant 7 : i32
      %add3A_368 = vector.broadcast %add3A_367 : i32 to vector<16xi32>
      %add3A_369 = arith.addi %get3A_325, %add3A_368 : vector<16xi32>
      %gather3A_370 = tpu.vector_load_idx %arg15[%add3A_322, %add3A_369] : memref<512x128xf32, #tpu.memory_space<vmem>>[vector<16xi32>, vector<16xi32>], vector<16xf32>,
      %broadcast_in_dim3A_371 = arith.constant 7 : i32
      %broadcast_in_dim3A_372 = vector.broadcast %broadcast_in_dim3A_371 : i32 to vector<16xi32>
      tpu.vector_store_idx %arg17[%add3A_322, %broadcast_in_dim3A_372], %gather3A_370 : memref<512x65xf32, #tpu.memory_space<vmem>>[vector<16xi32>, vector<16xi32>], vector<16xf32>,
      %add3A_373 = arith.constant 8 : i32
      %add3A_374 = vector.broadcast %add3A_373 : i32 to vector<16xi32>
      %add3A_375 = arith.addi %get3A_325, %add3A_374 : vector<16xi32>
      %gather3A_376 = tpu.vector_load_idx %arg15[%add3A_322, %add3A_375] : memref<512x128xf32, #tpu.memory_space<vmem>>[vector<16xi32>, vector<16xi32>], vector<16xf32>,
      %broadcast_in_dim3A_377 = arith.constant 8 : i32
      %broadcast_in_dim3A_378 = vector.broadcast %broadcast_in_dim3A_377 : i32 to vector<16xi32>
      tpu.vector_store_idx %arg17[%add3A_322, %broadcast_in_dim3A_378], %gather3A_376 : memref<512x65xf32, #tpu.memory_space<vmem>>[vector<16xi32>, vector<16xi32>], vector<16xf32>,
      %add3A_379 = arith.constant 9 : i32
      %add3A_380 = vector.broadcast %add3A_379 : i32 to vector<16xi32>
      %add3A_381 = arith.addi %get3A_325, %add3A_380 : vector<16xi32>
      %gather3A_382 = tpu.vector_load_idx %arg15[%add3A_322, %add3A_381] : memref<512x128xf32, #tpu.memory_space<vmem>>[vector<16xi32>, vector<16xi32>], vector<16xf32>,
      %broadcast_in_dim3A_383 = arith.constant 9 : i32
      %broadcast_in_dim3A_384 = vector.broadcast %broadcast_in_dim3A_383 : i32 to vector<16xi32>
      tpu.vector_store_idx %arg17[%add3A_322, %broadcast_in_dim3A_384], %gather3A_382 : memref<512x65xf32, #tpu.memory_space<vmem>>[vector<16xi32>, vector<16xi32>], vector<16xf32>,
      %add3A_385 = arith.constant 10 : i32
      %add3A_386 = vector.broadcast %add3A_385 : i32 to vector<16xi32>
      %add3A_387 = arith.addi %get3A_325, %add3A_386 : vector<16xi32>
      %gather3A_388 = tpu.vector_load_idx %arg15[%add3A_322, %add3A_387] : memref<512x128xf32, #tpu.memory_space<vmem>>[vector<16xi32>, vector<16xi32>], vector<16xf32>,
      %broadcast_in_dim3A_389 = arith.constant 10 : i32
      %broadcast_in_dim3A_390 = vector.broadcast %broadcast_in_dim3A_389 : i32 to vector<16xi32>
      tpu.vector_store_idx %arg17[%add3A_322, %broadcast_in_dim3A_390], %gather3A_388 : memref<512x65xf32, #tpu.memory_space<vmem>>[vector<16xi32>, vector<16xi32>], vector<16xf32>,
      %add3A_391 = arith.constant 11 : i32
      %add3A_392 = vector.broadcast %add3A_391 : i32 to vector<16xi32>
      %add3A_393 = arith.addi %get3A_325, %add3A_392 : vector<16xi32>
      %gather3A_394 = tpu.vector_load_idx %arg15[%add3A_322, %add3A_393] : memref<512x128xf32, #tpu.memory_space<vmem>>[vector<16xi32>, vector<16xi32>], vector<16xf32>,
      %broadcast_in_dim3A_395 = arith.constant 11 : i32
      %broadcast_in_dim3A_396 = vector.broadcast %broadcast_in_dim3A_395 : i32 to vector<16xi32>
      tpu.vector_store_idx %arg17[%add3A_322, %broadcast_in_dim3A_396], %gather3A_394 : memref<512x65xf32, #tpu.memory_space<vmem>>[vector<16xi32>, vector<16xi32>], vector<16xf32>,
      %add3A_397 = arith.constant 12 : i32
      %add3A_398 = vector.broadcast %add3A_397 : i32 to vector<16xi32>
      %add3A_399 = arith.addi %get3A_325, %add3A_398 : vector<16xi32>
      %gather3A_400 = tpu.vector_load_idx %arg15[%add3A_322, %add3A_399] : memref<512x128xf32, #tpu.memory_space<vmem>>[vector<16xi32>, vector<16xi32>], vector<16xf32>,
      %broadcast_in_dim3A_401 = arith.constant 12 : i32
      %broadcast_in_dim3A_402 = vector.broadcast %broadcast_in_dim3A_401 : i32 to vector<16xi32>
      tpu.vector_store_idx %arg17[%add3A_322, %broadcast_in_dim3A_402], %gather3A_400 : memref<512x65xf32, #tpu.memory_space<vmem>>[vector<16xi32>, vector<16xi32>], vector<16xf32>,
      %add3A_403 = arith.constant 13 : i32
      %add3A_404 = vector.broadcast %add3A_403 : i32 to vector<16xi32>
      %add3A_405 = arith.addi %get3A_325, %add3A_404 : vector<16xi32>
      %gather3A_406 = tpu.vector_load_idx %arg15[%add3A_322, %add3A_405] : memref<512x128xf32, #tpu.memory_space<vmem>>[vector<16xi32>, vector<16xi32>], vector<16xf32>,
      %broadcast_in_dim3A_407 = arith.constant 13 : i32
      %broadcast_in_dim3A_408 = vector.broadcast %broadcast_in_dim3A_407 : i32 to vector<16xi32>
      tpu.vector_store_idx %arg17[%add3A_322, %broadcast_in_dim3A_408], %gather3A_406 : memref<512x65xf32, #tpu.memory_space<vmem>>[vector<16xi32>, vector<16xi32>], vector<16xf32>,
      %add3A_409 = arith.constant 14 : i32
      %add3A_410 = vector.broadcast %add3A_409 : i32 to vector<16xi32>
      %add3A_411 = arith.addi %get3A_325, %add3A_410 : vector<16xi32>
      %gather3A_412 = tpu.vector_load_idx %arg15[%add3A_322, %add3A_411] : memref<512x128xf32, #tpu.memory_space<vmem>>[vector<16xi32>, vector<16xi32>], vector<16xf32>,
      %broadcast_in_dim3A_413 = arith.constant 14 : i32
      %broadcast_in_dim3A_414 = vector.broadcast %broadcast_in_dim3A_413 : i32 to vector<16xi32>
      tpu.vector_store_idx %arg17[%add3A_322, %broadcast_in_dim3A_414], %gather3A_412 : memref<512x65xf32, #tpu.memory_space<vmem>>[vector<16xi32>, vector<16xi32>], vector<16xf32>,
      %add3A_415 = arith.constant 15 : i32
      %add3A_416 = vector.broadcast %add3A_415 : i32 to vector<16xi32>
      %add3A_417 = arith.addi %get3A_325, %add3A_416 : vector<16xi32>
      %gather3A_418 = tpu.vector_load_idx %arg15[%add3A_322, %add3A_417] : memref<512x128xf32, #tpu.memory_space<vmem>>[vector<16xi32>, vector<16xi32>], vector<16xf32>,
      %broadcast_in_dim3A_419 = arith.constant 15 : i32
      %broadcast_in_dim3A_420 = vector.broadcast %broadcast_in_dim3A_419 : i32 to vector<16xi32>
      tpu.vector_store_idx %arg17[%add3A_322, %broadcast_in_dim3A_420], %gather3A_418 : memref<512x65xf32, #tpu.memory_space<vmem>>[vector<16xi32>, vector<16xi32>], vector<16xf32>,
      %add3A_421 = arith.constant 16 : i32
      %add3A_422 = vector.broadcast %add3A_421 : i32 to vector<16xi32>
      %add3A_423 = arith.addi %get3A_325, %add3A_422 : vector<16xi32>
      %gather3A_424 = tpu.vector_load_idx %arg15[%add3A_322, %add3A_423] : memref<512x128xf32, #tpu.memory_space<vmem>>[vector<16xi32>, vector<16xi32>], vector<16xf32>,
      %broadcast_in_dim3A_425 = arith.constant 16 : i32
      %broadcast_in_dim3A_426 = vector.broadcast %broadcast_in_dim3A_425 : i32 to vector<16xi32>
      tpu.vector_store_idx %arg17[%add3A_322, %broadcast_in_dim3A_426], %gather3A_424 : memref<512x65xf32, #tpu.memory_space<vmem>>[vector<16xi32>, vector<16xi32>], vector<16xf32>,
      %add3A_427 = arith.constant 17 : i32
      %add3A_428 = vector.broadcast %add3A_427 : i32 to vector<16xi32>
      %add3A_429 = arith.addi %get3A_325, %add3A_428 : vector<16xi32>
      %gather3A_430 = tpu.vector_load_idx %arg15[%add3A_322, %add3A_429] : memref<512x128xf32, #tpu.memory_space<vmem>>[vector<16xi32>, vector<16xi32>], vector<16xf32>,
      %broadcast_in_dim3A_431 = arith.constant 17 : i32
      %broadcast_in_dim3A_432 = vector.broadcast %broadcast_in_dim3A_431 : i32 to vector<16xi32>
      tpu.vector_store_idx %arg17[%add3A_322, %broadcast_in_dim3A_432], %gather3A_430 : memref<512x65xf32, #tpu.memory_space<vmem>>[vector<16xi32>, vector<16xi32>], vector<16xf32>,
      %add3A_433 = arith.constant 18 : i32
      %add3A_434 = vector.broadcast %add3A_433 : i32 to vector<16xi32>
      %add3A_435 = arith.addi %get3A_325, %add3A_434 : vector<16xi32>
      %gather3A_436 = tpu.vector_load_idx %arg15[%add3A_322, %add3A_435] : memref<512x128xf32, #tpu.memory_space<vmem>>[vector<16xi32>, vector<16xi32>], vector<16xf32>,
      %broadcast_in_dim3A_437 = arith.constant 18 : i32
      %broadcast_in_dim3A_438 = vector.broadcast %broadcast_in_dim3A_437 : i32 to vector<16xi32>
      tpu.vector_store_idx %arg17[%add3A_322, %broadcast_in_dim3A_438], %gather3A_436 : memref<512x65xf32, #tpu.memory_space<vmem>>[vector<16xi32>, vector<16xi32>], vector<16xf32>,
      %add3A_439 = arith.constant 19 : i32
      %add3A_440 = vector.broadcast %add3A_439 : i32 to vector<16xi32>
      %add3A_441 = arith.addi %get3A_325, %add3A_440 : vector<16xi32>
      %gather3A_442 = tpu.vector_load_idx %arg15[%add3A_322, %add3A_441] : memref<512x128xf32, #tpu.memory_space<vmem>>[vector<16xi32>, vector<16xi32>], vector<16xf32>,
      %broadcast_in_dim3A_443 = arith.constant 19 : i32
      %broadcast_in_dim3A_444 = vector.broadcast %broadcast_in_dim3A_443 : i32 to vector<16xi32>
      tpu.vector_store_idx %arg17[%add3A_322, %broadcast_in_dim3A_444], %gather3A_442 : memref<512x65xf32, #tpu.memory_space<vmem>>[vector<16xi32>, vector<16xi32>], vector<16xf32>,
      %add3A_445 = arith.constant 20 : i32
      %add3A_446 = vector.broadcast %add3A_445 : i32 to vector<16xi32>
      %add3A_447 = arith.addi %get3A_325, %add3A_446 : vector<16xi32>
      %gather3A_448 = tpu.vector_load_idx %arg15[%add3A_322, %add3A_447] : memref<512x128xf32, #tpu.memory_space<vmem>>[vector<16xi32>, vector<16xi32>], vector<16xf32>,
      %broadcast_in_dim3A_449 = arith.constant 20 : i32
      %broadcast_in_dim3A_450 = vector.broadcast %broadcast_in_dim3A_449 : i32 to vector<16xi32>
      tpu.vector_store_idx %arg17[%add3A_322, %broadcast_in_dim3A_450], %gather3A_448 : memref<512x65xf32, #tpu.memory_space<vmem>>[vector<16xi32>, vector<16xi32>], vector<16xf32>,
      %add3A_451 = arith.constant 21 : i32
      %add3A_452 = vector.broadcast %add3A_451 : i32 to vector<16xi32>
      %add3A_453 = arith.addi %get3A_325, %add3A_452 : vector<16xi32>
      %gather3A_454 = tpu.vector_load_idx %arg15[%add3A_322, %add3A_453] : memref<512x128xf32, #tpu.memory_space<vmem>>[vector<16xi32>, vector<16xi32>], vector<16xf32>,
      %broadcast_in_dim3A_455 = arith.constant 21 : i32
      %broadcast_in_dim3A_456 = vector.broadcast %broadcast_in_dim3A_455 : i32 to vector<16xi32>
      tpu.vector_store_idx %arg17[%add3A_322, %broadcast_in_dim3A_456], %gather3A_454 : memref<512x65xf32, #tpu.memory_space<vmem>>[vector<16xi32>, vector<16xi32>], vector<16xf32>,
      %add3A_457 = arith.constant 22 : i32
      %add3A_458 = vector.broadcast %add3A_457 : i32 to vector<16xi32>
      %add3A_459 = arith.addi %get3A_325, %add3A_458 : vector<16xi32>
      %gather3A_460 = tpu.vector_load_idx %arg15[%add3A_322, %add3A_459] : memref<512x128xf32, #tpu.memory_space<vmem>>[vector<16xi32>, vector<16xi32>], vector<16xf32>,
      %broadcast_in_dim3A_461 = arith.constant 22 : i32
      %broadcast_in_dim3A_462 = vector.broadcast %broadcast_in_dim3A_461 : i32 to vector<16xi32>
      tpu.vector_store_idx %arg17[%add3A_322, %broadcast_in_dim3A_462], %gather3A_460 : memref<512x65xf32, #tpu.memory_space<vmem>>[vector<16xi32>, vector<16xi32>], vector<16xf32>,
      %add3A_463 = arith.constant 23 : i32
      %add3A_464 = vector.broadcast %add3A_463 : i32 to vector<16xi32>
      %add3A_465 = arith.addi %get3A_325, %add3A_464 : vector<16xi32>
      %gather3A_466 = tpu.vector_load_idx %arg15[%add3A_322, %add3A_465] : memref<512x128xf32, #tpu.memory_space<vmem>>[vector<16xi32>, vector<16xi32>], vector<16xf32>,
      %broadcast_in_dim3A_467 = arith.constant 23 : i32
      %broadcast_in_dim3A_468 = vector.broadcast %broadcast_in_dim3A_467 : i32 to vector<16xi32>
      tpu.vector_store_idx %arg17[%add3A_322, %broadcast_in_dim3A_468], %gather3A_466 : memref<512x65xf32, #tpu.memory_space<vmem>>[vector<16xi32>, vector<16xi32>], vector<16xf32>,
      %add3A_469 = arith.constant 24 : i32
      %add3A_470 = vector.broadcast %add3A_469 : i32 to vector<16xi32>
      %add3A_471 = arith.addi %get3A_325, %add3A_470 : vector<16xi32>
      %gather3A_472 = tpu.vector_load_idx %arg15[%add3A_322, %add3A_471] : memref<512x128xf32, #tpu.memory_space<vmem>>[vector<16xi32>, vector<16xi32>], vector<16xf32>,
      %broadcast_in_dim3A_473 = arith.constant 24 : i32
      %broadcast_in_dim3A_474 = vector.broadcast %broadcast_in_dim3A_473 : i32 to vector<16xi32>
      tpu.vector_store_idx %arg17[%add3A_322, %broadcast_in_dim3A_474], %gather3A_472 : memref<512x65xf32, #tpu.memory_space<vmem>>[vector<16xi32>, vector<16xi32>], vector<16xf32>,
      %add3A_475 = arith.constant 25 : i32
      %add3A_476 = vector.broadcast %add3A_475 : i32 to vector<16xi32>
      %add3A_477 = arith.addi %get3A_325, %add3A_476 : vector<16xi32>
      %gather3A_478 = tpu.vector_load_idx %arg15[%add3A_322, %add3A_477] : memref<512x128xf32, #tpu.memory_space<vmem>>[vector<16xi32>, vector<16xi32>], vector<16xf32>,
      %broadcast_in_dim3A_479 = arith.constant 25 : i32
      %broadcast_in_dim3A_480 = vector.broadcast %broadcast_in_dim3A_479 : i32 to vector<16xi32>
      tpu.vector_store_idx %arg17[%add3A_322, %broadcast_in_dim3A_480], %gather3A_478 : memref<512x65xf32, #tpu.memory_space<vmem>>[vector<16xi32>, vector<16xi32>], vector<16xf32>,
      %add3A_481 = arith.constant 26 : i32
      %add3A_482 = vector.broadcast %add3A_481 : i32 to vector<16xi32>
      %add3A_483 = arith.addi %get3A_325, %add3A_482 : vector<16xi32>
      %gather3A_484 = tpu.vector_load_idx %arg15[%add3A_322, %add3A_483] : memref<512x128xf32, #tpu.memory_space<vmem>>[vector<16xi32>, vector<16xi32>], vector<16xf32>,
      %broadcast_in_dim3A_485 = arith.constant 26 : i32
      %broadcast_in_dim3A_486 = vector.broadcast %broadcast_in_dim3A_485 : i32 to vector<16xi32>
      tpu.vector_store_idx %arg17[%add3A_322, %broadcast_in_dim3A_486], %gather3A_484 : memref<512x65xf32, #tpu.memory_space<vmem>>[vector<16xi32>, vector<16xi32>], vector<16xf32>,
      %add3A_487 = arith.constant 27 : i32
      %add3A_488 = vector.broadcast %add3A_487 : i32 to vector<16xi32>
      %add3A_489 = arith.addi %get3A_325, %add3A_488 : vector<16xi32>
      %gather3A_490 = tpu.vector_load_idx %arg15[%add3A_322, %add3A_489] : memref<512x128xf32, #tpu.memory_space<vmem>>[vector<16xi32>, vector<16xi32>], vector<16xf32>,
      %broadcast_in_dim3A_491 = arith.constant 27 : i32
      %broadcast_in_dim3A_492 = vector.broadcast %broadcast_in_dim3A_491 : i32 to vector<16xi32>
      tpu.vector_store_idx %arg17[%add3A_322, %broadcast_in_dim3A_492], %gather3A_490 : memref<512x65xf32, #tpu.memory_space<vmem>>[vector<16xi32>, vector<16xi32>], vector<16xf32>,
      %add3A_493 = arith.constant 28 : i32
      %add3A_494 = vector.broadcast %add3A_493 : i32 to vector<16xi32>
      %add3A_495 = arith.addi %get3A_325, %add3A_494 : vector<16xi32>
      %gather3A_496 = tpu.vector_load_idx %arg15[%add3A_322, %add3A_495] : memref<512x128xf32, #tpu.memory_space<vmem>>[vector<16xi32>, vector<16xi32>], vector<16xf32>,
      %broadcast_in_dim3A_497 = arith.constant 28 : i32
      %broadcast_in_dim3A_498 = vector.broadcast %broadcast_in_dim3A_497 : i32 to vector<16xi32>
      tpu.vector_store_idx %arg17[%add3A_322, %broadcast_in_dim3A_498], %gather3A_496 : memref<512x65xf32, #tpu.memory_space<vmem>>[vector<16xi32>, vector<16xi32>], vector<16xf32>,
      %add3A_499 = arith.constant 29 : i32
      %add3A_500 = vector.broadcast %add3A_499 : i32 to vector<16xi32>
      %add3A_501 = arith.addi %get3A_325, %add3A_500 : vector<16xi32>
      %gather3A_502 = tpu.vector_load_idx %arg15[%add3A_322, %add3A_501] : memref<512x128xf32, #tpu.memory_space<vmem>>[vector<16xi32>, vector<16xi32>], vector<16xf32>,
      %broadcast_in_dim3A_503 = arith.constant 29 : i32
      %broadcast_in_dim3A_504 = vector.broadcast %broadcast_in_dim3A_503 : i32 to vector<16xi32>
      tpu.vector_store_idx %arg17[%add3A_322, %broadcast_in_dim3A_504], %gather3A_502 : memref<512x65xf32, #tpu.memory_space<vmem>>[vector<16xi32>, vector<16xi32>], vector<16xf32>,
      %add3A_505 = arith.constant 30 : i32
      %add3A_506 = vector.broadcast %add3A_505 : i32 to vector<16xi32>
      %add3A_507 = arith.addi %get3A_325, %add3A_506 : vector<16xi32>
      %gather3A_508 = tpu.vector_load_idx %arg15[%add3A_322, %add3A_507] : memref<512x128xf32, #tpu.memory_space<vmem>>[vector<16xi32>, vector<16xi32>], vector<16xf32>,
      %broadcast_in_dim3A_509 = arith.constant 30 : i32
      %broadcast_in_dim3A_510 = vector.broadcast %broadcast_in_dim3A_509 : i32 to vector<16xi32>
      tpu.vector_store_idx %arg17[%add3A_322, %broadcast_in_dim3A_510], %gather3A_508 : memref<512x65xf32, #tpu.memory_space<vmem>>[vector<16xi32>, vector<16xi32>], vector<16xf32>,
      %add3A_511 = arith.constant 31 : i32
      %add3A_512 = vector.broadcast %add3A_511 : i32 to vector<16xi32>
      %add3A_513 = arith.addi %get3A_325, %add3A_512 : vector<16xi32>
      %gather3A_514 = tpu.vector_load_idx %arg15[%add3A_322, %add3A_513] : memref<512x128xf32, #tpu.memory_space<vmem>>[vector<16xi32>, vector<16xi32>], vector<16xf32>,
      %broadcast_in_dim3A_515 = arith.constant 31 : i32
      %broadcast_in_dim3A_516 = vector.broadcast %broadcast_in_dim3A_515 : i32 to vector<16xi32>
      tpu.vector_store_idx %arg17[%add3A_322, %broadcast_in_dim3A_516], %gather3A_514 : memref<512x65xf32, #tpu.memory_space<vmem>>[vector<16xi32>, vector<16xi32>], vector<16xf32>,
      %add3A_517 = arith.constant 0 : i32
      %add3A_518 = arith.addi %mul3A_318, %add3A_517 : i32
      %get3A_519 = arith.index_cast %add3A_518 : i32 to index
      %get3A_520 = arith.constant 0 : index
      %get3A_521 = tpu.vector_load %arg16[%get3A_519, %get3A_520] {strides = array<i32>} : memref<512x32xf32, #tpu.memory_space<vmem>>, vector<16xf32>,
      %swap3A = arith.index_cast %add3A_518 : i32 to index
      %swap3A_522 = arith.constant 32 : index
      %swap3A_523 = tpu.vector_load %arg17[%swap3A, %swap3A_522] {strides = array<i32>} : memref<512x65xf32, #tpu.memory_space<vmem>>, vector<16xf32>,
      tpu.vector_store %arg17[%swap3A, %swap3A_522], %get3A_521 {strides = array<i32>} : memref<512x65xf32, #tpu.memory_space<vmem>>, vector<16xf32>,
      %get3A_524 = arith.index_cast %add3A_518 : i32 to index
      %get3A_525 = arith.constant 16 : index
      %get3A_526 = tpu.vector_load %arg16[%get3A_524, %get3A_525] {strides = array<i32>} : memref<512x32xf32, #tpu.memory_space<vmem>>, vector<16xf32>,
      %swap3A_527 = arith.index_cast %add3A_518 : i32 to index
      %swap3A_528 = arith.constant 48 : index
      %swap3A_529 = tpu.vector_load %arg17[%swap3A_527, %swap3A_528] {strides = array<i32>} : memref<512x65xf32, #tpu.memory_space<vmem>>, vector<16xf32>,
      tpu.vector_store %arg17[%swap3A_527, %swap3A_528], %get3A_526 {strides = array<i32>} : memref<512x65xf32, #tpu.memory_space<vmem>>, vector<16xf32>,
      %add3A_530 = arith.constant 1 : i32
      %add3A_531 = arith.addi %mul3A_318, %add3A_530 : i32
      %get3A_532 = arith.index_cast %add3A_531 : i32 to index
      %get3A_533 = arith.constant 0 : index
      %get3A_534 = tpu.vector_load %arg16[%get3A_532, %get3A_533] {strides = array<i32>} : memref<512x32xf32, #tpu.memory_space<vmem>>, vector<16xf32>,
      %swap3A_535 = arith.index_cast %add3A_531 : i32 to index
      %swap3A_536 = arith.constant 32 : index
      %swap3A_537 = tpu.vector_load %arg17[%swap3A_535, %swap3A_536] {strides = array<i32>} : memref<512x65xf32, #tpu.memory_space<vmem>>, vector<16xf32>,
      tpu.vector_store %arg17[%swap3A_535, %swap3A_536], %get3A_534 {strides = array<i32>} : memref<512x65xf32, #tpu.memory_space<vmem>>, vector<16xf32>,
      %get3A_538 = arith.index_cast %add3A_531 : i32 to index
      %get3A_539 = arith.constant 16 : index
      %get3A_540 = tpu.vector_load %arg16[%get3A_538, %get3A_539] {strides = array<i32>} : memref<512x32xf32, #tpu.memory_space<vmem>>, vector<16xf32>,
      %swap3A_541 = arith.index_cast %add3A_531 : i32 to index
      %swap3A_542 = arith.constant 48 : index
      %swap3A_543 = tpu.vector_load %arg17[%swap3A_541, %swap3A_542] {strides = array<i32>} : memref<512x65xf32, #tpu.memory_space<vmem>>, vector<16xf32>,
      tpu.vector_store %arg17[%swap3A_541, %swap3A_542], %get3A_540 {strides = array<i32>} : memref<512x65xf32, #tpu.memory_space<vmem>>, vector<16xf32>,
      %add3A_544 = arith.constant 2 : i32
      %add3A_545 = arith.addi %mul3A_318, %add3A_544 : i32
      %get3A_546 = arith.index_cast %add3A_545 : i32 to index
      %get3A_547 = arith.constant 0 : index
      %get3A_548 = tpu.vector_load %arg16[%get3A_546, %get3A_547] {strides = array<i32>} : memref<512x32xf32, #tpu.memory_space<vmem>>, vector<16xf32>,
      %swap3A_549 = arith.index_cast %add3A_545 : i32 to index
      %swap3A_550 = arith.constant 32 : index
      %swap3A_551 = tpu.vector_load %arg17[%swap3A_549, %swap3A_550] {strides = array<i32>} : memref<512x65xf32, #tpu.memory_space<vmem>>, vector<16xf32>,
      tpu.vector_store %arg17[%swap3A_549, %swap3A_550], %get3A_548 {strides = array<i32>} : memref<512x65xf32, #tpu.memory_space<vmem>>, vector<16xf32>,
      %get3A_552 = arith.index_cast %add3A_545 : i32 to index
      %get3A_553 = arith.constant 16 : index
      %get3A_554 = tpu.vector_load %arg16[%get3A_552, %get3A_553] {strides = array<i32>} : memref<512x32xf32, #tpu.memory_space<vmem>>, vector<16xf32>,
      %swap3A_555 = arith.index_cast %add3A_545 : i32 to index
      %swap3A_556 = arith.constant 48 : index
      %swap3A_557 = tpu.vector_load %arg17[%swap3A_555, %swap3A_556] {strides = array<i32>} : memref<512x65xf32, #tpu.memory_space<vmem>>, vector<16xf32>,
      tpu.vector_store %arg17[%swap3A_555, %swap3A_556], %get3A_554 {strides = array<i32>} : memref<512x65xf32, #tpu.memory_space<vmem>>, vector<16xf32>,
      %add3A_558 = arith.constant 3 : i32
      %add3A_559 = arith.addi %mul3A_318, %add3A_558 : i32
      %get3A_560 = arith.index_cast %add3A_559 : i32 to index
      %get3A_561 = arith.constant 0 : index
      %get3A_562 = tpu.vector_load %arg16[%get3A_560, %get3A_561] {strides = array<i32>} : memref<512x32xf32, #tpu.memory_space<vmem>>, vector<16xf32>,
      %swap3A_563 = arith.index_cast %add3A_559 : i32 to index
      %swap3A_564 = arith.constant 32 : index
      %swap3A_565 = tpu.vector_load %arg17[%swap3A_563, %swap3A_564] {strides = array<i32>} : memref<512x65xf32, #tpu.memory_space<vmem>>, vector<16xf32>,
      tpu.vector_store %arg17[%swap3A_563, %swap3A_564], %get3A_562 {strides = array<i32>} : memref<512x65xf32, #tpu.memory_space<vmem>>, vector<16xf32>,
      %get3A_566 = arith.index_cast %add3A_559 : i32 to index
      %get3A_567 = arith.constant 16 : index
      %get3A_568 = tpu.vector_load %arg16[%get3A_566, %get3A_567] {strides = array<i32>} : memref<512x32xf32, #tpu.memory_space<vmem>>, vector<16xf32>,
      %swap3A_569 = arith.index_cast %add3A_559 : i32 to index
      %swap3A_570 = arith.constant 48 : index
      %swap3A_571 = tpu.vector_load %arg17[%swap3A_569, %swap3A_570] {strides = array<i32>} : memref<512x65xf32, #tpu.memory_space<vmem>>, vector<16xf32>,
      tpu.vector_store %arg17[%swap3A_569, %swap3A_570], %get3A_568 {strides = array<i32>} : memref<512x65xf32, #tpu.memory_space<vmem>>, vector<16xf32>,
      %add3A_572 = arith.constant 4 : i32
      %add3A_573 = arith.addi %mul3A_318, %add3A_572 : i32
      %get3A_574 = arith.index_cast %add3A_573 : i32 to index
      %get3A_575 = arith.constant 0 : index
      %get3A_576 = tpu.vector_load %arg16[%get3A_574, %get3A_575] {strides = array<i32>} : memref<512x32xf32, #tpu.memory_space<vmem>>, vector<16xf32>,
      %swap3A_577 = arith.index_cast %add3A_573 : i32 to index
      %swap3A_578 = arith.constant 32 : index
      %swap3A_579 = tpu.vector_load %arg17[%swap3A_577, %swap3A_578] {strides = array<i32>} : memref<512x65xf32, #tpu.memory_space<vmem>>, vector<16xf32>,
      tpu.vector_store %arg17[%swap3A_577, %swap3A_578], %get3A_576 {strides = array<i32>} : memref<512x65xf32, #tpu.memory_space<vmem>>, vector<16xf32>,
      %get3A_580 = arith.index_cast %add3A_573 : i32 to index
      %get3A_581 = arith.constant 16 : index
      %get3A_582 = tpu.vector_load %arg16[%get3A_580, %get3A_581] {strides = array<i32>} : memref<512x32xf32, #tpu.memory_space<vmem>>, vector<16xf32>,
      %swap3A_583 = arith.index_cast %add3A_573 : i32 to index
      %swap3A_584 = arith.constant 48 : index
      %swap3A_585 = tpu.vector_load %arg17[%swap3A_583, %swap3A_584] {strides = array<i32>} : memref<512x65xf32, #tpu.memory_space<vmem>>, vector<16xf32>,
      tpu.vector_store %arg17[%swap3A_583, %swap3A_584], %get3A_582 {strides = array<i32>} : memref<512x65xf32, #tpu.memory_space<vmem>>, vector<16xf32>,
      %add3A_586 = arith.constant 5 : i32
      %add3A_587 = arith.addi %mul3A_318, %add3A_586 : i32
      %get3A_588 = arith.index_cast %add3A_587 : i32 to index
      %get3A_589 = arith.constant 0 : index
      %get3A_590 = tpu.vector_load %arg16[%get3A_588, %get3A_589] {strides = array<i32>} : memref<512x32xf32, #tpu.memory_space<vmem>>, vector<16xf32>,
      %swap3A_591 = arith.index_cast %add3A_587 : i32 to index
      %swap3A_592 = arith.constant 32 : index
      %swap3A_593 = tpu.vector_load %arg17[%swap3A_591, %swap3A_592] {strides = array<i32>} : memref<512x65xf32, #tpu.memory_space<vmem>>, vector<16xf32>,
      tpu.vector_store %arg17[%swap3A_591, %swap3A_592], %get3A_590 {strides = array<i32>} : memref<512x65xf32, #tpu.memory_space<vmem>>, vector<16xf32>,
      %get3A_594 = arith.index_cast %add3A_587 : i32 to index
      %get3A_595 = arith.constant 16 : index
      %get3A_596 = tpu.vector_load %arg16[%get3A_594, %get3A_595] {strides = array<i32>} : memref<512x32xf32, #tpu.memory_space<vmem>>, vector<16xf32>,
      %swap3A_597 = arith.index_cast %add3A_587 : i32 to index
      %swap3A_598 = arith.constant 48 : index
      %swap3A_599 = tpu.vector_load %arg17[%swap3A_597, %swap3A_598] {strides = array<i32>} : memref<512x65xf32, #tpu.memory_space<vmem>>, vector<16xf32>,
      tpu.vector_store %arg17[%swap3A_597, %swap3A_598], %get3A_596 {strides = array<i32>} : memref<512x65xf32, #tpu.memory_space<vmem>>, vector<16xf32>,
      %add3A_600 = arith.constant 6 : i32
      %add3A_601 = arith.addi %mul3A_318, %add3A_600 : i32
      %get3A_602 = arith.index_cast %add3A_601 : i32 to index
      %get3A_603 = arith.constant 0 : index
      %get3A_604 = tpu.vector_load %arg16[%get3A_602, %get3A_603] {strides = array<i32>} : memref<512x32xf32, #tpu.memory_space<vmem>>, vector<16xf32>,
      %swap3A_605 = arith.index_cast %add3A_601 : i32 to index
      %swap3A_606 = arith.constant 32 : index
      %swap3A_607 = tpu.vector_load %arg17[%swap3A_605, %swap3A_606] {strides = array<i32>} : memref<512x65xf32, #tpu.memory_space<vmem>>, vector<16xf32>,
      tpu.vector_store %arg17[%swap3A_605, %swap3A_606], %get3A_604 {strides = array<i32>} : memref<512x65xf32, #tpu.memory_space<vmem>>, vector<16xf32>,
      %get3A_608 = arith.index_cast %add3A_601 : i32 to index
      %get3A_609 = arith.constant 16 : index
      %get3A_610 = tpu.vector_load %arg16[%get3A_608, %get3A_609] {strides = array<i32>} : memref<512x32xf32, #tpu.memory_space<vmem>>, vector<16xf32>,
      %swap3A_611 = arith.index_cast %add3A_601 : i32 to index
      %swap3A_612 = arith.constant 48 : index
      %swap3A_613 = tpu.vector_load %arg17[%swap3A_611, %swap3A_612] {strides = array<i32>} : memref<512x65xf32, #tpu.memory_space<vmem>>, vector<16xf32>,
      tpu.vector_store %arg17[%swap3A_611, %swap3A_612], %get3A_610 {strides = array<i32>} : memref<512x65xf32, #tpu.memory_space<vmem>>, vector<16xf32>,
      %add3A_614 = arith.constant 7 : i32
      %add3A_615 = arith.addi %mul3A_318, %add3A_614 : i32
      %get3A_616 = arith.index_cast %add3A_615 : i32 to index
      %get3A_617 = arith.constant 0 : index
      %get3A_618 = tpu.vector_load %arg16[%get3A_616, %get3A_617] {strides = array<i32>} : memref<512x32xf32, #tpu.memory_space<vmem>>, vector<16xf32>,
      %swap3A_619 = arith.index_cast %add3A_615 : i32 to index
      %swap3A_620 = arith.constant 32 : index
      %swap3A_621 = tpu.vector_load %arg17[%swap3A_619, %swap3A_620] {strides = array<i32>} : memref<512x65xf32, #tpu.memory_space<vmem>>, vector<16xf32>,
      tpu.vector_store %arg17[%swap3A_619, %swap3A_620], %get3A_618 {strides = array<i32>} : memref<512x65xf32, #tpu.memory_space<vmem>>, vector<16xf32>,
      %get3A_622 = arith.index_cast %add3A_615 : i32 to index
      %get3A_623 = arith.constant 16 : index
      %get3A_624 = tpu.vector_load %arg16[%get3A_622, %get3A_623] {strides = array<i32>} : memref<512x32xf32, #tpu.memory_space<vmem>>, vector<16xf32>,
      %swap3A_625 = arith.index_cast %add3A_615 : i32 to index
      %swap3A_626 = arith.constant 48 : index
      %swap3A_627 = tpu.vector_load %arg17[%swap3A_625, %swap3A_626] {strides = array<i32>} : memref<512x65xf32, #tpu.memory_space<vmem>>, vector<16xf32>,
      tpu.vector_store %arg17[%swap3A_625, %swap3A_626], %get3A_624 {strides = array<i32>} : memref<512x65xf32, #tpu.memory_space<vmem>>, vector<16xf32>,
      %add3A_628 = arith.constant 8 : i32
      %add3A_629 = arith.addi %mul3A_318, %add3A_628 : i32
      %get3A_630 = arith.index_cast %add3A_629 : i32 to index
      %get3A_631 = arith.constant 0 : index
      %get3A_632 = tpu.vector_load %arg16[%get3A_630, %get3A_631] {strides = array<i32>} : memref<512x32xf32, #tpu.memory_space<vmem>>, vector<16xf32>,
      %swap3A_633 = arith.index_cast %add3A_629 : i32 to index
      %swap3A_634 = arith.constant 32 : index
      %swap3A_635 = tpu.vector_load %arg17[%swap3A_633, %swap3A_634] {strides = array<i32>} : memref<512x65xf32, #tpu.memory_space<vmem>>, vector<16xf32>,
      tpu.vector_store %arg17[%swap3A_633, %swap3A_634], %get3A_632 {strides = array<i32>} : memref<512x65xf32, #tpu.memory_space<vmem>>, vector<16xf32>,
      %get3A_636 = arith.index_cast %add3A_629 : i32 to index
      %get3A_637 = arith.constant 16 : index
      %get3A_638 = tpu.vector_load %arg16[%get3A_636, %get3A_637] {strides = array<i32>} : memref<512x32xf32, #tpu.memory_space<vmem>>, vector<16xf32>,
      %swap3A_639 = arith.index_cast %add3A_629 : i32 to index
      %swap3A_640 = arith.constant 48 : index
      %swap3A_641 = tpu.vector_load %arg17[%swap3A_639, %swap3A_640] {strides = array<i32>} : memref<512x65xf32, #tpu.memory_space<vmem>>, vector<16xf32>,
      tpu.vector_store %arg17[%swap3A_639, %swap3A_640], %get3A_638 {strides = array<i32>} : memref<512x65xf32, #tpu.memory_space<vmem>>, vector<16xf32>,
      %add3A_642 = arith.constant 9 : i32
      %add3A_643 = arith.addi %mul3A_318, %add3A_642 : i32
      %get3A_644 = arith.index_cast %add3A_643 : i32 to index
      %get3A_645 = arith.constant 0 : index
      %get3A_646 = tpu.vector_load %arg16[%get3A_644, %get3A_645] {strides = array<i32>} : memref<512x32xf32, #tpu.memory_space<vmem>>, vector<16xf32>,
      %swap3A_647 = arith.index_cast %add3A_643 : i32 to index
      %swap3A_648 = arith.constant 32 : index
      %swap3A_649 = tpu.vector_load %arg17[%swap3A_647, %swap3A_648] {strides = array<i32>} : memref<512x65xf32, #tpu.memory_space<vmem>>, vector<16xf32>,
      tpu.vector_store %arg17[%swap3A_647, %swap3A_648], %get3A_646 {strides = array<i32>} : memref<512x65xf32, #tpu.memory_space<vmem>>, vector<16xf32>,
      %get3A_650 = arith.index_cast %add3A_643 : i32 to index
      %get3A_651 = arith.constant 16 : index
      %get3A_652 = tpu.vector_load %arg16[%get3A_650, %get3A_651] {strides = array<i32>} : memref<512x32xf32, #tpu.memory_space<vmem>>, vector<16xf32>,
      %swap3A_653 = arith.index_cast %add3A_643 : i32 to index
      %swap3A_654 = arith.constant 48 : index
      %swap3A_655 = tpu.vector_load %arg17[%swap3A_653, %swap3A_654] {strides = array<i32>} : memref<512x65xf32, #tpu.memory_space<vmem>>, vector<16xf32>,
      tpu.vector_store %arg17[%swap3A_653, %swap3A_654], %get3A_652 {strides = array<i32>} : memref<512x65xf32, #tpu.memory_space<vmem>>, vector<16xf32>,
      %add3A_656 = arith.constant 10 : i32
      %add3A_657 = arith.addi %mul3A_318, %add3A_656 : i32
      %get3A_658 = arith.index_cast %add3A_657 : i32 to index
      %get3A_659 = arith.constant 0 : index
      %get3A_660 = tpu.vector_load %arg16[%get3A_658, %get3A_659] {strides = array<i32>} : memref<512x32xf32, #tpu.memory_space<vmem>>, vector<16xf32>,
      %swap3A_661 = arith.index_cast %add3A_657 : i32 to index
      %swap3A_662 = arith.constant 32 : index
      %swap3A_663 = tpu.vector_load %arg17[%swap3A_661, %swap3A_662] {strides = array<i32>} : memref<512x65xf32, #tpu.memory_space<vmem>>, vector<16xf32>,
      tpu.vector_store %arg17[%swap3A_661, %swap3A_662], %get3A_660 {strides = array<i32>} : memref<512x65xf32, #tpu.memory_space<vmem>>, vector<16xf32>,
      %get3A_664 = arith.index_cast %add3A_657 : i32 to index
      %get3A_665 = arith.constant 16 : index
      %get3A_666 = tpu.vector_load %arg16[%get3A_664, %get3A_665] {strides = array<i32>} : memref<512x32xf32, #tpu.memory_space<vmem>>, vector<16xf32>,
      %swap3A_667 = arith.index_cast %add3A_657 : i32 to index
      %swap3A_668 = arith.constant 48 : index
      %swap3A_669 = tpu.vector_load %arg17[%swap3A_667, %swap3A_668] {strides = array<i32>} : memref<512x65xf32, #tpu.memory_space<vmem>>, vector<16xf32>,
      tpu.vector_store %arg17[%swap3A_667, %swap3A_668], %get3A_666 {strides = array<i32>} : memref<512x65xf32, #tpu.memory_space<vmem>>, vector<16xf32>,
      %add3A_670 = arith.constant 11 : i32
      %add3A_671 = arith.addi %mul3A_318, %add3A_670 : i32
      %get3A_672 = arith.index_cast %add3A_671 : i32 to index
      %get3A_673 = arith.constant 0 : index
      %get3A_674 = tpu.vector_load %arg16[%get3A_672, %get3A_673] {strides = array<i32>} : memref<512x32xf32, #tpu.memory_space<vmem>>, vector<16xf32>,
      %swap3A_675 = arith.index_cast %add3A_671 : i32 to index
      %swap3A_676 = arith.constant 32 : index
      %swap3A_677 = tpu.vector_load %arg17[%swap3A_675, %swap3A_676] {strides = array<i32>} : memref<512x65xf32, #tpu.memory_space<vmem>>, vector<16xf32>,
      tpu.vector_store %arg17[%swap3A_675, %swap3A_676], %get3A_674 {strides = array<i32>} : memref<512x65xf32, #tpu.memory_space<vmem>>, vector<16xf32>,
      %get3A_678 = arith.index_cast %add3A_671 : i32 to index
      %get3A_679 = arith.constant 16 : index
      %get3A_680 = tpu.vector_load %arg16[%get3A_678, %get3A_679] {strides = array<i32>} : memref<512x32xf32, #tpu.memory_space<vmem>>, vector<16xf32>,
      %swap3A_681 = arith.index_cast %add3A_671 : i32 to index
      %swap3A_682 = arith.constant 48 : index
      %swap3A_683 = tpu.vector_load %arg17[%swap3A_681, %swap3A_682] {strides = array<i32>} : memref<512x65xf32, #tpu.memory_space<vmem>>, vector<16xf32>,
      tpu.vector_store %arg17[%swap3A_681, %swap3A_682], %get3A_680 {strides = array<i32>} : memref<512x65xf32, #tpu.memory_space<vmem>>, vector<16xf32>,
      %add3A_684 = arith.constant 12 : i32
      %add3A_685 = arith.addi %mul3A_318, %add3A_684 : i32
      %get3A_686 = arith.index_cast %add3A_685 : i32 to index
      %get3A_687 = arith.constant 0 : index
      %get3A_688 = tpu.vector_load %arg16[%get3A_686, %get3A_687] {strides = array<i32>} : memref<512x32xf32, #tpu.memory_space<vmem>>, vector<16xf32>,
      %swap3A_689 = arith.index_cast %add3A_685 : i32 to index
      %swap3A_690 = arith.constant 32 : index
      %swap3A_691 = tpu.vector_load %arg17[%swap3A_689, %swap3A_690] {strides = array<i32>} : memref<512x65xf32, #tpu.memory_space<vmem>>, vector<16xf32>,
      tpu.vector_store %arg17[%swap3A_689, %swap3A_690], %get3A_688 {strides = array<i32>} : memref<512x65xf32, #tpu.memory_space<vmem>>, vector<16xf32>,
      %get3A_692 = arith.index_cast %add3A_685 : i32 to index
      %get3A_693 = arith.constant 16 : index
      %get3A_694 = tpu.vector_load %arg16[%get3A_692, %get3A_693] {strides = array<i32>} : memref<512x32xf32, #tpu.memory_space<vmem>>, vector<16xf32>,
      %swap3A_695 = arith.index_cast %add3A_685 : i32 to index
      %swap3A_696 = arith.constant 48 : index
      %swap3A_697 = tpu.vector_load %arg17[%swap3A_695, %swap3A_696] {strides = array<i32>} : memref<512x65xf32, #tpu.memory_space<vmem>>, vector<16xf32>,
      tpu.vector_store %arg17[%swap3A_695, %swap3A_696], %get3A_694 {strides = array<i32>} : memref<512x65xf32, #tpu.memory_space<vmem>>, vector<16xf32>,
      %add3A_698 = arith.constant 13 : i32
      %add3A_699 = arith.addi %mul3A_318, %add3A_698 : i32
      %get3A_700 = arith.index_cast %add3A_699 : i32 to index
      %get3A_701 = arith.constant 0 : index
      %get3A_702 = tpu.vector_load %arg16[%get3A_700, %get3A_701] {strides = array<i32>} : memref<512x32xf32, #tpu.memory_space<vmem>>, vector<16xf32>,
      %swap3A_703 = arith.index_cast %add3A_699 : i32 to index
      %swap3A_704 = arith.constant 32 : index
      %swap3A_705 = tpu.vector_load %arg17[%swap3A_703, %swap3A_704] {strides = array<i32>} : memref<512x65xf32, #tpu.memory_space<vmem>>, vector<16xf32>,
      tpu.vector_store %arg17[%swap3A_703, %swap3A_704], %get3A_702 {strides = array<i32>} : memref<512x65xf32, #tpu.memory_space<vmem>>, vector<16xf32>,
      %get3A_706 = arith.index_cast %add3A_699 : i32 to index
      %get3A_707 = arith.constant 16 : index
      %get3A_708 = tpu.vector_load %arg16[%get3A_706, %get3A_707] {strides = array<i32>} : memref<512x32xf32, #tpu.memory_space<vmem>>, vector<16xf32>,
      %swap3A_709 = arith.index_cast %add3A_699 : i32 to index
      %swap3A_710 = arith.constant 48 : index
      %swap3A_711 = tpu.vector_load %arg17[%swap3A_709, %swap3A_710] {strides = array<i32>} : memref<512x65xf32, #tpu.memory_space<vmem>>, vector<16xf32>,
      tpu.vector_store %arg17[%swap3A_709, %swap3A_710], %get3A_708 {strides = array<i32>} : memref<512x65xf32, #tpu.memory_space<vmem>>, vector<16xf32>,
      %add3A_712 = arith.constant 14 : i32
      %add3A_713 = arith.addi %mul3A_318, %add3A_712 : i32
      %get3A_714 = arith.index_cast %add3A_713 : i32 to index
      %get3A_715 = arith.constant 0 : index
      %get3A_716 = tpu.vector_load %arg16[%get3A_714, %get3A_715] {strides = array<i32>} : memref<512x32xf32, #tpu.memory_space<vmem>>, vector<16xf32>,
      %swap3A_717 = arith.index_cast %add3A_713 : i32 to index
      %swap3A_718 = arith.constant 32 : index
      %swap3A_719 = tpu.vector_load %arg17[%swap3A_717, %swap3A_718] {strides = array<i32>} : memref<512x65xf32, #tpu.memory_space<vmem>>, vector<16xf32>,
      tpu.vector_store %arg17[%swap3A_717, %swap3A_718], %get3A_716 {strides = array<i32>} : memref<512x65xf32, #tpu.memory_space<vmem>>, vector<16xf32>,
      %get3A_720 = arith.index_cast %add3A_713 : i32 to index
      %get3A_721 = arith.constant 16 : index
      %get3A_722 = tpu.vector_load %arg16[%get3A_720, %get3A_721] {strides = array<i32>} : memref<512x32xf32, #tpu.memory_space<vmem>>, vector<16xf32>,
      %swap3A_723 = arith.index_cast %add3A_713 : i32 to index
      %swap3A_724 = arith.constant 48 : index
      %swap3A_725 = tpu.vector_load %arg17[%swap3A_723, %swap3A_724] {strides = array<i32>} : memref<512x65xf32, #tpu.memory_space<vmem>>, vector<16xf32>,
      tpu.vector_store %arg17[%swap3A_723, %swap3A_724], %get3A_722 {strides = array<i32>} : memref<512x65xf32, #tpu.memory_space<vmem>>, vector<16xf32>,
      %add3A_726 = arith.constant 15 : i32
      %add3A_727 = arith.addi %mul3A_318, %add3A_726 : i32
      %get3A_728 = arith.index_cast %add3A_727 : i32 to index
      %get3A_729 = arith.constant 0 : index
      %get3A_730 = tpu.vector_load %arg16[%get3A_728, %get3A_729] {strides = array<i32>} : memref<512x32xf32, #tpu.memory_space<vmem>>, vector<16xf32>,
      %swap3A_731 = arith.index_cast %add3A_727 : i32 to index
      %swap3A_732 = arith.constant 32 : index
      %swap3A_733 = tpu.vector_load %arg17[%swap3A_731, %swap3A_732] {strides = array<i32>} : memref<512x65xf32, #tpu.memory_space<vmem>>, vector<16xf32>,
      tpu.vector_store %arg17[%swap3A_731, %swap3A_732], %get3A_730 {strides = array<i32>} : memref<512x65xf32, #tpu.memory_space<vmem>>, vector<16xf32>,
      %get3A_734 = arith.index_cast %add3A_727 : i32 to index
      %get3A_735 = arith.constant 16 : index
      %get3A_736 = tpu.vector_load %arg16[%get3A_734, %get3A_735] {strides = array<i32>} : memref<512x32xf32, #tpu.memory_space<vmem>>, vector<16xf32>,
      %swap3A_737 = arith.index_cast %add3A_727 : i32 to index
      %swap3A_738 = arith.constant 48 : index
      %swap3A_739 = tpu.vector_load %arg17[%swap3A_737, %swap3A_738] {strides = array<i32>} : memref<512x65xf32, #tpu.memory_space<vmem>>, vector<16xf32>,
      tpu.vector_store %arg17[%swap3A_737, %swap3A_738], %get3A_736 {strides = array<i32>} : memref<512x65xf32, #tpu.memory_space<vmem>>, vector<16xf32>,
    }
    %scan3A_263 = arith.constant 8 : i32
    %add3A_264 = arith.constant 384 : i32
    %add3A_265 = arith.addi %mul3A_2, %add3A_264 : i32
    %dma_start3A_266 = arith.constant 384 : i32
    %dma_start3A_267 = arith.constant 0 : i32
    %dma_start3A_268 = tpu.memref_slice %arg17[%dma_start3A_266, %dma_start3A_267] : memref<512x65xf32, #tpu.memory_space<vmem>> -> memref<128x65xf32, #tpu.memory_space<vmem>>
    %dma_start3A_269 = arith.constant 0 : i32
    %dma_start3A_270 = tpu.memref_slice %arg8[%add3A_265, %dma_start3A_269] : memref<16384x65xf32, #tpu.memory_space<hbm>> -> memref<128x65xf32, #tpu.memory_space<hbm>>
    %dma_start3A_271 = arith.constant 0 : i32
    %dma_start3A_272 = tpu.memref_slice %arg8[%add3A_265, %dma_start3A_271] : memref<16384x65xf32, #tpu.memory_space<hbm>> -> memref<128x65xf32, #tpu.memory_space<hbm>>
    %dma_start3A_273 = arith.constant 384 : i32
    %dma_start3A_274 = arith.constant 0 : i32
    %dma_start3A_275 = tpu.memref_slice %arg17[%dma_start3A_273, %dma_start3A_274] : memref<512x65xf32, #tpu.memory_space<vmem>> -> memref<128x65xf32, #tpu.memory_space<vmem>>
    tpu.enqueue_dma source(%dma_start3A_275 : memref<128x65xf32, #tpu.memory_space<vmem>>) target(%dma_start3A_272 : memref<128x65xf32, #tpu.memory_space<hbm>>) target_semaphore(%arg20 : memref<!tpu.dma_semaphore, #tpu.memory_space<semaphore_mem>>)
    %dma_wait3A_276 = arith.constant 0 : i32
    %dma_wait3A_277 = arith.constant 0 : i32
    %dma_wait3A_278 = tpu.memref_slice %arg17[%dma_wait3A_276, %dma_wait3A_277] : memref<512x65xf32, #tpu.memory_space<vmem>> -> memref<128x65xf32, #tpu.memory_space<vmem>>
    %dma_wait3A_279 = arith.constant 0 : i32
    %dma_wait3A_280 = tpu.memref_slice %arg8[%add3A_151, %dma_wait3A_279] : memref<16384x65xf32, #tpu.memory_space<hbm>> -> memref<128x65xf32, #tpu.memory_space<hbm>>
    %dma_wait3A_281 = arith.constant 0 : i32
    %dma_wait3A_282 = tpu.memref_slice %arg8[%add3A_151, %dma_wait3A_281] : memref<16384x65xf32, #tpu.memory_space<hbm>> -> memref<128x65xf32, #tpu.memory_space<hbm>>
    %dma_wait3A_283 = arith.constant 0 : i32
    %dma_wait3A_284 = arith.constant 0 : i32
    %dma_wait3A_285 = tpu.memref_slice %arg17[%dma_wait3A_283, %dma_wait3A_284] : memref<512x65xf32, #tpu.memory_space<vmem>> -> memref<128x65xf32, #tpu.memory_space<vmem>>
    tpu.wait_dma2 semaphore(%arg20 : memref<!tpu.dma_semaphore, #tpu.memory_space<semaphore_mem>>) src(%dma_wait3A_285 : memref<128x65xf32, #tpu.memory_space<vmem>>) dst(%dma_wait3A_282 : memref<128x65xf32, #tpu.memory_space<hbm>>)
    %dma_wait3A_286 = arith.constant 128 : i32
    %dma_wait3A_287 = arith.constant 0 : i32
    %dma_wait3A_288 = tpu.memref_slice %arg17[%dma_wait3A_286, %dma_wait3A_287] : memref<512x65xf32, #tpu.memory_space<vmem>> -> memref<128x65xf32, #tpu.memory_space<vmem>>
    %dma_wait3A_289 = arith.constant 0 : i32
    %dma_wait3A_290 = tpu.memref_slice %arg8[%add3A_189, %dma_wait3A_289] : memref<16384x65xf32, #tpu.memory_space<hbm>> -> memref<128x65xf32, #tpu.memory_space<hbm>>
    %dma_wait3A_291 = arith.constant 0 : i32
    %dma_wait3A_292 = tpu.memref_slice %arg8[%add3A_189, %dma_wait3A_291] : memref<16384x65xf32, #tpu.memory_space<hbm>> -> memref<128x65xf32, #tpu.memory_space<hbm>>
    %dma_wait3A_293 = arith.constant 128 : i32
    %dma_wait3A_294 = arith.constant 0 : i32
    %dma_wait3A_295 = tpu.memref_slice %arg17[%dma_wait3A_293, %dma_wait3A_294] : memref<512x65xf32, #tpu.memory_space<vmem>> -> memref<128x65xf32, #tpu.memory_space<vmem>>
    tpu.wait_dma2 semaphore(%arg20 : memref<!tpu.dma_semaphore, #tpu.memory_space<semaphore_mem>>) src(%dma_wait3A_295 : memref<128x65xf32, #tpu.memory_space<vmem>>) dst(%dma_wait3A_292 : memref<128x65xf32, #tpu.memory_space<hbm>>)
    %dma_wait3A_296 = arith.constant 256 : i32
    %dma_wait3A_297 = arith.constant 0 : i32
    %dma_wait3A_298 = tpu.memref_slice %arg17[%dma_wait3A_296, %dma_wait3A_297] : memref<512x65xf32, #tpu.memory_space<vmem>> -> memref<128x65xf32, #tpu.memory_space<vmem>>
    %dma_wait3A_299 = arith.constant 0 : i32
    %dma_wait3A_300 = tpu.memref_slice %arg8[%add3A_227, %dma_wait3A_299] : memref<16384x65xf32, #tpu.memory_space<hbm>> -> memref<128x65xf32, #tpu.memory_space<hbm>>
    %dma_wait3A_301 = arith.constant 0 : i32
    %dma_wait3A_302 = tpu.memref_slice %arg8[%add3A_227, %dma_wait3A_301] : memref<16384x65xf32, #tpu.memory_space<hbm>> -> memref<128x65xf32, #tpu.memory_space<hbm>>
    %dma_wait3A_303 = arith.constant 256 : i32
    %dma_wait3A_304 = arith.constant 0 : i32
    %dma_wait3A_305 = tpu.memref_slice %arg17[%dma_wait3A_303, %dma_wait3A_304] : memref<512x65xf32, #tpu.memory_space<vmem>> -> memref<128x65xf32, #tpu.memory_space<vmem>>
    tpu.wait_dma2 semaphore(%arg20 : memref<!tpu.dma_semaphore, #tpu.memory_space<semaphore_mem>>) src(%dma_wait3A_305 : memref<128x65xf32, #tpu.memory_space<vmem>>) dst(%dma_wait3A_302 : memref<128x65xf32, #tpu.memory_space<hbm>>)
    %dma_wait3A_306 = arith.constant 384 : i32
    %dma_wait3A_307 = arith.constant 0 : i32
    %dma_wait3A_308 = tpu.memref_slice %arg17[%dma_wait3A_306, %dma_wait3A_307] : memref<512x65xf32, #tpu.memory_space<vmem>> -> memref<128x65xf32, #tpu.memory_space<vmem>>
    %dma_wait3A_309 = arith.constant 0 : i32
    %dma_wait3A_310 = tpu.memref_slice %arg8[%add3A_265, %dma_wait3A_309] : memref<16384x65xf32, #tpu.memory_space<hbm>> -> memref<128x65xf32, #tpu.memory_space<hbm>>
    %dma_wait3A_311 = arith.constant 0 : i32
    %dma_wait3A_312 = tpu.memref_slice %arg8[%add3A_265, %dma_wait3A_311] : memref<16384x65xf32, #tpu.memory_space<hbm>> -> memref<128x65xf32, #tpu.memory_space<hbm>>
    %dma_wait3A_313 = arith.constant 384 : i32
    %dma_wait3A_314 = arith.constant 0 : i32
    %dma_wait3A_315 = tpu.memref_slice %arg17[%dma_wait3A_313, %dma_wait3A_314] : memref<512x65xf32, #tpu.memory_space<vmem>> -> memref<128x65xf32, #tpu.memory_space<vmem>>
    tpu.wait_dma2 semaphore(%arg20 : memref<!tpu.dma_semaphore, #tpu.memory_space<semaphore_mem>>) src(%dma_wait3A_315 : memref<128x65xf32, #tpu.memory_space<vmem>>) dst(%dma_wait3A_312 : memref<128x65xf32, #tpu.memory_space<hbm>>)
    return
  }
}

</mosaic_0001>

<sc_bundles>
// kernel: _sc_call.3.cloned.1.call-start
scs
__scs_entry_jumppad:
0x0: {  	(pc) =	sbr.rel $0x88, $3  }
0x1: {  	(tag) =	ssettag $0x0;
	lr =	simm.s32 $0x1  }
0x2: {  	[smem:$0x3F9B] =	sst lr;
	_ =	strace $0xD0000000  }
0x3: {  	_ = 	snop  }
0x4: {  	_ = 	snop  }
0x5: {  	_ = 	snop  }
0x6: {  	_ = 	snop  }
0x7: {  	_ = 	snop  }
__scs_overlays_trampoline_lowered:
0x8: {  	[smem:$0x3FAA] =	sst s0  }
0x9: {  	[smem:$0x3FAB] =	sst s1  }
0xa: {  	[smem:$0x3FAC] =	sst s2  }
0xb: {  	[smem:$0x3FAD] =	sst s3  }
0xc: {  	[smem:$0x3FAE] =	sst s4  }
0xd: {  	[smem:$0x3FAF] =	sst s5  }
0xe: {  	[smem:$0x3FB0] =	sst s6  }
0xf: {  	[smem:$0x3FB1] =	sst s7  }
0x10: {  	[smem:$0x3FB2] =	sst s8  }
0x11: {  	[smem:$0x3FB3] =	sst s9;
	s0 =	simm.s32 @!p0 $0x0  }
0x12: {  	s1 =	sld [smem:$0x3F99];
	s0 =	simm.s32 @p0 $0x1  }
0x13: {  	[smem:$0x3FB4] =	sst s0;
	s0 =	simm.s32 @!p1 $0x0  }
0x14: {  	s2 =	sld [smem:$0x3F98];
	s0 =	simm.s32 @p1 $0x1  }
0x15: {  	[smem:$0x3FB5] =	sst s0;
	s0 =	simm.s32 @!p2 $0x0  }
0x16: {  	s3 =	sld [smem:$0x3FDB];
	s0 =	simm.s32 @p2 $0x1  }
0x17: {  	s4 =	simm.s32 $0x1BF5;
	[smem:$0x3FB7] =	sst s0  }
0x18: {  	s0 =	sld [smem:$0x3F9A];
	_ =	swait.ge [sflag:s4], $0x0  }
0x19: {  	s7 =	sld [smem:$0x3F9B]  }
0x1a: {  	s8 =	sadd.s32 $0xFFFFE003, lr  }
0x1b: {  	s9 =	sadd.s32 $0xFFFFFEF7, lr;
	s5 =	simm.s32 $0xFFFFFFFF;
	p2 =	slt.u32 s8, $0xFFFFF086  }
0x1c: {  	p1 =	slt.u32 s9, $0xF7A;
	s5 =	simm.s32 @!p2 $0x0  }
0x1d: {  	s5 =	simm.s32 @p1 $0x1;
	p0 =	seq.s32 s7, s2  }
0x1e: {  	s7 =	smul.u32 @!p0 $0xF7A, s2;
	p2 =	seq.s32 @!p0 s5, $0x0  }
0x1f: {  	s9 =	smul.u32 $0xF7A, s1;
	s8 =	simm.s32 @!p0 $0x1BF5;
	p2 =	por !p2, p0  }
0x20: {  	[sflag:s8] =	ssyncset.s32 @!p0 $0xFFFFF086;
	s6 =	sadd.s32 @!p0 s3, s7;
	s7 =	simm.s32 @!p0 $0x108  }
0x21: {  	s3 =	sadd.s32 s3, s9;
	s6 =	sadd.s32 @!p0 $0x88, s6;
	s7 =	simm.s32 @p2 $0x1082  }
0x22: {  	[simem:s7], [sflag:s8] =	dma.local @!p0 [hbm:s6], $0xF7A  }
0x23: {  	s9 =	sor.u32 $0xD0000000, s2;
	s6 =	simm.s32 $0x108;
	_ =	swait.ge @!p0 [sflag:s8], $0x0  }
0x24: {  	s3 =	sadd.s32 $0x88, s3;
	s6 =	simm.s32 @!p1 $0x1082;
	[sflag:s4] =	ssyncset.s32 $0xFFFFF086  }
0x25: {  	[simem:s6], [sflag:s4] =	dma.local [hbm:s3], $0xF7A  }
0x26: {  	[smem:$0x3F9B] =	sst s1;
	(tag) =	ssettag s2;
	_ =	strace s9  }
0x27: {  	s1 =	sld [smem:$0x3FAB]  }
0x28: {  	s2 =	sld [smem:$0x3FAC]  }
0x29: {  	s4 =	sld [smem:$0x3FAE]  }
0x2a: {  	p0 =	seq.s32 s5, $0x0;
	s5 =	sld [smem:$0x3FAF]  }
0x2b: {  	s6 =	sld [smem:$0x3FB0]  }
0x2c: {  	s7 =	sld [smem:$0x3FB1]  }
0x2d: {  	s3 =	simm.s32 $0x108;
	s8 =	sld [smem:$0x3FB2]  }
0x2e: {  	s3 =	simm.s32 @!p0 $0x1082;
	s9 =	sld [smem:$0x3FB3]  }
0x2f: {  	lr =	sadd.s32 s0, s3;
	s0 =	sld [smem:$0x3FAA]  }
0x30: {  	s3 =	sld [smem:$0x3FAD]  }
0x31: {  	[smem:$0x3FB6] =	sst s10  }
0x32: {  	s10 =	sld [smem:$0x3FB4];
	_ =	sdelay $0x3  }
0x33: {  	p0 =	seq.s32 s10, $0x1;
	s10 =	sld [smem:$0x3FB6];
	_ =	sdelay $0x3  }
0x34: {  	[smem:$0x3FB6] =	sst s10  }
0x35: {  	s10 =	sld [smem:$0x3FB5];
	_ =	sdelay $0x3  }
0x36: {  	p1 =	seq.s32 s10, $0x1;
	s10 =	sld [smem:$0x3FB6];
	_ =	sdelay $0x3  }
0x37: {  	[smem:$0x3FB6] =	sst s10  }
0x38: {  	s10 =	sld [smem:$0x3FB7]  }
0x39: {  	_ = 	snop;
	(pc) =	sbr.ind lr, $3  }
0x3a: {  	_ = 	snop  }
0x3b: {  	_ = 	snop  }
0x3c: {  	p2 =	seq.s32 s10, $0x1;
	s10 =	sld [smem:$0x3FB6]  }
0x3d: {  	_ =	shalt  }
0x3e: {  	_ =	shalt  }
0x3f: {  	_ =	shalt  }
0x40: {  	_ =	shalt  }
0x41: {  	_ =	shalt  }
0x42: {  	_ =	shalt  }
0x43: {  	_ =	shalt  }
0x44: {  	_ =	shalt  }
0x45: {  	_ =	shalt  }
0x46: {  	_ =	shalt  }
0x47: {  	_ =	shalt  }
0x48: {  	_ =	shalt  }
0x49: {  	_ =	shalt  }
0x4a: {  	_ =	shalt  }
0x4b: {  	_ =	shalt  }
0x4c: {  	_ =	shalt  }
0x4d: {  	_ =	shalt  }
0x4e: {  	_ =	shalt  }
0x4f: {  	_ =	shalt  }
0x50: {  	_ =	shalt  }
0x51: {  	_ =	shalt  }
0x52: {  	_ =	shalt  }
0x53: {  	_ =	shalt  }
0x54: {  	_ =	shalt  }
0x55: {  	_ =	shalt  }
0x56: {  	_ =	shalt  }
0x57: {  	_ =	shalt  }
0x58: {  	_ =	shalt  }
0x59: {  	_ =	shalt  }
0x5a: {  	_ =	shalt  }
0x5b: {  	_ =	shalt  }
0x5c: {  	_ =	shalt  }
0x5d: {  	_ =	shalt  }
0x5e: {  	_ =	shalt  }
0x5f: {  	_ =	shalt  }
0x60: {  	_ =	shalt  }
0x61: {  	_ =	shalt  }
0x62: {  	_ =	shalt  }
0x63: {  	_ =	shalt  }
0x64: {  	_ =	shalt  }
0x65: {  	_ =	shalt  }
0x66: {  	_ =	shalt  }
0x67: {  	_ =	shalt  }
0x68: {  	_ =	shalt  }
0x69: {  	_ =	shalt  }
0x6a: {  	_ =	shalt  }
0x6b: {  	_ =	shalt  }
0x6c: {  	_ =	shalt  }
0x6d: {  	_ =	shalt  }
0x6e: {  	_ =	shalt  }
0x6f: {  	_ =	shalt  }
0x70: {  	_ =	shalt  }
0x71: {  	_ =	shalt  }
0x72: {  	_ =	shalt  }
0x73: {  	_ =	shalt  }
0x74: {  	_ =	shalt  }
0x75: {  	_ =	shalt  }
0x76: {  	_ =	shalt  }
0x77: {  	_ =	shalt  }
0x78: {  	_ =	shalt  }
0x79: {  	_ =	shalt  }
0x7a: {  	_ =	shalt  }
0x7b: {  	_ =	shalt  }
0x7c: {  	_ =	shalt  }
0x7d: {  	_ =	shalt  }
0x7e: {  	_ =	shalt  }
0x7f: {  	_ =	shalt  }
0x80: {  	_ =	shalt  }
0x81: {  	_ =	shalt  }
0x82: {  	_ =	shalt  }
0x83: {  	_ =	shalt  }
0x84: {  	_ =	shalt  }
0x85: {  	_ =	shalt  }
0x86: {  	_ =	shalt  }
0x87: {  	_ =	shalt  }
.Lfunc_end0:
.L_simem_size_0:
called_computation_lowered:
.L_overlay_start_0:
0x88: {  	s2 =	sld [smem:$0x3FD9]  }
0x89: {  	s3 =	sld [smem:$0x3FFE];
	_ =	sdelay $0x1  }
0x8a: {  	s1 =	srdreg.scid  }
0x8b: {  	s0 =	sand.u32 $0x1, s1  }
0x8c: {  	s17 =	sshll.u32 s0, $0xA;
	s2 =	sadd.s32 s3, s2  }
0x8d: {  	s2 =	sadd.s32 s2, s17  }
0x8e: {  	[smem:$0x3FC2] =	sst s2  }
0x8f: {  	_ = 	snop  }
0x90: {  	s2 =	sld [smem:$0x3FC9]  }
0x91: {  	s18 =	sld [smem:$0x3FC8]  }
0x92: {  	s4 =	sld [smem:$0x3FC7]  }
0x93: {  	s5 =	sld [smem:$0x3FC5]  }
0x94: {  	s6 =	sld [smem:$0x3FC4]  }
0x95: {  	s7 =	sld [smem:$0x3FD0];
	(tm) =	ssettm $0x1  }
0x96: {  	s8 =	sld [smem:$0x3FFB];
	_ =	sdelay $0x3  }
0x97: {  	_ =	strace s8  }
0x98: {  	s8 =	sld [smem:$0x3FFC];
	_ =	sdelay $0x3  }
0x99: {  	_ =	strace s8  }
0x9a: {  	s8 =	sld [smem:$0x3FFD];
	_ =	sdelay $0x3  }
0x9b: {  	_ =	strace s8  }
0x9c: {  	_ =	strace $0x8FFFFFFF  }
0x9d: {  	s19 =	sld [smem:$0x3FDB];
	_ =	sdelay $0x1  }
0x9e: {  	s9 =	simm.s32 $_scs_section_size  }
0x9f: {  	s10 =	simm.s32 $_size__tile_overlayer_lowered;
	s11 =	simm.s32 $_tile_overlayer_lowered  }
0xa0: {  	s22 =	simm.s32 $0x1BFF;
	s21 =	sshll.u32 s11, $0x1;
	s8 =	sadd.s32 s9, s19  }
0xa1: {  	s12 =	simm.s32 $0x0;
	s20 =	sshll.u32 s10, $0x1;
	s10 =	sadd.s32 s21, s8  }
0xa2: {  	[timem:s12], [sflag:s22] =	dma.local [hbm:s10], s20  }
0xa3: {  	_ =	swait.ge [sflag:s22], s20  }
0xa4: {  	s9 =	ssub.s32 $0x0, s20;
	[sflag:s22] =	ssyncset.done $0x0  }
0xa5: {  	[sflag:s22] =	ssyncadd.s32 s9;
	_ =	sdelay $0x1  }
0xa6: {  	s23 =	simm.s32 $0x1B8B  }
0xa7: {  	_ =	swait.ge [sflag:s23], $0x1  }
0xa8: {  	[sflag:s23] =	ssyncset.done $0x0  }
0xa9: {  	s25 =	simm.s32 $0x1B8E;
	s24 =	sld [smem:$0x3FFE];
	[sflag:s23] =	ssyncadd.s32 $0xFFFFFFFF  }
0xaa: {  	s26 =	simm.s32 $execute0_lowered;
	[smem:$0x3FD2] =	sst s25  }
0xab: {  	s10 =	sshll.u32 s26, $0x1;
	_ =	strace $0x80000046;
	[dreg:$0x1] =	wrdreg $0xFFFFFFFF  }
0xac: {  	s28 =	simm.s32 $_size_execute0_lowered;
	s8 =	sadd.s32 s8, s10;
	[dreg:$0x0] =	wrdreg $0x0  }
0xad: {  	s10 =	sshll.u32 s28, $0x1;
	[dreg:$0x2] =	wrdreg s8  }
0xae: {  	[dreg:$0x3] =	wrdreg s10  }
0xaf: {  	[dreg:$0x4] =	wrdreg $0xC0  }
0xb0: {  	_ =	task [dreg:s12], $0x5FFFF  }
0xb1: {  	[dreg:$0x1] =	wrdreg $0xFFFFFFFF  }
0xb2: {  	[dreg:$0x0] =	wrdreg $0x60  }
0xb3: {  	[dreg:$0x2] =	wrdreg s2  }
0xb4: {  	[dreg:$0x3] =	wrdreg s18  }
0xb5: {  	[dreg:$0x4] =	wrdreg s4  }
0xb6: {  	[dreg:$0x5] =	wrdreg s24  }
0xb7: {  	[dreg:$0x6] =	wrdreg s5  }
0xb8: {  	[dreg:$0x7] =	wrdreg s6  }
0xb9: {  	[dreg:$0x8] =	wrdreg s7  }
0xba: {  	[dreg:$0x9] =	wrdreg $0x9  }
0xbb: {  	_ =	task.clear_ibuf [dreg:s12], $0xAFFFF;
	_ =	strace $0x90000046  }
0xbc: {  	s29 =	simm.s32 $0x9;
	_ =	strace $0x80000048  }
0xbd: {  	_ =	swait.ge [sflag:s29], $0x1  }
0xbe: {  	[sflag:s29] =	ssyncadd.s32 $0xFFFFFFFF  }
0xbf: {  	_ =	strace $0x90000048  }
0xc0: {  	_ =	sfence  }
0xc1: {  	s30 =	sld [smem:$0x0];
	_ =	sdelay $0x2  }
0xc2: {  	s31 =	sshll.u32 s1, $0xD;
	s1 =	sshrl.u32 s1, $0x2  }
0xc3: {  	s3 =	sand.u32 $0x4000, s31;
	s1 =	sadd.s32 s1, s30  }
0xc4: {  	s0 =	sor.u32 s3, s0;
	s1 =	sshll.u32 s1, $0x11  }
0xc5: {  	s0 =	sor.u32 s1, s0  }
0xc6: {  	s0 =	sadd.s32 $0x8F2B, s0  }
0xc7: {  	[sflag:s0] =	ssyncadd.remote.s32 $0x1  }
0xc8: {  	_ =	sfence.sel $0xFFFF  }
0xc9: {  	[dreg:$0x0] =	wrdreg $0xFFFFFFFF;
	(pc) =	sbr.abs _section_cstart, $3  }
0xca: {  	[dreg:$0x1] =	wrdreg $0xFFFFFFFF  }
0xcb: {  	_ =	task.clear_ibuf [dreg:s12], $0x2FFFF;
	_ =	strace $0x9FFFFFFF  }
0xcc: {  	(tm) =	ssettm $0x7FFFFFFF  }
0xcd: {  	_ =	shalt  }
tec
execute0_lowered:
.L_overlay_start_1:
0x0: {  	(tag) =	ssettag $0x1  }
0x1: {  	s0 =	rddreg [dreg:$0x0]  }
0x2: {  	s2 =	rddreg [dreg:$0x1]  }
0x3: {  	s1 =	rddreg [dreg:$0x2]  }
0x4: {  	s3 =	rddreg [dreg:$0x3]  }
0x5: {  	s4 =	rddreg [dreg:$0x6]  }
0x6: {  	s5 =	srdreg.scid;
	s7 =	stileid.u32;
	s17 =	simm.s32 $0x800  }
0x7: {  	s18 =	simm.s32 $0x4;
	s21 =	simm.s32 $0x80;
	s22 =	simm.s32 $0x100  }
0x8: {  	s23 =	simm.s32 $0x180;
	s24 =	simm.s32 $0xC20;
	s19 =	simm.s32 $0x1  }
0x9: {  	s20 =	simm.s32 $0x2;
	s30 =	simm.s32 $0x3;
	s31 =	simm.s32 $0x0  }
0xa: {  	s6 =	sand.u32 $0x1, s5;
	s5 =	simm.s32 $0x0;
	s7 =	sshll.u32 s7, $0xA  }
0xb: {  	s8 =	sshll.u32 s6, $0x9;
	[smem:$0x7FF] =	sst s5;
	s9 =	ssub.s32 $0x2, s6  }
0xc: {  	s6 =	sadd.s32 $0x400, s3;
	s10 =	sor.u32 s8, s7;
	s25 =	sshrl.u32 s9, $0x1  }
0xd: {  	_ =	strace $0x80000047;
	s8 =	sshrl.u32 s10, $0x3;
	s26 =	ssub.s32 s9, s25  }
0xe: {  	s28 =	sor.u32 $0x80, s10;
	s12 =	smul.u32 $0x9, s10;
	s11 =	sor.u32 $0x100, s10  }
0xf: {  	s10 =	sor.u32 $0x180, s10;
	s25 =	simm.s32 $0x14C20;
	s7 =	sadd.s32 s2, s8  }
0x10: {  	v0 =	vimm.s32 $0x1FF;
	s8 =	sadd.s32 s0, s8;
	s29 =	sshrl.u32 s28, $0x3;
	s2 =	smul.u32 $0x9, s28  }
0x11: {  	s14 =	smul.u32 $0x9, s11;
	s11 =	sshrl.u32 s11, $0x3;
	s13 =	sshrl.u32 s10, $0x3  }
0x12: {  	s15 =	smul.u32 $0x9, s10;
	s16 =	smax.u32 s26, $0x1;
	s9 =	sadd.s32 s0, s29  }
0x13: {  	s10 =	sadd.s32 s0, s11;
	s11 =	sadd.s32 s0, s13;
	s12 =	sadd.s32 s4, s12  }
0x14: {  	v1 =	vimm.s32 $0x0;
	v2 =	vlaneseq.u32;
	s13 =	sadd.s32 s4, s2;
	s14 =	sadd.s32 s4, s14;
	s15 =	sadd.s32 s4, s15  }
.LBB2_1:
0x15: {  	s0 =	rddreg [dreg:$0x4]  }
0x16: {  	[tilespmem:s17], [sflag:$0x4] =	stream.linear.gather [hbm4b:s0+s5], $0x400, $0x38;
	[tilespmem:$0x1DC20] =	vst v63  }
0x17: {  	_ =	swait.ge [sflag:s18], $0x400  }
0x18: {  	[sflag:s18] =	ssyncset.done $0x0  }
0x19: {  	[sflag:s18] =	ssyncadd.s32 $0xFFFFFC00  }
0x1a: {  	s2 =	simm.s32 $0xC00;
	s3 =	rddreg [dreg:$0x5]  }
0x1b: {  	[tilespmem:s2], [sflag:$0x4] =	stream.linear.gather [hbm4b:s3+s5], $0x20, $0x38;
	[tilespmem:$0x1DC20] =	vst v63  }
0x1c: {  	_ =	swait.ge [sflag:s18], $0x20  }
0x1d: {  	[sflag:s18] =	ssyncset.done $0x0  }
0x1e: {  	s4 =	simm.s32 $0x600;
	[sflag:s18] =	ssyncadd.s32 $0xFFFFFFE0  }
0x1f: {  	[tilespmem:s4], [sflag:$0x4] =	stream.linear.gather [hbm4b:s7+s5], $0x200, $0x38;
	[tilespmem:$0x1DC20] =	vst v63  }
0x20: {  	_ =	swait.ge [sflag:s18], $0x200  }
0x21: {  	[sflag:s18] =	ssyncset.done $0x0  }
0x22: {  	[sflag:s18] =	ssyncadd.s32 $0xFFFFFE00  }
0x23: {  	[tilespmem:s5], [sflag:$0x4] =	stream.linear.gather [hbm4b:s8+s5], $0x80, $0x38;
	[tilespmem:$0x1DC20] =	vst v63  }
0x24: {  	_ =	swait.ge [sflag:s18], $0x80  }
0x25: {  	[sflag:s18] =	ssyncset.done $0x0  }
0x26: {  	[sflag:s18] =	ssyncadd.s32 $0xFFFFFF80  }
0x27: {  	[tilespmem:s21], [sflag:$0x4] =	stream.linear.gather [hbm4b:s9+s5], $0x80, $0x38;
	[tilespmem:$0x1DC20] =	vst v63  }
0x28: {  	_ =	swait.ge [sflag:s18], $0x80  }
0x29: {  	[sflag:s18] =	ssyncset.done $0x0  }
0x2a: {  	[sflag:s18] =	ssyncadd.s32 $0xFFFFFF80  }
0x2b: {  	[tilespmem:s22], [sflag:$0x4] =	stream.linear.gather [hbm4b:s10+s5], $0x80, $0x38;
	[tilespmem:$0x1DC20] =	vst v63  }
0x2c: {  	_ =	swait.ge [sflag:s18], $0x80  }
0x2d: {  	[sflag:s18] =	ssyncset.done $0x0  }
0x2e: {  	[sflag:s18] =	ssyncadd.s32 $0xFFFFFF80  }
0x2f: {  	[tilespmem:s23], [sflag:$0x4] =	stream.linear.gather [hbm4b:s11+s5], $0x80, $0x38;
	[tilespmem:$0x1DC20] =	vst v63  }
0x30: {  	s26 =	sand.u32 $0x600, s5;
	_ =	swait.ge [sflag:s18], $0x80  }
0x31: {  	s29 =	sand.u32 $0x70, s5;
	s0 =	sshrl.u32 s26, $0x2;
	[sflag:s18] =	ssyncset.done $0x0  }
0x32: {  	s29 =	sor.u32 s29, s0;
	[sflag:s18] =	ssyncadd.s32 $0xFFFFFF80  }
0x33: {  	v3 =	vld [tilespmem:s29+$0x0];
	_ =	sdelay $0x4  }
0x34: {  	v4 =	vshra.s32 v3, $0x2  }
0x35: {  	s0 =	simm.s32 $0x40;
	s2 =	simm.s32 $0x10;
	v5 =	vand.u32 $0x3FFF, v3;
	v4 =	vand.u32 $0xFFFFC000, v4  }
0x36: {  	s3 =	sand.u32 $0x600, s0;
	s26 =	sand.u32 $0x70, s2;
	v3 =	vshrl.u32 v3, $0x9;
	v4 =	vor.u32 v5, v4  }
0x37: {  	s28 =	sshrl.u32 s3, $0x2;
	s3 =	simm.s32 $0x80;
	s4 =	simm.s32 $0x0;
	v3 =	vand.u32 $0x60, v3;
	[tilespmem:s29+$0x0] =	vst v4  }
.LBB2_2:
0x38: {  	p0 =	sne.s32 s3, $0x7C0;
	s29 =	sor.u32 s26, s28;
	[tilespmem:s4+$0x200] =	vst v3;
	s4 =	smov.u32 s0  }
0x39: {  	s0 =	smov.u32 s3;
	v3 =	vld [tilespmem:s29+$0x0];
	_ =	sdelay $0x3  }
.Ltmp0:
0x3a: {  	(pc) =	sbr.rel @p0 .LBB2_2-.Ltmp0, $4  }
0x3b: {  	v4 =	vshra.s32 v3, $0x2;
	v5 =	vshrl.u32 v3, $0x9  }
0x3c: {  	v3 =	vand.u32 $0x3FFF, v3;
	v4 =	vand.u32 $0xFFFFC000, v4  }
0x3d: {  	s28 =	sand.u32 $0x600, s3;
	s2 =	sadd.s32 $0x10, s2;
	s4 =	sshra.s32 s4, $0x2;
	v4 =	vor.u32 v3, v4  }
0x3e: {  	s3 =	sadd.s32 $0x40, s3;
	s26 =	sand.u32 $0x70, s2;
	s28 =	sshrl.u32 s28, $0x2;
	v3 =	vand.u32 $0x60, v5;
	[tilespmem:s29+$0x0] =	vst v4  }
0x3f: {  	s2 =	sor.u32 s26, s28;
	[tilespmem:s4+$0x200] =	vst v3  }
0x40: {  	v3 =	vld [tilespmem:s2+$0x0];
	_ =	sdelay $0x4  }
0x41: {  	v4 =	vshra.s32 v3, $0x2  }
0x42: {  	v5 =	vand.u32 $0x3FFF, v3;
	v4 =	vand.u32 $0xFFFFC000, v4  }
0x43: {  	v3 =	vshrl.u32 v3, $0x9;
	v4 =	vor.u32 v5, v4  }
0x44: {  	s0 =	sshra.s32 s0, $0x2;
	v3 =	vand.u32 $0x60, v3;
	[tilespmem:s2+$0x0] =	vst v4  }
0x45: {  	[tilespmem:s0+$0x200] =	vst v3;
	s0 =	simm.s32 $0x0  }
0x46: {  	[tilespmem:s24], [sflag:$0x1] =	stream.indirect.gather [hbm4b:s1+s21], $0x80, s0, s21, $0xb8;
	[tilespmem:$0x1DC20] =	vst v63  }
0x47: {  	s26 =	simm.s32 $0x4C20  }
0x48: {  	[tilespmem:s26], [sflag:$0x1] =	stream.indirect.gather [hbm4b:s1+s21], $0x80, s21, s21, $0xb8;
	[tilespmem:$0x1DC20] =	vst v63  }
0x49: {  	s28 =	simm.s32 $0x8C20  }
0x4a: {  	[tilespmem:s28], [sflag:$0x1] =	stream.indirect.gather [hbm4b:s1+s21], $0x80, s22, s21, $0xb8;
	[tilespmem:$0x1DC20] =	vst v63  }
0x4b: {  	s29 =	simm.s32 $0xCC20  }
0x4c: {  	[tilespmem:s29], [sflag:$0x1] =	stream.indirect.gather [hbm4b:s1+s21], $0x80, s23, s21, $0xb8;
	[tilespmem:$0x1DC20] =	vst v63  }
.LBB2_4:
0x4d: {  	s2 =	sshra.s32 s0, $0x2;
	v4 =	vld.idx.msk [tilespmem:v0+s17+$0x0], $0xffff  }
0x4e: {  	v3 =	vld [tilespmem:s2+$0x600];
	_ =	sdelay $0x4  }
0x4f: {  	vm0 =	vle.f32 v4, v3  }
0x50: {  	v4 =	vsel vm0, $0x200, v1  }
0x51: {  	v5 =	vor.u32 $0xFF, v4;
	_ =	sdelay $0x4  }
0x52: {  	v5 =	vld.idx.msk [tilespmem:v5+s17+$0x0], $0xffff;
	_ =	sdelay $0x4  }
0x53: {  	v6 =	vor.u32 $0x100, v4;
	vm7 =	vle.f32 v5, v3  }
0x54: {  	v4 =	vsel vm7, v6, v4  }
0x55: {  	v56 =	vor.u32 $0x7F, v4;
	_ =	sdelay $0x4  }
0x56: {  	v5 =	vld.idx.msk [tilespmem:v56+s17+$0x0], $0xffff;
	_ =	sdelay $0x4  }
0x57: {  	v6 =	vor.u32 $0x80, v4;
	vm8 =	vle.f32 v5, v3  }
0x58: {  	v4 =	vsel vm8, v6, v4  }
0x59: {  	v57 =	vor.u32 $0x3F, v4;
	_ =	sdelay $0x4  }
0x5a: {  	v5 =	vld.idx.msk [tilespmem:v57+s17+$0x0], $0xffff;
	_ =	sdelay $0x4  }
0x5b: {  	v6 =	vor.u32 $0x40, v4;
	vm9 =	vle.f32 v5, v3  }
0x5c: {  	v4 =	vsel vm9, v6, v4  }
0x5d: {  	v58 =	vadd.s32 $0x1F, v4;
	_ =	sdelay $0x4  }
0x5e: {  	v5 =	vld.idx.msk [tilespmem:v58+s17+$0x0], $0xffff;
	_ =	sdelay $0x4  }
0x5f: {  	v6 =	vadd.s32 $0x20, v4;
	vm10 =	vle.f32 v5, v3  }
0x60: {  	v4 =	vsel vm10, v6, v4  }
0x61: {  	v59 =	vadd.s32 $0xF, v4;
	_ =	sdelay $0x4  }
0x62: {  	v5 =	vld.idx.msk [tilespmem:v59+s17+$0x0], $0xffff;
	_ =	sdelay $0x4  }
0x63: {  	v6 =	vadd.s32 $0x10, v4;
	vm11 =	vle.f32 v5, v3  }
0x64: {  	v4 =	vsel vm11, v6, v4  }
0x65: {  	v60 =	vadd.s32 $0x7, v4;
	_ =	sdelay $0x4  }
0x66: {  	v5 =	vld.idx.msk [tilespmem:v60+s17+$0x0], $0xffff;
	_ =	sdelay $0x4  }
0x67: {  	v6 =	vadd.s32 $0x8, v4;
	vm12 =	vle.f32 v5, v3  }
0x68: {  	v4 =	vsel vm12, v6, v4  }
0x69: {  	v61 =	vadd.s32 $0x3, v4;
	_ =	sdelay $0x4  }
0x6a: {  	v5 =	vld.idx.msk [tilespmem:v61+s17+$0x0], $0xffff;
	_ =	sdelay $0x4  }
0x6b: {  	v6 =	vadd.s32 $0x4, v4;
	vm13 =	vle.f32 v5, v3  }
0x6c: {  	v4 =	vsel vm13, v6, v4  }
0x6d: {  	v62 =	vadd.s32 $0x1, v4;
	_ =	sdelay $0x4  }
0x6e: {  	v5 =	vld.idx.msk [tilespmem:v62+s17+$0x0], $0xffff;
	_ =	sdelay $0x4  }
0x6f: {  	v6 =	vadd.s32 $0x2, v4;
	vm14 =	vle.f32 v5, v3  }
0x70: {  	v4 =	vsel vm14, v6, v4;
	_ =	sdelay $0x4  }
0x71: {  	v63 =	vld.idx.msk [tilespmem:v4+s17+$0x0], $0xffff;
	_ =	sdelay $0x2  }
0x72: {  	p0 =	sne.s32 s0, $0x1C0  }
.Ltmp1:
0x73: {  	_ = 	snop;
	(pc) =	sbr.rel @p0 .LBB2_4-.Ltmp1, $4  }
0x74: {  	vm15 =	vle.f32 v63, v3  }
0x75: {  	v3 =	vsel vm15, $0x1, v1  }
0x76: {  	v3 =	vadd.s32 v3, v4  }
0x77: {  	s0 =	sadd.s32 $0x40, s0;
	[tilespmem:s2+$0x400] =	vst v3  }
0x78: {  	s0 =	simm.s32 $0x400;
	s2 =	simm.s32 $0x10C20  }
0x79: {  	[tilespmem:s2], [sflag:$0x2] =	stream.indirect.gather [hbm4b:s6+s21], $0x20, s0, s21, $0xb8;
	[tilespmem:$0x1DC20] =	vst v63  }
0x7a: {  	s2 =	simm.s32 $0x200  }
.LBB2_6:
0x7b: {  	s3 =	sshra.s32 s2, $0x2;
	v4 =	vld.idx.msk [tilespmem:v0+s17+$0x0], $0xffff  }
0x7c: {  	v3 =	vld [tilespmem:s3+$0x600];
	_ =	sdelay $0x4  }
0x7d: {  	vm0 =	vle.f32 v4, v3  }
0x7e: {  	v4 =	vsel vm0, $0x200, v1  }
0x7f: {  	v5 =	vor.u32 $0xFF, v4;
	_ =	sdelay $0x4  }
0x80: {  	v5 =	vld.idx.msk [tilespmem:v5+s17+$0x0], $0xffff;
	_ =	sdelay $0x4  }
0x81: {  	v6 =	vor.u32 $0x100, v4;
	vm7 =	vle.f32 v5, v3  }
0x82: {  	v4 =	vsel vm7, v6, v4  }
0x83: {  	v56 =	vor.u32 $0x7F, v4;
	_ =	sdelay $0x4  }
0x84: {  	v5 =	vld.idx.msk [tilespmem:v56+s17+$0x0], $0xffff;
	_ =	sdelay $0x4  }
0x85: {  	v6 =	vor.u32 $0x80, v4;
	vm8 =	vle.f32 v5, v3  }
0x86: {  	v4 =	vsel vm8, v6, v4  }
0x87: {  	v57 =	vor.u32 $0x3F, v4;
	_ =	sdelay $0x4  }
0x88: {  	v5 =	vld.idx.msk [tilespmem:v57+s17+$0x0], $0xffff;
	_ =	sdelay $0x4  }
0x89: {  	v6 =	vor.u32 $0x40, v4;
	vm9 =	vle.f32 v5, v3  }
0x8a: {  	v4 =	vsel vm9, v6, v4  }
0x8b: {  	v58 =	vadd.s32 $0x1F, v4;
	_ =	sdelay $0x4  }
0x8c: {  	v5 =	vld.idx.msk [tilespmem:v58+s17+$0x0], $0xffff;
	_ =	sdelay $0x4  }
0x8d: {  	v6 =	vadd.s32 $0x20, v4;
	vm10 =	vle.f32 v5, v3  }
0x8e: {  	v4 =	vsel vm10, v6, v4  }
0x8f: {  	v59 =	vadd.s32 $0xF, v4;
	_ =	sdelay $0x4  }
0x90: {  	v5 =	vld.idx.msk [tilespmem:v59+s17+$0x0], $0xffff;
	_ =	sdelay $0x4  }
0x91: {  	v6 =	vadd.s32 $0x10, v4;
	vm11 =	vle.f32 v5, v3  }
0x92: {  	v4 =	vsel vm11, v6, v4  }
0x93: {  	v60 =	vadd.s32 $0x7, v4;
	_ =	sdelay $0x4  }
0x94: {  	v5 =	vld.idx.msk [tilespmem:v60+s17+$0x0], $0xffff;
	_ =	sdelay $0x4  }
0x95: {  	v6 =	vadd.s32 $0x8, v4;
	vm12 =	vle.f32 v5, v3  }
0x96: {  	v4 =	vsel vm12, v6, v4  }
0x97: {  	v61 =	vadd.s32 $0x3, v4;
	_ =	sdelay $0x4  }
0x98: {  	v5 =	vld.idx.msk [tilespmem:v61+s17+$0x0], $0xffff;
	_ =	sdelay $0x4  }
0x99: {  	v6 =	vadd.s32 $0x4, v4;
	vm13 =	vle.f32 v5, v3  }
0x9a: {  	v4 =	vsel vm13, v6, v4  }
0x9b: {  	v62 =	vadd.s32 $0x1, v4;
	_ =	sdelay $0x4  }
0x9c: {  	v5 =	vld.idx.msk [tilespmem:v62+s17+$0x0], $0xffff;
	_ =	sdelay $0x4  }
0x9d: {  	v6 =	vadd.s32 $0x2, v4;
	vm14 =	vle.f32 v5, v3  }
0x9e: {  	v4 =	vsel vm14, v6, v4;
	_ =	sdelay $0x4  }
0x9f: {  	v63 =	vld.idx.msk [tilespmem:v4+s17+$0x0], $0xffff;
	_ =	sdelay $0x2  }
0xa0: {  	p0 =	sne.s32 s2, $0x3C0  }
.Ltmp2:
0xa1: {  	_ = 	snop;
	(pc) =	sbr.rel @p0 .LBB2_6-.Ltmp2, $4  }
0xa2: {  	s29 =	sshrl.u32 s2, $0x2;
	vm15 =	vle.f32 v63, v3  }
0xa3: {  	s3 =	sand.u32 $0x3FFFFF80, s29;
	v3 =	vsel vm15, $0x1, v1  }
0xa4: {  	s3 =	sadd.s32 s3, s0;
	v3 =	vadd.s32 v3, v4  }
0xa5: {  	s2 =	sadd.s32 $0x40, s2;
	s0 =	sadd.s32 $0x10, s0;
	[tilespmem:s3+$0x0] =	vst v3  }
0xa6: {  	s0 =	simm.s32 $0x480;
	s2 =	simm.s32 $0x11C20  }
0xa7: {  	[tilespmem:s2], [sflag:$0x2] =	stream.indirect.gather [hbm4b:s6+s21], $0x20, s0, s21, $0xb8;
	[tilespmem:$0x1DC20] =	vst v63  }
0xa8: {  	s0 =	simm.s32 $0x400;
	s2 =	simm.s32 $0x400  }
.LBB2_8:
0xa9: {  	s3 =	sshra.s32 s2, $0x2;
	v4 =	vld.idx.msk [tilespmem:v0+s17+$0x0], $0xffff  }
0xaa: {  	v3 =	vld [tilespmem:s3+$0x600];
	_ =	sdelay $0x4  }
0xab: {  	vm0 =	vle.f32 v4, v3  }
0xac: {  	v4 =	vsel vm0, $0x200, v1  }
0xad: {  	v5 =	vor.u32 $0xFF, v4;
	_ =	sdelay $0x4  }
0xae: {  	v5 =	vld.idx.msk [tilespmem:v5+s17+$0x0], $0xffff;
	_ =	sdelay $0x4  }
0xaf: {  	v6 =	vor.u32 $0x100, v4;
	vm7 =	vle.f32 v5, v3  }
0xb0: {  	v4 =	vsel vm7, v6, v4  }
0xb1: {  	v56 =	vor.u32 $0x7F, v4;
	_ =	sdelay $0x4  }
0xb2: {  	v5 =	vld.idx.msk [tilespmem:v56+s17+$0x0], $0xffff;
	_ =	sdelay $0x4  }
0xb3: {  	v6 =	vor.u32 $0x80, v4;
	vm8 =	vle.f32 v5, v3  }
0xb4: {  	v4 =	vsel vm8, v6, v4  }
0xb5: {  	v57 =	vor.u32 $0x3F, v4;
	_ =	sdelay $0x4  }
0xb6: {  	v5 =	vld.idx.msk [tilespmem:v57+s17+$0x0], $0xffff;
	_ =	sdelay $0x4  }
0xb7: {  	v6 =	vor.u32 $0x40, v4;
	vm9 =	vle.f32 v5, v3  }
0xb8: {  	v4 =	vsel vm9, v6, v4  }
0xb9: {  	v58 =	vadd.s32 $0x1F, v4;
	_ =	sdelay $0x4  }
0xba: {  	v5 =	vld.idx.msk [tilespmem:v58+s17+$0x0], $0xffff;
	_ =	sdelay $0x4  }
0xbb: {  	v6 =	vadd.s32 $0x20, v4;
	vm10 =	vle.f32 v5, v3  }
0xbc: {  	v4 =	vsel vm10, v6, v4  }
0xbd: {  	v59 =	vadd.s32 $0xF, v4;
	_ =	sdelay $0x4  }
0xbe: {  	v5 =	vld.idx.msk [tilespmem:v59+s17+$0x0], $0xffff;
	_ =	sdelay $0x4  }
0xbf: {  	v6 =	vadd.s32 $0x10, v4;
	vm11 =	vle.f32 v5, v3  }
0xc0: {  	v4 =	vsel vm11, v6, v4  }
0xc1: {  	v60 =	vadd.s32 $0x7, v4;
	_ =	sdelay $0x4  }
0xc2: {  	v5 =	vld.idx.msk [tilespmem:v60+s17+$0x0], $0xffff;
	_ =	sdelay $0x4  }
0xc3: {  	v6 =	vadd.s32 $0x8, v4;
	vm12 =	vle.f32 v5, v3  }
0xc4: {  	v4 =	vsel vm12, v6, v4  }
0xc5: {  	v61 =	vadd.s32 $0x3, v4;
	_ =	sdelay $0x4  }
0xc6: {  	v5 =	vld.idx.msk [tilespmem:v61+s17+$0x0], $0xffff;
	_ =	sdelay $0x4  }
0xc7: {  	v6 =	vadd.s32 $0x4, v4;
	vm13 =	vle.f32 v5, v3  }
0xc8: {  	v4 =	vsel vm13, v6, v4  }
0xc9: {  	v62 =	vadd.s32 $0x1, v4;
	_ =	sdelay $0x4  }
0xca: {  	v5 =	vld.idx.msk [tilespmem:v62+s17+$0x0], $0xffff;
	_ =	sdelay $0x4  }
0xcb: {  	v6 =	vadd.s32 $0x2, v4;
	vm14 =	vle.f32 v5, v3  }
0xcc: {  	v4 =	vsel vm14, v6, v4;
	_ =	sdelay $0x4  }
0xcd: {  	v63 =	vld.idx.msk [tilespmem:v4+s17+$0x0], $0xffff;
	_ =	sdelay $0x2  }
0xce: {  	p0 =	sne.s32 s2, $0x5C0  }
.Ltmp3:
0xcf: {  	_ = 	snop;
	(pc) =	sbr.rel @p0 .LBB2_8-.Ltmp3, $4  }
0xd0: {  	s29 =	sshrl.u32 s2, $0x2;
	vm15 =	vle.f32 v63, v3  }
0xd1: {  	s3 =	sand.u32 $0x3FFFFF80, s29;
	v3 =	vsel vm15, $0x1, v1  }
0xd2: {  	s3 =	sadd.s32 s3, s0;
	v3 =	vadd.s32 v3, v4  }
0xd3: {  	s2 =	sadd.s32 $0x40, s2;
	s0 =	sadd.s32 $0x10, s0;
	[tilespmem:s3+$0x0] =	vst v3  }
0xd4: {  	s0 =	simm.s32 $0x500;
	s2 =	simm.s32 $0x12C20  }
0xd5: {  	[tilespmem:s2], [sflag:$0x2] =	stream.indirect.gather [hbm4b:s6+s21], $0x20, s0, s21, $0xb8;
	[tilespmem:$0x1DC20] =	vst v63  }
0xd6: {  	s0 =	simm.s32 $0x600;
	s2 =	simm.s32 $0x400  }
.LBB2_10:
0xd7: {  	s3 =	sshra.s32 s0, $0x2;
	v4 =	vld.idx.msk [tilespmem:v0+s17+$0x0], $0xffff  }
0xd8: {  	v3 =	vld [tilespmem:s3+$0x600];
	_ =	sdelay $0x4  }
0xd9: {  	vm0 =	vle.f32 v4, v3  }
0xda: {  	v4 =	vsel vm0, $0x200, v1  }
0xdb: {  	v5 =	vor.u32 $0xFF, v4;
	_ =	sdelay $0x4  }
0xdc: {  	v5 =	vld.idx.msk [tilespmem:v5+s17+$0x0], $0xffff;
	_ =	sdelay $0x4  }
0xdd: {  	v6 =	vor.u32 $0x100, v4;
	vm7 =	vle.f32 v5, v3  }
0xde: {  	v4 =	vsel vm7, v6, v4  }
0xdf: {  	v56 =	vor.u32 $0x7F, v4;
	_ =	sdelay $0x4  }
0xe0: {  	v5 =	vld.idx.msk [tilespmem:v56+s17+$0x0], $0xffff;
	_ =	sdelay $0x4  }
0xe1: {  	v6 =	vor.u32 $0x80, v4;
	vm8 =	vle.f32 v5, v3  }
0xe2: {  	v4 =	vsel vm8, v6, v4  }
0xe3: {  	v57 =	vor.u32 $0x3F, v4;
	_ =	sdelay $0x4  }
0xe4: {  	v5 =	vld.idx.msk [tilespmem:v57+s17+$0x0], $0xffff;
	_ =	sdelay $0x4  }
0xe5: {  	v6 =	vor.u32 $0x40, v4;
	vm9 =	vle.f32 v5, v3  }
0xe6: {  	v4 =	vsel vm9, v6, v4  }
0xe7: {  	v58 =	vadd.s32 $0x1F, v4;
	_ =	sdelay $0x4  }
0xe8: {  	v5 =	vld.idx.msk [tilespmem:v58+s17+$0x0], $0xffff;
	_ =	sdelay $0x4  }
0xe9: {  	v6 =	vadd.s32 $0x20, v4;
	vm10 =	vle.f32 v5, v3  }
0xea: {  	v4 =	vsel vm10, v6, v4  }
0xeb: {  	v59 =	vadd.s32 $0xF, v4;
	_ =	sdelay $0x4  }
0xec: {  	v5 =	vld.idx.msk [tilespmem:v59+s17+$0x0], $0xffff;
	_ =	sdelay $0x4  }
0xed: {  	v6 =	vadd.s32 $0x10, v4;
	vm11 =	vle.f32 v5, v3  }
0xee: {  	v4 =	vsel vm11, v6, v4  }
0xef: {  	v60 =	vadd.s32 $0x7, v4;
	_ =	sdelay $0x4  }
0xf0: {  	v5 =	vld.idx.msk [tilespmem:v60+s17+$0x0], $0xffff;
	_ =	sdelay $0x4  }
0xf1: {  	v6 =	vadd.s32 $0x8, v4;
	vm12 =	vle.f32 v5, v3  }
0xf2: {  	v4 =	vsel vm12, v6, v4  }
0xf3: {  	v61 =	vadd.s32 $0x3, v4;
	_ =	sdelay $0x4  }
0xf4: {  	v5 =	vld.idx.msk [tilespmem:v61+s17+$0x0], $0xffff;
	_ =	sdelay $0x4  }
0xf5: {  	v6 =	vadd.s32 $0x4, v4;
	vm13 =	vle.f32 v5, v3  }
0xf6: {  	v4 =	vsel vm13, v6, v4  }
0xf7: {  	v62 =	vadd.s32 $0x1, v4;
	_ =	sdelay $0x4  }
0xf8: {  	v5 =	vld.idx.msk [tilespmem:v62+s17+$0x0], $0xffff;
	_ =	sdelay $0x4  }
0xf9: {  	v6 =	vadd.s32 $0x2, v4;
	vm14 =	vle.f32 v5, v3  }
0xfa: {  	v4 =	vsel vm14, v6, v4;
	_ =	sdelay $0x4  }
0xfb: {  	v63 =	vld.idx.msk [tilespmem:v4+s17+$0x0], $0xffff;
	_ =	sdelay $0x2  }
0xfc: {  	p0 =	sne.s32 s0, $0x7C0  }
.Ltmp4:
0xfd: {  	_ = 	snop;
	(pc) =	sbr.rel @p0 .LBB2_10-.Ltmp4, $4  }
0xfe: {  	s29 =	sshrl.u32 s0, $0x2;
	vm15 =	vle.f32 v63, v3  }
0xff: {  	s3 =	sand.u32 $0x3FFFFF80, s29;
	v3 =	vsel vm15, $0x1, v1  }
0x100: {  	s3 =	sadd.s32 s3, s2;
	v3 =	vadd.s32 v3, v4  }
0x101: {  	s0 =	sadd.s32 $0x40, s0;
	s2 =	sadd.s32 $0x10, s2;
	[tilespmem:s3+$0x0] =	vst v3  }
0x102: {  	s0 =	simm.s32 $0x580;
	s2 =	simm.s32 $0x13C20  }
0x103: {  	[tilespmem:s2], [sflag:$0x2] =	stream.indirect.gather [hbm4b:s6+s21], $0x20, s0, s21, $0xb8;
	[tilespmem:$0x1DC20] =	vst v63  }
0x104: {  	v4 =	vld [tilespmem:$0xC10]  }
0x105: {  	v3 =	vld [tilespmem:$0xC00];
	_ =	swait.ge [sflag:s19], $0x4000  }
0x106: {  	[sflag:s19] =	ssyncset.done $0x0  }
0x107: {  	[sflag:s19] =	ssyncadd.s32 $0xFFFFC000  }
0x108: {  	_ =	swait.ge [sflag:s20], $0x1000  }
0x109: {  	(erf) = vrcp.f32 v4;
	_ =	sdelay $0x6  }
0x10a: {  	s3 =	simm.s32 $0x200  }
0x10b: {  	s4 =	simm.s32 $0x10D20;
	s26 =	simm.s32 $0x14E80;
	[sflag:s20] =	ssyncset.done $0x0  }
0x10c: {  	s0 =	simm.s32 $0x0;
	s2 =	simm.s32 $0x600;
	[sflag:s20] =	ssyncadd.s32 $0xFFFFF000;
	v4 =	vpop (erf)  }
.LBB2_12:
0x10d: {  	v6 =	vld [tilespmem:s2+$0x0]  }
0x10e: {  	v8 =	vor.u32 s0, v2  }
0x10f: {  	v5 =	vmul.u32 $0x48, v8;
	_ =	sdelay $0x1  }
0x110: {  	v7 =	vadd.s32 $0x40, v5  }
0x111: {  	v6 =	vsub.f32 v6, v3;
	_ =	sdelay $0x1  }
0x112: {  	v6 =	vmul.f32 v6, v4;
	_ =	sdelay $0x1  }
0x113: {  	[tilespmem:v7+s25+$0x0] =	vst.idx.msk $0xffff, v6  }
0x114: {  	v7 =	vld [tilespmem:s3+$0x0];
	_ =	sdelay $0x4  }
0x115: {  	v6 =	vshll.u32 v8, $0x7;
	v9 =	vand.u32 $0xFFFFFFF8, v7  }
0x116: {  	v26 =	vand.u32 $0x7, v7;
	v9 =	vadd.s32 v6, v9  }
0x117: {  	v8 =	vor.u32 v26, v9;
	_ =	sdelay $0x2  }
0x118: {  	v27 =	vadd.s32 $0x1, v7  }
0x119: {  	v10 =	vand.u32 $0xFFFFFFF8, v27  }
0x11a: {  	v9 =	vand.u32 $0x7, v27;
	v10 =	vadd.s32 v6, v10;
	v11 =	vld.idx.msk [tilespmem:v8+s24+$0x0], $0xffff  }
0x11b: {  	v9 =	vor.u32 v9, v10;
	_ =	sdelay $0x2  }
0x11c: {  	v28 =	vadd.s32 $0x2, v7  }
0x11d: {  	v29 =	vand.u32 $0xFFFFFFF8, v28;
	[tilespmem:v5+s25+$0x0] =	vst.idx.msk $0xffff, v11  }
0x11e: {  	v12 =	vor.u32 $0x1, v5;
	v10 =	vand.u32 $0x7, v28;
	v11 =	vadd.s32 v6, v29;
	v9 =	vld.idx.msk [tilespmem:v9+s24+$0x0], $0xffff  }
0x11f: {  	v10 =	vor.u32 v10, v11;
	_ =	sdelay $0x2  }
0x120: {  	v30 =	vadd.s32 $0x3, v7  }
0x121: {  	v31 =	vand.u32 $0xFFFFFFF8, v30;
	[tilespmem:v12+s25+$0x0] =	vst.idx.msk $0xffff, v9  }
0x122: {  	v32 =	vor.u32 $0x2, v5;
	v11 =	vand.u32 $0x7, v30;
	v9 =	vadd.s32 v6, v31;
	v10 =	vld.idx.msk [tilespmem:v10+s24+$0x0], $0xffff  }
0x123: {  	v9 =	vor.u32 v11, v9;
	_ =	sdelay $0x2  }
0x124: {  	v33 =	vadd.s32 $0x4, v7  }
0x125: {  	v34 =	vand.u32 $0xFFFFFFF8, v33;
	[tilespmem:v32+s25+$0x0] =	vst.idx.msk $0xffff, v10  }
0x126: {  	v35 =	vor.u32 $0x3, v5;
	v11 =	vand.u32 $0x7, v33;
	v10 =	vadd.s32 v6, v34;
	v9 =	vld.idx.msk [tilespmem:v9+s24+$0x0], $0xffff  }
0x127: {  	v10 =	vor.u32 v11, v10;
	_ =	sdelay $0x2  }
0x128: {  	v36 =	vadd.s32 $0x5, v7  }
0x129: {  	v37 =	vand.u32 $0xFFFFFFF8, v36;
	[tilespmem:v35+s25+$0x0] =	vst.idx.msk $0xffff, v9  }
0x12a: {  	v38 =	vor.u32 $0x4, v5;
	v11 =	vand.u32 $0x7, v36;
	v9 =	vadd.s32 v6, v37;
	v10 =	vld.idx.msk [tilespmem:v10+s24+$0x0], $0xffff  }
0x12b: {  	v9 =	vor.u32 v11, v9;
	_ =	sdelay $0x2  }
0x12c: {  	v39 =	vadd.s32 $0x6, v7  }
0x12d: {  	v40 =	vand.u32 $0xFFFFFFF8, v39;
	[tilespmem:v38+s25+$0x0] =	vst.idx.msk $0xffff, v10  }
0x12e: {  	v41 =	vor.u32 $0x5, v5;
	v11 =	vand.u32 $0x7, v39;
	v10 =	vadd.s32 v6, v40;
	v9 =	vld.idx.msk [tilespmem:v9+s24+$0x0], $0xffff  }
0x12f: {  	v10 =	vor.u32 v11, v10;
	_ =	sdelay $0x2  }
0x130: {  	v42 =	vadd.s32 $0x7, v7  }
0x131: {  	v43 =	vand.u32 $0xFFFFFFF8, v42;
	[tilespmem:v41+s25+$0x0] =	vst.idx.msk $0xffff, v9  }
0x132: {  	v44 =	vor.u32 $0x6, v5;
	v11 =	vand.u32 $0x7, v42;
	v9 =	vadd.s32 v6, v43;
	v10 =	vld.idx.msk [tilespmem:v10+s24+$0x0], $0xffff  }
0x133: {  	v9 =	vor.u32 v11, v9;
	_ =	sdelay $0x3  }
0x134: {  	[tilespmem:v44+s25+$0x0] =	vst.idx.msk $0xffff, v10  }
0x135: {  	v45 =	vor.u32 $0x7, v5;
	v9 =	vld.idx.msk [tilespmem:v9+s24+$0x0], $0xffff  }
0x136: {  	v46 =	vadd.s32 $0x8, v8;
	_ =	sdelay $0x2  }
0x137: {  	v47 =	vadd.s32 $0x9, v7  }
0x138: {  	v48 =	vand.u32 $0xFFFFFFF8, v47;
	[tilespmem:v45+s25+$0x0] =	vst.idx.msk $0xffff, v9  }
0x139: {  	v49 =	vadd.s32 $0x8, v5;
	v12 =	vand.u32 $0x7, v47;
	v9 =	vadd.s32 v6, v48;
	v10 =	vld.idx.msk [tilespmem:v46+s24+$0x0], $0xffff  }
0x13a: {  	v9 =	vor.u32 v12, v9;
	_ =	sdelay $0x2  }
0x13b: {  	v50 =	vadd.s32 $0xA, v7  }
0x13c: {  	v51 =	vand.u32 $0xFFFFFFF8, v50;
	[tilespmem:v49+s25+$0x0] =	vst.idx.msk $0xffff, v10  }
0x13d: {  	v52 =	vadd.s32 $0x9, v5;
	v12 =	vand.u32 $0x7, v50;
	v10 =	vadd.s32 v6, v51;
	v9 =	vld.idx.msk [tilespmem:v9+s24+$0x0], $0xffff  }
0x13e: {  	v10 =	vor.u32 v12, v10;
	_ =	sdelay $0x2  }
0x13f: {  	v53 =	vadd.s32 $0xB, v7  }
0x140: {  	v54 =	vand.u32 $0xFFFFFFF8, v53;
	[tilespmem:v52+s25+$0x0] =	vst.idx.msk $0xffff, v9  }
0x141: {  	v55 =	vadd.s32 $0xA, v5;
	v12 =	vand.u32 $0x7, v53;
	v9 =	vadd.s32 v6, v54;
	v10 =	vld.idx.msk [tilespmem:v10+s24+$0x0], $0xffff  }
0x142: {  	v9 =	vor.u32 v12, v9;
	_ =	sdelay $0x2  }
0x143: {  	v56 =	vadd.s32 $0xC, v7  }
0x144: {  	v57 =	vand.u32 $0xFFFFFFF8, v56;
	[tilespmem:v55+s25+$0x0] =	vst.idx.msk $0xffff, v10  }
0x145: {  	v58 =	vadd.s32 $0xB, v5;
	v12 =	vand.u32 $0x7, v56;
	v10 =	vadd.s32 v6, v57;
	v9 =	vld.idx.msk [tilespmem:v9+s24+$0x0], $0xffff  }
0x146: {  	v10 =	vor.u32 v12, v10;
	_ =	sdelay $0x2  }
0x147: {  	v59 =	vadd.s32 $0xD, v7  }
0x148: {  	v60 =	vand.u32 $0xFFFFFFF8, v59;
	[tilespmem:v58+s25+$0x0] =	vst.idx.msk $0xffff, v9  }
0x149: {  	v61 =	vadd.s32 $0xC, v5;
	v12 =	vand.u32 $0x7, v59;
	v9 =	vadd.s32 v6, v60;
	v10 =	vld.idx.msk [tilespmem:v10+s24+$0x0], $0xffff  }
0x14a: {  	v9 =	vor.u32 v12, v9;
	_ =	sdelay $0x2  }
0x14b: {  	v62 =	vadd.s32 $0xE, v7  }
0x14c: {  	v63 =	vand.u32 $0xFFFFFFF8, v62;
	[tilespmem:v61+s25+$0x0] =	vst.idx.msk $0xffff, v10  }
0x14d: {  	v16 =	vadd.s32 $0xD, v5;
	v12 =	vand.u32 $0x7, v62;
	v10 =	vadd.s32 v6, v63;
	v9 =	vld.idx.msk [tilespmem:v9+s24+$0x0], $0xffff  }
0x14e: {  	v10 =	vor.u32 v12, v10;
	_ =	sdelay $0x2  }
0x14f: {  	v17 =	vadd.s32 $0xF, v7  }
0x150: {  	v18 =	vand.u32 $0xFFFFFFF8, v17;
	[tilespmem:v16+s25+$0x0] =	vst.idx.msk $0xffff, v9  }
0x151: {  	v19 =	vadd.s32 $0xE, v5;
	v12 =	vand.u32 $0x7, v17;
	v9 =	vadd.s32 v6, v18;
	v10 =	vld.idx.msk [tilespmem:v10+s24+$0x0], $0xffff  }
0x152: {  	v9 =	vor.u32 v12, v9;
	_ =	sdelay $0x3  }
0x153: {  	[tilespmem:v19+s25+$0x0] =	vst.idx.msk $0xffff, v10  }
0x154: {  	v20 =	vadd.s32 $0xF, v5;
	v9 =	vld.idx.msk [tilespmem:v9+s24+$0x0], $0xffff  }
0x155: {  	v21 =	vadd.s32 $0x10, v8;
	_ =	sdelay $0x2  }
0x156: {  	v22 =	vadd.s32 $0x11, v7  }
0x157: {  	v23 =	vand.u32 $0xFFFFFFF8, v22;
	[tilespmem:v20+s25+$0x0] =	vst.idx.msk $0xffff, v9  }
0x158: {  	v24 =	vadd.s32 $0x10, v5;
	v12 =	vand.u32 $0x7, v22;
	v9 =	vadd.s32 v6, v23;
	v10 =	vld.idx.msk [tilespmem:v21+s24+$0x0], $0xffff  }
0x159: {  	v9 =	vor.u32 v12, v9;
	_ =	sdelay $0x2  }
0x15a: {  	v25 =	vadd.s32 $0x12, v7  }
0x15b: {  	v26 =	vand.u32 $0xFFFFFFF8, v25;
	[tilespmem:v24+s25+$0x0] =	vst.idx.msk $0xffff, v10  }
0x15c: {  	v27 =	vadd.s32 $0x11, v5;
	v12 =	vand.u32 $0x7, v25;
	v10 =	vadd.s32 v6, v26;
	v9 =	vld.idx.msk [tilespmem:v9+s24+$0x0], $0xffff  }
0x15d: {  	v10 =	vor.u32 v12, v10;
	_ =	sdelay $0x2  }
0x15e: {  	v28 =	vadd.s32 $0x13, v7  }
0x15f: {  	v29 =	vand.u32 $0xFFFFFFF8, v28;
	[tilespmem:v27+s25+$0x0] =	vst.idx.msk $0xffff, v9  }
0x160: {  	v30 =	vadd.s32 $0x12, v5;
	v12 =	vand.u32 $0x7, v28;
	v9 =	vadd.s32 v6, v29;
	v10 =	vld.idx.msk [tilespmem:v10+s24+$0x0], $0xffff  }
0x161: {  	v9 =	vor.u32 v12, v9;
	_ =	sdelay $0x2  }
0x162: {  	v31 =	vadd.s32 $0x14, v7  }
0x163: {  	v32 =	vand.u32 $0xFFFFFFF8, v31;
	[tilespmem:v30+s25+$0x0] =	vst.idx.msk $0xffff, v10  }
0x164: {  	v33 =	vadd.s32 $0x13, v5;
	v12 =	vand.u32 $0x7, v31;
	v10 =	vadd.s32 v6, v32;
	v9 =	vld.idx.msk [tilespmem:v9+s24+$0x0], $0xffff  }
0x165: {  	v10 =	vor.u32 v12, v10;
	_ =	sdelay $0x2  }
0x166: {  	v34 =	vadd.s32 $0x15, v7  }
0x167: {  	v35 =	vand.u32 $0xFFFFFFF8, v34;
	[tilespmem:v33+s25+$0x0] =	vst.idx.msk $0xffff, v9  }
0x168: {  	v36 =	vadd.s32 $0x14, v5;
	v12 =	vand.u32 $0x7, v34;
	v9 =	vadd.s32 v6, v35;
	v10 =	vld.idx.msk [tilespmem:v10+s24+$0x0], $0xffff  }
0x169: {  	v9 =	vor.u32 v12, v9;
	_ =	sdelay $0x2  }
0x16a: {  	v37 =	vadd.s32 $0x16, v7  }
0x16b: {  	v38 =	vand.u32 $0xFFFFFFF8, v37;
	[tilespmem:v36+s25+$0x0] =	vst.idx.msk $0xffff, v10  }
0x16c: {  	v39 =	vadd.s32 $0x15, v5;
	v12 =	vand.u32 $0x7, v37;
	v10 =	vadd.s32 v6, v38;
	v9 =	vld.idx.msk [tilespmem:v9+s24+$0x0], $0xffff  }
0x16d: {  	v10 =	vor.u32 v12, v10;
	_ =	sdelay $0x2  }
0x16e: {  	v40 =	vadd.s32 $0x17, v7  }
0x16f: {  	v41 =	vand.u32 $0xFFFFFFF8, v40;
	[tilespmem:v39+s25+$0x0] =	vst.idx.msk $0xffff, v9  }
0x170: {  	v42 =	vadd.s32 $0x16, v5;
	v12 =	vand.u32 $0x7, v40;
	v9 =	vadd.s32 v6, v41;
	v10 =	vld.idx.msk [tilespmem:v10+s24+$0x0], $0xffff  }
0x171: {  	v9 =	vor.u32 v12, v9;
	_ =	sdelay $0x3  }
0x172: {  	[tilespmem:v42+s25+$0x0] =	vst.idx.msk $0xffff, v10  }
0x173: {  	v43 =	vadd.s32 $0x17, v5;
	v9 =	vld.idx.msk [tilespmem:v9+s24+$0x0], $0xffff  }
0x174: {  	v8 =	vadd.s32 $0x18, v8;
	_ =	sdelay $0x2  }
0x175: {  	v44 =	vadd.s32 $0x19, v7  }
0x176: {  	v45 =	vand.u32 $0xFFFFFFF8, v44;
	[tilespmem:v43+s25+$0x0] =	vst.idx.msk $0xffff, v9  }
0x177: {  	v11 =	vand.u32 $0x7, v44;
	v46 =	vadd.s32 $0x18, v5;
	v9 =	vadd.s32 v6, v45;
	v8 =	vld.idx.msk [tilespmem:v8+s24+$0x0], $0xffff  }
0x178: {  	v9 =	vor.u32 v11, v9;
	_ =	sdelay $0x2  }
0x179: {  	v47 =	vadd.s32 $0x1A, v7  }
0x17a: {  	v48 =	vand.u32 $0xFFFFFFF8, v47;
	[tilespmem:v46+s25+$0x0] =	vst.idx.msk $0xffff, v8  }
0x17b: {  	v49 =	vadd.s32 $0x19, v5;
	v11 =	vand.u32 $0x7, v47;
	v8 =	vadd.s32 v6, v48;
	v9 =	vld.idx.msk [tilespmem:v9+s24+$0x0], $0xffff  }
0x17c: {  	v8 =	vor.u32 v11, v8;
	_ =	sdelay $0x2  }
0x17d: {  	v50 =	vadd.s32 $0x1B, v7  }
0x17e: {  	v51 =	vand.u32 $0xFFFFFFF8, v50;
	[tilespmem:v49+s25+$0x0] =	vst.idx.msk $0xffff, v9  }
0x17f: {  	v52 =	vadd.s32 $0x1A, v5;
	v11 =	vand.u32 $0x7, v50;
	v9 =	vadd.s32 v6, v51;
	v8 =	vld.idx.msk [tilespmem:v8+s24+$0x0], $0xffff  }
0x180: {  	v9 =	vor.u32 v11, v9;
	_ =	sdelay $0x2  }
0x181: {  	v53 =	vadd.s32 $0x1C, v7  }
0x182: {  	v54 =	vand.u32 $0xFFFFFFF8, v53;
	[tilespmem:v52+s25+$0x0] =	vst.idx.msk $0xffff, v8  }
0x183: {  	v55 =	vadd.s32 $0x1B, v5;
	v11 =	vand.u32 $0x7, v53;
	v8 =	vadd.s32 v6, v54;
	v9 =	vld.idx.msk [tilespmem:v9+s24+$0x0], $0xffff  }
0x184: {  	v8 =	vor.u32 v11, v8;
	_ =	sdelay $0x2  }
0x185: {  	v56 =	vadd.s32 $0x1D, v7  }
0x186: {  	v57 =	vand.u32 $0xFFFFFFF8, v56;
	[tilespmem:v55+s25+$0x0] =	vst.idx.msk $0xffff, v9  }
0x187: {  	v58 =	vadd.s32 $0x1C, v5;
	v11 =	vand.u32 $0x7, v56;
	v9 =	vadd.s32 v6, v57;
	v8 =	vld.idx.msk [tilespmem:v8+s24+$0x0], $0xffff  }
0x188: {  	v9 =	vor.u32 v11, v9;
	_ =	sdelay $0x2  }
0x189: {  	v59 =	vadd.s32 $0x1E, v7  }
0x18a: {  	v60 =	vand.u32 $0xFFFFFFF8, v59;
	[tilespmem:v58+s25+$0x0] =	vst.idx.msk $0xffff, v8  }
0x18b: {  	v61 =	vadd.s32 $0x1D, v5;
	v11 =	vand.u32 $0x7, v59;
	v8 =	vadd.s32 v6, v60;
	v9 =	vld.idx.msk [tilespmem:v9+s24+$0x0], $0xffff  }
0x18c: {  	v8 =	vor.u32 v11, v8;
	_ =	sdelay $0x2  }
0x18d: {  	v7 =	vadd.s32 $0x1F, v7  }
0x18e: {  	v62 =	vand.u32 $0xFFFFFFF8, v7;
	[tilespmem:v61+s25+$0x0] =	vst.idx.msk $0xffff, v9  }
0x18f: {  	v7 =	vand.u32 $0x7, v7;
	v63 =	vadd.s32 $0x1E, v5;
	v6 =	vadd.s32 v6, v62;
	v8 =	vld.idx.msk [tilespmem:v8+s24+$0x0], $0xffff  }
0x190: {  	v6 =	vor.u32 v7, v6;
	_ =	sdelay $0x3  }
0x191: {  	[tilespmem:v63+s25+$0x0] =	vst.idx.msk $0xffff, v8  }
0x192: {  	v5 =	vadd.s32 $0x1F, v5;
	v6 =	vld.idx.msk [tilespmem:v6+s24+$0x0], $0xffff;
	_ =	sdelay $0x4  }
0x193: {  	[tilespmem:v5+s25+$0x0] =	vst.idx.msk $0xffff, v6  }
0x194: {  	v5 =	vld [tilespmem:s4+$0xFFFFFF00];
	_ =	sdelay $0x4  }
0x195: {  	[tilespmem:s26+$0xFFFFFDC0] =	vst v5  }
0x196: {  	v5 =	vld [tilespmem:s4+$0xFFFFFF10];
	_ =	sdelay $0x4  }
0x197: {  	[tilespmem:s26+$0xFFFFFDD0] =	vst v5  }
0x198: {  	v5 =	vld [tilespmem:s4+$0xFFFFFF20];
	_ =	sdelay $0x4  }
0x199: {  	[tilespmem:s26+$0xFFFFFE08] =	vst v5  }
0x19a: {  	v5 =	vld [tilespmem:s4+$0xFFFFFF30];
	_ =	sdelay $0x4  }
0x19b: {  	[tilespmem:s26+$0xFFFFFE18] =	vst v5  }
0x19c: {  	v5 =	vld [tilespmem:s4+$0xFFFFFF40];
	_ =	sdelay $0x4  }
0x19d: {  	[tilespmem:s26+$0xFFFFFE50] =	vst v5  }
0x19e: {  	v5 =	vld [tilespmem:s4+$0xFFFFFF50];
	_ =	sdelay $0x4  }
0x19f: {  	[tilespmem:s26+$0xFFFFFE60] =	vst v5  }
0x1a0: {  	v5 =	vld [tilespmem:s4+$0xFFFFFF60];
	_ =	sdelay $0x4  }
0x1a1: {  	[tilespmem:s26+$0xFFFFFE98] =	vst v5  }
0x1a2: {  	v5 =	vld [tilespmem:s4+$0xFFFFFF70];
	_ =	sdelay $0x4  }
0x1a3: {  	[tilespmem:s26+$0xFFFFFEA8] =	vst v5  }
0x1a4: {  	v5 =	vld [tilespmem:s4+$0xFFFFFF80];
	_ =	sdelay $0x4  }
0x1a5: {  	[tilespmem:s26+$0xFFFFFEE0] =	vst v5  }
0x1a6: {  	v5 =	vld [tilespmem:s4+$0xFFFFFF90];
	_ =	sdelay $0x4  }
0x1a7: {  	[tilespmem:s26+$0xFFFFFEF0] =	vst v5  }
0x1a8: {  	v5 =	vld [tilespmem:s4+$0xFFFFFFA0];
	_ =	sdelay $0x4  }
0x1a9: {  	[tilespmem:s26+$0xFFFFFF28] =	vst v5  }
0x1aa: {  	v5 =	vld [tilespmem:s4+$0xFFFFFFB0];
	_ =	sdelay $0x4  }
0x1ab: {  	[tilespmem:s26+$0xFFFFFF38] =	vst v5  }
0x1ac: {  	v5 =	vld [tilespmem:s4+$0xFFFFFFC0];
	_ =	sdelay $0x4  }
0x1ad: {  	[tilespmem:s26+$0xFFFFFF70] =	vst v5  }
0x1ae: {  	v5 =	vld [tilespmem:s4+$0xFFFFFFD0];
	_ =	sdelay $0x4  }
0x1af: {  	[tilespmem:s26+$0xFFFFFF80] =	vst v5  }
0x1b0: {  	v5 =	vld [tilespmem:s4+$0xFFFFFFE0];
	_ =	sdelay $0x4  }
0x1b1: {  	[tilespmem:s26+$0xFFFFFFB8] =	vst v5  }
0x1b2: {  	v5 =	vld [tilespmem:s4+$0xFFFFFFF0];
	_ =	sdelay $0x4  }
0x1b3: {  	[tilespmem:s26+$0xFFFFFFC8] =	vst v5  }
0x1b4: {  	v5 =	vld [tilespmem:s4+$0x0];
	_ =	sdelay $0x4  }
0x1b5: {  	[tilespmem:s26+$0x0] =	vst v5  }
0x1b6: {  	v5 =	vld [tilespmem:s4+$0x10];
	_ =	sdelay $0x4  }
0x1b7: {  	[tilespmem:s26+$0x10] =	vst v5  }
0x1b8: {  	v5 =	vld [tilespmem:s4+$0x20];
	_ =	sdelay $0x4  }
0x1b9: {  	[tilespmem:s26+$0x48] =	vst v5  }
0x1ba: {  	v5 =	vld [tilespmem:s4+$0x30];
	_ =	sdelay $0x4  }
0x1bb: {  	[tilespmem:s26+$0x58] =	vst v5  }
0x1bc: {  	v5 =	vld [tilespmem:s4+$0x40];
	_ =	sdelay $0x4  }
0x1bd: {  	[tilespmem:s26+$0x90] =	vst v5  }
0x1be: {  	v5 =	vld [tilespmem:s4+$0x50];
	_ =	sdelay $0x4  }
0x1bf: {  	[tilespmem:s26+$0xA0] =	vst v5  }
0x1c0: {  	v5 =	vld [tilespmem:s4+$0x60];
	_ =	sdelay $0x4  }
0x1c1: {  	[tilespmem:s26+$0xD8] =	vst v5  }
0x1c2: {  	v5 =	vld [tilespmem:s4+$0x70];
	_ =	sdelay $0x4  }
0x1c3: {  	[tilespmem:s26+$0xE8] =	vst v5  }
0x1c4: {  	v5 =	vld [tilespmem:s4+$0x80];
	_ =	sdelay $0x4  }
0x1c5: {  	[tilespmem:s26+$0x120] =	vst v5  }
0x1c6: {  	v5 =	vld [tilespmem:s4+$0x90];
	_ =	sdelay $0x4  }
0x1c7: {  	[tilespmem:s26+$0x130] =	vst v5  }
0x1c8: {  	v5 =	vld [tilespmem:s4+$0xA0];
	_ =	sdelay $0x4  }
0x1c9: {  	[tilespmem:s26+$0x168] =	vst v5  }
0x1ca: {  	v5 =	vld [tilespmem:s4+$0xB0];
	_ =	sdelay $0x4  }
0x1cb: {  	[tilespmem:s26+$0x178] =	vst v5  }
0x1cc: {  	v5 =	vld [tilespmem:s4+$0xC0];
	_ =	sdelay $0x4  }
0x1cd: {  	[tilespmem:s26+$0x1B0] =	vst v5  }
0x1ce: {  	v5 =	vld [tilespmem:s4+$0xD0];
	_ =	sdelay $0x4  }
0x1cf: {  	[tilespmem:s26+$0x1C0] =	vst v5  }
0x1d0: {  	v5 =	vld [tilespmem:s4+$0xE0];
	_ =	sdelay $0x4  }
0x1d1: {  	[tilespmem:s26+$0x1F8] =	vst v5  }
0x1d2: {  	p0 =	sne.s32 s0, $0x70;
	v5 =	vld [tilespmem:s4+$0xF0]  }
.Ltmp5:
0x1d3: {  	_ = 	snop;
	(pc) =	sbr.rel @p0 .LBB2_12-.Ltmp5, $3  }
0x1d4: {  	_ =	sdelay $0x1  }
0x1d5: {  	s2 =	sadd.s32 $0x10, s2;
	s0 =	sadd.s32 $0x10, s0  }
0x1d6: {  	s3 =	sadd.s32 $0x10, s3;
	s4 =	sadd.s32 $0x200, s4;
	[tilespmem:s26+$0x208] =	vst v5;
	s26 =	sadd.s32 $0x480, s26  }
0x1d7: {  	[hbm4b:s12+s5] =	stream.linear.scatter [tilespmem:s25], [sflag:$0x3], $0x2400, $0x38;
	[tilespmem:$0x1DC20] =	vst v63  }
0x1d8: {  	_ =	swait.ge [sflag:s19], $0x4000  }
0x1d9: {  	[sflag:s19] =	ssyncset.done $0x0  }
0x1da: {  	[sflag:s19] =	ssyncadd.s32 $0xFFFFC000  }
0x1db: {  	s0 =	simm.s32 $0x80;
	_ =	swait.ge [sflag:s20], $0x1000  }
0x1dc: {  	s3 =	simm.s32 $0x17488;
	s2 =	simm.s32 $0x280;
	[sflag:s20] =	ssyncset.done $0x0  }
0x1dd: {  	s4 =	simm.s32 $0x11E10;
	s26 =	simm.s32 $0x680;
	[sflag:s20] =	ssyncadd.s32 $0xFFFFF000  }
.LBB2_14:
0x1de: {  	v6 =	vld [tilespmem:s26+$0x0]  }
0x1df: {  	v8 =	vor.u32 s0, v2  }
0x1e0: {  	v5 =	vmul.u32 $0x48, v8;
	_ =	sdelay $0x1  }
0x1e1: {  	v7 =	vadd.s32 $0x40, v5  }
0x1e2: {  	v6 =	vsub.f32 v6, v3;
	_ =	sdelay $0x1  }
0x1e3: {  	v6 =	vmul.f32 v6, v4;
	_ =	sdelay $0x1  }
0x1e4: {  	[tilespmem:v7+s25+$0x0] =	vst.idx.msk $0xffff, v6  }
0x1e5: {  	v7 =	vld [tilespmem:s2+$0x0];
	_ =	sdelay $0x4  }
0x1e6: {  	v6 =	vshll.u32 v8, $0x7;
	v9 =	vand.u32 $0xFFFFFFF8, v7  }
0x1e7: {  	v26 =	vand.u32 $0x7, v7;
	v9 =	vadd.s32 v6, v9  }
0x1e8: {  	v8 =	vor.u32 v26, v9;
	_ =	sdelay $0x2  }
0x1e9: {  	v27 =	vadd.s32 $0x1, v7  }
0x1ea: {  	v10 =	vand.u32 $0xFFFFFFF8, v27  }
0x1eb: {  	v9 =	vand.u32 $0x7, v27;
	v10 =	vadd.s32 v6, v10;
	v11 =	vld.idx.msk [tilespmem:v8+s24+$0x0], $0xffff  }
0x1ec: {  	v9 =	vor.u32 v9, v10;
	_ =	sdelay $0x2  }
0x1ed: {  	v28 =	vadd.s32 $0x2, v7  }
0x1ee: {  	v29 =	vand.u32 $0xFFFFFFF8, v28;
	[tilespmem:v5+s25+$0x0] =	vst.idx.msk $0xffff, v11  }
0x1ef: {  	v12 =	vor.u32 $0x1, v5;
	v10 =	vand.u32 $0x7, v28;
	v11 =	vadd.s32 v6, v29;
	v9 =	vld.idx.msk [tilespmem:v9+s24+$0x0], $0xffff  }
0x1f0: {  	v10 =	vor.u32 v10, v11;
	_ =	sdelay $0x2  }
0x1f1: {  	v30 =	vadd.s32 $0x3, v7  }
0x1f2: {  	v31 =	vand.u32 $0xFFFFFFF8, v30;
	[tilespmem:v12+s25+$0x0] =	vst.idx.msk $0xffff, v9  }
0x1f3: {  	v32 =	vor.u32 $0x2, v5;
	v11 =	vand.u32 $0x7, v30;
	v9 =	vadd.s32 v6, v31;
	v10 =	vld.idx.msk [tilespmem:v10+s24+$0x0], $0xffff  }
0x1f4: {  	v9 =	vor.u32 v11, v9;
	_ =	sdelay $0x2  }
0x1f5: {  	v33 =	vadd.s32 $0x4, v7  }
0x1f6: {  	v34 =	vand.u32 $0xFFFFFFF8, v33;
	[tilespmem:v32+s25+$0x0] =	vst.idx.msk $0xffff, v10  }
0x1f7: {  	v35 =	vor.u32 $0x3, v5;
	v11 =	vand.u32 $0x7, v33;
	v10 =	vadd.s32 v6, v34;
	v9 =	vld.idx.msk [tilespmem:v9+s24+$0x0], $0xffff  }
0x1f8: {  	v10 =	vor.u32 v11, v10;
	_ =	sdelay $0x2  }
0x1f9: {  	v36 =	vadd.s32 $0x5, v7  }
0x1fa: {  	v37 =	vand.u32 $0xFFFFFFF8, v36;
	[tilespmem:v35+s25+$0x0] =	vst.idx.msk $0xffff, v9  }
0x1fb: {  	v38 =	vor.u32 $0x4, v5;
	v11 =	vand.u32 $0x7, v36;
	v9 =	vadd.s32 v6, v37;
	v10 =	vld.idx.msk [tilespmem:v10+s24+$0x0], $0xffff  }
0x1fc: {  	v9 =	vor.u32 v11, v9;
	_ =	sdelay $0x2  }
0x1fd: {  	v39 =	vadd.s32 $0x6, v7  }
0x1fe: {  	v40 =	vand.u32 $0xFFFFFFF8, v39;
	[tilespmem:v38+s25+$0x0] =	vst.idx.msk $0xffff, v10  }
0x1ff: {  	v41 =	vor.u32 $0x5, v5;
	v11 =	vand.u32 $0x7, v39;
	v10 =	vadd.s32 v6, v40;
	v9 =	vld.idx.msk [tilespmem:v9+s24+$0x0], $0xffff  }
0x200: {  	v10 =	vor.u32 v11, v10;
	_ =	sdelay $0x2  }
0x201: {  	v42 =	vadd.s32 $0x7, v7  }
0x202: {  	v43 =	vand.u32 $0xFFFFFFF8, v42;
	[tilespmem:v41+s25+$0x0] =	vst.idx.msk $0xffff, v9  }
0x203: {  	v44 =	vor.u32 $0x6, v5;
	v11 =	vand.u32 $0x7, v42;
	v9 =	vadd.s32 v6, v43;
	v10 =	vld.idx.msk [tilespmem:v10+s24+$0x0], $0xffff  }
0x204: {  	v9 =	vor.u32 v11, v9;
	_ =	sdelay $0x3  }
0x205: {  	[tilespmem:v44+s25+$0x0] =	vst.idx.msk $0xffff, v10  }
0x206: {  	v45 =	vor.u32 $0x7, v5;
	v9 =	vld.idx.msk [tilespmem:v9+s24+$0x0], $0xffff  }
0x207: {  	v46 =	vadd.s32 $0x8, v8;
	_ =	sdelay $0x2  }
0x208: {  	v47 =	vadd.s32 $0x9, v7  }
0x209: {  	v48 =	vand.u32 $0xFFFFFFF8, v47;
	[tilespmem:v45+s25+$0x0] =	vst.idx.msk $0xffff, v9  }
0x20a: {  	v49 =	vadd.s32 $0x8, v5;
	v12 =	vand.u32 $0x7, v47;
	v9 =	vadd.s32 v6, v48;
	v10 =	vld.idx.msk [tilespmem:v46+s24+$0x0], $0xffff  }
0x20b: {  	v9 =	vor.u32 v12, v9;
	_ =	sdelay $0x2  }
0x20c: {  	v50 =	vadd.s32 $0xA, v7  }
0x20d: {  	v51 =	vand.u32 $0xFFFFFFF8, v50;
	[tilespmem:v49+s25+$0x0] =	vst.idx.msk $0xffff, v10  }
0x20e: {  	v52 =	vadd.s32 $0x9, v5;
	v12 =	vand.u32 $0x7, v50;
	v10 =	vadd.s32 v6, v51;
	v9 =	vld.idx.msk [tilespmem:v9+s24+$0x0], $0xffff  }
0x20f: {  	v10 =	vor.u32 v12, v10;
	_ =	sdelay $0x2  }
0x210: {  	v53 =	vadd.s32 $0xB, v7  }
0x211: {  	v54 =	vand.u32 $0xFFFFFFF8, v53;
	[tilespmem:v52+s25+$0x0] =	vst.idx.msk $0xffff, v9  }
0x212: {  	v55 =	vadd.s32 $0xA, v5;
	v12 =	vand.u32 $0x7, v53;
	v9 =	vadd.s32 v6, v54;
	v10 =	vld.idx.msk [tilespmem:v10+s24+$0x0], $0xffff  }
0x213: {  	v9 =	vor.u32 v12, v9;
	_ =	sdelay $0x2  }
0x214: {  	v56 =	vadd.s32 $0xC, v7  }
0x215: {  	v57 =	vand.u32 $0xFFFFFFF8, v56;
	[tilespmem:v55+s25+$0x0] =	vst.idx.msk $0xffff, v10  }
0x216: {  	v58 =	vadd.s32 $0xB, v5;
	v12 =	vand.u32 $0x7, v56;
	v10 =	vadd.s32 v6, v57;
	v9 =	vld.idx.msk [tilespmem:v9+s24+$0x0], $0xffff  }
0x217: {  	v10 =	vor.u32 v12, v10;
	_ =	sdelay $0x2  }
0x218: {  	v59 =	vadd.s32 $0xD, v7  }
0x219: {  	v60 =	vand.u32 $0xFFFFFFF8, v59;
	[tilespmem:v58+s25+$0x0] =	vst.idx.msk $0xffff, v9  }
0x21a: {  	v61 =	vadd.s32 $0xC, v5;
	v12 =	vand.u32 $0x7, v59;
	v9 =	vadd.s32 v6, v60;
	v10 =	vld.idx.msk [tilespmem:v10+s24+$0x0], $0xffff  }
0x21b: {  	v9 =	vor.u32 v12, v9;
	_ =	sdelay $0x2  }
0x21c: {  	v62 =	vadd.s32 $0xE, v7  }
0x21d: {  	v63 =	vand.u32 $0xFFFFFFF8, v62;
	[tilespmem:v61+s25+$0x0] =	vst.idx.msk $0xffff, v10  }
0x21e: {  	v16 =	vadd.s32 $0xD, v5;
	v12 =	vand.u32 $0x7, v62;
	v10 =	vadd.s32 v6, v63;
	v9 =	vld.idx.msk [tilespmem:v9+s24+$0x0], $0xffff  }
0x21f: {  	v10 =	vor.u32 v12, v10;
	_ =	sdelay $0x2  }
0x220: {  	v17 =	vadd.s32 $0xF, v7  }
0x221: {  	v18 =	vand.u32 $0xFFFFFFF8, v17;
	[tilespmem:v16+s25+$0x0] =	vst.idx.msk $0xffff, v9  }
0x222: {  	v19 =	vadd.s32 $0xE, v5;
	v12 =	vand.u32 $0x7, v17;
	v9 =	vadd.s32 v6, v18;
	v10 =	vld.idx.msk [tilespmem:v10+s24+$0x0], $0xffff  }
0x223: {  	v9 =	vor.u32 v12, v9;
	_ =	sdelay $0x3  }
0x224: {  	[tilespmem:v19+s25+$0x0] =	vst.idx.msk $0xffff, v10  }
0x225: {  	v20 =	vadd.s32 $0xF, v5;
	v9 =	vld.idx.msk [tilespmem:v9+s24+$0x0], $0xffff  }
0x226: {  	v21 =	vadd.s32 $0x10, v8;
	_ =	sdelay $0x2  }
0x227: {  	v22 =	vadd.s32 $0x11, v7  }
0x228: {  	v23 =	vand.u32 $0xFFFFFFF8, v22;
	[tilespmem:v20+s25+$0x0] =	vst.idx.msk $0xffff, v9  }
0x229: {  	v24 =	vadd.s32 $0x10, v5;
	v12 =	vand.u32 $0x7, v22;
	v9 =	vadd.s32 v6, v23;
	v10 =	vld.idx.msk [tilespmem:v21+s24+$0x0], $0xffff  }
0x22a: {  	v9 =	vor.u32 v12, v9;
	_ =	sdelay $0x2  }
0x22b: {  	v25 =	vadd.s32 $0x12, v7  }
0x22c: {  	v26 =	vand.u32 $0xFFFFFFF8, v25;
	[tilespmem:v24+s25+$0x0] =	vst.idx.msk $0xffff, v10  }
0x22d: {  	v27 =	vadd.s32 $0x11, v5;
	v12 =	vand.u32 $0x7, v25;
	v10 =	vadd.s32 v6, v26;
	v9 =	vld.idx.msk [tilespmem:v9+s24+$0x0], $0xffff  }
0x22e: {  	v10 =	vor.u32 v12, v10;
	_ =	sdelay $0x2  }
0x22f: {  	v28 =	vadd.s32 $0x13, v7  }
0x230: {  	v29 =	vand.u32 $0xFFFFFFF8, v28;
	[tilespmem:v27+s25+$0x0] =	vst.idx.msk $0xffff, v9  }
0x231: {  	v30 =	vadd.s32 $0x12, v5;
	v12 =	vand.u32 $0x7, v28;
	v9 =	vadd.s32 v6, v29;
	v10 =	vld.idx.msk [tilespmem:v10+s24+$0x0], $0xffff  }
0x232: {  	v9 =	vor.u32 v12, v9;
	_ =	sdelay $0x2  }
0x233: {  	v31 =	vadd.s32 $0x14, v7  }
0x234: {  	v32 =	vand.u32 $0xFFFFFFF8, v31;
	[tilespmem:v30+s25+$0x0] =	vst.idx.msk $0xffff, v10  }
0x235: {  	v33 =	vadd.s32 $0x13, v5;
	v12 =	vand.u32 $0x7, v31;
	v10 =	vadd.s32 v6, v32;
	v9 =	vld.idx.msk [tilespmem:v9+s24+$0x0], $0xffff  }
0x236: {  	v10 =	vor.u32 v12, v10;
	_ =	sdelay $0x2  }
0x237: {  	v34 =	vadd.s32 $0x15, v7  }
0x238: {  	v35 =	vand.u32 $0xFFFFFFF8, v34;
	[tilespmem:v33+s25+$0x0] =	vst.idx.msk $0xffff, v9  }
0x239: {  	v36 =	vadd.s32 $0x14, v5;
	v12 =	vand.u32 $0x7, v34;
	v9 =	vadd.s32 v6, v35;
	v10 =	vld.idx.msk [tilespmem:v10+s24+$0x0], $0xffff  }
0x23a: {  	v9 =	vor.u32 v12, v9;
	_ =	sdelay $0x2  }
0x23b: {  	v37 =	vadd.s32 $0x16, v7  }
0x23c: {  	v38 =	vand.u32 $0xFFFFFFF8, v37;
	[tilespmem:v36+s25+$0x0] =	vst.idx.msk $0xffff, v10  }
0x23d: {  	v39 =	vadd.s32 $0x15, v5;
	v12 =	vand.u32 $0x7, v37;
	v10 =	vadd.s32 v6, v38;
	v9 =	vld.idx.msk [tilespmem:v9+s24+$0x0], $0xffff  }
0x23e: {  	v10 =	vor.u32 v12, v10;
	_ =	sdelay $0x2  }
0x23f: {  	v40 =	vadd.s32 $0x17, v7  }
0x240: {  	v41 =	vand.u32 $0xFFFFFFF8, v40;
	[tilespmem:v39+s25+$0x0] =	vst.idx.msk $0xffff, v9  }
0x241: {  	v42 =	vadd.s32 $0x16, v5;
	v12 =	vand.u32 $0x7, v40;
	v9 =	vadd.s32 v6, v41;
	v10 =	vld.idx.msk [tilespmem:v10+s24+$0x0], $0xffff  }
0x242: {  	v9 =	vor.u32 v12, v9;
	_ =	sdelay $0x3  }
0x243: {  	[tilespmem:v42+s25+$0x0] =	vst.idx.msk $0xffff, v10  }
0x244: {  	v43 =	vadd.s32 $0x17, v5;
	v9 =	vld.idx.msk [tilespmem:v9+s24+$0x0], $0xffff  }
0x245: {  	v8 =	vadd.s32 $0x18, v8;
	_ =	sdelay $0x2  }
0x246: {  	v44 =	vadd.s32 $0x19, v7  }
0x247: {  	v45 =	vand.u32 $0xFFFFFFF8, v44;
	[tilespmem:v43+s25+$0x0] =	vst.idx.msk $0xffff, v9  }
0x248: {  	v11 =	vand.u32 $0x7, v44;
	v46 =	vadd.s32 $0x18, v5;
	v9 =	vadd.s32 v6, v45;
	v8 =	vld.idx.msk [tilespmem:v8+s24+$0x0], $0xffff  }
0x249: {  	v9 =	vor.u32 v11, v9;
	_ =	sdelay $0x2  }
0x24a: {  	v47 =	vadd.s32 $0x1A, v7  }
0x24b: {  	v48 =	vand.u32 $0xFFFFFFF8, v47;
	[tilespmem:v46+s25+$0x0] =	vst.idx.msk $0xffff, v8  }
0x24c: {  	v49 =	vadd.s32 $0x19, v5;
	v11 =	vand.u32 $0x7, v47;
	v8 =	vadd.s32 v6, v48;
	v9 =	vld.idx.msk [tilespmem:v9+s24+$0x0], $0xffff  }
0x24d: {  	v8 =	vor.u32 v11, v8;
	_ =	sdelay $0x2  }
0x24e: {  	v50 =	vadd.s32 $0x1B, v7  }
0x24f: {  	v51 =	vand.u32 $0xFFFFFFF8, v50;
	[tilespmem:v49+s25+$0x0] =	vst.idx.msk $0xffff, v9  }
0x250: {  	v52 =	vadd.s32 $0x1A, v5;
	v11 =	vand.u32 $0x7, v50;
	v9 =	vadd.s32 v6, v51;
	v8 =	vld.idx.msk [tilespmem:v8+s24+$0x0], $0xffff  }
0x251: {  	v9 =	vor.u32 v11, v9;
	_ =	sdelay $0x2  }
0x252: {  	v53 =	vadd.s32 $0x1C, v7  }
0x253: {  	v54 =	vand.u32 $0xFFFFFFF8, v53;
	[tilespmem:v52+s25+$0x0] =	vst.idx.msk $0xffff, v8  }
0x254: {  	v55 =	vadd.s32 $0x1B, v5;
	v11 =	vand.u32 $0x7, v53;
	v8 =	vadd.s32 v6, v54;
	v9 =	vld.idx.msk [tilespmem:v9+s24+$0x0], $0xffff  }
0x255: {  	v8 =	vor.u32 v11, v8;
	_ =	sdelay $0x2  }
0x256: {  	v56 =	vadd.s32 $0x1D, v7  }
0x257: {  	v57 =	vand.u32 $0xFFFFFFF8, v56;
	[tilespmem:v55+s25+$0x0] =	vst.idx.msk $0xffff, v9  }
0x258: {  	v58 =	vadd.s32 $0x1C, v5;
	v11 =	vand.u32 $0x7, v56;
	v9 =	vadd.s32 v6, v57;
	v8 =	vld.idx.msk [tilespmem:v8+s24+$0x0], $0xffff  }
0x259: {  	v9 =	vor.u32 v11, v9;
	_ =	sdelay $0x2  }
0x25a: {  	v59 =	vadd.s32 $0x1E, v7  }
0x25b: {  	v60 =	vand.u32 $0xFFFFFFF8, v59;
	[tilespmem:v58+s25+$0x0] =	vst.idx.msk $0xffff, v8  }
0x25c: {  	v61 =	vadd.s32 $0x1D, v5;
	v11 =	vand.u32 $0x7, v59;
	v8 =	vadd.s32 v6, v60;
	v9 =	vld.idx.msk [tilespmem:v9+s24+$0x0], $0xffff  }
0x25d: {  	v8 =	vor.u32 v11, v8;
	_ =	sdelay $0x2  }
0x25e: {  	v7 =	vadd.s32 $0x1F, v7  }
0x25f: {  	v62 =	vand.u32 $0xFFFFFFF8, v7;
	[tilespmem:v61+s25+$0x0] =	vst.idx.msk $0xffff, v9  }
0x260: {  	v7 =	vand.u32 $0x7, v7;
	v63 =	vadd.s32 $0x1E, v5;
	v6 =	vadd.s32 v6, v62;
	v8 =	vld.idx.msk [tilespmem:v8+s24+$0x0], $0xffff  }
0x261: {  	v6 =	vor.u32 v7, v6;
	_ =	sdelay $0x3  }
0x262: {  	[tilespmem:v63+s25+$0x0] =	vst.idx.msk $0xffff, v8  }
0x263: {  	v5 =	vadd.s32 $0x1F, v5;
	v6 =	vld.idx.msk [tilespmem:v6+s24+$0x0], $0xffff;
	_ =	sdelay $0x4  }
0x264: {  	[tilespmem:v5+s25+$0x0] =	vst.idx.msk $0xffff, v6  }
0x265: {  	v5 =	vld [tilespmem:s4+$0xFFFFFE10];
	_ =	sdelay $0x4  }
0x266: {  	[tilespmem:s3+$0xFFFFFBB8] =	vst v5  }
0x267: {  	v5 =	vld [tilespmem:s4+$0xFFFFFE20];
	_ =	sdelay $0x4  }
0x268: {  	[tilespmem:s3+$0xFFFFFBC8] =	vst v5  }
0x269: {  	v5 =	vld [tilespmem:s4+$0xFFFFFE30];
	_ =	sdelay $0x4  }
0x26a: {  	[tilespmem:s3+$0xFFFFFC00] =	vst v5  }
0x26b: {  	v5 =	vld [tilespmem:s4+$0xFFFFFE40];
	_ =	sdelay $0x4  }
0x26c: {  	[tilespmem:s3+$0xFFFFFC10] =	vst v5  }
0x26d: {  	v5 =	vld [tilespmem:s4+$0xFFFFFE50];
	_ =	sdelay $0x4  }
0x26e: {  	[tilespmem:s3+$0xFFFFFC48] =	vst v5  }
0x26f: {  	v5 =	vld [tilespmem:s4+$0xFFFFFE60];
	_ =	sdelay $0x4  }
0x270: {  	[tilespmem:s3+$0xFFFFFC58] =	vst v5  }
0x271: {  	v5 =	vld [tilespmem:s4+$0xFFFFFE70];
	_ =	sdelay $0x4  }
0x272: {  	[tilespmem:s3+$0xFFFFFC90] =	vst v5  }
0x273: {  	v5 =	vld [tilespmem:s4+$0xFFFFFE80];
	_ =	sdelay $0x4  }
0x274: {  	[tilespmem:s3+$0xFFFFFCA0] =	vst v5  }
0x275: {  	v5 =	vld [tilespmem:s4+$0xFFFFFE90];
	_ =	sdelay $0x4  }
0x276: {  	[tilespmem:s3+$0xFFFFFCD8] =	vst v5  }
0x277: {  	v5 =	vld [tilespmem:s4+$0xFFFFFEA0];
	_ =	sdelay $0x4  }
0x278: {  	[tilespmem:s3+$0xFFFFFCE8] =	vst v5  }
0x279: {  	v5 =	vld [tilespmem:s4+$0xFFFFFEB0];
	_ =	sdelay $0x4  }
0x27a: {  	[tilespmem:s3+$0xFFFFFD20] =	vst v5  }
0x27b: {  	v5 =	vld [tilespmem:s4+$0xFFFFFEC0];
	_ =	sdelay $0x4  }
0x27c: {  	[tilespmem:s3+$0xFFFFFD30] =	vst v5  }
0x27d: {  	v5 =	vld [tilespmem:s4+$0xFFFFFED0];
	_ =	sdelay $0x4  }
0x27e: {  	[tilespmem:s3+$0xFFFFFD68] =	vst v5  }
0x27f: {  	v5 =	vld [tilespmem:s4+$0xFFFFFEE0];
	_ =	sdelay $0x4  }
0x280: {  	[tilespmem:s3+$0xFFFFFD78] =	vst v5  }
0x281: {  	v5 =	vld [tilespmem:s4+$0xFFFFFEF0];
	_ =	sdelay $0x4  }
0x282: {  	[tilespmem:s3+$0xFFFFFDB0] =	vst v5  }
0x283: {  	v5 =	vld [tilespmem:s4+$0xFFFFFF00];
	_ =	sdelay $0x4  }
0x284: {  	[tilespmem:s3+$0xFFFFFDC0] =	vst v5  }
0x285: {  	v5 =	vld [tilespmem:s4+$0xFFFFFF10];
	_ =	sdelay $0x4  }
0x286: {  	[tilespmem:s3+$0xFFFFFDF8] =	vst v5  }
0x287: {  	v5 =	vld [tilespmem:s4+$0xFFFFFF20];
	_ =	sdelay $0x4  }
0x288: {  	[tilespmem:s3+$0xFFFFFE08] =	vst v5  }
0x289: {  	v5 =	vld [tilespmem:s4+$0xFFFFFF30];
	_ =	sdelay $0x4  }
0x28a: {  	[tilespmem:s3+$0xFFFFFE40] =	vst v5  }
0x28b: {  	v5 =	vld [tilespmem:s4+$0xFFFFFF40];
	_ =	sdelay $0x4  }
0x28c: {  	[tilespmem:s3+$0xFFFFFE50] =	vst v5  }
0x28d: {  	v5 =	vld [tilespmem:s4+$0xFFFFFF50];
	_ =	sdelay $0x4  }
0x28e: {  	[tilespmem:s3+$0xFFFFFE88] =	vst v5  }
0x28f: {  	v5 =	vld [tilespmem:s4+$0xFFFFFF60];
	_ =	sdelay $0x4  }
0x290: {  	[tilespmem:s3+$0xFFFFFE98] =	vst v5  }
0x291: {  	v5 =	vld [tilespmem:s4+$0xFFFFFF70];
	_ =	sdelay $0x4  }
0x292: {  	[tilespmem:s3+$0xFFFFFED0] =	vst v5  }
0x293: {  	v5 =	vld [tilespmem:s4+$0xFFFFFF80];
	_ =	sdelay $0x4  }
0x294: {  	[tilespmem:s3+$0xFFFFFEE0] =	vst v5  }
0x295: {  	v5 =	vld [tilespmem:s4+$0xFFFFFF90];
	_ =	sdelay $0x4  }
0x296: {  	[tilespmem:s3+$0xFFFFFF18] =	vst v5  }
0x297: {  	v5 =	vld [tilespmem:s4+$0xFFFFFFA0];
	_ =	sdelay $0x4  }
0x298: {  	[tilespmem:s3+$0xFFFFFF28] =	vst v5  }
0x299: {  	v5 =	vld [tilespmem:s4+$0xFFFFFFB0];
	_ =	sdelay $0x4  }
0x29a: {  	[tilespmem:s3+$0xFFFFFF60] =	vst v5  }
0x29b: {  	v5 =	vld [tilespmem:s4+$0xFFFFFFC0];
	_ =	sdelay $0x4  }
0x29c: {  	[tilespmem:s3+$0xFFFFFF70] =	vst v5  }
0x29d: {  	v5 =	vld [tilespmem:s4+$0xFFFFFFD0];
	_ =	sdelay $0x4  }
0x29e: {  	[tilespmem:s3+$0xFFFFFFA8] =	vst v5  }
0x29f: {  	v5 =	vld [tilespmem:s4+$0xFFFFFFE0];
	_ =	sdelay $0x4  }
0x2a0: {  	[tilespmem:s3+$0xFFFFFFB8] =	vst v5  }
0x2a1: {  	v5 =	vld [tilespmem:s4+$0xFFFFFFF0];
	_ =	sdelay $0x4  }
0x2a2: {  	[tilespmem:s3+$0xFFFFFFF0] =	vst v5  }
0x2a3: {  	p0 =	sne.s32 s0, $0xF0;
	v5 =	vld [tilespmem:s4+$0x0]  }
.Ltmp6:
0x2a4: {  	_ = 	snop;
	(pc) =	sbr.rel @p0 .LBB2_14-.Ltmp6, $3  }
0x2a5: {  	_ =	sdelay $0x1  }
0x2a6: {  	s26 =	sadd.s32 $0x10, s26;
	s0 =	sadd.s32 $0x10, s0  }
0x2a7: {  	s2 =	sadd.s32 $0x10, s2;
	s4 =	sadd.s32 $0x200, s4;
	[tilespmem:s3+$0x0] =	vst v5;
	s3 =	sadd.s32 $0x480, s3  }
0x2a8: {  	s0 =	simm.s32 $0x0;
	s2 =	simm.s32 $0x17020  }
0x2a9: {  	[hbm4b:s13+s0] =	stream.linear.scatter [tilespmem:s2], [sflag:$0x3], $0x2400, $0x38;
	[tilespmem:$0x1DC20] =	vst v63  }
0x2aa: {  	_ =	swait.ge [sflag:s19], $0x4000  }
0x2ab: {  	[sflag:s19] =	ssyncset.done $0x0  }
0x2ac: {  	[sflag:s19] =	ssyncadd.s32 $0xFFFFC000  }
0x2ad: {  	_ =	swait.ge [sflag:s20], $0x1000  }
0x2ae: {  	s3 =	simm.s32 $0x12E10;
	s4 =	simm.s32 $0x300;
	[sflag:s20] =	ssyncset.done $0x0  }
0x2af: {  	s26 =	simm.s32 $0x700;
	s2 =	simm.s32 $0x100;
	[sflag:s20] =	ssyncadd.s32 $0xFFFFF000  }
.LBB2_16:
0x2b0: {  	v6 =	vld [tilespmem:s26+$0x0]  }
0x2b1: {  	v8 =	vor.u32 s2, v2  }
0x2b2: {  	v5 =	vmul.u32 $0x48, v8;
	_ =	sdelay $0x1  }
0x2b3: {  	v7 =	vadd.s32 $0x40, v5  }
0x2b4: {  	v6 =	vsub.f32 v6, v3;
	_ =	sdelay $0x1  }
0x2b5: {  	v6 =	vmul.f32 v6, v4;
	_ =	sdelay $0x1  }
0x2b6: {  	[tilespmem:v7+s25+$0x0] =	vst.idx.msk $0xffff, v6  }
0x2b7: {  	v7 =	vld [tilespmem:s4+$0x0];
	_ =	sdelay $0x4  }
0x2b8: {  	v6 =	vshll.u32 v8, $0x7;
	v9 =	vand.u32 $0xFFFFFFF8, v7  }
0x2b9: {  	v26 =	vand.u32 $0x7, v7;
	v9 =	vadd.s32 v6, v9  }
0x2ba: {  	v8 =	vor.u32 v26, v9;
	_ =	sdelay $0x2  }
0x2bb: {  	v27 =	vadd.s32 $0x1, v7  }
0x2bc: {  	v10 =	vand.u32 $0xFFFFFFF8, v27  }
0x2bd: {  	v9 =	vand.u32 $0x7, v27;
	v10 =	vadd.s32 v6, v10;
	v11 =	vld.idx.msk [tilespmem:v8+s24+$0x0], $0xffff  }
0x2be: {  	v9 =	vor.u32 v9, v10;
	_ =	sdelay $0x2  }
0x2bf: {  	v28 =	vadd.s32 $0x2, v7  }
0x2c0: {  	v29 =	vand.u32 $0xFFFFFFF8, v28;
	[tilespmem:v5+s25+$0x0] =	vst.idx.msk $0xffff, v11  }
0x2c1: {  	v12 =	vor.u32 $0x1, v5;
	v10 =	vand.u32 $0x7, v28;
	v11 =	vadd.s32 v6, v29;
	v9 =	vld.idx.msk [tilespmem:v9+s24+$0x0], $0xffff  }
0x2c2: {  	v10 =	vor.u32 v10, v11;
	_ =	sdelay $0x2  }
0x2c3: {  	v30 =	vadd.s32 $0x3, v7  }
0x2c4: {  	v31 =	vand.u32 $0xFFFFFFF8, v30;
	[tilespmem:v12+s25+$0x0] =	vst.idx.msk $0xffff, v9  }
0x2c5: {  	v32 =	vor.u32 $0x2, v5;
	v11 =	vand.u32 $0x7, v30;
	v9 =	vadd.s32 v6, v31;
	v10 =	vld.idx.msk [tilespmem:v10+s24+$0x0], $0xffff  }
0x2c6: {  	v9 =	vor.u32 v11, v9;
	_ =	sdelay $0x2  }
0x2c7: {  	v33 =	vadd.s32 $0x4, v7  }
0x2c8: {  	v34 =	vand.u32 $0xFFFFFFF8, v33;
	[tilespmem:v32+s25+$0x0] =	vst.idx.msk $0xffff, v10  }
0x2c9: {  	v35 =	vor.u32 $0x3, v5;
	v11 =	vand.u32 $0x7, v33;
	v10 =	vadd.s32 v6, v34;
	v9 =	vld.idx.msk [tilespmem:v9+s24+$0x0], $0xffff  }
0x2ca: {  	v10 =	vor.u32 v11, v10;
	_ =	sdelay $0x2  }
0x2cb: {  	v36 =	vadd.s32 $0x5, v7  }
0x2cc: {  	v37 =	vand.u32 $0xFFFFFFF8, v36;
	[tilespmem:v35+s25+$0x0] =	vst.idx.msk $0xffff, v9  }
0x2cd: {  	v38 =	vor.u32 $0x4, v5;
	v11 =	vand.u32 $0x7, v36;
	v9 =	vadd.s32 v6, v37;
	v10 =	vld.idx.msk [tilespmem:v10+s24+$0x0], $0xffff  }
0x2ce: {  	v9 =	vor.u32 v11, v9;
	_ =	sdelay $0x2  }
0x2cf: {  	v39 =	vadd.s32 $0x6, v7  }
0x2d0: {  	v40 =	vand.u32 $0xFFFFFFF8, v39;
	[tilespmem:v38+s25+$0x0] =	vst.idx.msk $0xffff, v10  }
0x2d1: {  	v41 =	vor.u32 $0x5, v5;
	v11 =	vand.u32 $0x7, v39;
	v10 =	vadd.s32 v6, v40;
	v9 =	vld.idx.msk [tilespmem:v9+s24+$0x0], $0xffff  }
0x2d2: {  	v10 =	vor.u32 v11, v10;
	_ =	sdelay $0x2  }
0x2d3: {  	v42 =	vadd.s32 $0x7, v7  }
0x2d4: {  	v43 =	vand.u32 $0xFFFFFFF8, v42;
	[tilespmem:v41+s25+$0x0] =	vst.idx.msk $0xffff, v9  }
0x2d5: {  	v44 =	vor.u32 $0x6, v5;
	v11 =	vand.u32 $0x7, v42;
	v9 =	vadd.s32 v6, v43;
	v10 =	vld.idx.msk [tilespmem:v10+s24+$0x0], $0xffff  }
0x2d6: {  	v9 =	vor.u32 v11, v9;
	_ =	sdelay $0x3  }
0x2d7: {  	[tilespmem:v44+s25+$0x0] =	vst.idx.msk $0xffff, v10  }
0x2d8: {  	v45 =	vor.u32 $0x7, v5;
	v9 =	vld.idx.msk [tilespmem:v9+s24+$0x0], $0xffff  }
0x2d9: {  	v46 =	vadd.s32 $0x8, v8;
	_ =	sdelay $0x2  }
0x2da: {  	v47 =	vadd.s32 $0x9, v7  }
0x2db: {  	v48 =	vand.u32 $0xFFFFFFF8, v47;
	[tilespmem:v45+s25+$0x0] =	vst.idx.msk $0xffff, v9  }
0x2dc: {  	v49 =	vadd.s32 $0x8, v5;
	v12 =	vand.u32 $0x7, v47;
	v9 =	vadd.s32 v6, v48;
	v10 =	vld.idx.msk [tilespmem:v46+s24+$0x0], $0xffff  }
0x2dd: {  	v9 =	vor.u32 v12, v9;
	_ =	sdelay $0x2  }
0x2de: {  	v50 =	vadd.s32 $0xA, v7  }
0x2df: {  	v51 =	vand.u32 $0xFFFFFFF8, v50;
	[tilespmem:v49+s25+$0x0] =	vst.idx.msk $0xffff, v10  }
0x2e0: {  	v52 =	vadd.s32 $0x9, v5;
	v12 =	vand.u32 $0x7, v50;
	v10 =	vadd.s32 v6, v51;
	v9 =	vld.idx.msk [tilespmem:v9+s24+$0x0], $0xffff  }
0x2e1: {  	v10 =	vor.u32 v12, v10;
	_ =	sdelay $0x2  }
0x2e2: {  	v53 =	vadd.s32 $0xB, v7  }
0x2e3: {  	v54 =	vand.u32 $0xFFFFFFF8, v53;
	[tilespmem:v52+s25+$0x0] =	vst.idx.msk $0xffff, v9  }
0x2e4: {  	v55 =	vadd.s32 $0xA, v5;
	v12 =	vand.u32 $0x7, v53;
	v9 =	vadd.s32 v6, v54;
	v10 =	vld.idx.msk [tilespmem:v10+s24+$0x0], $0xffff  }
0x2e5: {  	v9 =	vor.u32 v12, v9;
	_ =	sdelay $0x2  }
0x2e6: {  	v56 =	vadd.s32 $0xC, v7  }
0x2e7: {  	v57 =	vand.u32 $0xFFFFFFF8, v56;
	[tilespmem:v55+s25+$0x0] =	vst.idx.msk $0xffff, v10  }
0x2e8: {  	v58 =	vadd.s32 $0xB, v5;
	v12 =	vand.u32 $0x7, v56;
	v10 =	vadd.s32 v6, v57;
	v9 =	vld.idx.msk [tilespmem:v9+s24+$0x0], $0xffff  }
0x2e9: {  	v10 =	vor.u32 v12, v10;
	_ =	sdelay $0x2  }
0x2ea: {  	v59 =	vadd.s32 $0xD, v7  }
0x2eb: {  	v60 =	vand.u32 $0xFFFFFFF8, v59;
	[tilespmem:v58+s25+$0x0] =	vst.idx.msk $0xffff, v9  }
0x2ec: {  	v61 =	vadd.s32 $0xC, v5;
	v12 =	vand.u32 $0x7, v59;
	v9 =	vadd.s32 v6, v60;
	v10 =	vld.idx.msk [tilespmem:v10+s24+$0x0], $0xffff  }
0x2ed: {  	v9 =	vor.u32 v12, v9;
	_ =	sdelay $0x2  }
0x2ee: {  	v62 =	vadd.s32 $0xE, v7  }
0x2ef: {  	v63 =	vand.u32 $0xFFFFFFF8, v62;
	[tilespmem:v61+s25+$0x0] =	vst.idx.msk $0xffff, v10  }
0x2f0: {  	v16 =	vadd.s32 $0xD, v5;
	v12 =	vand.u32 $0x7, v62;
	v10 =	vadd.s32 v6, v63;
	v9 =	vld.idx.msk [tilespmem:v9+s24+$0x0], $0xffff  }
0x2f1: {  	v10 =	vor.u32 v12, v10;
	_ =	sdelay $0x2  }
0x2f2: {  	v17 =	vadd.s32 $0xF, v7  }
0x2f3: {  	v18 =	vand.u32 $0xFFFFFFF8, v17;
	[tilespmem:v16+s25+$0x0] =	vst.idx.msk $0xffff, v9  }
0x2f4: {  	v19 =	vadd.s32 $0xE, v5;
	v12 =	vand.u32 $0x7, v17;
	v9 =	vadd.s32 v6, v18;
	v10 =	vld.idx.msk [tilespmem:v10+s24+$0x0], $0xffff  }
0x2f5: {  	v9 =	vor.u32 v12, v9;
	_ =	sdelay $0x3  }
0x2f6: {  	[tilespmem:v19+s25+$0x0] =	vst.idx.msk $0xffff, v10  }
0x2f7: {  	v20 =	vadd.s32 $0xF, v5;
	v9 =	vld.idx.msk [tilespmem:v9+s24+$0x0], $0xffff  }
0x2f8: {  	v21 =	vadd.s32 $0x10, v8;
	_ =	sdelay $0x2  }
0x2f9: {  	v22 =	vadd.s32 $0x11, v7  }
0x2fa: {  	v23 =	vand.u32 $0xFFFFFFF8, v22;
	[tilespmem:v20+s25+$0x0] =	vst.idx.msk $0xffff, v9  }
0x2fb: {  	v24 =	vadd.s32 $0x10, v5;
	v12 =	vand.u32 $0x7, v22;
	v9 =	vadd.s32 v6, v23;
	v10 =	vld.idx.msk [tilespmem:v21+s24+$0x0], $0xffff  }
0x2fc: {  	v9 =	vor.u32 v12, v9;
	_ =	sdelay $0x2  }
0x2fd: {  	v25 =	vadd.s32 $0x12, v7  }
0x2fe: {  	v26 =	vand.u32 $0xFFFFFFF8, v25;
	[tilespmem:v24+s25+$0x0] =	vst.idx.msk $0xffff, v10  }
0x2ff: {  	v27 =	vadd.s32 $0x11, v5;
	v12 =	vand.u32 $0x7, v25;
	v10 =	vadd.s32 v6, v26;
	v9 =	vld.idx.msk [tilespmem:v9+s24+$0x0], $0xffff  }
0x300: {  	v10 =	vor.u32 v12, v10;
	_ =	sdelay $0x2  }
0x301: {  	v28 =	vadd.s32 $0x13, v7  }
0x302: {  	v29 =	vand.u32 $0xFFFFFFF8, v28;
	[tilespmem:v27+s25+$0x0] =	vst.idx.msk $0xffff, v9  }
0x303: {  	v30 =	vadd.s32 $0x12, v5;
	v12 =	vand.u32 $0x7, v28;
	v9 =	vadd.s32 v6, v29;
	v10 =	vld.idx.msk [tilespmem:v10+s24+$0x0], $0xffff  }
0x304: {  	v9 =	vor.u32 v12, v9;
	_ =	sdelay $0x2  }
0x305: {  	v31 =	vadd.s32 $0x14, v7  }
0x306: {  	v32 =	vand.u32 $0xFFFFFFF8, v31;
	[tilespmem:v30+s25+$0x0] =	vst.idx.msk $0xffff, v10  }
0x307: {  	v33 =	vadd.s32 $0x13, v5;
	v12 =	vand.u32 $0x7, v31;
	v10 =	vadd.s32 v6, v32;
	v9 =	vld.idx.msk [tilespmem:v9+s24+$0x0], $0xffff  }
0x308: {  	v10 =	vor.u32 v12, v10;
	_ =	sdelay $0x2  }
0x309: {  	v34 =	vadd.s32 $0x15, v7  }
0x30a: {  	v35 =	vand.u32 $0xFFFFFFF8, v34;
	[tilespmem:v33+s25+$0x0] =	vst.idx.msk $0xffff, v9  }
0x30b: {  	v36 =	vadd.s32 $0x14, v5;
	v12 =	vand.u32 $0x7, v34;
	v9 =	vadd.s32 v6, v35;
	v10 =	vld.idx.msk [tilespmem:v10+s24+$0x0], $0xffff  }
0x30c: {  	v9 =	vor.u32 v12, v9;
	_ =	sdelay $0x2  }
0x30d: {  	v37 =	vadd.s32 $0x16, v7  }
0x30e: {  	v38 =	vand.u32 $0xFFFFFFF8, v37;
	[tilespmem:v36+s25+$0x0] =	vst.idx.msk $0xffff, v10  }
0x30f: {  	v39 =	vadd.s32 $0x15, v5;
	v12 =	vand.u32 $0x7, v37;
	v10 =	vadd.s32 v6, v38;
	v9 =	vld.idx.msk [tilespmem:v9+s24+$0x0], $0xffff  }
0x310: {  	v10 =	vor.u32 v12, v10;
	_ =	sdelay $0x2  }
0x311: {  	v40 =	vadd.s32 $0x17, v7  }
0x312: {  	v41 =	vand.u32 $0xFFFFFFF8, v40;
	[tilespmem:v39+s25+$0x0] =	vst.idx.msk $0xffff, v9  }
0x313: {  	v42 =	vadd.s32 $0x16, v5;
	v12 =	vand.u32 $0x7, v40;
	v9 =	vadd.s32 v6, v41;
	v10 =	vld.idx.msk [tilespmem:v10+s24+$0x0], $0xffff  }
0x314: {  	v9 =	vor.u32 v12, v9;
	_ =	sdelay $0x3  }
0x315: {  	[tilespmem:v42+s25+$0x0] =	vst.idx.msk $0xffff, v10  }
0x316: {  	v43 =	vadd.s32 $0x17, v5;
	v9 =	vld.idx.msk [tilespmem:v9+s24+$0x0], $0xffff  }
0x317: {  	v8 =	vadd.s32 $0x18, v8;
	_ =	sdelay $0x2  }
0x318: {  	v44 =	vadd.s32 $0x19, v7  }
0x319: {  	v45 =	vand.u32 $0xFFFFFFF8, v44;
	[tilespmem:v43+s25+$0x0] =	vst.idx.msk $0xffff, v9  }
0x31a: {  	v11 =	vand.u32 $0x7, v44;
	v46 =	vadd.s32 $0x18, v5;
	v9 =	vadd.s32 v6, v45;
	v8 =	vld.idx.msk [tilespmem:v8+s24+$0x0], $0xffff  }
0x31b: {  	v9 =	vor.u32 v11, v9;
	_ =	sdelay $0x2  }
0x31c: {  	v47 =	vadd.s32 $0x1A, v7  }
0x31d: {  	v48 =	vand.u32 $0xFFFFFFF8, v47;
	[tilespmem:v46+s25+$0x0] =	vst.idx.msk $0xffff, v8  }
0x31e: {  	v49 =	vadd.s32 $0x19, v5;
	v11 =	vand.u32 $0x7, v47;
	v8 =	vadd.s32 v6, v48;
	v9 =	vld.idx.msk [tilespmem:v9+s24+$0x0], $0xffff  }
0x31f: {  	v8 =	vor.u32 v11, v8;
	_ =	sdelay $0x2  }
0x320: {  	v50 =	vadd.s32 $0x1B, v7  }
0x321: {  	v51 =	vand.u32 $0xFFFFFFF8, v50;
	[tilespmem:v49+s25+$0x0] =	vst.idx.msk $0xffff, v9  }
0x322: {  	v52 =	vadd.s32 $0x1A, v5;
	v11 =	vand.u32 $0x7, v50;
	v9 =	vadd.s32 v6, v51;
	v8 =	vld.idx.msk [tilespmem:v8+s24+$0x0], $0xffff  }
0x323: {  	v9 =	vor.u32 v11, v9;
	_ =	sdelay $0x2  }
0x324: {  	v53 =	vadd.s32 $0x1C, v7  }
0x325: {  	v54 =	vand.u32 $0xFFFFFFF8, v53;
	[tilespmem:v52+s25+$0x0] =	vst.idx.msk $0xffff, v8  }
0x326: {  	v55 =	vadd.s32 $0x1B, v5;
	v11 =	vand.u32 $0x7, v53;
	v8 =	vadd.s32 v6, v54;
	v9 =	vld.idx.msk [tilespmem:v9+s24+$0x0], $0xffff  }
0x327: {  	v8 =	vor.u32 v11, v8;
	_ =	sdelay $0x2  }
0x328: {  	v56 =	vadd.s32 $0x1D, v7  }
0x329: {  	v57 =	vand.u32 $0xFFFFFFF8, v56;
	[tilespmem:v55+s25+$0x0] =	vst.idx.msk $0xffff, v9  }
0x32a: {  	v58 =	vadd.s32 $0x1C, v5;
	v11 =	vand.u32 $0x7, v56;
	v9 =	vadd.s32 v6, v57;
	v8 =	vld.idx.msk [tilespmem:v8+s24+$0x0], $0xffff  }
0x32b: {  	v9 =	vor.u32 v11, v9;
	_ =	sdelay $0x2  }
0x32c: {  	v59 =	vadd.s32 $0x1E, v7  }
0x32d: {  	v60 =	vand.u32 $0xFFFFFFF8, v59;
	[tilespmem:v58+s25+$0x0] =	vst.idx.msk $0xffff, v8  }
0x32e: {  	v61 =	vadd.s32 $0x1D, v5;
	v11 =	vand.u32 $0x7, v59;
	v8 =	vadd.s32 v6, v60;
	v9 =	vld.idx.msk [tilespmem:v9+s24+$0x0], $0xffff  }
0x32f: {  	v8 =	vor.u32 v11, v8;
	_ =	sdelay $0x2  }
0x330: {  	v7 =	vadd.s32 $0x1F, v7  }
0x331: {  	v62 =	vand.u32 $0xFFFFFFF8, v7;
	[tilespmem:v61+s25+$0x0] =	vst.idx.msk $0xffff, v9  }
0x332: {  	v7 =	vand.u32 $0x7, v7;
	v63 =	vadd.s32 $0x1E, v5;
	v6 =	vadd.s32 v6, v62;
	v8 =	vld.idx.msk [tilespmem:v8+s24+$0x0], $0xffff  }
0x333: {  	v6 =	vor.u32 v7, v6;
	_ =	sdelay $0x3  }
0x334: {  	[tilespmem:v63+s25+$0x0] =	vst.idx.msk $0xffff, v8  }
0x335: {  	v5 =	vadd.s32 $0x1F, v5;
	v6 =	vld.idx.msk [tilespmem:v6+s24+$0x0], $0xffff;
	_ =	sdelay $0x4  }
0x336: {  	[tilespmem:v5+s25+$0x0] =	vst.idx.msk $0xffff, v6  }
0x337: {  	v5 =	vld [tilespmem:s3+$0xFFFFFE10];
	_ =	sdelay $0x3  }
0x338: {  	s28 =	sshra.s32 s0, $0x2  }
0x339: {  	[tilespmem:s28+$0x19440] =	vst v5  }
0x33a: {  	v5 =	vld [tilespmem:s3+$0xFFFFFE20];
	_ =	sdelay $0x4  }
0x33b: {  	[tilespmem:s28+$0x19450] =	vst v5  }
0x33c: {  	v5 =	vld [tilespmem:s3+$0xFFFFFE30];
	_ =	sdelay $0x4  }
0x33d: {  	[tilespmem:s28+$0x19488] =	vst v5  }
0x33e: {  	v5 =	vld [tilespmem:s3+$0xFFFFFE40];
	_ =	sdelay $0x4  }
0x33f: {  	[tilespmem:s28+$0x19498] =	vst v5  }
0x340: {  	v5 =	vld [tilespmem:s3+$0xFFFFFE50];
	_ =	sdelay $0x4  }
0x341: {  	[tilespmem:s28+$0x194D0] =	vst v5  }
0x342: {  	v5 =	vld [tilespmem:s3+$0xFFFFFE60];
	_ =	sdelay $0x4  }
0x343: {  	[tilespmem:s28+$0x194E0] =	vst v5  }
0x344: {  	v5 =	vld [tilespmem:s3+$0xFFFFFE70];
	_ =	sdelay $0x4  }
0x345: {  	[tilespmem:s28+$0x19518] =	vst v5  }
0x346: {  	v5 =	vld [tilespmem:s3+$0xFFFFFE80];
	_ =	sdelay $0x4  }
0x347: {  	[tilespmem:s28+$0x19528] =	vst v5  }
0x348: {  	v5 =	vld [tilespmem:s3+$0xFFFFFE90];
	_ =	sdelay $0x4  }
0x349: {  	[tilespmem:s28+$0x19560] =	vst v5  }
0x34a: {  	v5 =	vld [tilespmem:s3+$0xFFFFFEA0];
	_ =	sdelay $0x4  }
0x34b: {  	[tilespmem:s28+$0x19570] =	vst v5  }
0x34c: {  	v5 =	vld [tilespmem:s3+$0xFFFFFEB0];
	_ =	sdelay $0x4  }
0x34d: {  	[tilespmem:s28+$0x195A8] =	vst v5  }
0x34e: {  	v5 =	vld [tilespmem:s3+$0xFFFFFEC0];
	_ =	sdelay $0x4  }
0x34f: {  	[tilespmem:s28+$0x195B8] =	vst v5  }
0x350: {  	v5 =	vld [tilespmem:s3+$0xFFFFFED0];
	_ =	sdelay $0x4  }
0x351: {  	[tilespmem:s28+$0x195F0] =	vst v5  }
0x352: {  	v5 =	vld [tilespmem:s3+$0xFFFFFEE0];
	_ =	sdelay $0x4  }
0x353: {  	[tilespmem:s28+$0x19600] =	vst v5  }
0x354: {  	v5 =	vld [tilespmem:s3+$0xFFFFFEF0];
	_ =	sdelay $0x4  }
0x355: {  	[tilespmem:s28+$0x19638] =	vst v5  }
0x356: {  	v5 =	vld [tilespmem:s3+$0xFFFFFF00];
	_ =	sdelay $0x4  }
0x357: {  	[tilespmem:s28+$0x19648] =	vst v5  }
0x358: {  	v5 =	vld [tilespmem:s3+$0xFFFFFF10];
	_ =	sdelay $0x4  }
0x359: {  	[tilespmem:s28+$0x19680] =	vst v5  }
0x35a: {  	v5 =	vld [tilespmem:s3+$0xFFFFFF20];
	_ =	sdelay $0x4  }
0x35b: {  	[tilespmem:s28+$0x19690] =	vst v5  }
0x35c: {  	v5 =	vld [tilespmem:s3+$0xFFFFFF30];
	_ =	sdelay $0x4  }
0x35d: {  	[tilespmem:s28+$0x196C8] =	vst v5  }
0x35e: {  	v5 =	vld [tilespmem:s3+$0xFFFFFF40];
	_ =	sdelay $0x4  }
0x35f: {  	[tilespmem:s28+$0x196D8] =	vst v5  }
0x360: {  	v5 =	vld [tilespmem:s3+$0xFFFFFF50];
	_ =	sdelay $0x4  }
0x361: {  	[tilespmem:s28+$0x19710] =	vst v5  }
0x362: {  	v5 =	vld [tilespmem:s3+$0xFFFFFF60];
	_ =	sdelay $0x4  }
0x363: {  	[tilespmem:s28+$0x19720] =	vst v5  }
0x364: {  	v5 =	vld [tilespmem:s3+$0xFFFFFF70];
	_ =	sdelay $0x4  }
0x365: {  	[tilespmem:s28+$0x19758] =	vst v5  }
0x366: {  	v5 =	vld [tilespmem:s3+$0xFFFFFF80];
	_ =	sdelay $0x4  }
0x367: {  	[tilespmem:s28+$0x19768] =	vst v5  }
0x368: {  	v5 =	vld [tilespmem:s3+$0xFFFFFF90];
	_ =	sdelay $0x4  }
0x369: {  	[tilespmem:s28+$0x197A0] =	vst v5  }
0x36a: {  	v5 =	vld [tilespmem:s3+$0xFFFFFFA0];
	_ =	sdelay $0x4  }
0x36b: {  	[tilespmem:s28+$0x197B0] =	vst v5  }
0x36c: {  	v5 =	vld [tilespmem:s3+$0xFFFFFFB0];
	_ =	sdelay $0x4  }
0x36d: {  	[tilespmem:s28+$0x197E8] =	vst v5  }
0x36e: {  	v5 =	vld [tilespmem:s3+$0xFFFFFFC0];
	_ =	sdelay $0x4  }
0x36f: {  	[tilespmem:s28+$0x197F8] =	vst v5  }
0x370: {  	v5 =	vld [tilespmem:s3+$0xFFFFFFD0];
	_ =	sdelay $0x4  }
0x371: {  	[tilespmem:s28+$0x19830] =	vst v5  }
0x372: {  	v5 =	vld [tilespmem:s3+$0xFFFFFFE0];
	_ =	sdelay $0x4  }
0x373: {  	[tilespmem:s28+$0x19840] =	vst v5  }
0x374: {  	v5 =	vld [tilespmem:s3+$0xFFFFFFF0];
	_ =	sdelay $0x4  }
0x375: {  	[tilespmem:s28+$0x19878] =	vst v5  }
0x376: {  	p0 =	sne.s32 s0, $0x7E00;
	v5 =	vld [tilespmem:s3+$0x0]  }
.Ltmp7:
0x377: {  	_ = 	snop;
	(pc) =	sbr.rel @p0 .LBB2_16-.Ltmp7, $3  }
0x378: {  	_ =	sdelay $0x1  }
0x379: {  	s2 =	sadd.s32 $0x10, s2;
	s26 =	sadd.s32 $0x10, s26  }
0x37a: {  	s0 =	sadd.s32 $0x1200, s0;
	s4 =	sadd.s32 $0x10, s4;
	s3 =	sadd.s32 $0x200, s3;
	[tilespmem:s28+$0x19888] =	vst v5  }
0x37b: {  	s0 =	simm.s32 $0x0;
	s2 =	simm.s32 $0x19420  }
0x37c: {  	[hbm4b:s14+s0] =	stream.linear.scatter [tilespmem:s2], [sflag:$0x3], $0x2400, $0x38;
	[tilespmem:$0x1DC20] =	vst v63  }
0x37d: {  	_ =	swait.ge [sflag:s19], $0x4000  }
0x37e: {  	[sflag:s19] =	ssyncset.done $0x0  }
0x37f: {  	[sflag:s19] =	ssyncadd.s32 $0xFFFFC000  }
0x380: {  	_ =	swait.ge [sflag:s20], $0x1000  }
0x381: {  	s3 =	simm.s32 $0x13E10;
	s4 =	simm.s32 $0x380;
	[sflag:s20] =	ssyncset.done $0x0  }
0x382: {  	s26 =	simm.s32 $0x780;
	s2 =	simm.s32 $0x180;
	[sflag:s20] =	ssyncadd.s32 $0xFFFFF000  }
.LBB2_18:
0x383: {  	v6 =	vld [tilespmem:s26+$0x0]  }
0x384: {  	v8 =	vor.u32 s2, v2  }
0x385: {  	v5 =	vmul.u32 $0x48, v8;
	_ =	sdelay $0x1  }
0x386: {  	v7 =	vadd.s32 $0x40, v5  }
0x387: {  	v6 =	vsub.f32 v6, v3;
	_ =	sdelay $0x1  }
0x388: {  	v6 =	vmul.f32 v6, v4;
	_ =	sdelay $0x1  }
0x389: {  	[tilespmem:v7+s25+$0x0] =	vst.idx.msk $0xffff, v6  }
0x38a: {  	v7 =	vld [tilespmem:s4+$0x0];
	_ =	sdelay $0x4  }
0x38b: {  	v6 =	vshll.u32 v8, $0x7;
	v9 =	vand.u32 $0xFFFFFFF8, v7  }
0x38c: {  	v26 =	vand.u32 $0x7, v7;
	v9 =	vadd.s32 v6, v9  }
0x38d: {  	v8 =	vor.u32 v26, v9;
	_ =	sdelay $0x2  }
0x38e: {  	v27 =	vadd.s32 $0x1, v7  }
0x38f: {  	v10 =	vand.u32 $0xFFFFFFF8, v27  }
0x390: {  	v9 =	vand.u32 $0x7, v27;
	v10 =	vadd.s32 v6, v10;
	v11 =	vld.idx.msk [tilespmem:v8+s24+$0x0], $0xffff  }
0x391: {  	v9 =	vor.u32 v9, v10;
	_ =	sdelay $0x2  }
0x392: {  	v28 =	vadd.s32 $0x2, v7  }
0x393: {  	v29 =	vand.u32 $0xFFFFFFF8, v28;
	[tilespmem:v5+s25+$0x0] =	vst.idx.msk $0xffff, v11  }
0x394: {  	v12 =	vor.u32 $0x1, v5;
	v10 =	vand.u32 $0x7, v28;
	v11 =	vadd.s32 v6, v29;
	v9 =	vld.idx.msk [tilespmem:v9+s24+$0x0], $0xffff  }
0x395: {  	v10 =	vor.u32 v10, v11;
	_ =	sdelay $0x2  }
0x396: {  	v30 =	vadd.s32 $0x3, v7  }
0x397: {  	v31 =	vand.u32 $0xFFFFFFF8, v30;
	[tilespmem:v12+s25+$0x0] =	vst.idx.msk $0xffff, v9  }
0x398: {  	v32 =	vor.u32 $0x2, v5;
	v11 =	vand.u32 $0x7, v30;
	v9 =	vadd.s32 v6, v31;
	v10 =	vld.idx.msk [tilespmem:v10+s24+$0x0], $0xffff  }
0x399: {  	v9 =	vor.u32 v11, v9;
	_ =	sdelay $0x2  }
0x39a: {  	v33 =	vadd.s32 $0x4, v7  }
0x39b: {  	v34 =	vand.u32 $0xFFFFFFF8, v33;
	[tilespmem:v32+s25+$0x0] =	vst.idx.msk $0xffff, v10  }
0x39c: {  	v35 =	vor.u32 $0x3, v5;
	v11 =	vand.u32 $0x7, v33;
	v10 =	vadd.s32 v6, v34;
	v9 =	vld.idx.msk [tilespmem:v9+s24+$0x0], $0xffff  }
0x39d: {  	v10 =	vor.u32 v11, v10;
	_ =	sdelay $0x2  }
0x39e: {  	v36 =	vadd.s32 $0x5, v7  }
0x39f: {  	v37 =	vand.u32 $0xFFFFFFF8, v36;
	[tilespmem:v35+s25+$0x0] =	vst.idx.msk $0xffff, v9  }
0x3a0: {  	v38 =	vor.u32 $0x4, v5;
	v11 =	vand.u32 $0x7, v36;
	v9 =	vadd.s32 v6, v37;
	v10 =	vld.idx.msk [tilespmem:v10+s24+$0x0], $0xffff  }
0x3a1: {  	v9 =	vor.u32 v11, v9;
	_ =	sdelay $0x2  }
0x3a2: {  	v39 =	vadd.s32 $0x6, v7  }
0x3a3: {  	v40 =	vand.u32 $0xFFFFFFF8, v39;
	[tilespmem:v38+s25+$0x0] =	vst.idx.msk $0xffff, v10  }
0x3a4: {  	v41 =	vor.u32 $0x5, v5;
	v11 =	vand.u32 $0x7, v39;
	v10 =	vadd.s32 v6, v40;
	v9 =	vld.idx.msk [tilespmem:v9+s24+$0x0], $0xffff  }
0x3a5: {  	v10 =	vor.u32 v11, v10;
	_ =	sdelay $0x2  }
0x3a6: {  	v42 =	vadd.s32 $0x7, v7  }
0x3a7: {  	v43 =	vand.u32 $0xFFFFFFF8, v42;
	[tilespmem:v41+s25+$0x0] =	vst.idx.msk $0xffff, v9  }
0x3a8: {  	v44 =	vor.u32 $0x6, v5;
	v11 =	vand.u32 $0x7, v42;
	v9 =	vadd.s32 v6, v43;
	v10 =	vld.idx.msk [tilespmem:v10+s24+$0x0], $0xffff  }
0x3a9: {  	v9 =	vor.u32 v11, v9;
	_ =	sdelay $0x3  }
0x3aa: {  	[tilespmem:v44+s25+$0x0] =	vst.idx.msk $0xffff, v10  }
0x3ab: {  	v45 =	vor.u32 $0x7, v5;
	v9 =	vld.idx.msk [tilespmem:v9+s24+$0x0], $0xffff  }
0x3ac: {  	v46 =	vadd.s32 $0x8, v8;
	_ =	sdelay $0x2  }
0x3ad: {  	v47 =	vadd.s32 $0x9, v7  }
0x3ae: {  	v48 =	vand.u32 $0xFFFFFFF8, v47;
	[tilespmem:v45+s25+$0x0] =	vst.idx.msk $0xffff, v9  }
0x3af: {  	v49 =	vadd.s32 $0x8, v5;
	v12 =	vand.u32 $0x7, v47;
	v9 =	vadd.s32 v6, v48;
	v10 =	vld.idx.msk [tilespmem:v46+s24+$0x0], $0xffff  }
0x3b0: {  	v9 =	vor.u32 v12, v9;
	_ =	sdelay $0x2  }
0x3b1: {  	v50 =	vadd.s32 $0xA, v7  }
0x3b2: {  	v51 =	vand.u32 $0xFFFFFFF8, v50;
	[tilespmem:v49+s25+$0x0] =	vst.idx.msk $0xffff, v10  }
0x3b3: {  	v52 =	vadd.s32 $0x9, v5;
	v12 =	vand.u32 $0x7, v50;
	v10 =	vadd.s32 v6, v51;
	v9 =	vld.idx.msk [tilespmem:v9+s24+$0x0], $0xffff  }
0x3b4: {  	v10 =	vor.u32 v12, v10;
	_ =	sdelay $0x2  }
0x3b5: {  	v53 =	vadd.s32 $0xB, v7  }
0x3b6: {  	v54 =	vand.u32 $0xFFFFFFF8, v53;
	[tilespmem:v52+s25+$0x0] =	vst.idx.msk $0xffff, v9  }
0x3b7: {  	v55 =	vadd.s32 $0xA, v5;
	v12 =	vand.u32 $0x7, v53;
	v9 =	vadd.s32 v6, v54;
	v10 =	vld.idx.msk [tilespmem:v10+s24+$0x0], $0xffff  }
0x3b8: {  	v9 =	vor.u32 v12, v9;
	_ =	sdelay $0x2  }
0x3b9: {  	v56 =	vadd.s32 $0xC, v7  }
0x3ba: {  	v57 =	vand.u32 $0xFFFFFFF8, v56;
	[tilespmem:v55+s25+$0x0] =	vst.idx.msk $0xffff, v10  }
0x3bb: {  	v58 =	vadd.s32 $0xB, v5;
	v12 =	vand.u32 $0x7, v56;
	v10 =	vadd.s32 v6, v57;
	v9 =	vld.idx.msk [tilespmem:v9+s24+$0x0], $0xffff  }
0x3bc: {  	v10 =	vor.u32 v12, v10;
	_ =	sdelay $0x2  }
0x3bd: {  	v59 =	vadd.s32 $0xD, v7  }
0x3be: {  	v60 =	vand.u32 $0xFFFFFFF8, v59;
	[tilespmem:v58+s25+$0x0] =	vst.idx.msk $0xffff, v9  }
0x3bf: {  	v61 =	vadd.s32 $0xC, v5;
	v12 =	vand.u32 $0x7, v59;
	v9 =	vadd.s32 v6, v60;
	v10 =	vld.idx.msk [tilespmem:v10+s24+$0x0], $0xffff  }
0x3c0: {  	v9 =	vor.u32 v12, v9;
	_ =	sdelay $0x2  }
0x3c1: {  	v62 =	vadd.s32 $0xE, v7  }
0x3c2: {  	v63 =	vand.u32 $0xFFFFFFF8, v62;
	[tilespmem:v61+s25+$0x0] =	vst.idx.msk $0xffff, v10  }
0x3c3: {  	v16 =	vadd.s32 $0xD, v5;
	v12 =	vand.u32 $0x7, v62;
	v10 =	vadd.s32 v6, v63;
	v9 =	vld.idx.msk [tilespmem:v9+s24+$0x0], $0xffff  }
0x3c4: {  	v10 =	vor.u32 v12, v10;
	_ =	sdelay $0x2  }
0x3c5: {  	v17 =	vadd.s32 $0xF, v7  }
0x3c6: {  	v18 =	vand.u32 $0xFFFFFFF8, v17;
	[tilespmem:v16+s25+$0x0] =	vst.idx.msk $0xffff, v9  }
0x3c7: {  	v19 =	vadd.s32 $0xE, v5;
	v12 =	vand.u32 $0x7, v17;
	v9 =	vadd.s32 v6, v18;
	v10 =	vld.idx.msk [tilespmem:v10+s24+$0x0], $0xffff  }
0x3c8: {  	v9 =	vor.u32 v12, v9;
	_ =	sdelay $0x3  }
0x3c9: {  	[tilespmem:v19+s25+$0x0] =	vst.idx.msk $0xffff, v10  }
0x3ca: {  	v20 =	vadd.s32 $0xF, v5;
	v9 =	vld.idx.msk [tilespmem:v9+s24+$0x0], $0xffff  }
0x3cb: {  	v21 =	vadd.s32 $0x10, v8;
	_ =	sdelay $0x2  }
0x3cc: {  	v22 =	vadd.s32 $0x11, v7  }
0x3cd: {  	v23 =	vand.u32 $0xFFFFFFF8, v22;
	[tilespmem:v20+s25+$0x0] =	vst.idx.msk $0xffff, v9  }
0x3ce: {  	v24 =	vadd.s32 $0x10, v5;
	v12 =	vand.u32 $0x7, v22;
	v9 =	vadd.s32 v6, v23;
	v10 =	vld.idx.msk [tilespmem:v21+s24+$0x0], $0xffff  }
0x3cf: {  	v9 =	vor.u32 v12, v9;
	_ =	sdelay $0x2  }
0x3d0: {  	v25 =	vadd.s32 $0x12, v7  }
0x3d1: {  	v26 =	vand.u32 $0xFFFFFFF8, v25;
	[tilespmem:v24+s25+$0x0] =	vst.idx.msk $0xffff, v10  }
0x3d2: {  	v27 =	vadd.s32 $0x11, v5;
	v12 =	vand.u32 $0x7, v25;
	v10 =	vadd.s32 v6, v26;
	v9 =	vld.idx.msk [tilespmem:v9+s24+$0x0], $0xffff  }
0x3d3: {  	v10 =	vor.u32 v12, v10;
	_ =	sdelay $0x2  }
0x3d4: {  	v28 =	vadd.s32 $0x13, v7  }
0x3d5: {  	v29 =	vand.u32 $0xFFFFFFF8, v28;
	[tilespmem:v27+s25+$0x0] =	vst.idx.msk $0xffff, v9  }
0x3d6: {  	v30 =	vadd.s32 $0x12, v5;
	v12 =	vand.u32 $0x7, v28;
	v9 =	vadd.s32 v6, v29;
	v10 =	vld.idx.msk [tilespmem:v10+s24+$0x0], $0xffff  }
0x3d7: {  	v9 =	vor.u32 v12, v9;
	_ =	sdelay $0x2  }
0x3d8: {  	v31 =	vadd.s32 $0x14, v7  }
0x3d9: {  	v32 =	vand.u32 $0xFFFFFFF8, v31;
	[tilespmem:v30+s25+$0x0] =	vst.idx.msk $0xffff, v10  }
0x3da: {  	v33 =	vadd.s32 $0x13, v5;
	v12 =	vand.u32 $0x7, v31;
	v10 =	vadd.s32 v6, v32;
	v9 =	vld.idx.msk [tilespmem:v9+s24+$0x0], $0xffff  }
0x3db: {  	v10 =	vor.u32 v12, v10;
	_ =	sdelay $0x2  }
0x3dc: {  	v34 =	vadd.s32 $0x15, v7  }
0x3dd: {  	v35 =	vand.u32 $0xFFFFFFF8, v34;
	[tilespmem:v33+s25+$0x0] =	vst.idx.msk $0xffff, v9  }
0x3de: {  	v36 =	vadd.s32 $0x14, v5;
	v12 =	vand.u32 $0x7, v34;
	v9 =	vadd.s32 v6, v35;
	v10 =	vld.idx.msk [tilespmem:v10+s24+$0x0], $0xffff  }
0x3df: {  	v9 =	vor.u32 v12, v9;
	_ =	sdelay $0x2  }
0x3e0: {  	v37 =	vadd.s32 $0x16, v7  }
0x3e1: {  	v38 =	vand.u32 $0xFFFFFFF8, v37;
	[tilespmem:v36+s25+$0x0] =	vst.idx.msk $0xffff, v10  }
0x3e2: {  	v39 =	vadd.s32 $0x15, v5;
	v12 =	vand.u32 $0x7, v37;
	v10 =	vadd.s32 v6, v38;
	v9 =	vld.idx.msk [tilespmem:v9+s24+$0x0], $0xffff  }
0x3e3: {  	v10 =	vor.u32 v12, v10;
	_ =	sdelay $0x2  }
0x3e4: {  	v40 =	vadd.s32 $0x17, v7  }
0x3e5: {  	v41 =	vand.u32 $0xFFFFFFF8, v40;
	[tilespmem:v39+s25+$0x0] =	vst.idx.msk $0xffff, v9  }
0x3e6: {  	v42 =	vadd.s32 $0x16, v5;
	v12 =	vand.u32 $0x7, v40;
	v9 =	vadd.s32 v6, v41;
	v10 =	vld.idx.msk [tilespmem:v10+s24+$0x0], $0xffff  }
0x3e7: {  	v9 =	vor.u32 v12, v9;
	_ =	sdelay $0x3  }
0x3e8: {  	[tilespmem:v42+s25+$0x0] =	vst.idx.msk $0xffff, v10  }
0x3e9: {  	v43 =	vadd.s32 $0x17, v5;
	v9 =	vld.idx.msk [tilespmem:v9+s24+$0x0], $0xffff  }
0x3ea: {  	v8 =	vadd.s32 $0x18, v8;
	_ =	sdelay $0x2  }
0x3eb: {  	v44 =	vadd.s32 $0x19, v7  }
0x3ec: {  	v45 =	vand.u32 $0xFFFFFFF8, v44;
	[tilespmem:v43+s25+$0x0] =	vst.idx.msk $0xffff, v9  }
0x3ed: {  	v11 =	vand.u32 $0x7, v44;
	v46 =	vadd.s32 $0x18, v5;
	v9 =	vadd.s32 v6, v45;
	v8 =	vld.idx.msk [tilespmem:v8+s24+$0x0], $0xffff  }
0x3ee: {  	v9 =	vor.u32 v11, v9;
	_ =	sdelay $0x2  }
0x3ef: {  	v47 =	vadd.s32 $0x1A, v7  }
0x3f0: {  	v48 =	vand.u32 $0xFFFFFFF8, v47;
	[tilespmem:v46+s25+$0x0] =	vst.idx.msk $0xffff, v8  }
0x3f1: {  	v49 =	vadd.s32 $0x19, v5;
	v11 =	vand.u32 $0x7, v47;
	v8 =	vadd.s32 v6, v48;
	v9 =	vld.idx.msk [tilespmem:v9+s24+$0x0], $0xffff  }
0x3f2: {  	v8 =	vor.u32 v11, v8;
	_ =	sdelay $0x2  }
0x3f3: {  	v50 =	vadd.s32 $0x1B, v7  }
0x3f4: {  	v51 =	vand.u32 $0xFFFFFFF8, v50;
	[tilespmem:v49+s25+$0x0] =	vst.idx.msk $0xffff, v9  }
0x3f5: {  	v52 =	vadd.s32 $0x1A, v5;
	v11 =	vand.u32 $0x7, v50;
	v9 =	vadd.s32 v6, v51;
	v8 =	vld.idx.msk [tilespmem:v8+s24+$0x0], $0xffff  }
0x3f6: {  	v9 =	vor.u32 v11, v9;
	_ =	sdelay $0x2  }
0x3f7: {  	v53 =	vadd.s32 $0x1C, v7  }
0x3f8: {  	v54 =	vand.u32 $0xFFFFFFF8, v53;
	[tilespmem:v52+s25+$0x0] =	vst.idx.msk $0xffff, v8  }
0x3f9: {  	v55 =	vadd.s32 $0x1B, v5;
	v11 =	vand.u32 $0x7, v53;
	v8 =	vadd.s32 v6, v54;
	v9 =	vld.idx.msk [tilespmem:v9+s24+$0x0], $0xffff  }
0x3fa: {  	v8 =	vor.u32 v11, v8;
	_ =	sdelay $0x2  }
0x3fb: {  	v56 =	vadd.s32 $0x1D, v7  }
0x3fc: {  	v57 =	vand.u32 $0xFFFFFFF8, v56;
	[tilespmem:v55+s25+$0x0] =	vst.idx.msk $0xffff, v9  }
0x3fd: {  	v58 =	vadd.s32 $0x1C, v5;
	v11 =	vand.u32 $0x7, v56;
	v9 =	vadd.s32 v6, v57;
	v8 =	vld.idx.msk [tilespmem:v8+s24+$0x0], $0xffff  }
0x3fe: {  	v9 =	vor.u32 v11, v9;
	_ =	sdelay $0x2  }
0x3ff: {  	v59 =	vadd.s32 $0x1E, v7  }
0x400: {  	v60 =	vand.u32 $0xFFFFFFF8, v59;
	[tilespmem:v58+s25+$0x0] =	vst.idx.msk $0xffff, v8  }
0x401: {  	v61 =	vadd.s32 $0x1D, v5;
	v11 =	vand.u32 $0x7, v59;
	v8 =	vadd.s32 v6, v60;
	v9 =	vld.idx.msk [tilespmem:v9+s24+$0x0], $0xffff  }
0x402: {  	v8 =	vor.u32 v11, v8;
	_ =	sdelay $0x2  }
0x403: {  	v7 =	vadd.s32 $0x1F, v7  }
0x404: {  	v62 =	vand.u32 $0xFFFFFFF8, v7;
	[tilespmem:v61+s25+$0x0] =	vst.idx.msk $0xffff, v9  }
0x405: {  	v7 =	vand.u32 $0x7, v7;
	v63 =	vadd.s32 $0x1E, v5;
	v6 =	vadd.s32 v6, v62;
	v8 =	vld.idx.msk [tilespmem:v8+s24+$0x0], $0xffff  }
0x406: {  	v6 =	vor.u32 v7, v6;
	_ =	sdelay $0x3  }
0x407: {  	[tilespmem:v63+s25+$0x0] =	vst.idx.msk $0xffff, v8  }
0x408: {  	v5 =	vadd.s32 $0x1F, v5;
	v6 =	vld.idx.msk [tilespmem:v6+s24+$0x0], $0xffff;
	_ =	sdelay $0x4  }
0x409: {  	[tilespmem:v5+s25+$0x0] =	vst.idx.msk $0xffff, v6  }
0x40a: {  	v5 =	vld [tilespmem:s3+$0xFFFFFE10];
	_ =	sdelay $0x3  }
0x40b: {  	s28 =	sshra.s32 s0, $0x2  }
0x40c: {  	[tilespmem:s28+$0x1B840] =	vst v5  }
0x40d: {  	v5 =	vld [tilespmem:s3+$0xFFFFFE20];
	_ =	sdelay $0x4  }
0x40e: {  	[tilespmem:s28+$0x1B850] =	vst v5  }
0x40f: {  	v5 =	vld [tilespmem:s3+$0xFFFFFE30];
	_ =	sdelay $0x4  }
0x410: {  	[tilespmem:s28+$0x1B888] =	vst v5  }
0x411: {  	v5 =	vld [tilespmem:s3+$0xFFFFFE40];
	_ =	sdelay $0x4  }
0x412: {  	[tilespmem:s28+$0x1B898] =	vst v5  }
0x413: {  	v5 =	vld [tilespmem:s3+$0xFFFFFE50];
	_ =	sdelay $0x4  }
0x414: {  	[tilespmem:s28+$0x1B8D0] =	vst v5  }
0x415: {  	v5 =	vld [tilespmem:s3+$0xFFFFFE60];
	_ =	sdelay $0x4  }
0x416: {  	[tilespmem:s28+$0x1B8E0] =	vst v5  }
0x417: {  	v5 =	vld [tilespmem:s3+$0xFFFFFE70];
	_ =	sdelay $0x4  }
0x418: {  	[tilespmem:s28+$0x1B918] =	vst v5  }
0x419: {  	v5 =	vld [tilespmem:s3+$0xFFFFFE80];
	_ =	sdelay $0x4  }
0x41a: {  	[tilespmem:s28+$0x1B928] =	vst v5  }
0x41b: {  	v5 =	vld [tilespmem:s3+$0xFFFFFE90];
	_ =	sdelay $0x4  }
0x41c: {  	[tilespmem:s28+$0x1B960] =	vst v5  }
0x41d: {  	v5 =	vld [tilespmem:s3+$0xFFFFFEA0];
	_ =	sdelay $0x4  }
0x41e: {  	[tilespmem:s28+$0x1B970] =	vst v5  }
0x41f: {  	v5 =	vld [tilespmem:s3+$0xFFFFFEB0];
	_ =	sdelay $0x4  }
0x420: {  	[tilespmem:s28+$0x1B9A8] =	vst v5  }
0x421: {  	v5 =	vld [tilespmem:s3+$0xFFFFFEC0];
	_ =	sdelay $0x4  }
0x422: {  	[tilespmem:s28+$0x1B9B8] =	vst v5  }
0x423: {  	v5 =	vld [tilespmem:s3+$0xFFFFFED0];
	_ =	sdelay $0x4  }
0x424: {  	[tilespmem:s28+$0x1B9F0] =	vst v5  }
0x425: {  	v5 =	vld [tilespmem:s3+$0xFFFFFEE0];
	_ =	sdelay $0x4  }
0x426: {  	[tilespmem:s28+$0x1BA00] =	vst v5  }
0x427: {  	v5 =	vld [tilespmem:s3+$0xFFFFFEF0];
	_ =	sdelay $0x4  }
0x428: {  	[tilespmem:s28+$0x1BA38] =	vst v5  }
0x429: {  	v5 =	vld [tilespmem:s3+$0xFFFFFF00];
	_ =	sdelay $0x4  }
0x42a: {  	[tilespmem:s28+$0x1BA48] =	vst v5  }
0x42b: {  	v5 =	vld [tilespmem:s3+$0xFFFFFF10];
	_ =	sdelay $0x4  }
0x42c: {  	[tilespmem:s28+$0x1BA80] =	vst v5  }
0x42d: {  	v5 =	vld [tilespmem:s3+$0xFFFFFF20];
	_ =	sdelay $0x4  }
0x42e: {  	[tilespmem:s28+$0x1BA90] =	vst v5  }
0x42f: {  	v5 =	vld [tilespmem:s3+$0xFFFFFF30];
	_ =	sdelay $0x4  }
0x430: {  	[tilespmem:s28+$0x1BAC8] =	vst v5  }
0x431: {  	v5 =	vld [tilespmem:s3+$0xFFFFFF40];
	_ =	sdelay $0x4  }
0x432: {  	[tilespmem:s28+$0x1BAD8] =	vst v5  }
0x433: {  	v5 =	vld [tilespmem:s3+$0xFFFFFF50];
	_ =	sdelay $0x4  }
0x434: {  	[tilespmem:s28+$0x1BB10] =	vst v5  }
0x435: {  	v5 =	vld [tilespmem:s3+$0xFFFFFF60];
	_ =	sdelay $0x4  }
0x436: {  	[tilespmem:s28+$0x1BB20] =	vst v5  }
0x437: {  	v5 =	vld [tilespmem:s3+$0xFFFFFF70];
	_ =	sdelay $0x4  }
0x438: {  	[tilespmem:s28+$0x1BB58] =	vst v5  }
0x439: {  	v5 =	vld [tilespmem:s3+$0xFFFFFF80];
	_ =	sdelay $0x4  }
0x43a: {  	[tilespmem:s28+$0x1BB68] =	vst v5  }
0x43b: {  	v5 =	vld [tilespmem:s3+$0xFFFFFF90];
	_ =	sdelay $0x4  }
0x43c: {  	[tilespmem:s28+$0x1BBA0] =	vst v5  }
0x43d: {  	v5 =	vld [tilespmem:s3+$0xFFFFFFA0];
	_ =	sdelay $0x4  }
0x43e: {  	[tilespmem:s28+$0x1BBB0] =	vst v5  }
0x43f: {  	v5 =	vld [tilespmem:s3+$0xFFFFFFB0];
	_ =	sdelay $0x4  }
0x440: {  	[tilespmem:s28+$0x1BBE8] =	vst v5  }
0x441: {  	v5 =	vld [tilespmem:s3+$0xFFFFFFC0];
	_ =	sdelay $0x4  }
0x442: {  	[tilespmem:s28+$0x1BBF8] =	vst v5  }
0x443: {  	v5 =	vld [tilespmem:s3+$0xFFFFFFD0];
	_ =	sdelay $0x4  }
0x444: {  	[tilespmem:s28+$0x1BC30] =	vst v5  }
0x445: {  	v5 =	vld [tilespmem:s3+$0xFFFFFFE0];
	_ =	sdelay $0x4  }
0x446: {  	[tilespmem:s28+$0x1BC40] =	vst v5  }
0x447: {  	v5 =	vld [tilespmem:s3+$0xFFFFFFF0];
	_ =	sdelay $0x4  }
0x448: {  	[tilespmem:s28+$0x1BC78] =	vst v5  }
0x449: {  	p0 =	sne.s32 s0, $0x7E00;
	v5 =	vld [tilespmem:s3+$0x0]  }
.Ltmp8:
0x44a: {  	_ = 	snop;
	(pc) =	sbr.rel @p0 .LBB2_18-.Ltmp8, $3  }
0x44b: {  	_ =	sdelay $0x1  }
0x44c: {  	s2 =	sadd.s32 $0x10, s2;
	s26 =	sadd.s32 $0x10, s26  }
0x44d: {  	s0 =	sadd.s32 $0x1200, s0;
	s4 =	sadd.s32 $0x10, s4;
	s3 =	sadd.s32 $0x200, s3;
	[tilespmem:s28+$0x1BC88] =	vst v5  }
0x44e: {  	s0 =	simm.s32 $0x1B820  }
0x44f: {  	[hbm4b:s15+s5] =	stream.linear.scatter [tilespmem:s0], [sflag:$0x3], $0x2400, $0x38;
	[tilespmem:$0x1DC20] =	vst v63  }
0x450: {  	_ =	swait.ge [sflag:s30], $0x2400  }
0x451: {  	[sflag:s30] =	ssyncset.done $0x0  }
0x452: {  	[sflag:s30] =	ssyncadd.s32 $0xFFFFDC00  }
0x453: {  	_ =	swait.ge [sflag:s30], $0x2400  }
0x454: {  	[sflag:s30] =	ssyncset.done $0x0  }
0x455: {  	s31 =	sadd.s32 $0x1, s31;
	[sflag:s30] =	ssyncadd.s32 $0xFFFFDC00  }
0x456: {  	p0 =	sne.s32 s31, s16;
	_ =	swait.ge [sflag:s30], $0x2400  }
.Ltmp9:
0x457: {  	[sflag:s30] =	ssyncset.done $0x0;
	(pc) =	sbr.rel @p0 .LBB2_1-.Ltmp9, $4  }
0x458: {  	[sflag:s30] =	ssyncadd.s32 $0xFFFFDC00  }
0x459: {  	_ =	swait.ge [sflag:s30], $0x2400  }
0x45a: {  	[sflag:s30] =	ssyncset.done $0x0  }
0x45b: {  	[sflag:s30] =	ssyncadd.s32 $0xFFFFDC00  }
0x45c: {  	_ =	sfence.sel $0x180000  }
0x45d: {  	[bflag:$0x0] =	sbarrier.arrive $0xFFFF  }
0x45e: {  	_ =	strace $0x90000047  }
0x45f: {  	s0 =	stileid.u32;
	[bflag:$0x2] =	sbarrier.arrive $0xFFFF  }
0x460: {  	p0 =	sne.s32 s0, $0x0;
	s0 =	rddreg [dreg:$0x7]  }
0x461: {  	s0 =	sadd.s32 @!p0 $0x100000, s0  }
0x462: {  	[sflag:s0] =	ssyncadd.tile.s32 @!p0 $0x1;
	_ =	shalt  }
.Lfunc_end2:
_tile_overlayer_lowered:
.L_overlay_start_2:
0x463: {  	(tag) =	ssettag $0x2  }
0x464: {  	s0 =	rddreg [dreg:$0x0];
	s2 =	stileid.u32  }
0x465: {  	s1 =	rddreg [dreg:$0x1];
	p0 =	sne.s32 s2, $0x0  }
0x466: {  	s3 =	rddreg [dreg:$0x2];
	[bflag:$0x3] =	sbarrier.arrive $0xFFFF;
	s2 =	simm.s32 @!p0 $0x1C04  }
0x467: {  	[timem:s3], [sflag:s2] =	dma.local @!p0 [hbm:s0], s1  }
0x468: {  	s0 =	simm.s32 @!p0 $0x4  }
0x469: {  	_ =	swait.ge @!p0 [sflag:s0], s1  }
0x46a: {  	s1 =	ssub.s32 @!p0 $0x0, s1;
	[sflag:s0] =	ssyncset.done @!p0 $0x0  }
0x46b: {  	[sflag:s0] =	ssyncadd.s32 @!p0 s1  }
0x46c: {  	[bflag:$0x3] =	sbarrier.arrive $0xFFFF  }
0x46d: {  	_ =	shalt  }

</sc_bundles>
